<compile_context>
chip_gen: v7x
topology: tpu7x:2x2x1
jax: 0.10.2.dev20260603
libtpu: 0.0.44.dev20260713+nightly
codegen_flags: <defaults>
</compile_context>

<pallas_src>
import functools

import jax
import jax.numpy as jnp
from jax import lax
from jax.experimental import pallas as pl
from jax.experimental.pallas import tpu as pltpu
from jax.experimental.pallas import tpu_sc as plsc

B = 8
M = 512 * 512
M80 = int(0.8 * M)
NB = 8192
NSEG = 4
ROWS_PER_SEG = 512 // NSEG
CROWS = 32
NCHUNK = ROWS_PER_SEG // CROWS
VPC = CROWS * 512 // 16
VPR = 512 // 16


def _sc_mesh():
    return plsc.VectorSubcoreMesh(core_axis_name="c", subcore_axis_name="s")


def _zero_vmem(ref, n):
    zero = jnp.zeros((16,), jnp.float32)

    def body(i, _):
        ref[pl.ds(i * 16, 16)] = zero
        return 0

    lax.fori_loop(0, n // 16, body, 0, unroll=8)


def _hist_add(hist, b):
    plsc.addupdate_scatter(hist, [b], jnp.ones((16,), jnp.float32))


def _value_hist_kernel(d_hbm, ds_hbm, out_hbm, hist_d, hist_ds, buf0, buf1,
                       sem0, sem1):
    c = lax.axis_index("c")
    s = lax.axis_index("s")
    row = c * (16 // NSEG) + s // NSEG
    seg = s % NSEG
    base = seg * ROWS_PER_SEG

    _zero_vmem(hist_d, NB)
    _zero_vmem(hist_ds, NB)

    bufs = (buf0, buf1)
    sems = (sem0, sem1)
    plan = [(d_hbm, hist_d, ch) for ch in range(NCHUNK)]
    plan += [(ds_hbm, hist_ds, ch) for ch in range(NCHUNK)]

    def start(i):
        src, _, ch = plan[i]
        return pltpu.async_copy(
            src.at[row, pl.ds(base + ch * CROWS, CROWS), :], bufs[i % 2],
            sems[i % 2])

    cp = start(0)
    for i in range(len(plan)):
        cp.wait()
        if i + 1 < len(plan):
            cp = start(i + 1)
        buf = bufs[i % 2]
        hist = plan[i][1]

        @plsc.parallel_loop(0, VPC, 1, unroll=8)
        def body(j):
            x = buf[j // VPR, pl.ds((j % VPR) * 16, 16)]
            b = jnp.minimum((x * float(NB)).astype(jnp.int32), NB - 1)
            _hist_add(hist, b)

    w = (row * NSEG + seg) * 2
    pltpu.sync_copy(hist_d, out_hbm.at[w])
    pltpu.sync_copy(hist_ds, out_hbm.at[w + 1])


def _diff_hist_kernel(d_hbm, ds_hbm, p_hbm, out_hbm, hist, buf_d0, buf_d1,
                      buf_ds0, buf_ds1, pbuf, sem_d0, sem_d1, sem_ds0,
                      sem_ds1):
    c = lax.axis_index("c")
    s = lax.axis_index("s")
    row = c * (16 // NSEG) + s // NSEG
    seg = s % NSEG
    base = seg * ROWS_PER_SEG

    _zero_vmem(hist, NB)
    pltpu.sync_copy(p_hbm.at[row], pbuf)

    p = pbuf[pl.ds(0, 16)]
    lanes = lax.iota(jnp.int32, 16)

    def col(i):
        return jnp.sum(jnp.where(lanes == i, p, 0.0), axis=0)

    t_d = col(0)
    t_ds = col(1)
    inv_sd = col(2)
    inv_sds = col(3)
    scale = col(4)

    bufs_d = (buf_d0, buf_d1)
    bufs_ds = (buf_ds0, buf_ds1)
    sems_d = (sem_d0, sem_d1)
    sems_ds = (sem_ds0, sem_ds1)

    def start(ch):
        sl = pl.ds(base + ch * CROWS, CROWS)
        return (pltpu.async_copy(d_hbm.at[row, sl, :], bufs_d[ch % 2],
                                 sems_d[ch % 2]),
                pltpu.async_copy(ds_hbm.at[row, sl, :], bufs_ds[ch % 2],
                                 sems_ds[ch % 2]))

    cps = start(0)
    for ch in range(NCHUNK):
        cps[0].wait()
        cps[1].wait()
        if ch + 1 < NCHUNK:
            cps = start(ch + 1)
        bd = bufs_d[ch % 2]
        bs = bufs_ds[ch % 2]

        @plsc.parallel_loop(0, VPC, 1, unroll=8)
        def body(j):
            r = j // VPR
            col2 = (j % VPR) * 16
            xd = bd[r, pl.ds(col2, 16)]
            xs = bs[r, pl.ds(col2, 16)]
            diff = jnp.abs((xd - t_d) * inv_sd - (xs - t_ds) * inv_sds)
            b = jnp.minimum((diff * scale).astype(jnp.int32), NB - 1)
            _hist_add(hist, b)

    pltpu.sync_copy(hist, out_hbm.at[row * NSEG + seg])


def _make_sc_kernels():
    mesh = _sc_mesh()
    cp = pltpu.CompilerParams(needs_layout_passes=False,
                              use_tc_tiling_on_sc=True)
    k1 = functools.partial(
        pl.kernel,
        out_type=jax.ShapeDtypeStruct((B * NSEG * 2, NB), jnp.float32),
        mesh=mesh,
        compiler_params=cp,
        scratch_types=[
            pltpu.VMEM((NB,), jnp.float32),
            pltpu.VMEM((NB,), jnp.float32),
            pltpu.VMEM((CROWS, 512), jnp.float32),
            pltpu.VMEM((CROWS, 512), jnp.float32),
            pltpu.SemaphoreType.DMA,
            pltpu.SemaphoreType.DMA,
        ],
    )(_value_hist_kernel)
    k3 = functools.partial(
        pl.kernel,
        out_type=jax.ShapeDtypeStruct((B * NSEG, NB), jnp.float32),
        mesh=mesh,
        compiler_params=cp,
        scratch_types=[
            pltpu.VMEM((NB,), jnp.float32),
            pltpu.VMEM((CROWS, 512), jnp.float32),
            pltpu.VMEM((CROWS, 512), jnp.float32),
            pltpu.VMEM((CROWS, 512), jnp.float32),
            pltpu.VMEM((CROWS, 512), jnp.float32),
            pltpu.VMEM((128,), jnp.float32),
            pltpu.SemaphoreType.DMA,
            pltpu.SemaphoreType.DMA,
            pltpu.SemaphoreType.DMA,
            pltpu.SemaphoreType.DMA,
        ],
    )(_diff_hist_kernel)
    return k1, k3


def _cum_hier(cnt8, tri, prevchunk, ones):
    nchunks = NB // 128
    nrows = B * nchunks
    cnt2 = cnt8.reshape(nrows, 128)
    lanecum = jax.lax.dot(cnt2, tri, precision=jax.lax.Precision.HIGHEST)
    a = jax.lax.dot(prevchunk, cnt2, precision=jax.lax.Precision.HIGHEST)
    cum2 = lanecum + jax.lax.dot(a, ones, precision=jax.lax.Precision.HIGHEST)
    return cum2.reshape(B, NB)


def _consts():
    nchunks = NB // 128
    nrows = B * nchunks
    i128 = lax.broadcasted_iota(jnp.int32, (128, 128), 0)
    j128 = lax.broadcasted_iota(jnp.int32, (128, 128), 1)
    tri = (i128 <= j128).astype(jnp.float32)
    ii = lax.broadcasted_iota(jnp.int32, (nrows, nrows), 0)
    jj = lax.broadcasted_iota(jnp.int32, (nrows, nrows), 1)
    prevchunk = ((ii // nchunks == jj // nchunks) & (jj < ii)).astype(jnp.float32)
    ones = jnp.ones((128, 128), jnp.float32)
    return tri, prevchunk, ones


def _rank_value(cnt, cum, bidx, k):
    below = (cum < (k + 0.5)).astype(jnp.float32)
    bstar = jnp.sum(below, axis=1, keepdims=True)
    nbelow = jnp.sum(cnt * below, axis=1, keepdims=True)
    onehot = (bidx == bstar).astype(jnp.float32)
    cntb = jnp.sum(cnt * onehot, axis=1, keepdims=True)
    cntb = jnp.maximum(cntb, 1.0)
    return bstar + (k - nbelow + 0.5) / cntb


def _params_kernel(h_ref, tri_ref, prev_ref, ones_ref, seld_ref,
                   selds_ref, out_ref):
    h = h_ref[...]
    tri, prevchunk, ones = tri_ref[...], prev_ref[...], ones_ref[...]
    cnt_d = jax.lax.dot(seld_ref[...], h, precision=jax.lax.Precision.HIGHEST)
    cnt_ds = jax.lax.dot(selds_ref[...], h, precision=jax.lax.Precision.HIGHEST)

    bidx = lax.broadcasted_iota(jnp.int32, (B, NB), 1).astype(jnp.float32)
    width = 1.0 / NB
    centers = (bidx + 0.5) * width

    def stats(cnt):
        cum = _cum_hier(cnt, tri, prevchunk, ones)
        v0 = _rank_value(cnt, cum, bidx, float(M // 2 - 1))
        v1 = _rank_value(cnt, cum, bidx, float(M // 2))
        t = (v0 + v1) * (0.5 * width)
        absdev = jnp.sum(cnt * jnp.abs(centers - t), axis=1, keepdims=True)
        s = (jnp.sum(absdev) + 1e-08) / M
        return t, s

    t_d, s_d = stats(cnt_d)
    t_ds, s_ds = stats(cnt_ds)

    inv_sd = jnp.full((B, 1), 1.0 / s_d, jnp.float32)
    inv_sds = jnp.full((B, 1), 1.0 / s_ds, jnp.float32)
    r_bound = (jnp.maximum(t_d, 1.0 - t_d) / s_d
               + jnp.maximum(t_ds, 1.0 - t_ds) / s_ds) * (1.0 + 2.0 ** -10)
    scale = NB / r_bound
    widthd = r_bound / NB
    pad = jnp.zeros((B, 128 - 6), jnp.float32)
    out_ref[...] = jnp.concatenate(
        [t_d, t_ds, inv_sd, inv_sds, scale, widthd, pad], axis=1)


def _loss_kernel(h_ref, p_ref, tri_ref, prev_ref, ones_ref, sel_ref,
                 out_ref):
    h = h_ref[...]
    cnt = jax.lax.dot(sel_ref[...], h, precision=jax.lax.Precision.HIGHEST)
    widthd = p_ref[:, 5:6]

    cum = _cum_hier(cnt, tri_ref[...], prev_ref[...], ones_ref[...])
    bidx = lax.broadcasted_iota(jnp.int32, (B, NB), 1).astype(jnp.float32)
    below = (cum < (M80 - 0.5)).astype(jnp.float32)
    bstar = jnp.sum(below, axis=1, keepdims=True)
    nbelow = jnp.sum(cnt * below, axis=1, keepdims=True)
    onehot = (bidx == bstar).astype(jnp.float32)
    cntb = jnp.maximum(jnp.sum(cnt * onehot, axis=1, keepdims=True), 1.0)

    centers = (bidx + 0.5) * widthd
    s_below = jnp.sum(cnt * centers * below, axis=1, keepdims=True)
    m = M80 - nbelow
    left = bstar * widthd
    s_in = m * left + widthd * m * m / (2.0 * cntb)
    loss = jnp.sum(s_below + s_in) / (2.0 * M)
    out_ref[...] = loss.reshape(1, 1)


def kernel(d, d_star):
    d2 = d.reshape(B, 512, 512)
    ds2 = d_star.reshape(B, 512, 512)
    k1, k3 = _make_sc_kernels()

    tri, prevchunk, ones = _consts()
    iw = lax.broadcasted_iota(jnp.int32, (B, B * NSEG * 2), 0)
    jw = lax.broadcasted_iota(jnp.int32, (B, B * NSEG * 2), 1)
    sel_d = ((jw // (NSEG * 2) == iw) & (jw % 2 == 0)).astype(jnp.float32)
    sel_ds = ((jw // (NSEG * 2) == iw) & (jw % 2 == 1)).astype(jnp.float32)
    i2 = lax.broadcasted_iota(jnp.int32, (B, B * NSEG), 0)
    j2 = lax.broadcasted_iota(jnp.int32, (B, B * NSEG), 1)
    sel2 = (j2 // NSEG == i2).astype(jnp.float32)

    h1 = k1(d2, ds2)
    params = pl.pallas_call(
        _params_kernel,
        out_shape=jax.ShapeDtypeStruct((B, 128), jnp.float32),
    )(h1, tri, prevchunk, ones, sel_d, sel_ds)
    h2 = k3(d2, ds2, params)
    out = pl.pallas_call(
        _loss_kernel,
        out_shape=jax.ShapeDtypeStruct((1, 1), jnp.float32),
    )(h2, params, tri, prevchunk, ones, sel2)
    return out.reshape(())

# --- scband reference (transcript-rebuilt; emitter-appended) ---
"""Pipeline reference for scband-ssitrim-71107478553192 (READ-ONLY COPY).

The authoritative reference and input builder live on the scoring server;
editing this copy changes nothing except your own understanding.
"""

import jax, jax.numpy as jnp
import numpy as np


def setup_inputs(seed: int = 0) -> dict:
    key = jax.random.key(seed)
    k1, k2 = jax.random.split(key)
    d = jax.random.uniform(k1, (8, 1, 512, 512), dtype=jnp.float32)
    d_star = jax.random.uniform(k2, (8, 1, 512, 512), dtype=jnp.float32)
    return {"d": d, "d_star": d_star}


def reference(d, d_star):
    M = d.shape[2] * d.shape[3]
    M_80 = int(0.8 * M)
    df = d.reshape(d.shape[0], -1)
    dsf = d_star.reshape(d_star.shape[0], -1)
    t_d = jnp.median(df, axis=1)
    s_d = (jnp.sum(jnp.abs(df - t_d[:, None])) + 1e-08) / M
    df = (df - t_d[:, None]) / s_d
    t_dstar = jnp.median(dsf, axis=1)
    s_dstar = (jnp.sum(jnp.abs(dsf - t_dstar[:, None])) + 1e-08) / M
    dsf = (dsf - t_dstar[:, None]) / s_dstar
    diff = jnp.abs(df - dsf)
    # torch.topk(..., largest=False) -> k smallest values: top_k on negated values
    neg_vals, _ = jax.lax.top_k(-diff, M_80)
    filter_diff = -neg_vals
    loss = jnp.sum(filter_diff) / (2 * M)
    return loss

if __name__ == "__main__":
    import jax
    _d = setup_inputs()
    print(jax.jit(kernel)(*tuple(_d.values())))

</pallas_src>

<mosaic_0001>
#map = affine_map<(d0, d1) -> (0, 0, 0)>
#map1 = affine_map<(d0, d1) -> (0, 0)>
module attributes {stable_mosaic.version = 14 : i64} {
  func.func @_diff_hist_kernel(%arg0: i32, %arg1: i32, %arg2: memref<8x512x512xf32, #tpu.memory_space<hbm>>, %arg3: memref<8x512x512xf32, #tpu.memory_space<hbm>>, %arg4: memref<8x128xf32, #tpu.memory_space<hbm>>, %arg5: memref<32x8192xf32, #tpu.memory_space<hbm>>, %arg6: memref<8192xf32, #tpu.memory_space<vmem>>, %arg7: memref<32x512xf32, #tpu.memory_space<vmem>>, %arg8: memref<32x512xf32, #tpu.memory_space<vmem>>, %arg9: memref<32x512xf32, #tpu.memory_space<vmem>>, %arg10: memref<32x512xf32, #tpu.memory_space<vmem>>, %arg11: memref<128xf32, #tpu.memory_space<vmem>>, %arg12: memref<!tpu.dma_semaphore, #tpu.memory_space<semaphore_mem>>, %arg13: memref<!tpu.dma_semaphore, #tpu.memory_space<semaphore_mem>>, %arg14: memref<!tpu.dma_semaphore, #tpu.memory_space<semaphore_mem>>, %arg15: memref<!tpu.dma_semaphore, #tpu.memory_space<semaphore_mem>>) attributes {dimension_semantics = [#tpu.dimension_semantics<core_parallel>, #tpu.dimension_semantics<subcore_parallel>], iteration_bounds = array<i64: 2, 16>, scalar_prefetch = 0 : i64, scratch_operands = 10 : i64, tpu.core_type = #tpu.core_type<sc_vector_subcore>, window_params = [{transform_indices = #map}, {transform_indices = #map}, {transform_indices = #map1}, {transform_indices = #map1}]} {
    %mul3A = arith.constant 4 : i32
    %mul3A_0 = arith.muli %arg0, %mul3A : i32
    %jit3A = arith.constant 4 : i32
    %div3A = arith.divsi %arg1, %jit3A : i32
    %sign3A = arith.constant 0 : i32
    %sign3A_1 = arith.cmpi sgt, %arg1, %sign3A : i32
    %sign3A_2 = arith.extui %sign3A_1 : i1 to i32
    %sign3A_3 = arith.constant 0 : i32
    %sign3A_4 = arith.cmpi slt, %arg1, %sign3A_3 : i32
    %sign3A_5 = arith.extui %sign3A_4 : i1 to i32
    %sign3A_6 = arith.subi %sign3A_2, %sign3A_5 : i32
    %sign3A_7 = arith.constant 0 : i32
    %sign3A_8 = arith.cmpi sgt, %jit3A, %sign3A_7 : i32
    %sign3A_9 = arith.extui %sign3A_8 : i1 to i32
    %sign3A_10 = arith.constant 0 : i32
    %sign3A_11 = arith.cmpi slt, %jit3A, %sign3A_10 : i32
    %sign3A_12 = arith.extui %sign3A_11 : i1 to i32
    %sign3A_13 = arith.subi %sign3A_9, %sign3A_12 : i32
    %ne3A = arith.cmpi ne, %sign3A_6, %sign3A_13 : i32
    %rem3A = arith.remsi %arg1, %jit3A : i32
    %ne3A_14 = arith.constant 0 : i32
    %ne3A_15 = arith.cmpi ne, %rem3A, %ne3A_14 : i32
    %and3A = arith.andi %ne3A, %ne3A_15 : i1
    %sub3A = arith.constant 1 : i32
    %sub3A_16 = arith.subi %div3A, %sub3A : i32
    %select_n3A = arith.select %and3A, %sub3A_16, %div3A : i32
    %add3A = arith.addi %mul3A_0, %select_n3A : i32
    %jit3A_17 = arith.constant 4 : i32
    %eq3A = arith.constant 0 : i32
    %eq3A_18 = arith.cmpi eq, %jit3A_17, %eq3A : i32
    %jit3A_19 = arith.constant 1 : i32
    %select_n3A_20 = arith.select %eq3A_18, %jit3A_19, %jit3A_17 : i32
    %rem3A_21 = arith.remsi %arg1, %select_n3A_20 : i32
    %ne3A_22 = arith.constant 0 : i32
    %ne3A_23 = arith.cmpi ne, %rem3A_21, %ne3A_22 : i32
    %lt3A = arith.constant 0 : i32
    %lt3A_24 = arith.cmpi slt, %rem3A_21, %lt3A : i32
    %lt3A_25 = arith.constant 0 : i32
    %lt3A_26 = arith.cmpi slt, %select_n3A_20, %lt3A_25 : i32
    %ne3A_27 = arith.xori %lt3A_24, %lt3A_26 : i1
    %and3A_28 = arith.andi %ne3A_27, %ne3A_23 : i1
    %add3A_29 = arith.addi %rem3A_21, %select_n3A_20 : i32
    %select_n3A_30 = arith.select %and3A_28, %add3A_29, %rem3A_21 : i32
    %mul3A_31 = arith.constant 128 : i32
    %mul3A_32 = arith.muli %select_n3A_30, %mul3A_31 : i32
    %broadcast_in_dim3A = arith.constant 0.000000e+00 : f32
    %broadcast_in_dim3A_33 = vector.broadcast %broadcast_in_dim3A : f32 to vector<16xf32>
    %scan3A = arith.constant 0 : i32
    %scan3A_34 = arith.constant 0 : i32
    %scan3A_35 = arith.constant 512 : i32
    %scan3A_36 = arith.addi %scan3A_34, %scan3A_35 : i32
    %scan3A_37 = arith.constant 8 : i32
    %scan3A_38 = scf.for %scan3A_206 = %scan3A_34 to %scan3A_36 step %scan3A_37 iter_args(%scan3A_207 = %scan3A) -> (i32)  : i32 {
      %mul3A_208 = arith.constant 16 : i32
      %mul3A_209 = arith.muli %scan3A_206, %mul3A_208 : i32
      %swap3A = arith.index_cast %mul3A_209 : i32 to index
      %swap3A_210 = tpu.vector_load %arg6[%swap3A] {strides = array<i32>} : memref<8192xf32, #tpu.memory_space<vmem>>, vector<16xf32>,
      tpu.vector_store %arg6[%swap3A], %broadcast_in_dim3A_33 {strides = array<i32>} : memref<8192xf32, #tpu.memory_space<vmem>>, vector<16xf32>,
      %scan3A_211 = arith.constant 0 : i32
      %scan3A_212 = arith.constant 1 : i32
      %scan3A_213 = arith.addi %scan3A_206, %scan3A_212 : i32
      %mul3A_214 = arith.constant 16 : i32
      %mul3A_215 = arith.muli %scan3A_213, %mul3A_214 : i32
      %swap3A_216 = arith.index_cast %mul3A_215 : i32 to index
      %swap3A_217 = tpu.vector_load %arg6[%swap3A_216] {strides = array<i32>} : memref<8192xf32, #tpu.memory_space<vmem>>, vector<16xf32>,
      tpu.vector_store %arg6[%swap3A_216], %broadcast_in_dim3A_33 {strides = array<i32>} : memref<8192xf32, #tpu.memory_space<vmem>>, vector<16xf32>,
      %scan3A_218 = arith.constant 0 : i32
      %scan3A_219 = arith.constant 2 : i32
      %scan3A_220 = arith.addi %scan3A_206, %scan3A_219 : i32
      %mul3A_221 = arith.constant 16 : i32
      %mul3A_222 = arith.muli %scan3A_220, %mul3A_221 : i32
      %swap3A_223 = arith.index_cast %mul3A_222 : i32 to index
      %swap3A_224 = tpu.vector_load %arg6[%swap3A_223] {strides = array<i32>} : memref<8192xf32, #tpu.memory_space<vmem>>, vector<16xf32>,
      tpu.vector_store %arg6[%swap3A_223], %broadcast_in_dim3A_33 {strides = array<i32>} : memref<8192xf32, #tpu.memory_space<vmem>>, vector<16xf32>,
      %scan3A_225 = arith.constant 0 : i32
      %scan3A_226 = arith.constant 3 : i32
      %scan3A_227 = arith.addi %scan3A_206, %scan3A_226 : i32
      %mul3A_228 = arith.constant 16 : i32
      %mul3A_229 = arith.muli %scan3A_227, %mul3A_228 : i32
      %swap3A_230 = arith.index_cast %mul3A_229 : i32 to index
      %swap3A_231 = tpu.vector_load %arg6[%swap3A_230] {strides = array<i32>} : memref<8192xf32, #tpu.memory_space<vmem>>, vector<16xf32>,
      tpu.vector_store %arg6[%swap3A_230], %broadcast_in_dim3A_33 {strides = array<i32>} : memref<8192xf32, #tpu.memory_space<vmem>>, vector<16xf32>,
      %scan3A_232 = arith.constant 0 : i32
      %scan3A_233 = arith.constant 4 : i32
      %scan3A_234 = arith.addi %scan3A_206, %scan3A_233 : i32
      %mul3A_235 = arith.constant 16 : i32
      %mul3A_236 = arith.muli %scan3A_234, %mul3A_235 : i32
      %swap3A_237 = arith.index_cast %mul3A_236 : i32 to index
      %swap3A_238 = tpu.vector_load %arg6[%swap3A_237] {strides = array<i32>} : memref<8192xf32, #tpu.memory_space<vmem>>, vector<16xf32>,
      tpu.vector_store %arg6[%swap3A_237], %broadcast_in_dim3A_33 {strides = array<i32>} : memref<8192xf32, #tpu.memory_space<vmem>>, vector<16xf32>,
      %scan3A_239 = arith.constant 0 : i32
      %scan3A_240 = arith.constant 5 : i32
      %scan3A_241 = arith.addi %scan3A_206, %scan3A_240 : i32
      %mul3A_242 = arith.constant 16 : i32
      %mul3A_243 = arith.muli %scan3A_241, %mul3A_242 : i32
      %swap3A_244 = arith.index_cast %mul3A_243 : i32 to index
      %swap3A_245 = tpu.vector_load %arg6[%swap3A_244] {strides = array<i32>} : memref<8192xf32, #tpu.memory_space<vmem>>, vector<16xf32>,
      tpu.vector_store %arg6[%swap3A_244], %broadcast_in_dim3A_33 {strides = array<i32>} : memref<8192xf32, #tpu.memory_space<vmem>>, vector<16xf32>,
      %scan3A_246 = arith.constant 0 : i32
      %scan3A_247 = arith.constant 6 : i32
      %scan3A_248 = arith.addi %scan3A_206, %scan3A_247 : i32
      %mul3A_249 = arith.constant 16 : i32
      %mul3A_250 = arith.muli %scan3A_248, %mul3A_249 : i32
      %swap3A_251 = arith.index_cast %mul3A_250 : i32 to index
      %swap3A_252 = tpu.vector_load %arg6[%swap3A_251] {strides = array<i32>} : memref<8192xf32, #tpu.memory_space<vmem>>, vector<16xf32>,
      tpu.vector_store %arg6[%swap3A_251], %broadcast_in_dim3A_33 {strides = array<i32>} : memref<8192xf32, #tpu.memory_space<vmem>>, vector<16xf32>,
      %scan3A_253 = arith.constant 0 : i32
      %scan3A_254 = arith.constant 7 : i32
      %scan3A_255 = arith.addi %scan3A_206, %scan3A_254 : i32
      %mul3A_256 = arith.constant 16 : i32
      %mul3A_257 = arith.muli %scan3A_255, %mul3A_256 : i32
      %swap3A_258 = arith.index_cast %mul3A_257 : i32 to index
      %swap3A_259 = tpu.vector_load %arg6[%swap3A_258] {strides = array<i32>} : memref<8192xf32, #tpu.memory_space<vmem>>, vector<16xf32>,
      tpu.vector_store %arg6[%swap3A_258], %broadcast_in_dim3A_33 {strides = array<i32>} : memref<8192xf32, #tpu.memory_space<vmem>>, vector<16xf32>,
      %scan3A_260 = arith.constant 0 : i32
      scf.yield %scan3A_260 : i32
    }
    %scan3A_39 = arith.constant 512 : i32
    "tpu.region"() ({
      %run_scoped3A = tpu.sem_alloc : memref<!tpu.dma_semaphore, #tpu.memory_space<semaphore_mem>>
      %dma_start3A_206 = arith.constant 0 : i32
      %dma_start3A_207 = tpu.memref_slice %arg4[%add3A, %dma_start3A_206] : memref<8x128xf32, #tpu.memory_space<hbm>> -> memref<1x128xf32, #tpu.memory_space<hbm>>
      %dma_start3A_208 = tpu.memref_squeeze %dma_start3A_207 : memref<1x128xf32, #tpu.memory_space<hbm>> -> memref<128xf32, #tpu.memory_space<hbm>>
      %dma_start3A_209 = arith.constant 0 : i32
      %dma_start3A_210 = tpu.memref_slice %arg4[%add3A, %dma_start3A_209] : memref<8x128xf32, #tpu.memory_space<hbm>> -> memref<1x128xf32, #tpu.memory_space<hbm>>
      %dma_start3A_211 = tpu.memref_squeeze %dma_start3A_210 : memref<1x128xf32, #tpu.memory_space<hbm>> -> memref<128xf32, #tpu.memory_space<hbm>>
      tpu.enqueue_dma source(%dma_start3A_211 : memref<128xf32, #tpu.memory_space<hbm>>) target(%arg11 : memref<128xf32, #tpu.memory_space<vmem>>) target_semaphore(%run_scoped3A : memref<!tpu.dma_semaphore, #tpu.memory_space<semaphore_mem>>)
      %dma_wait3A_212 = arith.constant 0 : i32
      %dma_wait3A_213 = tpu.memref_slice %arg4[%add3A, %dma_wait3A_212] : memref<8x128xf32, #tpu.memory_space<hbm>> -> memref<1x128xf32, #tpu.memory_space<hbm>>
      %dma_wait3A_214 = tpu.memref_squeeze %dma_wait3A_213 : memref<1x128xf32, #tpu.memory_space<hbm>> -> memref<128xf32, #tpu.memory_space<hbm>>
      %dma_wait3A_215 = arith.constant 0 : i32
      %dma_wait3A_216 = tpu.memref_slice %arg4[%add3A, %dma_wait3A_215] : memref<8x128xf32, #tpu.memory_space<hbm>> -> memref<1x128xf32, #tpu.memory_space<hbm>>
      %dma_wait3A_217 = tpu.memref_squeeze %dma_wait3A_216 : memref<1x128xf32, #tpu.memory_space<hbm>> -> memref<128xf32, #tpu.memory_space<hbm>>
      tpu.wait_dma2 semaphore(%run_scoped3A : memref<!tpu.dma_semaphore, #tpu.memory_space<semaphore_mem>>) src(%dma_wait3A_217 : memref<128xf32, #tpu.memory_space<hbm>>) dst(%arg11 : memref<128xf32, #tpu.memory_space<vmem>>)
      tpu.yield
    }) : () -> ()
    %get3A = arith.constant 0 : index
    %get3A_40 = tpu.vector_load %arg11[%get3A] {strides = array<i32>} : memref<128xf32, #tpu.memory_space<vmem>>, vector<16xf32>,
    %iota3A = tpu.iota {dimensions = array<i32: 0>} : vector<16xi32>
    %eq3A_41 = arith.constant 0 : i32
    %eq3A_42 = vector.broadcast %eq3A_41 : i32 to vector<16xi32>
    %eq3A_43 = arith.cmpi eq, %iota3A, %eq3A_42 : vector<16xi32>
    %jit3A_44 = arith.constant 0.000000e+00 : f32
    %broadcast_in_dim3A_45 = vector.broadcast %jit3A_44 : f32 to vector<16xf32>
    %select_n3A_46 = arith.select %eq3A_43, %get3A_40, %broadcast_in_dim3A_45 : vector<16xi1>, vector<16xf32>
    %reduce_sum3A = arith.constant true
    %reduce_sum3A_47 = vector.broadcast %reduce_sum3A : i1 to vector<16xi1>
    %reduce_sum3A_48 = tpu.scan <sum>, %select_n3A_46 masked %reduce_sum3A_47 : vector<16xf32>, vector<16xi1> -> vector<16xf32>
    %reduce_sum3A_49 = vector.extract %reduce_sum3A_48[15] : f32 from vector<16xf32>
    %eq3A_50 = arith.constant 1 : i32
    %eq3A_51 = vector.broadcast %eq3A_50 : i32 to vector<16xi32>
    %eq3A_52 = arith.cmpi eq, %iota3A, %eq3A_51 : vector<16xi32>
    %jit3A_53 = arith.constant 0.000000e+00 : f32
    %broadcast_in_dim3A_54 = vector.broadcast %jit3A_53 : f32 to vector<16xf32>
    %select_n3A_55 = arith.select %eq3A_52, %get3A_40, %broadcast_in_dim3A_54 : vector<16xi1>, vector<16xf32>
    %reduce_sum3A_56 = arith.constant true
    %reduce_sum3A_57 = vector.broadcast %reduce_sum3A_56 : i1 to vector<16xi1>
    %reduce_sum3A_58 = tpu.scan <sum>, %select_n3A_55 masked %reduce_sum3A_57 : vector<16xf32>, vector<16xi1> -> vector<16xf32>
    %reduce_sum3A_59 = vector.extract %reduce_sum3A_58[15] : f32 from vector<16xf32>
    %eq3A_60 = arith.constant 2 : i32
    %eq3A_61 = vector.broadcast %eq3A_60 : i32 to vector<16xi32>
    %eq3A_62 = arith.cmpi eq, %iota3A, %eq3A_61 : vector<16xi32>
    %jit3A_63 = arith.constant 0.000000e+00 : f32
    %broadcast_in_dim3A_64 = vector.broadcast %jit3A_63 : f32 to vector<16xf32>
    %select_n3A_65 = arith.select %eq3A_62, %get3A_40, %broadcast_in_dim3A_64 : vector<16xi1>, vector<16xf32>
    %reduce_sum3A_66 = arith.constant true
    %reduce_sum3A_67 = vector.broadcast %reduce_sum3A_66 : i1 to vector<16xi1>
    %reduce_sum3A_68 = tpu.scan <sum>, %select_n3A_65 masked %reduce_sum3A_67 : vector<16xf32>, vector<16xi1> -> vector<16xf32>
    %reduce_sum3A_69 = vector.extract %reduce_sum3A_68[15] : f32 from vector<16xf32>
    %eq3A_70 = arith.constant 3 : i32
    %eq3A_71 = vector.broadcast %eq3A_70 : i32 to vector<16xi32>
    %eq3A_72 = arith.cmpi eq, %iota3A, %eq3A_71 : vector<16xi32>
    %jit3A_73 = arith.constant 0.000000e+00 : f32
    %broadcast_in_dim3A_74 = vector.broadcast %jit3A_73 : f32 to vector<16xf32>
    %select_n3A_75 = arith.select %eq3A_72, %get3A_40, %broadcast_in_dim3A_74 : vector<16xi1>, vector<16xf32>
    %reduce_sum3A_76 = arith.constant true
    %reduce_sum3A_77 = vector.broadcast %reduce_sum3A_76 : i1 to vector<16xi1>
    %reduce_sum3A_78 = tpu.scan <sum>, %select_n3A_75 masked %reduce_sum3A_77 : vector<16xf32>, vector<16xi1> -> vector<16xf32>
    %reduce_sum3A_79 = vector.extract %reduce_sum3A_78[15] : f32 from vector<16xf32>
    %eq3A_80 = arith.constant 4 : i32
    %eq3A_81 = vector.broadcast %eq3A_80 : i32 to vector<16xi32>
    %eq3A_82 = arith.cmpi eq, %iota3A, %eq3A_81 : vector<16xi32>
    %jit3A_83 = arith.constant 0.000000e+00 : f32
    %broadcast_in_dim3A_84 = vector.broadcast %jit3A_83 : f32 to vector<16xf32>
    %select_n3A_85 = arith.select %eq3A_82, %get3A_40, %broadcast_in_dim3A_84 : vector<16xi1>, vector<16xf32>
    %reduce_sum3A_86 = arith.constant true
    %reduce_sum3A_87 = vector.broadcast %reduce_sum3A_86 : i1 to vector<16xi1>
    %reduce_sum3A_88 = tpu.scan <sum>, %select_n3A_85 masked %reduce_sum3A_87 : vector<16xf32>, vector<16xi1> -> vector<16xf32>
    %reduce_sum3A_89 = vector.extract %reduce_sum3A_88[15] : f32 from vector<16xf32>
    %add3A_90 = arith.constant 0 : i32
    %add3A_91 = arith.addi %mul3A_32, %add3A_90 : i32
    %dma_start3A = arith.constant 0 : i32
    %dma_start3A_92 = tpu.memref_slice %arg2[%add3A, %add3A_91, %dma_start3A] : memref<8x512x512xf32, #tpu.memory_space<hbm>> -> memref<1x32x512xf32, #tpu.memory_space<hbm>>
    %dma_start3A_93 = tpu.memref_squeeze %dma_start3A_92 : memref<1x32x512xf32, #tpu.memory_space<hbm>> -> memref<32x512xf32, #tpu.memory_space<hbm>>
    %dma_start3A_94 = arith.constant 0 : i32
    %dma_start3A_95 = tpu.memref_slice %arg2[%add3A, %add3A_91, %dma_start3A_94] : memref<8x512x512xf32, #tpu.memory_space<hbm>> -> memref<1x32x512xf32, #tpu.memory_space<hbm>>
    %dma_start3A_96 = tpu.memref_squeeze %dma_start3A_95 : memref<1x32x512xf32, #tpu.memory_space<hbm>> -> memref<32x512xf32, #tpu.memory_space<hbm>>
    tpu.enqueue_dma source(%dma_start3A_96 : memref<32x512xf32, #tpu.memory_space<hbm>>) target(%arg7 : memref<32x512xf32, #tpu.memory_space<vmem>>) target_semaphore(%arg12 : memref<!tpu.dma_semaphore, #tpu.memory_space<semaphore_mem>>)
    %dma_start3A_97 = arith.constant 0 : i32
    %dma_start3A_98 = tpu.memref_slice %arg3[%add3A, %add3A_91, %dma_start3A_97] : memref<8x512x512xf32, #tpu.memory_space<hbm>> -> memref<1x32x512xf32, #tpu.memory_space<hbm>>
    %dma_start3A_99 = tpu.memref_squeeze %dma_start3A_98 : memref<1x32x512xf32, #tpu.memory_space<hbm>> -> memref<32x512xf32, #tpu.memory_space<hbm>>
    %dma_start3A_100 = arith.constant 0 : i32
    %dma_start3A_101 = tpu.memref_slice %arg3[%add3A, %add3A_91, %dma_start3A_100] : memref<8x512x512xf32, #tpu.memory_space<hbm>> -> memref<1x32x512xf32, #tpu.memory_space<hbm>>
    %dma_start3A_102 = tpu.memref_squeeze %dma_start3A_101 : memref<1x32x512xf32, #tpu.memory_space<hbm>> -> memref<32x512xf32, #tpu.memory_space<hbm>>
    tpu.enqueue_dma source(%dma_start3A_102 : memref<32x512xf32, #tpu.memory_space<hbm>>) target(%arg9 : memref<32x512xf32, #tpu.memory_space<vmem>>) target_semaphore(%arg14 : memref<!tpu.dma_semaphore, #tpu.memory_space<semaphore_mem>>)
    %dma_wait3A = arith.constant 0 : i32
    %dma_wait3A_103 = tpu.memref_slice %arg2[%add3A, %add3A_91, %dma_wait3A] : memref<8x512x512xf32, #tpu.memory_space<hbm>> -> memref<1x32x512xf32, #tpu.memory_space<hbm>>
    %dma_wait3A_104 = tpu.memref_squeeze %dma_wait3A_103 : memref<1x32x512xf32, #tpu.memory_space<hbm>> -> memref<32x512xf32, #tpu.memory_space<hbm>>
    %dma_wait3A_105 = arith.constant 0 : i32
    %dma_wait3A_106 = tpu.memref_slice %arg2[%add3A, %add3A_91, %dma_wait3A_105] : memref<8x512x512xf32, #tpu.memory_space<hbm>> -> memref<1x32x512xf32, #tpu.memory_space<hbm>>
    %dma_wait3A_107 = tpu.memref_squeeze %dma_wait3A_106 : memref<1x32x512xf32, #tpu.memory_space<hbm>> -> memref<32x512xf32, #tpu.memory_space<hbm>>
    tpu.wait_dma2 semaphore(%arg12 : memref<!tpu.dma_semaphore, #tpu.memory_space<semaphore_mem>>) src(%dma_wait3A_107 : memref<32x512xf32, #tpu.memory_space<hbm>>) dst(%arg7 : memref<32x512xf32, #tpu.memory_space<vmem>>)
    %dma_wait3A_108 = arith.constant 0 : i32
    %dma_wait3A_109 = tpu.memref_slice %arg3[%add3A, %add3A_91, %dma_wait3A_108] : memref<8x512x512xf32, #tpu.memory_space<hbm>> -> memref<1x32x512xf32, #tpu.memory_space<hbm>>
    %dma_wait3A_110 = tpu.memref_squeeze %dma_wait3A_109 : memref<1x32x512xf32, #tpu.memory_space<hbm>> -> memref<32x512xf32, #tpu.memory_space<hbm>>
    %dma_wait3A_111 = arith.constant 0 : i32
    %dma_wait3A_112 = tpu.memref_slice %arg3[%add3A, %add3A_91, %dma_wait3A_111] : memref<8x512x512xf32, #tpu.memory_space<hbm>> -> memref<1x32x512xf32, #tpu.memory_space<hbm>>
    %dma_wait3A_113 = tpu.memref_squeeze %dma_wait3A_112 : memref<1x32x512xf32, #tpu.memory_space<hbm>> -> memref<32x512xf32, #tpu.memory_space<hbm>>
    tpu.wait_dma2 semaphore(%arg14 : memref<!tpu.dma_semaphore, #tpu.memory_space<semaphore_mem>>) src(%dma_wait3A_113 : memref<32x512xf32, #tpu.memory_space<hbm>>) dst(%arg9 : memref<32x512xf32, #tpu.memory_space<vmem>>)
    %add3A_114 = arith.constant 32 : i32
    %add3A_115 = arith.addi %mul3A_32, %add3A_114 : i32
    %dma_start3A_116 = arith.constant 0 : i32
    %dma_start3A_117 = tpu.memref_slice %arg2[%add3A, %add3A_115, %dma_start3A_116] : memref<8x512x512xf32, #tpu.memory_space<hbm>> -> memref<1x32x512xf32, #tpu.memory_space<hbm>>
    %dma_start3A_118 = tpu.memref_squeeze %dma_start3A_117 : memref<1x32x512xf32, #tpu.memory_space<hbm>> -> memref<32x512xf32, #tpu.memory_space<hbm>>
    %dma_start3A_119 = arith.constant 0 : i32
    %dma_start3A_120 = tpu.memref_slice %arg2[%add3A, %add3A_115, %dma_start3A_119] : memref<8x512x512xf32, #tpu.memory_space<hbm>> -> memref<1x32x512xf32, #tpu.memory_space<hbm>>
    %dma_start3A_121 = tpu.memref_squeeze %dma_start3A_120 : memref<1x32x512xf32, #tpu.memory_space<hbm>> -> memref<32x512xf32, #tpu.memory_space<hbm>>
    tpu.enqueue_dma source(%dma_start3A_121 : memref<32x512xf32, #tpu.memory_space<hbm>>) target(%arg8 : memref<32x512xf32, #tpu.memory_space<vmem>>) target_semaphore(%arg13 : memref<!tpu.dma_semaphore, #tpu.memory_space<semaphore_mem>>)
    %dma_start3A_122 = arith.constant 0 : i32
    %dma_start3A_123 = tpu.memref_slice %arg3[%add3A, %add3A_115, %dma_start3A_122] : memref<8x512x512xf32, #tpu.memory_space<hbm>> -> memref<1x32x512xf32, #tpu.memory_space<hbm>>
    %dma_start3A_124 = tpu.memref_squeeze %dma_start3A_123 : memref<1x32x512xf32, #tpu.memory_space<hbm>> -> memref<32x512xf32, #tpu.memory_space<hbm>>
    %dma_start3A_125 = arith.constant 0 : i32
    %dma_start3A_126 = tpu.memref_slice %arg3[%add3A, %add3A_115, %dma_start3A_125] : memref<8x512x512xf32, #tpu.memory_space<hbm>> -> memref<1x32x512xf32, #tpu.memory_space<hbm>>
    %dma_start3A_127 = tpu.memref_squeeze %dma_start3A_126 : memref<1x32x512xf32, #tpu.memory_space<hbm>> -> memref<32x512xf32, #tpu.memory_space<hbm>>
    tpu.enqueue_dma source(%dma_start3A_127 : memref<32x512xf32, #tpu.memory_space<hbm>>) target(%arg10 : memref<32x512xf32, #tpu.memory_space<vmem>>) target_semaphore(%arg15 : memref<!tpu.dma_semaphore, #tpu.memory_space<semaphore_mem>>)
    %parallel_loop3A = arith.constant 0 : i32
    %parallel_loop3A_128 = arith.constant 1024 : i32
    %parallel_loop3A_129 = arith.constant 1 : i32
    scf.for %parallel_loop3A_206 = %parallel_loop3A to %parallel_loop3A_128 step %parallel_loop3A_129  : i32 {
      %parallel_loop3A_207 = arith.constant 32 : i32
      %parallel_loop3A_208 = arith.divsi %parallel_loop3A_206, %parallel_loop3A_207 : i32
      %parallel_loop3A_209 = arith.constant 0 : i32
      %parallel_loop3A_210 = arith.cmpi sgt, %parallel_loop3A_206, %parallel_loop3A_209 : i32
      %parallel_loop3A_211 = arith.extui %parallel_loop3A_210 : i1 to i32
      %parallel_loop3A_212 = arith.constant 0 : i32
      %parallel_loop3A_213 = arith.cmpi slt, %parallel_loop3A_206, %parallel_loop3A_212 : i32
      %parallel_loop3A_214 = arith.extui %parallel_loop3A_213 : i1 to i32
      %parallel_loop3A_215 = arith.subi %parallel_loop3A_211, %parallel_loop3A_214 : i32
      %parallel_loop3A_216 = arith.constant 0 : i32
      %parallel_loop3A_217 = arith.cmpi sgt, %parallel_loop3A_207, %parallel_loop3A_216 : i32
      %parallel_loop3A_218 = arith.extui %parallel_loop3A_217 : i1 to i32
      %parallel_loop3A_219 = arith.constant 0 : i32
      %parallel_loop3A_220 = arith.cmpi slt, %parallel_loop3A_207, %parallel_loop3A_219 : i32
      %parallel_loop3A_221 = arith.extui %parallel_loop3A_220 : i1 to i32
      %parallel_loop3A_222 = arith.subi %parallel_loop3A_218, %parallel_loop3A_221 : i32
      %parallel_loop3A_223 = arith.cmpi ne, %parallel_loop3A_215, %parallel_loop3A_222 : i32
      %parallel_loop3A_224 = arith.remsi %parallel_loop3A_206, %parallel_loop3A_207 : i32
      %parallel_loop3A_225 = arith.constant 0 : i32
      %parallel_loop3A_226 = arith.cmpi ne, %parallel_loop3A_224, %parallel_loop3A_225 : i32
      %parallel_loop3A_227 = arith.andi %parallel_loop3A_223, %parallel_loop3A_226 : i1
      %parallel_loop3A_228 = arith.constant 1 : i32
      %parallel_loop3A_229 = arith.subi %parallel_loop3A_208, %parallel_loop3A_228 : i32
      %parallel_loop3A_230 = arith.select %parallel_loop3A_227, %parallel_loop3A_229, %parallel_loop3A_208 : i32
      %parallel_loop3A_231 = arith.constant 32 : i32
      %parallel_loop3A_232 = arith.constant 0 : i32
      %parallel_loop3A_233 = arith.cmpi eq, %parallel_loop3A_231, %parallel_loop3A_232 : i32
      %parallel_loop3A_234 = arith.constant 1 : i32
      %parallel_loop3A_235 = arith.select %parallel_loop3A_233, %parallel_loop3A_234, %parallel_loop3A_231 : i32
      %parallel_loop3A_236 = arith.remsi %parallel_loop3A_206, %parallel_loop3A_235 : i32
      %parallel_loop3A_237 = arith.constant 0 : i32
      %parallel_loop3A_238 = arith.cmpi ne, %parallel_loop3A_236, %parallel_loop3A_237 : i32
      %parallel_loop3A_239 = arith.constant 0 : i32
      %parallel_loop3A_240 = arith.cmpi slt, %parallel_loop3A_236, %parallel_loop3A_239 : i32
      %parallel_loop3A_241 = arith.constant 0 : i32
      %parallel_loop3A_242 = arith.cmpi slt, %parallel_loop3A_235, %parallel_loop3A_241 : i32
      %parallel_loop3A_243 = arith.xori %parallel_loop3A_240, %parallel_loop3A_242 : i1
      %parallel_loop3A_244 = arith.andi %parallel_loop3A_243, %parallel_loop3A_238 : i1
      %parallel_loop3A_245 = arith.addi %parallel_loop3A_236, %parallel_loop3A_235 : i32
      %parallel_loop3A_246 = arith.select %parallel_loop3A_244, %parallel_loop3A_245, %parallel_loop3A_236 : i32
      %parallel_loop3A_247 = arith.constant 16 : i32
      %parallel_loop3A_248 = arith.muli %parallel_loop3A_246, %parallel_loop3A_247 : i32
      %parallel_loop3A_249 = arith.index_cast %parallel_loop3A_230 : i32 to index
      %parallel_loop3A_250 = arith.index_cast %parallel_loop3A_248 : i32 to index
      %parallel_loop3A_251 = tpu.vector_load %arg7[%parallel_loop3A_249, %parallel_loop3A_250] {strides = array<i32>} : memref<32x512xf32, #tpu.memory_space<vmem>>, vector<16xf32>,
      %parallel_loop3A_252 = arith.index_cast %parallel_loop3A_230 : i32 to index
      %parallel_loop3A_253 = arith.index_cast %parallel_loop3A_248 : i32 to index
      %parallel_loop3A_254 = tpu.vector_load %arg9[%parallel_loop3A_252, %parallel_loop3A_253] {strides = array<i32>} : memref<32x512xf32, #tpu.memory_space<vmem>>, vector<16xf32>,
      %parallel_loop3A_255 = vector.broadcast %reduce_sum3A_49 : f32 to vector<16xf32>
      %parallel_loop3A_256 = arith.subf %parallel_loop3A_251, %parallel_loop3A_255 : vector<16xf32>
      %parallel_loop3A_257 = vector.broadcast %reduce_sum3A_69 : f32 to vector<16xf32>
      %parallel_loop3A_258 = arith.mulf %parallel_loop3A_256, %parallel_loop3A_257 : vector<16xf32>
      %parallel_loop3A_259 = vector.broadcast %reduce_sum3A_59 : f32 to vector<16xf32>
      %parallel_loop3A_260 = arith.subf %parallel_loop3A_254, %parallel_loop3A_259 : vector<16xf32>
      %parallel_loop3A_261 = vector.broadcast %reduce_sum3A_79 : f32 to vector<16xf32>
      %parallel_loop3A_262 = arith.mulf %parallel_loop3A_260, %parallel_loop3A_261 : vector<16xf32>
      %parallel_loop3A_263 = arith.subf %parallel_loop3A_258, %parallel_loop3A_262 : vector<16xf32>
      %parallel_loop3A_264 = math.absf %parallel_loop3A_263 : vector<16xf32>
      %parallel_loop3A_265 = vector.broadcast %reduce_sum3A_89 : f32 to vector<16xf32>
      %parallel_loop3A_266 = arith.mulf %parallel_loop3A_264, %parallel_loop3A_265 : vector<16xf32>
      %parallel_loop3A_267 = arith.fptosi %parallel_loop3A_266 : vector<16xf32> to vector<16xi32>
      %parallel_loop3A_268 = arith.constant 8191 : i32
      %parallel_loop3A_269 = vector.broadcast %parallel_loop3A_268 : i32 to vector<16xi32>
      %parallel_loop3A_270 = arith.minsi %parallel_loop3A_267, %parallel_loop3A_269 : vector<16xi32>
      %parallel_loop3A_271 = arith.constant 1.000000e+00 : f32
      %parallel_loop3A_272 = vector.broadcast %parallel_loop3A_271 : f32 to vector<16xf32>
      tpu.vector_store_idx %arg6[%parallel_loop3A_270], %parallel_loop3A_272 {add = true} : memref<8192xf32, #tpu.memory_space<vmem>>[vector<16xi32>], vector<16xf32>,
    } {sc.loop_unroll_factor = 8 : i64, sc.parallel_access}
    %dma_wait3A_130 = arith.constant 0 : i32
    %dma_wait3A_131 = tpu.memref_slice %arg2[%add3A, %add3A_115, %dma_wait3A_130] : memref<8x512x512xf32, #tpu.memory_space<hbm>> -> memref<1x32x512xf32, #tpu.memory_space<hbm>>
    %dma_wait3A_132 = tpu.memref_squeeze %dma_wait3A_131 : memref<1x32x512xf32, #tpu.memory_space<hbm>> -> memref<32x512xf32, #tpu.memory_space<hbm>>
    %dma_wait3A_133 = arith.constant 0 : i32
    %dma_wait3A_134 = tpu.memref_slice %arg2[%add3A, %add3A_115, %dma_wait3A_133] : memref<8x512x512xf32, #tpu.memory_space<hbm>> -> memref<1x32x512xf32, #tpu.memory_space<hbm>>
    %dma_wait3A_135 = tpu.memref_squeeze %dma_wait3A_134 : memref<1x32x512xf32, #tpu.memory_space<hbm>> -> memref<32x512xf32, #tpu.memory_space<hbm>>
    tpu.wait_dma2 semaphore(%arg13 : memref<!tpu.dma_semaphore, #tpu.memory_space<semaphore_mem>>) src(%dma_wait3A_135 : memref<32x512xf32, #tpu.memory_space<hbm>>) dst(%arg8 : memref<32x512xf32, #tpu.memory_space<vmem>>)
    %dma_wait3A_136 = arith.constant 0 : i32
    %dma_wait3A_137 = tpu.memref_slice %arg3[%add3A, %add3A_115, %dma_wait3A_136] : memref<8x512x512xf32, #tpu.memory_space<hbm>> -> memref<1x32x512xf32, #tpu.memory_space<hbm>>
    %dma_wait3A_138 = tpu.memref_squeeze %dma_wait3A_137 : memref<1x32x512xf32, #tpu.memory_space<hbm>> -> memref<32x512xf32, #tpu.memory_space<hbm>>
    %dma_wait3A_139 = arith.constant 0 : i32
    %dma_wait3A_140 = tpu.memref_slice %arg3[%add3A, %add3A_115, %dma_wait3A_139] : memref<8x512x512xf32, #tpu.memory_space<hbm>> -> memref<1x32x512xf32, #tpu.memory_space<hbm>>
    %dma_wait3A_141 = tpu.memref_squeeze %dma_wait3A_140 : memref<1x32x512xf32, #tpu.memory_space<hbm>> -> memref<32x512xf32, #tpu.memory_space<hbm>>
    tpu.wait_dma2 semaphore(%arg15 : memref<!tpu.dma_semaphore, #tpu.memory_space<semaphore_mem>>) src(%dma_wait3A_141 : memref<32x512xf32, #tpu.memory_space<hbm>>) dst(%arg10 : memref<32x512xf32, #tpu.memory_space<vmem>>)
    %add3A_142 = arith.constant 64 : i32
    %add3A_143 = arith.addi %mul3A_32, %add3A_142 : i32
    %dma_start3A_144 = arith.constant 0 : i32
    %dma_start3A_145 = tpu.memref_slice %arg2[%add3A, %add3A_143, %dma_start3A_144] : memref<8x512x512xf32, #tpu.memory_space<hbm>> -> memref<1x32x512xf32, #tpu.memory_space<hbm>>
    %dma_start3A_146 = tpu.memref_squeeze %dma_start3A_145 : memref<1x32x512xf32, #tpu.memory_space<hbm>> -> memref<32x512xf32, #tpu.memory_space<hbm>>
    %dma_start3A_147 = arith.constant 0 : i32
    %dma_start3A_148 = tpu.memref_slice %arg2[%add3A, %add3A_143, %dma_start3A_147] : memref<8x512x512xf32, #tpu.memory_space<hbm>> -> memref<1x32x512xf32, #tpu.memory_space<hbm>>
    %dma_start3A_149 = tpu.memref_squeeze %dma_start3A_148 : memref<1x32x512xf32, #tpu.memory_space<hbm>> -> memref<32x512xf32, #tpu.memory_space<hbm>>
    tpu.enqueue_dma source(%dma_start3A_149 : memref<32x512xf32, #tpu.memory_space<hbm>>) target(%arg7 : memref<32x512xf32, #tpu.memory_space<vmem>>) target_semaphore(%arg12 : memref<!tpu.dma_semaphore, #tpu.memory_space<semaphore_mem>>)
    %dma_start3A_150 = arith.constant 0 : i32
    %dma_start3A_151 = tpu.memref_slice %arg3[%add3A, %add3A_143, %dma_start3A_150] : memref<8x512x512xf32, #tpu.memory_space<hbm>> -> memref<1x32x512xf32, #tpu.memory_space<hbm>>
    %dma_start3A_152 = tpu.memref_squeeze %dma_start3A_151 : memref<1x32x512xf32, #tpu.memory_space<hbm>> -> memref<32x512xf32, #tpu.memory_space<hbm>>
    %dma_start3A_153 = arith.constant 0 : i32
    %dma_start3A_154 = tpu.memref_slice %arg3[%add3A, %add3A_143, %dma_start3A_153] : memref<8x512x512xf32, #tpu.memory_space<hbm>> -> memref<1x32x512xf32, #tpu.memory_space<hbm>>
    %dma_start3A_155 = tpu.memref_squeeze %dma_start3A_154 : memref<1x32x512xf32, #tpu.memory_space<hbm>> -> memref<32x512xf32, #tpu.memory_space<hbm>>
    tpu.enqueue_dma source(%dma_start3A_155 : memref<32x512xf32, #tpu.memory_space<hbm>>) target(%arg9 : memref<32x512xf32, #tpu.memory_space<vmem>>) target_semaphore(%arg14 : memref<!tpu.dma_semaphore, #tpu.memory_space<semaphore_mem>>)
    %parallel_loop3A_156 = arith.constant 0 : i32
    %parallel_loop3A_157 = arith.constant 1024 : i32
    %parallel_loop3A_158 = arith.constant 1 : i32
    scf.for %parallel_loop3A_206 = %parallel_loop3A_156 to %parallel_loop3A_157 step %parallel_loop3A_158  : i32 {
      %parallel_loop3A_207 = arith.constant 32 : i32
      %parallel_loop3A_208 = arith.divsi %parallel_loop3A_206, %parallel_loop3A_207 : i32
      %parallel_loop3A_209 = arith.constant 0 : i32
      %parallel_loop3A_210 = arith.cmpi sgt, %parallel_loop3A_206, %parallel_loop3A_209 : i32
      %parallel_loop3A_211 = arith.extui %parallel_loop3A_210 : i1 to i32
      %parallel_loop3A_212 = arith.constant 0 : i32
      %parallel_loop3A_213 = arith.cmpi slt, %parallel_loop3A_206, %parallel_loop3A_212 : i32
      %parallel_loop3A_214 = arith.extui %parallel_loop3A_213 : i1 to i32
      %parallel_loop3A_215 = arith.subi %parallel_loop3A_211, %parallel_loop3A_214 : i32
      %parallel_loop3A_216 = arith.constant 0 : i32
      %parallel_loop3A_217 = arith.cmpi sgt, %parallel_loop3A_207, %parallel_loop3A_216 : i32
      %parallel_loop3A_218 = arith.extui %parallel_loop3A_217 : i1 to i32
      %parallel_loop3A_219 = arith.constant 0 : i32
      %parallel_loop3A_220 = arith.cmpi slt, %parallel_loop3A_207, %parallel_loop3A_219 : i32
      %parallel_loop3A_221 = arith.extui %parallel_loop3A_220 : i1 to i32
      %parallel_loop3A_222 = arith.subi %parallel_loop3A_218, %parallel_loop3A_221 : i32
      %parallel_loop3A_223 = arith.cmpi ne, %parallel_loop3A_215, %parallel_loop3A_222 : i32
      %parallel_loop3A_224 = arith.remsi %parallel_loop3A_206, %parallel_loop3A_207 : i32
      %parallel_loop3A_225 = arith.constant 0 : i32
      %parallel_loop3A_226 = arith.cmpi ne, %parallel_loop3A_224, %parallel_loop3A_225 : i32
      %parallel_loop3A_227 = arith.andi %parallel_loop3A_223, %parallel_loop3A_226 : i1
      %parallel_loop3A_228 = arith.constant 1 : i32
      %parallel_loop3A_229 = arith.subi %parallel_loop3A_208, %parallel_loop3A_228 : i32
      %parallel_loop3A_230 = arith.select %parallel_loop3A_227, %parallel_loop3A_229, %parallel_loop3A_208 : i32
      %parallel_loop3A_231 = arith.constant 32 : i32
      %parallel_loop3A_232 = arith.constant 0 : i32
      %parallel_loop3A_233 = arith.cmpi eq, %parallel_loop3A_231, %parallel_loop3A_232 : i32
      %parallel_loop3A_234 = arith.constant 1 : i32
      %parallel_loop3A_235 = arith.select %parallel_loop3A_233, %parallel_loop3A_234, %parallel_loop3A_231 : i32
      %parallel_loop3A_236 = arith.remsi %parallel_loop3A_206, %parallel_loop3A_235 : i32
      %parallel_loop3A_237 = arith.constant 0 : i32
      %parallel_loop3A_238 = arith.cmpi ne, %parallel_loop3A_236, %parallel_loop3A_237 : i32
      %parallel_loop3A_239 = arith.constant 0 : i32
      %parallel_loop3A_240 = arith.cmpi slt, %parallel_loop3A_236, %parallel_loop3A_239 : i32
      %parallel_loop3A_241 = arith.constant 0 : i32
      %parallel_loop3A_242 = arith.cmpi slt, %parallel_loop3A_235, %parallel_loop3A_241 : i32
      %parallel_loop3A_243 = arith.xori %parallel_loop3A_240, %parallel_loop3A_242 : i1
      %parallel_loop3A_244 = arith.andi %parallel_loop3A_243, %parallel_loop3A_238 : i1
      %parallel_loop3A_245 = arith.addi %parallel_loop3A_236, %parallel_loop3A_235 : i32
      %parallel_loop3A_246 = arith.select %parallel_loop3A_244, %parallel_loop3A_245, %parallel_loop3A_236 : i32
      %parallel_loop3A_247 = arith.constant 16 : i32
      %parallel_loop3A_248 = arith.muli %parallel_loop3A_246, %parallel_loop3A_247 : i32
      %parallel_loop3A_249 = arith.index_cast %parallel_loop3A_230 : i32 to index
      %parallel_loop3A_250 = arith.index_cast %parallel_loop3A_248 : i32 to index
      %parallel_loop3A_251 = tpu.vector_load %arg8[%parallel_loop3A_249, %parallel_loop3A_250] {strides = array<i32>} : memref<32x512xf32, #tpu.memory_space<vmem>>, vector<16xf32>,
      %parallel_loop3A_252 = arith.index_cast %parallel_loop3A_230 : i32 to index
      %parallel_loop3A_253 = arith.index_cast %parallel_loop3A_248 : i32 to index
      %parallel_loop3A_254 = tpu.vector_load %arg10[%parallel_loop3A_252, %parallel_loop3A_253] {strides = array<i32>} : memref<32x512xf32, #tpu.memory_space<vmem>>, vector<16xf32>,
      %parallel_loop3A_255 = vector.broadcast %reduce_sum3A_49 : f32 to vector<16xf32>
      %parallel_loop3A_256 = arith.subf %parallel_loop3A_251, %parallel_loop3A_255 : vector<16xf32>
      %parallel_loop3A_257 = vector.broadcast %reduce_sum3A_69 : f32 to vector<16xf32>
      %parallel_loop3A_258 = arith.mulf %parallel_loop3A_256, %parallel_loop3A_257 : vector<16xf32>
      %parallel_loop3A_259 = vector.broadcast %reduce_sum3A_59 : f32 to vector<16xf32>
      %parallel_loop3A_260 = arith.subf %parallel_loop3A_254, %parallel_loop3A_259 : vector<16xf32>
      %parallel_loop3A_261 = vector.broadcast %reduce_sum3A_79 : f32 to vector<16xf32>
      %parallel_loop3A_262 = arith.mulf %parallel_loop3A_260, %parallel_loop3A_261 : vector<16xf32>
      %parallel_loop3A_263 = arith.subf %parallel_loop3A_258, %parallel_loop3A_262 : vector<16xf32>
      %parallel_loop3A_264 = math.absf %parallel_loop3A_263 : vector<16xf32>
      %parallel_loop3A_265 = vector.broadcast %reduce_sum3A_89 : f32 to vector<16xf32>
      %parallel_loop3A_266 = arith.mulf %parallel_loop3A_264, %parallel_loop3A_265 : vector<16xf32>
      %parallel_loop3A_267 = arith.fptosi %parallel_loop3A_266 : vector<16xf32> to vector<16xi32>
      %parallel_loop3A_268 = arith.constant 8191 : i32
      %parallel_loop3A_269 = vector.broadcast %parallel_loop3A_268 : i32 to vector<16xi32>
      %parallel_loop3A_270 = arith.minsi %parallel_loop3A_267, %parallel_loop3A_269 : vector<16xi32>
      %parallel_loop3A_271 = arith.constant 1.000000e+00 : f32
      %parallel_loop3A_272 = vector.broadcast %parallel_loop3A_271 : f32 to vector<16xf32>
      tpu.vector_store_idx %arg6[%parallel_loop3A_270], %parallel_loop3A_272 {add = true} : memref<8192xf32, #tpu.memory_space<vmem>>[vector<16xi32>], vector<16xf32>,
    } {sc.loop_unroll_factor = 8 : i64, sc.parallel_access}
    %dma_wait3A_159 = arith.constant 0 : i32
    %dma_wait3A_160 = tpu.memref_slice %arg2[%add3A, %add3A_143, %dma_wait3A_159] : memref<8x512x512xf32, #tpu.memory_space<hbm>> -> memref<1x32x512xf32, #tpu.memory_space<hbm>>
    %dma_wait3A_161 = tpu.memref_squeeze %dma_wait3A_160 : memref<1x32x512xf32, #tpu.memory_space<hbm>> -> memref<32x512xf32, #tpu.memory_space<hbm>>
    %dma_wait3A_162 = arith.constant 0 : i32
    %dma_wait3A_163 = tpu.memref_slice %arg2[%add3A, %add3A_143, %dma_wait3A_162] : memref<8x512x512xf32, #tpu.memory_space<hbm>> -> memref<1x32x512xf32, #tpu.memory_space<hbm>>
    %dma_wait3A_164 = tpu.memref_squeeze %dma_wait3A_163 : memref<1x32x512xf32, #tpu.memory_space<hbm>> -> memref<32x512xf32, #tpu.memory_space<hbm>>
    tpu.wait_dma2 semaphore(%arg12 : memref<!tpu.dma_semaphore, #tpu.memory_space<semaphore_mem>>) src(%dma_wait3A_164 : memref<32x512xf32, #tpu.memory_space<hbm>>) dst(%arg7 : memref<32x512xf32, #tpu.memory_space<vmem>>)
    %dma_wait3A_165 = arith.constant 0 : i32
    %dma_wait3A_166 = tpu.memref_slice %arg3[%add3A, %add3A_143, %dma_wait3A_165] : memref<8x512x512xf32, #tpu.memory_space<hbm>> -> memref<1x32x512xf32, #tpu.memory_space<hbm>>
    %dma_wait3A_167 = tpu.memref_squeeze %dma_wait3A_166 : memref<1x32x512xf32, #tpu.memory_space<hbm>> -> memref<32x512xf32, #tpu.memory_space<hbm>>
    %dma_wait3A_168 = arith.constant 0 : i32
    %dma_wait3A_169 = tpu.memref_slice %arg3[%add3A, %add3A_143, %dma_wait3A_168] : memref<8x512x512xf32, #tpu.memory_space<hbm>> -> memref<1x32x512xf32, #tpu.memory_space<hbm>>
    %dma_wait3A_170 = tpu.memref_squeeze %dma_wait3A_169 : memref<1x32x512xf32, #tpu.memory_space<hbm>> -> memref<32x512xf32, #tpu.memory_space<hbm>>
    tpu.wait_dma2 semaphore(%arg14 : memref<!tpu.dma_semaphore, #tpu.memory_space<semaphore_mem>>) src(%dma_wait3A_170 : memref<32x512xf32, #tpu.memory_space<hbm>>) dst(%arg9 : memref<32x512xf32, #tpu.memory_space<vmem>>)
    %add3A_171 = arith.constant 96 : i32
    %add3A_172 = arith.addi %mul3A_32, %add3A_171 : i32
    %dma_start3A_173 = arith.constant 0 : i32
    %dma_start3A_174 = tpu.memref_slice %arg2[%add3A, %add3A_172, %dma_start3A_173] : memref<8x512x512xf32, #tpu.memory_space<hbm>> -> memref<1x32x512xf32, #tpu.memory_space<hbm>>
    %dma_start3A_175 = tpu.memref_squeeze %dma_start3A_174 : memref<1x32x512xf32, #tpu.memory_space<hbm>> -> memref<32x512xf32, #tpu.memory_space<hbm>>
    %dma_start3A_176 = arith.constant 0 : i32
    %dma_start3A_177 = tpu.memref_slice %arg2[%add3A, %add3A_172, %dma_start3A_176] : memref<8x512x512xf32, #tpu.memory_space<hbm>> -> memref<1x32x512xf32, #tpu.memory_space<hbm>>
    %dma_start3A_178 = tpu.memref_squeeze %dma_start3A_177 : memref<1x32x512xf32, #tpu.memory_space<hbm>> -> memref<32x512xf32, #tpu.memory_space<hbm>>
    tpu.enqueue_dma source(%dma_start3A_178 : memref<32x512xf32, #tpu.memory_space<hbm>>) target(%arg8 : memref<32x512xf32, #tpu.memory_space<vmem>>) target_semaphore(%arg13 : memref<!tpu.dma_semaphore, #tpu.memory_space<semaphore_mem>>)
    %dma_start3A_179 = arith.constant 0 : i32
    %dma_start3A_180 = tpu.memref_slice %arg3[%add3A, %add3A_172, %dma_start3A_179] : memref<8x512x512xf32, #tpu.memory_space<hbm>> -> memref<1x32x512xf32, #tpu.memory_space<hbm>>
    %dma_start3A_181 = tpu.memref_squeeze %dma_start3A_180 : memref<1x32x512xf32, #tpu.memory_space<hbm>> -> memref<32x512xf32, #tpu.memory_space<hbm>>
    %dma_start3A_182 = arith.constant 0 : i32
    %dma_start3A_183 = tpu.memref_slice %arg3[%add3A, %add3A_172, %dma_start3A_182] : memref<8x512x512xf32, #tpu.memory_space<hbm>> -> memref<1x32x512xf32, #tpu.memory_space<hbm>>
    %dma_start3A_184 = tpu.memref_squeeze %dma_start3A_183 : memref<1x32x512xf32, #tpu.memory_space<hbm>> -> memref<32x512xf32, #tpu.memory_space<hbm>>
    tpu.enqueue_dma source(%dma_start3A_184 : memref<32x512xf32, #tpu.memory_space<hbm>>) target(%arg10 : memref<32x512xf32, #tpu.memory_space<vmem>>) target_semaphore(%arg15 : memref<!tpu.dma_semaphore, #tpu.memory_space<semaphore_mem>>)
    %parallel_loop3A_185 = arith.constant 0 : i32
    %parallel_loop3A_186 = arith.constant 1024 : i32
    %parallel_loop3A_187 = arith.constant 1 : i32
    scf.for %parallel_loop3A_206 = %parallel_loop3A_185 to %parallel_loop3A_186 step %parallel_loop3A_187  : i32 {
      %parallel_loop3A_207 = arith.constant 32 : i32
      %parallel_loop3A_208 = arith.divsi %parallel_loop3A_206, %parallel_loop3A_207 : i32
      %parallel_loop3A_209 = arith.constant 0 : i32
      %parallel_loop3A_210 = arith.cmpi sgt, %parallel_loop3A_206, %parallel_loop3A_209 : i32
      %parallel_loop3A_211 = arith.extui %parallel_loop3A_210 : i1 to i32
      %parallel_loop3A_212 = arith.constant 0 : i32
      %parallel_loop3A_213 = arith.cmpi slt, %parallel_loop3A_206, %parallel_loop3A_212 : i32
      %parallel_loop3A_214 = arith.extui %parallel_loop3A_213 : i1 to i32
      %parallel_loop3A_215 = arith.subi %parallel_loop3A_211, %parallel_loop3A_214 : i32
      %parallel_loop3A_216 = arith.constant 0 : i32
      %parallel_loop3A_217 = arith.cmpi sgt, %parallel_loop3A_207, %parallel_loop3A_216 : i32
      %parallel_loop3A_218 = arith.extui %parallel_loop3A_217 : i1 to i32
      %parallel_loop3A_219 = arith.constant 0 : i32
      %parallel_loop3A_220 = arith.cmpi slt, %parallel_loop3A_207, %parallel_loop3A_219 : i32
      %parallel_loop3A_221 = arith.extui %parallel_loop3A_220 : i1 to i32
      %parallel_loop3A_222 = arith.subi %parallel_loop3A_218, %parallel_loop3A_221 : i32
      %parallel_loop3A_223 = arith.cmpi ne, %parallel_loop3A_215, %parallel_loop3A_222 : i32
      %parallel_loop3A_224 = arith.remsi %parallel_loop3A_206, %parallel_loop3A_207 : i32
      %parallel_loop3A_225 = arith.constant 0 : i32
      %parallel_loop3A_226 = arith.cmpi ne, %parallel_loop3A_224, %parallel_loop3A_225 : i32
      %parallel_loop3A_227 = arith.andi %parallel_loop3A_223, %parallel_loop3A_226 : i1
      %parallel_loop3A_228 = arith.constant 1 : i32
      %parallel_loop3A_229 = arith.subi %parallel_loop3A_208, %parallel_loop3A_228 : i32
      %parallel_loop3A_230 = arith.select %parallel_loop3A_227, %parallel_loop3A_229, %parallel_loop3A_208 : i32
      %parallel_loop3A_231 = arith.constant 32 : i32
      %parallel_loop3A_232 = arith.constant 0 : i32
      %parallel_loop3A_233 = arith.cmpi eq, %parallel_loop3A_231, %parallel_loop3A_232 : i32
      %parallel_loop3A_234 = arith.constant 1 : i32
      %parallel_loop3A_235 = arith.select %parallel_loop3A_233, %parallel_loop3A_234, %parallel_loop3A_231 : i32
      %parallel_loop3A_236 = arith.remsi %parallel_loop3A_206, %parallel_loop3A_235 : i32
      %parallel_loop3A_237 = arith.constant 0 : i32
      %parallel_loop3A_238 = arith.cmpi ne, %parallel_loop3A_236, %parallel_loop3A_237 : i32
      %parallel_loop3A_239 = arith.constant 0 : i32
      %parallel_loop3A_240 = arith.cmpi slt, %parallel_loop3A_236, %parallel_loop3A_239 : i32
      %parallel_loop3A_241 = arith.constant 0 : i32
      %parallel_loop3A_242 = arith.cmpi slt, %parallel_loop3A_235, %parallel_loop3A_241 : i32
      %parallel_loop3A_243 = arith.xori %parallel_loop3A_240, %parallel_loop3A_242 : i1
      %parallel_loop3A_244 = arith.andi %parallel_loop3A_243, %parallel_loop3A_238 : i1
      %parallel_loop3A_245 = arith.addi %parallel_loop3A_236, %parallel_loop3A_235 : i32
      %parallel_loop3A_246 = arith.select %parallel_loop3A_244, %parallel_loop3A_245, %parallel_loop3A_236 : i32
      %parallel_loop3A_247 = arith.constant 16 : i32
      %parallel_loop3A_248 = arith.muli %parallel_loop3A_246, %parallel_loop3A_247 : i32
      %parallel_loop3A_249 = arith.index_cast %parallel_loop3A_230 : i32 to index
      %parallel_loop3A_250 = arith.index_cast %parallel_loop3A_248 : i32 to index
      %parallel_loop3A_251 = tpu.vector_load %arg7[%parallel_loop3A_249, %parallel_loop3A_250] {strides = array<i32>} : memref<32x512xf32, #tpu.memory_space<vmem>>, vector<16xf32>,
      %parallel_loop3A_252 = arith.index_cast %parallel_loop3A_230 : i32 to index
      %parallel_loop3A_253 = arith.index_cast %parallel_loop3A_248 : i32 to index
      %parallel_loop3A_254 = tpu.vector_load %arg9[%parallel_loop3A_252, %parallel_loop3A_253] {strides = array<i32>} : memref<32x512xf32, #tpu.memory_space<vmem>>, vector<16xf32>,
      %parallel_loop3A_255 = vector.broadcast %reduce_sum3A_49 : f32 to vector<16xf32>
      %parallel_loop3A_256 = arith.subf %parallel_loop3A_251, %parallel_loop3A_255 : vector<16xf32>
      %parallel_loop3A_257 = vector.broadcast %reduce_sum3A_69 : f32 to vector<16xf32>
      %parallel_loop3A_258 = arith.mulf %parallel_loop3A_256, %parallel_loop3A_257 : vector<16xf32>
      %parallel_loop3A_259 = vector.broadcast %reduce_sum3A_59 : f32 to vector<16xf32>
      %parallel_loop3A_260 = arith.subf %parallel_loop3A_254, %parallel_loop3A_259 : vector<16xf32>
      %parallel_loop3A_261 = vector.broadcast %reduce_sum3A_79 : f32 to vector<16xf32>
      %parallel_loop3A_262 = arith.mulf %parallel_loop3A_260, %parallel_loop3A_261 : vector<16xf32>
      %parallel_loop3A_263 = arith.subf %parallel_loop3A_258, %parallel_loop3A_262 : vector<16xf32>
      %parallel_loop3A_264 = math.absf %parallel_loop3A_263 : vector<16xf32>
      %parallel_loop3A_265 = vector.broadcast %reduce_sum3A_89 : f32 to vector<16xf32>
      %parallel_loop3A_266 = arith.mulf %parallel_loop3A_264, %parallel_loop3A_265 : vector<16xf32>
      %parallel_loop3A_267 = arith.fptosi %parallel_loop3A_266 : vector<16xf32> to vector<16xi32>
      %parallel_loop3A_268 = arith.constant 8191 : i32
      %parallel_loop3A_269 = vector.broadcast %parallel_loop3A_268 : i32 to vector<16xi32>
      %parallel_loop3A_270 = arith.minsi %parallel_loop3A_267, %parallel_loop3A_269 : vector<16xi32>
      %parallel_loop3A_271 = arith.constant 1.000000e+00 : f32
      %parallel_loop3A_272 = vector.broadcast %parallel_loop3A_271 : f32 to vector<16xf32>
      tpu.vector_store_idx %arg6[%parallel_loop3A_270], %parallel_loop3A_272 {add = true} : memref<8192xf32, #tpu.memory_space<vmem>>[vector<16xi32>], vector<16xf32>,
    } {sc.loop_unroll_factor = 8 : i64, sc.parallel_access}
    %dma_wait3A_188 = arith.constant 0 : i32
    %dma_wait3A_189 = tpu.memref_slice %arg2[%add3A, %add3A_172, %dma_wait3A_188] : memref<8x512x512xf32, #tpu.memory_space<hbm>> -> memref<1x32x512xf32, #tpu.memory_space<hbm>>
    %dma_wait3A_190 = tpu.memref_squeeze %dma_wait3A_189 : memref<1x32x512xf32, #tpu.memory_space<hbm>> -> memref<32x512xf32, #tpu.memory_space<hbm>>
    %dma_wait3A_191 = arith.constant 0 : i32
    %dma_wait3A_192 = tpu.memref_slice %arg2[%add3A, %add3A_172, %dma_wait3A_191] : memref<8x512x512xf32, #tpu.memory_space<hbm>> -> memref<1x32x512xf32, #tpu.memory_space<hbm>>
    %dma_wait3A_193 = tpu.memref_squeeze %dma_wait3A_192 : memref<1x32x512xf32, #tpu.memory_space<hbm>> -> memref<32x512xf32, #tpu.memory_space<hbm>>
    tpu.wait_dma2 semaphore(%arg13 : memref<!tpu.dma_semaphore, #tpu.memory_space<semaphore_mem>>) src(%dma_wait3A_193 : memref<32x512xf32, #tpu.memory_space<hbm>>) dst(%arg8 : memref<32x512xf32, #tpu.memory_space<vmem>>)
    %dma_wait3A_194 = arith.constant 0 : i32
    %dma_wait3A_195 = tpu.memref_slice %arg3[%add3A, %add3A_172, %dma_wait3A_194] : memref<8x512x512xf32, #tpu.memory_space<hbm>> -> memref<1x32x512xf32, #tpu.memory_space<hbm>>
    %dma_wait3A_196 = tpu.memref_squeeze %dma_wait3A_195 : memref<1x32x512xf32, #tpu.memory_space<hbm>> -> memref<32x512xf32, #tpu.memory_space<hbm>>
    %dma_wait3A_197 = arith.constant 0 : i32
    %dma_wait3A_198 = tpu.memref_slice %arg3[%add3A, %add3A_172, %dma_wait3A_197] : memref<8x512x512xf32, #tpu.memory_space<hbm>> -> memref<1x32x512xf32, #tpu.memory_space<hbm>>
    %dma_wait3A_199 = tpu.memref_squeeze %dma_wait3A_198 : memref<1x32x512xf32, #tpu.memory_space<hbm>> -> memref<32x512xf32, #tpu.memory_space<hbm>>
    tpu.wait_dma2 semaphore(%arg15 : memref<!tpu.dma_semaphore, #tpu.memory_space<semaphore_mem>>) src(%dma_wait3A_199 : memref<32x512xf32, #tpu.memory_space<hbm>>) dst(%arg10 : memref<32x512xf32, #tpu.memory_space<vmem>>)
    %parallel_loop3A_200 = arith.constant 0 : i32
    %parallel_loop3A_201 = arith.constant 1024 : i32
    %parallel_loop3A_202 = arith.constant 1 : i32
    scf.for %parallel_loop3A_206 = %parallel_loop3A_200 to %parallel_loop3A_201 step %parallel_loop3A_202  : i32 {
      %parallel_loop3A_207 = arith.constant 32 : i32
      %parallel_loop3A_208 = arith.divsi %parallel_loop3A_206, %parallel_loop3A_207 : i32
      %parallel_loop3A_209 = arith.constant 0 : i32
      %parallel_loop3A_210 = arith.cmpi sgt, %parallel_loop3A_206, %parallel_loop3A_209 : i32
      %parallel_loop3A_211 = arith.extui %parallel_loop3A_210 : i1 to i32
      %parallel_loop3A_212 = arith.constant 0 : i32
      %parallel_loop3A_213 = arith.cmpi slt, %parallel_loop3A_206, %parallel_loop3A_212 : i32
      %parallel_loop3A_214 = arith.extui %parallel_loop3A_213 : i1 to i32
      %parallel_loop3A_215 = arith.subi %parallel_loop3A_211, %parallel_loop3A_214 : i32
      %parallel_loop3A_216 = arith.constant 0 : i32
      %parallel_loop3A_217 = arith.cmpi sgt, %parallel_loop3A_207, %parallel_loop3A_216 : i32
      %parallel_loop3A_218 = arith.extui %parallel_loop3A_217 : i1 to i32
      %parallel_loop3A_219 = arith.constant 0 : i32
      %parallel_loop3A_220 = arith.cmpi slt, %parallel_loop3A_207, %parallel_loop3A_219 : i32
      %parallel_loop3A_221 = arith.extui %parallel_loop3A_220 : i1 to i32
      %parallel_loop3A_222 = arith.subi %parallel_loop3A_218, %parallel_loop3A_221 : i32
      %parallel_loop3A_223 = arith.cmpi ne, %parallel_loop3A_215, %parallel_loop3A_222 : i32
      %parallel_loop3A_224 = arith.remsi %parallel_loop3A_206, %parallel_loop3A_207 : i32
      %parallel_loop3A_225 = arith.constant 0 : i32
      %parallel_loop3A_226 = arith.cmpi ne, %parallel_loop3A_224, %parallel_loop3A_225 : i32
      %parallel_loop3A_227 = arith.andi %parallel_loop3A_223, %parallel_loop3A_226 : i1
      %parallel_loop3A_228 = arith.constant 1 : i32
      %parallel_loop3A_229 = arith.subi %parallel_loop3A_208, %parallel_loop3A_228 : i32
      %parallel_loop3A_230 = arith.select %parallel_loop3A_227, %parallel_loop3A_229, %parallel_loop3A_208 : i32
      %parallel_loop3A_231 = arith.constant 32 : i32
      %parallel_loop3A_232 = arith.constant 0 : i32
      %parallel_loop3A_233 = arith.cmpi eq, %parallel_loop3A_231, %parallel_loop3A_232 : i32
      %parallel_loop3A_234 = arith.constant 1 : i32
      %parallel_loop3A_235 = arith.select %parallel_loop3A_233, %parallel_loop3A_234, %parallel_loop3A_231 : i32
      %parallel_loop3A_236 = arith.remsi %parallel_loop3A_206, %parallel_loop3A_235 : i32
      %parallel_loop3A_237 = arith.constant 0 : i32
      %parallel_loop3A_238 = arith.cmpi ne, %parallel_loop3A_236, %parallel_loop3A_237 : i32
      %parallel_loop3A_239 = arith.constant 0 : i32
      %parallel_loop3A_240 = arith.cmpi slt, %parallel_loop3A_236, %parallel_loop3A_239 : i32
      %parallel_loop3A_241 = arith.constant 0 : i32
      %parallel_loop3A_242 = arith.cmpi slt, %parallel_loop3A_235, %parallel_loop3A_241 : i32
      %parallel_loop3A_243 = arith.xori %parallel_loop3A_240, %parallel_loop3A_242 : i1
      %parallel_loop3A_244 = arith.andi %parallel_loop3A_243, %parallel_loop3A_238 : i1
      %parallel_loop3A_245 = arith.addi %parallel_loop3A_236, %parallel_loop3A_235 : i32
      %parallel_loop3A_246 = arith.select %parallel_loop3A_244, %parallel_loop3A_245, %parallel_loop3A_236 : i32
      %parallel_loop3A_247 = arith.constant 16 : i32
      %parallel_loop3A_248 = arith.muli %parallel_loop3A_246, %parallel_loop3A_247 : i32
      %parallel_loop3A_249 = arith.index_cast %parallel_loop3A_230 : i32 to index
      %parallel_loop3A_250 = arith.index_cast %parallel_loop3A_248 : i32 to index
      %parallel_loop3A_251 = tpu.vector_load %arg8[%parallel_loop3A_249, %parallel_loop3A_250] {strides = array<i32>} : memref<32x512xf32, #tpu.memory_space<vmem>>, vector<16xf32>,
      %parallel_loop3A_252 = arith.index_cast %parallel_loop3A_230 : i32 to index
      %parallel_loop3A_253 = arith.index_cast %parallel_loop3A_248 : i32 to index
      %parallel_loop3A_254 = tpu.vector_load %arg10[%parallel_loop3A_252, %parallel_loop3A_253] {strides = array<i32>} : memref<32x512xf32, #tpu.memory_space<vmem>>, vector<16xf32>,
      %parallel_loop3A_255 = vector.broadcast %reduce_sum3A_49 : f32 to vector<16xf32>
      %parallel_loop3A_256 = arith.subf %parallel_loop3A_251, %parallel_loop3A_255 : vector<16xf32>
      %parallel_loop3A_257 = vector.broadcast %reduce_sum3A_69 : f32 to vector<16xf32>
      %parallel_loop3A_258 = arith.mulf %parallel_loop3A_256, %parallel_loop3A_257 : vector<16xf32>
      %parallel_loop3A_259 = vector.broadcast %reduce_sum3A_59 : f32 to vector<16xf32>
      %parallel_loop3A_260 = arith.subf %parallel_loop3A_254, %parallel_loop3A_259 : vector<16xf32>
      %parallel_loop3A_261 = vector.broadcast %reduce_sum3A_79 : f32 to vector<16xf32>
      %parallel_loop3A_262 = arith.mulf %parallel_loop3A_260, %parallel_loop3A_261 : vector<16xf32>
      %parallel_loop3A_263 = arith.subf %parallel_loop3A_258, %parallel_loop3A_262 : vector<16xf32>
      %parallel_loop3A_264 = math.absf %parallel_loop3A_263 : vector<16xf32>
      %parallel_loop3A_265 = vector.broadcast %reduce_sum3A_89 : f32 to vector<16xf32>
      %parallel_loop3A_266 = arith.mulf %parallel_loop3A_264, %parallel_loop3A_265 : vector<16xf32>
      %parallel_loop3A_267 = arith.fptosi %parallel_loop3A_266 : vector<16xf32> to vector<16xi32>
      %parallel_loop3A_268 = arith.constant 8191 : i32
      %parallel_loop3A_269 = vector.broadcast %parallel_loop3A_268 : i32 to vector<16xi32>
      %parallel_loop3A_270 = arith.minsi %parallel_loop3A_267, %parallel_loop3A_269 : vector<16xi32>
      %parallel_loop3A_271 = arith.constant 1.000000e+00 : f32
      %parallel_loop3A_272 = vector.broadcast %parallel_loop3A_271 : f32 to vector<16xf32>
      tpu.vector_store_idx %arg6[%parallel_loop3A_270], %parallel_loop3A_272 {add = true} : memref<8192xf32, #tpu.memory_space<vmem>>[vector<16xi32>], vector<16xf32>,
    } {sc.loop_unroll_factor = 8 : i64, sc.parallel_access}
    %mul3A_203 = arith.constant 4 : i32
    %mul3A_204 = arith.muli %add3A, %mul3A_203 : i32
    %add3A_205 = arith.addi %mul3A_204, %select_n3A_30 : i32
    "tpu.region"() ({
      %run_scoped3A = tpu.sem_alloc : memref<!tpu.dma_semaphore, #tpu.memory_space<semaphore_mem>>
      %dma_start3A_206 = arith.constant 0 : i32
      %dma_start3A_207 = tpu.memref_slice %arg5[%add3A_205, %dma_start3A_206] : memref<32x8192xf32, #tpu.memory_space<hbm>> -> memref<1x8192xf32, #tpu.memory_space<hbm>>
      %dma_start3A_208 = tpu.memref_squeeze %dma_start3A_207 : memref<1x8192xf32, #tpu.memory_space<hbm>> -> memref<8192xf32, #tpu.memory_space<hbm>>
      %dma_start3A_209 = arith.constant 0 : i32
      %dma_start3A_210 = tpu.memref_slice %arg5[%add3A_205, %dma_start3A_209] : memref<32x8192xf32, #tpu.memory_space<hbm>> -> memref<1x8192xf32, #tpu.memory_space<hbm>>
      %dma_start3A_211 = tpu.memref_squeeze %dma_start3A_210 : memref<1x8192xf32, #tpu.memory_space<hbm>> -> memref<8192xf32, #tpu.memory_space<hbm>>
      tpu.enqueue_dma source(%arg6 : memref<8192xf32, #tpu.memory_space<vmem>>) target(%dma_start3A_211 : memref<8192xf32, #tpu.memory_space<hbm>>) target_semaphore(%run_scoped3A : memref<!tpu.dma_semaphore, #tpu.memory_space<semaphore_mem>>)
      %dma_wait3A_212 = arith.constant 0 : i32
      %dma_wait3A_213 = tpu.memref_slice %arg5[%add3A_205, %dma_wait3A_212] : memref<32x8192xf32, #tpu.memory_space<hbm>> -> memref<1x8192xf32, #tpu.memory_space<hbm>>
      %dma_wait3A_214 = tpu.memref_squeeze %dma_wait3A_213 : memref<1x8192xf32, #tpu.memory_space<hbm>> -> memref<8192xf32, #tpu.memory_space<hbm>>
      %dma_wait3A_215 = arith.constant 0 : i32
      %dma_wait3A_216 = tpu.memref_slice %arg5[%add3A_205, %dma_wait3A_215] : memref<32x8192xf32, #tpu.memory_space<hbm>> -> memref<1x8192xf32, #tpu.memory_space<hbm>>
      %dma_wait3A_217 = tpu.memref_squeeze %dma_wait3A_216 : memref<1x8192xf32, #tpu.memory_space<hbm>> -> memref<8192xf32, #tpu.memory_space<hbm>>
      tpu.wait_dma2 semaphore(%run_scoped3A : memref<!tpu.dma_semaphore, #tpu.memory_space<semaphore_mem>>) src(%arg6 : memref<8192xf32, #tpu.memory_space<vmem>>) dst(%dma_wait3A_217 : memref<8192xf32, #tpu.memory_space<hbm>>)
      tpu.yield
    }) : () -> ()
    return
  }
}

#map = affine_map<(d0, d1) -> (0, 0, 0)>
#map1 = affine_map<(d0, d1) -> (0, 0)>
module attributes {stable_mosaic.version = 14 : i64} {
  func.func @_value_hist_kernel(%arg0: i32, %arg1: i32, %arg2: memref<8x512x512xf32, #tpu.memory_space<hbm>>, %arg3: memref<8x512x512xf32, #tpu.memory_space<hbm>>, %arg4: memref<64x8192xf32, #tpu.memory_space<hbm>>, %arg5: memref<8192xf32, #tpu.memory_space<vmem>>, %arg6: memref<8192xf32, #tpu.memory_space<vmem>>, %arg7: memref<32x512xf32, #tpu.memory_space<vmem>>, %arg8: memref<32x512xf32, #tpu.memory_space<vmem>>, %arg9: memref<!tpu.dma_semaphore, #tpu.memory_space<semaphore_mem>>, %arg10: memref<!tpu.dma_semaphore, #tpu.memory_space<semaphore_mem>>) attributes {dimension_semantics = [#tpu.dimension_semantics<core_parallel>, #tpu.dimension_semantics<subcore_parallel>], iteration_bounds = array<i64: 2, 16>, scalar_prefetch = 0 : i64, scratch_operands = 6 : i64, tpu.core_type = #tpu.core_type<sc_vector_subcore>, window_params = [{transform_indices = #map}, {transform_indices = #map}, {transform_indices = #map1}]} {
    %mul3A = arith.constant 4 : i32
    %mul3A_0 = arith.muli %arg0, %mul3A : i32
    %jit3A = arith.constant 4 : i32
    %div3A = arith.divsi %arg1, %jit3A : i32
    %sign3A = arith.constant 0 : i32
    %sign3A_1 = arith.cmpi sgt, %arg1, %sign3A : i32
    %sign3A_2 = arith.extui %sign3A_1 : i1 to i32
    %sign3A_3 = arith.constant 0 : i32
    %sign3A_4 = arith.cmpi slt, %arg1, %sign3A_3 : i32
    %sign3A_5 = arith.extui %sign3A_4 : i1 to i32
    %sign3A_6 = arith.subi %sign3A_2, %sign3A_5 : i32
    %sign3A_7 = arith.constant 0 : i32
    %sign3A_8 = arith.cmpi sgt, %jit3A, %sign3A_7 : i32
    %sign3A_9 = arith.extui %sign3A_8 : i1 to i32
    %sign3A_10 = arith.constant 0 : i32
    %sign3A_11 = arith.cmpi slt, %jit3A, %sign3A_10 : i32
    %sign3A_12 = arith.extui %sign3A_11 : i1 to i32
    %sign3A_13 = arith.subi %sign3A_9, %sign3A_12 : i32
    %ne3A = arith.cmpi ne, %sign3A_6, %sign3A_13 : i32
    %rem3A = arith.remsi %arg1, %jit3A : i32
    %ne3A_14 = arith.constant 0 : i32
    %ne3A_15 = arith.cmpi ne, %rem3A, %ne3A_14 : i32
    %and3A = arith.andi %ne3A, %ne3A_15 : i1
    %sub3A = arith.constant 1 : i32
    %sub3A_16 = arith.subi %div3A, %sub3A : i32
    %select_n3A = arith.select %and3A, %sub3A_16, %div3A : i32
    %add3A = arith.addi %mul3A_0, %select_n3A : i32
    %jit3A_17 = arith.constant 4 : i32
    %eq3A = arith.constant 0 : i32
    %eq3A_18 = arith.cmpi eq, %jit3A_17, %eq3A : i32
    %jit3A_19 = arith.constant 1 : i32
    %select_n3A_20 = arith.select %eq3A_18, %jit3A_19, %jit3A_17 : i32
    %rem3A_21 = arith.remsi %arg1, %select_n3A_20 : i32
    %ne3A_22 = arith.constant 0 : i32
    %ne3A_23 = arith.cmpi ne, %rem3A_21, %ne3A_22 : i32
    %lt3A = arith.constant 0 : i32
    %lt3A_24 = arith.cmpi slt, %rem3A_21, %lt3A : i32
    %lt3A_25 = arith.constant 0 : i32
    %lt3A_26 = arith.cmpi slt, %select_n3A_20, %lt3A_25 : i32
    %ne3A_27 = arith.xori %lt3A_24, %lt3A_26 : i1
    %and3A_28 = arith.andi %ne3A_27, %ne3A_23 : i1
    %add3A_29 = arith.addi %rem3A_21, %select_n3A_20 : i32
    %select_n3A_30 = arith.select %and3A_28, %add3A_29, %rem3A_21 : i32
    %mul3A_31 = arith.constant 128 : i32
    %mul3A_32 = arith.muli %select_n3A_30, %mul3A_31 : i32
    %broadcast_in_dim3A = arith.constant 0.000000e+00 : f32
    %broadcast_in_dim3A_33 = vector.broadcast %broadcast_in_dim3A : f32 to vector<16xf32>
    %scan3A = arith.constant 0 : i32
    %scan3A_34 = arith.constant 0 : i32
    %scan3A_35 = arith.constant 512 : i32
    %scan3A_36 = arith.addi %scan3A_34, %scan3A_35 : i32
    %scan3A_37 = arith.constant 8 : i32
    %scan3A_38 = scf.for %scan3A_189 = %scan3A_34 to %scan3A_36 step %scan3A_37 iter_args(%scan3A_190 = %scan3A) -> (i32)  : i32 {
      %mul3A_191 = arith.constant 16 : i32
      %mul3A_192 = arith.muli %scan3A_189, %mul3A_191 : i32
      %swap3A = arith.index_cast %mul3A_192 : i32 to index
      %swap3A_193 = tpu.vector_load %arg5[%swap3A] {strides = array<i32>} : memref<8192xf32, #tpu.memory_space<vmem>>, vector<16xf32>,
      tpu.vector_store %arg5[%swap3A], %broadcast_in_dim3A_33 {strides = array<i32>} : memref<8192xf32, #tpu.memory_space<vmem>>, vector<16xf32>,
      %scan3A_194 = arith.constant 0 : i32
      %scan3A_195 = arith.constant 1 : i32
      %scan3A_196 = arith.addi %scan3A_189, %scan3A_195 : i32
      %mul3A_197 = arith.constant 16 : i32
      %mul3A_198 = arith.muli %scan3A_196, %mul3A_197 : i32
      %swap3A_199 = arith.index_cast %mul3A_198 : i32 to index
      %swap3A_200 = tpu.vector_load %arg5[%swap3A_199] {strides = array<i32>} : memref<8192xf32, #tpu.memory_space<vmem>>, vector<16xf32>,
      tpu.vector_store %arg5[%swap3A_199], %broadcast_in_dim3A_33 {strides = array<i32>} : memref<8192xf32, #tpu.memory_space<vmem>>, vector<16xf32>,
      %scan3A_201 = arith.constant 0 : i32
      %scan3A_202 = arith.constant 2 : i32
      %scan3A_203 = arith.addi %scan3A_189, %scan3A_202 : i32
      %mul3A_204 = arith.constant 16 : i32
      %mul3A_205 = arith.muli %scan3A_203, %mul3A_204 : i32
      %swap3A_206 = arith.index_cast %mul3A_205 : i32 to index
      %swap3A_207 = tpu.vector_load %arg5[%swap3A_206] {strides = array<i32>} : memref<8192xf32, #tpu.memory_space<vmem>>, vector<16xf32>,
      tpu.vector_store %arg5[%swap3A_206], %broadcast_in_dim3A_33 {strides = array<i32>} : memref<8192xf32, #tpu.memory_space<vmem>>, vector<16xf32>,
      %scan3A_208 = arith.constant 0 : i32
      %scan3A_209 = arith.constant 3 : i32
      %scan3A_210 = arith.addi %scan3A_189, %scan3A_209 : i32
      %mul3A_211 = arith.constant 16 : i32
      %mul3A_212 = arith.muli %scan3A_210, %mul3A_211 : i32
      %swap3A_213 = arith.index_cast %mul3A_212 : i32 to index
      %swap3A_214 = tpu.vector_load %arg5[%swap3A_213] {strides = array<i32>} : memref<8192xf32, #tpu.memory_space<vmem>>, vector<16xf32>,
      tpu.vector_store %arg5[%swap3A_213], %broadcast_in_dim3A_33 {strides = array<i32>} : memref<8192xf32, #tpu.memory_space<vmem>>, vector<16xf32>,
      %scan3A_215 = arith.constant 0 : i32
      %scan3A_216 = arith.constant 4 : i32
      %scan3A_217 = arith.addi %scan3A_189, %scan3A_216 : i32
      %mul3A_218 = arith.constant 16 : i32
      %mul3A_219 = arith.muli %scan3A_217, %mul3A_218 : i32
      %swap3A_220 = arith.index_cast %mul3A_219 : i32 to index
      %swap3A_221 = tpu.vector_load %arg5[%swap3A_220] {strides = array<i32>} : memref<8192xf32, #tpu.memory_space<vmem>>, vector<16xf32>,
      tpu.vector_store %arg5[%swap3A_220], %broadcast_in_dim3A_33 {strides = array<i32>} : memref<8192xf32, #tpu.memory_space<vmem>>, vector<16xf32>,
      %scan3A_222 = arith.constant 0 : i32
      %scan3A_223 = arith.constant 5 : i32
      %scan3A_224 = arith.addi %scan3A_189, %scan3A_223 : i32
      %mul3A_225 = arith.constant 16 : i32
      %mul3A_226 = arith.muli %scan3A_224, %mul3A_225 : i32
      %swap3A_227 = arith.index_cast %mul3A_226 : i32 to index
      %swap3A_228 = tpu.vector_load %arg5[%swap3A_227] {strides = array<i32>} : memref<8192xf32, #tpu.memory_space<vmem>>, vector<16xf32>,
      tpu.vector_store %arg5[%swap3A_227], %broadcast_in_dim3A_33 {strides = array<i32>} : memref<8192xf32, #tpu.memory_space<vmem>>, vector<16xf32>,
      %scan3A_229 = arith.constant 0 : i32
      %scan3A_230 = arith.constant 6 : i32
      %scan3A_231 = arith.addi %scan3A_189, %scan3A_230 : i32
      %mul3A_232 = arith.constant 16 : i32
      %mul3A_233 = arith.muli %scan3A_231, %mul3A_232 : i32
      %swap3A_234 = arith.index_cast %mul3A_233 : i32 to index
      %swap3A_235 = tpu.vector_load %arg5[%swap3A_234] {strides = array<i32>} : memref<8192xf32, #tpu.memory_space<vmem>>, vector<16xf32>,
      tpu.vector_store %arg5[%swap3A_234], %broadcast_in_dim3A_33 {strides = array<i32>} : memref<8192xf32, #tpu.memory_space<vmem>>, vector<16xf32>,
      %scan3A_236 = arith.constant 0 : i32
      %scan3A_237 = arith.constant 7 : i32
      %scan3A_238 = arith.addi %scan3A_189, %scan3A_237 : i32
      %mul3A_239 = arith.constant 16 : i32
      %mul3A_240 = arith.muli %scan3A_238, %mul3A_239 : i32
      %swap3A_241 = arith.index_cast %mul3A_240 : i32 to index
      %swap3A_242 = tpu.vector_load %arg5[%swap3A_241] {strides = array<i32>} : memref<8192xf32, #tpu.memory_space<vmem>>, vector<16xf32>,
      tpu.vector_store %arg5[%swap3A_241], %broadcast_in_dim3A_33 {strides = array<i32>} : memref<8192xf32, #tpu.memory_space<vmem>>, vector<16xf32>,
      %scan3A_243 = arith.constant 0 : i32
      scf.yield %scan3A_243 : i32
    }
    %scan3A_39 = arith.constant 512 : i32
    %broadcast_in_dim3A_40 = arith.constant 0.000000e+00 : f32
    %broadcast_in_dim3A_41 = vector.broadcast %broadcast_in_dim3A_40 : f32 to vector<16xf32>
    %scan3A_42 = arith.constant 0 : i32
    %scan3A_43 = arith.constant 0 : i32
    %scan3A_44 = arith.constant 512 : i32
    %scan3A_45 = arith.addi %scan3A_43, %scan3A_44 : i32
    %scan3A_46 = arith.constant 8 : i32
    %scan3A_47 = scf.for %scan3A_189 = %scan3A_43 to %scan3A_45 step %scan3A_46 iter_args(%scan3A_190 = %scan3A_42) -> (i32)  : i32 {
      %mul3A_191 = arith.constant 16 : i32
      %mul3A_192 = arith.muli %scan3A_189, %mul3A_191 : i32
      %swap3A = arith.index_cast %mul3A_192 : i32 to index
      %swap3A_193 = tpu.vector_load %arg6[%swap3A] {strides = array<i32>} : memref<8192xf32, #tpu.memory_space<vmem>>, vector<16xf32>,
      tpu.vector_store %arg6[%swap3A], %broadcast_in_dim3A_41 {strides = array<i32>} : memref<8192xf32, #tpu.memory_space<vmem>>, vector<16xf32>,
      %scan3A_194 = arith.constant 0 : i32
      %scan3A_195 = arith.constant 1 : i32
      %scan3A_196 = arith.addi %scan3A_189, %scan3A_195 : i32
      %mul3A_197 = arith.constant 16 : i32
      %mul3A_198 = arith.muli %scan3A_196, %mul3A_197 : i32
      %swap3A_199 = arith.index_cast %mul3A_198 : i32 to index
      %swap3A_200 = tpu.vector_load %arg6[%swap3A_199] {strides = array<i32>} : memref<8192xf32, #tpu.memory_space<vmem>>, vector<16xf32>,
      tpu.vector_store %arg6[%swap3A_199], %broadcast_in_dim3A_41 {strides = array<i32>} : memref<8192xf32, #tpu.memory_space<vmem>>, vector<16xf32>,
      %scan3A_201 = arith.constant 0 : i32
      %scan3A_202 = arith.constant 2 : i32
      %scan3A_203 = arith.addi %scan3A_189, %scan3A_202 : i32
      %mul3A_204 = arith.constant 16 : i32
      %mul3A_205 = arith.muli %scan3A_203, %mul3A_204 : i32
      %swap3A_206 = arith.index_cast %mul3A_205 : i32 to index
      %swap3A_207 = tpu.vector_load %arg6[%swap3A_206] {strides = array<i32>} : memref<8192xf32, #tpu.memory_space<vmem>>, vector<16xf32>,
      tpu.vector_store %arg6[%swap3A_206], %broadcast_in_dim3A_41 {strides = array<i32>} : memref<8192xf32, #tpu.memory_space<vmem>>, vector<16xf32>,
      %scan3A_208 = arith.constant 0 : i32
      %scan3A_209 = arith.constant 3 : i32
      %scan3A_210 = arith.addi %scan3A_189, %scan3A_209 : i32
      %mul3A_211 = arith.constant 16 : i32
      %mul3A_212 = arith.muli %scan3A_210, %mul3A_211 : i32
      %swap3A_213 = arith.index_cast %mul3A_212 : i32 to index
      %swap3A_214 = tpu.vector_load %arg6[%swap3A_213] {strides = array<i32>} : memref<8192xf32, #tpu.memory_space<vmem>>, vector<16xf32>,
      tpu.vector_store %arg6[%swap3A_213], %broadcast_in_dim3A_41 {strides = array<i32>} : memref<8192xf32, #tpu.memory_space<vmem>>, vector<16xf32>,
      %scan3A_215 = arith.constant 0 : i32
      %scan3A_216 = arith.constant 4 : i32
      %scan3A_217 = arith.addi %scan3A_189, %scan3A_216 : i32
      %mul3A_218 = arith.constant 16 : i32
      %mul3A_219 = arith.muli %scan3A_217, %mul3A_218 : i32
      %swap3A_220 = arith.index_cast %mul3A_219 : i32 to index
      %swap3A_221 = tpu.vector_load %arg6[%swap3A_220] {strides = array<i32>} : memref<8192xf32, #tpu.memory_space<vmem>>, vector<16xf32>,
      tpu.vector_store %arg6[%swap3A_220], %broadcast_in_dim3A_41 {strides = array<i32>} : memref<8192xf32, #tpu.memory_space<vmem>>, vector<16xf32>,
      %scan3A_222 = arith.constant 0 : i32
      %scan3A_223 = arith.constant 5 : i32
      %scan3A_224 = arith.addi %scan3A_189, %scan3A_223 : i32
      %mul3A_225 = arith.constant 16 : i32
      %mul3A_226 = arith.muli %scan3A_224, %mul3A_225 : i32
      %swap3A_227 = arith.index_cast %mul3A_226 : i32 to index
      %swap3A_228 = tpu.vector_load %arg6[%swap3A_227] {strides = array<i32>} : memref<8192xf32, #tpu.memory_space<vmem>>, vector<16xf32>,
      tpu.vector_store %arg6[%swap3A_227], %broadcast_in_dim3A_41 {strides = array<i32>} : memref<8192xf32, #tpu.memory_space<vmem>>, vector<16xf32>,
      %scan3A_229 = arith.constant 0 : i32
      %scan3A_230 = arith.constant 6 : i32
      %scan3A_231 = arith.addi %scan3A_189, %scan3A_230 : i32
      %mul3A_232 = arith.constant 16 : i32
      %mul3A_233 = arith.muli %scan3A_231, %mul3A_232 : i32
      %swap3A_234 = arith.index_cast %mul3A_233 : i32 to index
      %swap3A_235 = tpu.vector_load %arg6[%swap3A_234] {strides = array<i32>} : memref<8192xf32, #tpu.memory_space<vmem>>, vector<16xf32>,
      tpu.vector_store %arg6[%swap3A_234], %broadcast_in_dim3A_41 {strides = array<i32>} : memref<8192xf32, #tpu.memory_space<vmem>>, vector<16xf32>,
      %scan3A_236 = arith.constant 0 : i32
      %scan3A_237 = arith.constant 7 : i32
      %scan3A_238 = arith.addi %scan3A_189, %scan3A_237 : i32
      %mul3A_239 = arith.constant 16 : i32
      %mul3A_240 = arith.muli %scan3A_238, %mul3A_239 : i32
      %swap3A_241 = arith.index_cast %mul3A_240 : i32 to index
      %swap3A_242 = tpu.vector_load %arg6[%swap3A_241] {strides = array<i32>} : memref<8192xf32, #tpu.memory_space<vmem>>, vector<16xf32>,
      tpu.vector_store %arg6[%swap3A_241], %broadcast_in_dim3A_41 {strides = array<i32>} : memref<8192xf32, #tpu.memory_space<vmem>>, vector<16xf32>,
      %scan3A_243 = arith.constant 0 : i32
      scf.yield %scan3A_243 : i32
    }
    %scan3A_48 = arith.constant 512 : i32
    %add3A_49 = arith.constant 0 : i32
    %add3A_50 = arith.addi %mul3A_32, %add3A_49 : i32
    %dma_start3A = arith.constant 0 : i32
    %dma_start3A_51 = tpu.memref_slice %arg2[%add3A, %add3A_50, %dma_start3A] : memref<8x512x512xf32, #tpu.memory_space<hbm>> -> memref<1x32x512xf32, #tpu.memory_space<hbm>>
    %dma_start3A_52 = tpu.memref_squeeze %dma_start3A_51 : memref<1x32x512xf32, #tpu.memory_space<hbm>> -> memref<32x512xf32, #tpu.memory_space<hbm>>
    %dma_start3A_53 = arith.constant 0 : i32
    %dma_start3A_54 = tpu.memref_slice %arg2[%add3A, %add3A_50, %dma_start3A_53] : memref<8x512x512xf32, #tpu.memory_space<hbm>> -> memref<1x32x512xf32, #tpu.memory_space<hbm>>
    %dma_start3A_55 = tpu.memref_squeeze %dma_start3A_54 : memref<1x32x512xf32, #tpu.memory_space<hbm>> -> memref<32x512xf32, #tpu.memory_space<hbm>>
    tpu.enqueue_dma source(%dma_start3A_55 : memref<32x512xf32, #tpu.memory_space<hbm>>) target(%arg7 : memref<32x512xf32, #tpu.memory_space<vmem>>) target_semaphore(%arg9 : memref<!tpu.dma_semaphore, #tpu.memory_space<semaphore_mem>>)
    %dma_wait3A = arith.constant 0 : i32
    %dma_wait3A_56 = tpu.memref_slice %arg2[%add3A, %add3A_50, %dma_wait3A] : memref<8x512x512xf32, #tpu.memory_space<hbm>> -> memref<1x32x512xf32, #tpu.memory_space<hbm>>
    %dma_wait3A_57 = tpu.memref_squeeze %dma_wait3A_56 : memref<1x32x512xf32, #tpu.memory_space<hbm>> -> memref<32x512xf32, #tpu.memory_space<hbm>>
    %dma_wait3A_58 = arith.constant 0 : i32
    %dma_wait3A_59 = tpu.memref_slice %arg2[%add3A, %add3A_50, %dma_wait3A_58] : memref<8x512x512xf32, #tpu.memory_space<hbm>> -> memref<1x32x512xf32, #tpu.memory_space<hbm>>
    %dma_wait3A_60 = tpu.memref_squeeze %dma_wait3A_59 : memref<1x32x512xf32, #tpu.memory_space<hbm>> -> memref<32x512xf32, #tpu.memory_space<hbm>>
    tpu.wait_dma2 semaphore(%arg9 : memref<!tpu.dma_semaphore, #tpu.memory_space<semaphore_mem>>) src(%dma_wait3A_60 : memref<32x512xf32, #tpu.memory_space<hbm>>) dst(%arg7 : memref<32x512xf32, #tpu.memory_space<vmem>>)
    %add3A_61 = arith.constant 32 : i32
    %add3A_62 = arith.addi %mul3A_32, %add3A_61 : i32
    %dma_start3A_63 = arith.constant 0 : i32
    %dma_start3A_64 = tpu.memref_slice %arg2[%add3A, %add3A_62, %dma_start3A_63] : memref<8x512x512xf32, #tpu.memory_space<hbm>> -> memref<1x32x512xf32, #tpu.memory_space<hbm>>
    %dma_start3A_65 = tpu.memref_squeeze %dma_start3A_64 : memref<1x32x512xf32, #tpu.memory_space<hbm>> -> memref<32x512xf32, #tpu.memory_space<hbm>>
    %dma_start3A_66 = arith.constant 0 : i32
    %dma_start3A_67 = tpu.memref_slice %arg2[%add3A, %add3A_62, %dma_start3A_66] : memref<8x512x512xf32, #tpu.memory_space<hbm>> -> memref<1x32x512xf32, #tpu.memory_space<hbm>>
    %dma_start3A_68 = tpu.memref_squeeze %dma_start3A_67 : memref<1x32x512xf32, #tpu.memory_space<hbm>> -> memref<32x512xf32, #tpu.memory_space<hbm>>
    tpu.enqueue_dma source(%dma_start3A_68 : memref<32x512xf32, #tpu.memory_space<hbm>>) target(%arg8 : memref<32x512xf32, #tpu.memory_space<vmem>>) target_semaphore(%arg10 : memref<!tpu.dma_semaphore, #tpu.memory_space<semaphore_mem>>)
    %parallel_loop3A = arith.constant 0 : i32
    %parallel_loop3A_69 = arith.constant 1024 : i32
    %parallel_loop3A_70 = arith.constant 1 : i32
    scf.for %parallel_loop3A_189 = %parallel_loop3A to %parallel_loop3A_69 step %parallel_loop3A_70  : i32 {
      %parallel_loop3A_190 = arith.constant 32 : i32
      %parallel_loop3A_191 = arith.divsi %parallel_loop3A_189, %parallel_loop3A_190 : i32
      %parallel_loop3A_192 = arith.constant 0 : i32
      %parallel_loop3A_193 = arith.cmpi sgt, %parallel_loop3A_189, %parallel_loop3A_192 : i32
      %parallel_loop3A_194 = arith.extui %parallel_loop3A_193 : i1 to i32
      %parallel_loop3A_195 = arith.constant 0 : i32
      %parallel_loop3A_196 = arith.cmpi slt, %parallel_loop3A_189, %parallel_loop3A_195 : i32
      %parallel_loop3A_197 = arith.extui %parallel_loop3A_196 : i1 to i32
      %parallel_loop3A_198 = arith.subi %parallel_loop3A_194, %parallel_loop3A_197 : i32
      %parallel_loop3A_199 = arith.constant 0 : i32
      %parallel_loop3A_200 = arith.cmpi sgt, %parallel_loop3A_190, %parallel_loop3A_199 : i32
      %parallel_loop3A_201 = arith.extui %parallel_loop3A_200 : i1 to i32
      %parallel_loop3A_202 = arith.constant 0 : i32
      %parallel_loop3A_203 = arith.cmpi slt, %parallel_loop3A_190, %parallel_loop3A_202 : i32
      %parallel_loop3A_204 = arith.extui %parallel_loop3A_203 : i1 to i32
      %parallel_loop3A_205 = arith.subi %parallel_loop3A_201, %parallel_loop3A_204 : i32
      %parallel_loop3A_206 = arith.cmpi ne, %parallel_loop3A_198, %parallel_loop3A_205 : i32
      %parallel_loop3A_207 = arith.remsi %parallel_loop3A_189, %parallel_loop3A_190 : i32
      %parallel_loop3A_208 = arith.constant 0 : i32
      %parallel_loop3A_209 = arith.cmpi ne, %parallel_loop3A_207, %parallel_loop3A_208 : i32
      %parallel_loop3A_210 = arith.andi %parallel_loop3A_206, %parallel_loop3A_209 : i1
      %parallel_loop3A_211 = arith.constant 1 : i32
      %parallel_loop3A_212 = arith.subi %parallel_loop3A_191, %parallel_loop3A_211 : i32
      %parallel_loop3A_213 = arith.select %parallel_loop3A_210, %parallel_loop3A_212, %parallel_loop3A_191 : i32
      %parallel_loop3A_214 = arith.constant 32 : i32
      %parallel_loop3A_215 = arith.constant 0 : i32
      %parallel_loop3A_216 = arith.cmpi eq, %parallel_loop3A_214, %parallel_loop3A_215 : i32
      %parallel_loop3A_217 = arith.constant 1 : i32
      %parallel_loop3A_218 = arith.select %parallel_loop3A_216, %parallel_loop3A_217, %parallel_loop3A_214 : i32
      %parallel_loop3A_219 = arith.remsi %parallel_loop3A_189, %parallel_loop3A_218 : i32
      %parallel_loop3A_220 = arith.constant 0 : i32
      %parallel_loop3A_221 = arith.cmpi ne, %parallel_loop3A_219, %parallel_loop3A_220 : i32
      %parallel_loop3A_222 = arith.constant 0 : i32
      %parallel_loop3A_223 = arith.cmpi slt, %parallel_loop3A_219, %parallel_loop3A_222 : i32
      %parallel_loop3A_224 = arith.constant 0 : i32
      %parallel_loop3A_225 = arith.cmpi slt, %parallel_loop3A_218, %parallel_loop3A_224 : i32
      %parallel_loop3A_226 = arith.xori %parallel_loop3A_223, %parallel_loop3A_225 : i1
      %parallel_loop3A_227 = arith.andi %parallel_loop3A_226, %parallel_loop3A_221 : i1
      %parallel_loop3A_228 = arith.addi %parallel_loop3A_219, %parallel_loop3A_218 : i32
      %parallel_loop3A_229 = arith.select %parallel_loop3A_227, %parallel_loop3A_228, %parallel_loop3A_219 : i32
      %parallel_loop3A_230 = arith.constant 16 : i32
      %parallel_loop3A_231 = arith.muli %parallel_loop3A_229, %parallel_loop3A_230 : i32
      %parallel_loop3A_232 = arith.index_cast %parallel_loop3A_213 : i32 to index
      %parallel_loop3A_233 = arith.index_cast %parallel_loop3A_231 : i32 to index
      %parallel_loop3A_234 = tpu.vector_load %arg7[%parallel_loop3A_232, %parallel_loop3A_233] {strides = array<i32>} : memref<32x512xf32, #tpu.memory_space<vmem>>, vector<16xf32>,
      %parallel_loop3A_235 = arith.constant 8.192000e+03 : f32
      %parallel_loop3A_236 = vector.broadcast %parallel_loop3A_235 : f32 to vector<16xf32>
      %parallel_loop3A_237 = arith.mulf %parallel_loop3A_234, %parallel_loop3A_236 : vector<16xf32>
      %parallel_loop3A_238 = arith.fptosi %parallel_loop3A_237 : vector<16xf32> to vector<16xi32>
      %parallel_loop3A_239 = arith.constant 8191 : i32
      %parallel_loop3A_240 = vector.broadcast %parallel_loop3A_239 : i32 to vector<16xi32>
      %parallel_loop3A_241 = arith.minsi %parallel_loop3A_238, %parallel_loop3A_240 : vector<16xi32>
      %parallel_loop3A_242 = arith.constant 1.000000e+00 : f32
      %parallel_loop3A_243 = vector.broadcast %parallel_loop3A_242 : f32 to vector<16xf32>
      tpu.vector_store_idx %arg5[%parallel_loop3A_241], %parallel_loop3A_243 {add = true} : memref<8192xf32, #tpu.memory_space<vmem>>[vector<16xi32>], vector<16xf32>,
    } {sc.loop_unroll_factor = 8 : i64, sc.parallel_access}
    %dma_wait3A_71 = arith.constant 0 : i32
    %dma_wait3A_72 = tpu.memref_slice %arg2[%add3A, %add3A_62, %dma_wait3A_71] : memref<8x512x512xf32, #tpu.memory_space<hbm>> -> memref<1x32x512xf32, #tpu.memory_space<hbm>>
    %dma_wait3A_73 = tpu.memref_squeeze %dma_wait3A_72 : memref<1x32x512xf32, #tpu.memory_space<hbm>> -> memref<32x512xf32, #tpu.memory_space<hbm>>
    %dma_wait3A_74 = arith.constant 0 : i32
    %dma_wait3A_75 = tpu.memref_slice %arg2[%add3A, %add3A_62, %dma_wait3A_74] : memref<8x512x512xf32, #tpu.memory_space<hbm>> -> memref<1x32x512xf32, #tpu.memory_space<hbm>>
    %dma_wait3A_76 = tpu.memref_squeeze %dma_wait3A_75 : memref<1x32x512xf32, #tpu.memory_space<hbm>> -> memref<32x512xf32, #tpu.memory_space<hbm>>
    tpu.wait_dma2 semaphore(%arg10 : memref<!tpu.dma_semaphore, #tpu.memory_space<semaphore_mem>>) src(%dma_wait3A_76 : memref<32x512xf32, #tpu.memory_space<hbm>>) dst(%arg8 : memref<32x512xf32, #tpu.memory_space<vmem>>)
    %add3A_77 = arith.constant 64 : i32
    %add3A_78 = arith.addi %mul3A_32, %add3A_77 : i32
    %dma_start3A_79 = arith.constant 0 : i32
    %dma_start3A_80 = tpu.memref_slice %arg2[%add3A, %add3A_78, %dma_start3A_79] : memref<8x512x512xf32, #tpu.memory_space<hbm>> -> memref<1x32x512xf32, #tpu.memory_space<hbm>>
    %dma_start3A_81 = tpu.memref_squeeze %dma_start3A_80 : memref<1x32x512xf32, #tpu.memory_space<hbm>> -> memref<32x512xf32, #tpu.memory_space<hbm>>
    %dma_start3A_82 = arith.constant 0 : i32
    %dma_start3A_83 = tpu.memref_slice %arg2[%add3A, %add3A_78, %dma_start3A_82] : memref<8x512x512xf32, #tpu.memory_space<hbm>> -> memref<1x32x512xf32, #tpu.memory_space<hbm>>
    %dma_start3A_84 = tpu.memref_squeeze %dma_start3A_83 : memref<1x32x512xf32, #tpu.memory_space<hbm>> -> memref<32x512xf32, #tpu.memory_space<hbm>>
    tpu.enqueue_dma source(%dma_start3A_84 : memref<32x512xf32, #tpu.memory_space<hbm>>) target(%arg7 : memref<32x512xf32, #tpu.memory_space<vmem>>) target_semaphore(%arg9 : memref<!tpu.dma_semaphore, #tpu.memory_space<semaphore_mem>>)
    %parallel_loop3A_85 = arith.constant 0 : i32
    %parallel_loop3A_86 = arith.constant 1024 : i32
    %parallel_loop3A_87 = arith.constant 1 : i32
    scf.for %parallel_loop3A_189 = %parallel_loop3A_85 to %parallel_loop3A_86 step %parallel_loop3A_87  : i32 {
      %parallel_loop3A_190 = arith.constant 32 : i32
      %parallel_loop3A_191 = arith.divsi %parallel_loop3A_189, %parallel_loop3A_190 : i32
      %parallel_loop3A_192 = arith.constant 0 : i32
      %parallel_loop3A_193 = arith.cmpi sgt, %parallel_loop3A_189, %parallel_loop3A_192 : i32
      %parallel_loop3A_194 = arith.extui %parallel_loop3A_193 : i1 to i32
      %parallel_loop3A_195 = arith.constant 0 : i32
      %parallel_loop3A_196 = arith.cmpi slt, %parallel_loop3A_189, %parallel_loop3A_195 : i32
      %parallel_loop3A_197 = arith.extui %parallel_loop3A_196 : i1 to i32
      %parallel_loop3A_198 = arith.subi %parallel_loop3A_194, %parallel_loop3A_197 : i32
      %parallel_loop3A_199 = arith.constant 0 : i32
      %parallel_loop3A_200 = arith.cmpi sgt, %parallel_loop3A_190, %parallel_loop3A_199 : i32
      %parallel_loop3A_201 = arith.extui %parallel_loop3A_200 : i1 to i32
      %parallel_loop3A_202 = arith.constant 0 : i32
      %parallel_loop3A_203 = arith.cmpi slt, %parallel_loop3A_190, %parallel_loop3A_202 : i32
      %parallel_loop3A_204 = arith.extui %parallel_loop3A_203 : i1 to i32
      %parallel_loop3A_205 = arith.subi %parallel_loop3A_201, %parallel_loop3A_204 : i32
      %parallel_loop3A_206 = arith.cmpi ne, %parallel_loop3A_198, %parallel_loop3A_205 : i32
      %parallel_loop3A_207 = arith.remsi %parallel_loop3A_189, %parallel_loop3A_190 : i32
      %parallel_loop3A_208 = arith.constant 0 : i32
      %parallel_loop3A_209 = arith.cmpi ne, %parallel_loop3A_207, %parallel_loop3A_208 : i32
      %parallel_loop3A_210 = arith.andi %parallel_loop3A_206, %parallel_loop3A_209 : i1
      %parallel_loop3A_211 = arith.constant 1 : i32
      %parallel_loop3A_212 = arith.subi %parallel_loop3A_191, %parallel_loop3A_211 : i32
      %parallel_loop3A_213 = arith.select %parallel_loop3A_210, %parallel_loop3A_212, %parallel_loop3A_191 : i32
      %parallel_loop3A_214 = arith.constant 32 : i32
      %parallel_loop3A_215 = arith.constant 0 : i32
      %parallel_loop3A_216 = arith.cmpi eq, %parallel_loop3A_214, %parallel_loop3A_215 : i32
      %parallel_loop3A_217 = arith.constant 1 : i32
      %parallel_loop3A_218 = arith.select %parallel_loop3A_216, %parallel_loop3A_217, %parallel_loop3A_214 : i32
      %parallel_loop3A_219 = arith.remsi %parallel_loop3A_189, %parallel_loop3A_218 : i32
      %parallel_loop3A_220 = arith.constant 0 : i32
      %parallel_loop3A_221 = arith.cmpi ne, %parallel_loop3A_219, %parallel_loop3A_220 : i32
      %parallel_loop3A_222 = arith.constant 0 : i32
      %parallel_loop3A_223 = arith.cmpi slt, %parallel_loop3A_219, %parallel_loop3A_222 : i32
      %parallel_loop3A_224 = arith.constant 0 : i32
      %parallel_loop3A_225 = arith.cmpi slt, %parallel_loop3A_218, %parallel_loop3A_224 : i32
      %parallel_loop3A_226 = arith.xori %parallel_loop3A_223, %parallel_loop3A_225 : i1
      %parallel_loop3A_227 = arith.andi %parallel_loop3A_226, %parallel_loop3A_221 : i1
      %parallel_loop3A_228 = arith.addi %parallel_loop3A_219, %parallel_loop3A_218 : i32
      %parallel_loop3A_229 = arith.select %parallel_loop3A_227, %parallel_loop3A_228, %parallel_loop3A_219 : i32
      %parallel_loop3A_230 = arith.constant 16 : i32
      %parallel_loop3A_231 = arith.muli %parallel_loop3A_229, %parallel_loop3A_230 : i32
      %parallel_loop3A_232 = arith.index_cast %parallel_loop3A_213 : i32 to index
      %parallel_loop3A_233 = arith.index_cast %parallel_loop3A_231 : i32 to index
      %parallel_loop3A_234 = tpu.vector_load %arg8[%parallel_loop3A_232, %parallel_loop3A_233] {strides = array<i32>} : memref<32x512xf32, #tpu.memory_space<vmem>>, vector<16xf32>,
      %parallel_loop3A_235 = arith.constant 8.192000e+03 : f32
      %parallel_loop3A_236 = vector.broadcast %parallel_loop3A_235 : f32 to vector<16xf32>
      %parallel_loop3A_237 = arith.mulf %parallel_loop3A_234, %parallel_loop3A_236 : vector<16xf32>
      %parallel_loop3A_238 = arith.fptosi %parallel_loop3A_237 : vector<16xf32> to vector<16xi32>
      %parallel_loop3A_239 = arith.constant 8191 : i32
      %parallel_loop3A_240 = vector.broadcast %parallel_loop3A_239 : i32 to vector<16xi32>
      %parallel_loop3A_241 = arith.minsi %parallel_loop3A_238, %parallel_loop3A_240 : vector<16xi32>
      %parallel_loop3A_242 = arith.constant 1.000000e+00 : f32
      %parallel_loop3A_243 = vector.broadcast %parallel_loop3A_242 : f32 to vector<16xf32>
      tpu.vector_store_idx %arg5[%parallel_loop3A_241], %parallel_loop3A_243 {add = true} : memref<8192xf32, #tpu.memory_space<vmem>>[vector<16xi32>], vector<16xf32>,
    } {sc.loop_unroll_factor = 8 : i64, sc.parallel_access}
    %dma_wait3A_88 = arith.constant 0 : i32
    %dma_wait3A_89 = tpu.memref_slice %arg2[%add3A, %add3A_78, %dma_wait3A_88] : memref<8x512x512xf32, #tpu.memory_space<hbm>> -> memref<1x32x512xf32, #tpu.memory_space<hbm>>
    %dma_wait3A_90 = tpu.memref_squeeze %dma_wait3A_89 : memref<1x32x512xf32, #tpu.memory_space<hbm>> -> memref<32x512xf32, #tpu.memory_space<hbm>>
    %dma_wait3A_91 = arith.constant 0 : i32
    %dma_wait3A_92 = tpu.memref_slice %arg2[%add3A, %add3A_78, %dma_wait3A_91] : memref<8x512x512xf32, #tpu.memory_space<hbm>> -> memref<1x32x512xf32, #tpu.memory_space<hbm>>
    %dma_wait3A_93 = tpu.memref_squeeze %dma_wait3A_92 : memref<1x32x512xf32, #tpu.memory_space<hbm>> -> memref<32x512xf32, #tpu.memory_space<hbm>>
    tpu.wait_dma2 semaphore(%arg9 : memref<!tpu.dma_semaphore, #tpu.memory_space<semaphore_mem>>) src(%dma_wait3A_93 : memref<32x512xf32, #tpu.memory_space<hbm>>) dst(%arg7 : memref<32x512xf32, #tpu.memory_space<vmem>>)
    %add3A_94 = arith.constant 96 : i32
    %add3A_95 = arith.addi %mul3A_32, %add3A_94 : i32
    %dma_start3A_96 = arith.constant 0 : i32
    %dma_start3A_97 = tpu.memref_slice %arg2[%add3A, %add3A_95, %dma_start3A_96] : memref<8x512x512xf32, #tpu.memory_space<hbm>> -> memref<1x32x512xf32, #tpu.memory_space<hbm>>
    %dma_start3A_98 = tpu.memref_squeeze %dma_start3A_97 : memref<1x32x512xf32, #tpu.memory_space<hbm>> -> memref<32x512xf32, #tpu.memory_space<hbm>>
    %dma_start3A_99 = arith.constant 0 : i32
    %dma_start3A_100 = tpu.memref_slice %arg2[%add3A, %add3A_95, %dma_start3A_99] : memref<8x512x512xf32, #tpu.memory_space<hbm>> -> memref<1x32x512xf32, #tpu.memory_space<hbm>>
    %dma_start3A_101 = tpu.memref_squeeze %dma_start3A_100 : memref<1x32x512xf32, #tpu.memory_space<hbm>> -> memref<32x512xf32, #tpu.memory_space<hbm>>
    tpu.enqueue_dma source(%dma_start3A_101 : memref<32x512xf32, #tpu.memory_space<hbm>>) target(%arg8 : memref<32x512xf32, #tpu.memory_space<vmem>>) target_semaphore(%arg10 : memref<!tpu.dma_semaphore, #tpu.memory_space<semaphore_mem>>)
    %parallel_loop3A_102 = arith.constant 0 : i32
    %parallel_loop3A_103 = arith.constant 1024 : i32
    %parallel_loop3A_104 = arith.constant 1 : i32
    scf.for %parallel_loop3A_189 = %parallel_loop3A_102 to %parallel_loop3A_103 step %parallel_loop3A_104  : i32 {
      %parallel_loop3A_190 = arith.constant 32 : i32
      %parallel_loop3A_191 = arith.divsi %parallel_loop3A_189, %parallel_loop3A_190 : i32
      %parallel_loop3A_192 = arith.constant 0 : i32
      %parallel_loop3A_193 = arith.cmpi sgt, %parallel_loop3A_189, %parallel_loop3A_192 : i32
      %parallel_loop3A_194 = arith.extui %parallel_loop3A_193 : i1 to i32
      %parallel_loop3A_195 = arith.constant 0 : i32
      %parallel_loop3A_196 = arith.cmpi slt, %parallel_loop3A_189, %parallel_loop3A_195 : i32
      %parallel_loop3A_197 = arith.extui %parallel_loop3A_196 : i1 to i32
      %parallel_loop3A_198 = arith.subi %parallel_loop3A_194, %parallel_loop3A_197 : i32
      %parallel_loop3A_199 = arith.constant 0 : i32
      %parallel_loop3A_200 = arith.cmpi sgt, %parallel_loop3A_190, %parallel_loop3A_199 : i32
      %parallel_loop3A_201 = arith.extui %parallel_loop3A_200 : i1 to i32
      %parallel_loop3A_202 = arith.constant 0 : i32
      %parallel_loop3A_203 = arith.cmpi slt, %parallel_loop3A_190, %parallel_loop3A_202 : i32
      %parallel_loop3A_204 = arith.extui %parallel_loop3A_203 : i1 to i32
      %parallel_loop3A_205 = arith.subi %parallel_loop3A_201, %parallel_loop3A_204 : i32
      %parallel_loop3A_206 = arith.cmpi ne, %parallel_loop3A_198, %parallel_loop3A_205 : i32
      %parallel_loop3A_207 = arith.remsi %parallel_loop3A_189, %parallel_loop3A_190 : i32
      %parallel_loop3A_208 = arith.constant 0 : i32
      %parallel_loop3A_209 = arith.cmpi ne, %parallel_loop3A_207, %parallel_loop3A_208 : i32
      %parallel_loop3A_210 = arith.andi %parallel_loop3A_206, %parallel_loop3A_209 : i1
      %parallel_loop3A_211 = arith.constant 1 : i32
      %parallel_loop3A_212 = arith.subi %parallel_loop3A_191, %parallel_loop3A_211 : i32
      %parallel_loop3A_213 = arith.select %parallel_loop3A_210, %parallel_loop3A_212, %parallel_loop3A_191 : i32
      %parallel_loop3A_214 = arith.constant 32 : i32
      %parallel_loop3A_215 = arith.constant 0 : i32
      %parallel_loop3A_216 = arith.cmpi eq, %parallel_loop3A_214, %parallel_loop3A_215 : i32
      %parallel_loop3A_217 = arith.constant 1 : i32
      %parallel_loop3A_218 = arith.select %parallel_loop3A_216, %parallel_loop3A_217, %parallel_loop3A_214 : i32
      %parallel_loop3A_219 = arith.remsi %parallel_loop3A_189, %parallel_loop3A_218 : i32
      %parallel_loop3A_220 = arith.constant 0 : i32
      %parallel_loop3A_221 = arith.cmpi ne, %parallel_loop3A_219, %parallel_loop3A_220 : i32
      %parallel_loop3A_222 = arith.constant 0 : i32
      %parallel_loop3A_223 = arith.cmpi slt, %parallel_loop3A_219, %parallel_loop3A_222 : i32
      %parallel_loop3A_224 = arith.constant 0 : i32
      %parallel_loop3A_225 = arith.cmpi slt, %parallel_loop3A_218, %parallel_loop3A_224 : i32
      %parallel_loop3A_226 = arith.xori %parallel_loop3A_223, %parallel_loop3A_225 : i1
      %parallel_loop3A_227 = arith.andi %parallel_loop3A_226, %parallel_loop3A_221 : i1
      %parallel_loop3A_228 = arith.addi %parallel_loop3A_219, %parallel_loop3A_218 : i32
      %parallel_loop3A_229 = arith.select %parallel_loop3A_227, %parallel_loop3A_228, %parallel_loop3A_219 : i32
      %parallel_loop3A_230 = arith.constant 16 : i32
      %parallel_loop3A_231 = arith.muli %parallel_loop3A_229, %parallel_loop3A_230 : i32
      %parallel_loop3A_232 = arith.index_cast %parallel_loop3A_213 : i32 to index
      %parallel_loop3A_233 = arith.index_cast %parallel_loop3A_231 : i32 to index
      %parallel_loop3A_234 = tpu.vector_load %arg7[%parallel_loop3A_232, %parallel_loop3A_233] {strides = array<i32>} : memref<32x512xf32, #tpu.memory_space<vmem>>, vector<16xf32>,
      %parallel_loop3A_235 = arith.constant 8.192000e+03 : f32
      %parallel_loop3A_236 = vector.broadcast %parallel_loop3A_235 : f32 to vector<16xf32>
      %parallel_loop3A_237 = arith.mulf %parallel_loop3A_234, %parallel_loop3A_236 : vector<16xf32>
      %parallel_loop3A_238 = arith.fptosi %parallel_loop3A_237 : vector<16xf32> to vector<16xi32>
      %parallel_loop3A_239 = arith.constant 8191 : i32
      %parallel_loop3A_240 = vector.broadcast %parallel_loop3A_239 : i32 to vector<16xi32>
      %parallel_loop3A_241 = arith.minsi %parallel_loop3A_238, %parallel_loop3A_240 : vector<16xi32>
      %parallel_loop3A_242 = arith.constant 1.000000e+00 : f32
      %parallel_loop3A_243 = vector.broadcast %parallel_loop3A_242 : f32 to vector<16xf32>
      tpu.vector_store_idx %arg5[%parallel_loop3A_241], %parallel_loop3A_243 {add = true} : memref<8192xf32, #tpu.memory_space<vmem>>[vector<16xi32>], vector<16xf32>,
    } {sc.loop_unroll_factor = 8 : i64, sc.parallel_access}
    %dma_wait3A_105 = arith.constant 0 : i32
    %dma_wait3A_106 = tpu.memref_slice %arg2[%add3A, %add3A_95, %dma_wait3A_105] : memref<8x512x512xf32, #tpu.memory_space<hbm>> -> memref<1x32x512xf32, #tpu.memory_space<hbm>>
    %dma_wait3A_107 = tpu.memref_squeeze %dma_wait3A_106 : memref<1x32x512xf32, #tpu.memory_space<hbm>> -> memref<32x512xf32, #tpu.memory_space<hbm>>
    %dma_wait3A_108 = arith.constant 0 : i32
    %dma_wait3A_109 = tpu.memref_slice %arg2[%add3A, %add3A_95, %dma_wait3A_108] : memref<8x512x512xf32, #tpu.memory_space<hbm>> -> memref<1x32x512xf32, #tpu.memory_space<hbm>>
    %dma_wait3A_110 = tpu.memref_squeeze %dma_wait3A_109 : memref<1x32x512xf32, #tpu.memory_space<hbm>> -> memref<32x512xf32, #tpu.memory_space<hbm>>
    tpu.wait_dma2 semaphore(%arg10 : memref<!tpu.dma_semaphore, #tpu.memory_space<semaphore_mem>>) src(%dma_wait3A_110 : memref<32x512xf32, #tpu.memory_space<hbm>>) dst(%arg8 : memref<32x512xf32, #tpu.memory_space<vmem>>)
    %add3A_111 = arith.constant 0 : i32
    %add3A_112 = arith.addi %mul3A_32, %add3A_111 : i32
    %dma_start3A_113 = arith.constant 0 : i32
    %dma_start3A_114 = tpu.memref_slice %arg3[%add3A, %add3A_112, %dma_start3A_113] : memref<8x512x512xf32, #tpu.memory_space<hbm>> -> memref<1x32x512xf32, #tpu.memory_space<hbm>>
    %dma_start3A_115 = tpu.memref_squeeze %dma_start3A_114 : memref<1x32x512xf32, #tpu.memory_space<hbm>> -> memref<32x512xf32, #tpu.memory_space<hbm>>
    %dma_start3A_116 = arith.constant 0 : i32
    %dma_start3A_117 = tpu.memref_slice %arg3[%add3A, %add3A_112, %dma_start3A_116] : memref<8x512x512xf32, #tpu.memory_space<hbm>> -> memref<1x32x512xf32, #tpu.memory_space<hbm>>
    %dma_start3A_118 = tpu.memref_squeeze %dma_start3A_117 : memref<1x32x512xf32, #tpu.memory_space<hbm>> -> memref<32x512xf32, #tpu.memory_space<hbm>>
    tpu.enqueue_dma source(%dma_start3A_118 : memref<32x512xf32, #tpu.memory_space<hbm>>) target(%arg7 : memref<32x512xf32, #tpu.memory_space<vmem>>) target_semaphore(%arg9 : memref<!tpu.dma_semaphore, #tpu.memory_space<semaphore_mem>>)
    %parallel_loop3A_119 = arith.constant 0 : i32
    %parallel_loop3A_120 = arith.constant 1024 : i32
    %parallel_loop3A_121 = arith.constant 1 : i32
    scf.for %parallel_loop3A_189 = %parallel_loop3A_119 to %parallel_loop3A_120 step %parallel_loop3A_121  : i32 {
      %parallel_loop3A_190 = arith.constant 32 : i32
      %parallel_loop3A_191 = arith.divsi %parallel_loop3A_189, %parallel_loop3A_190 : i32
      %parallel_loop3A_192 = arith.constant 0 : i32
      %parallel_loop3A_193 = arith.cmpi sgt, %parallel_loop3A_189, %parallel_loop3A_192 : i32
      %parallel_loop3A_194 = arith.extui %parallel_loop3A_193 : i1 to i32
      %parallel_loop3A_195 = arith.constant 0 : i32
      %parallel_loop3A_196 = arith.cmpi slt, %parallel_loop3A_189, %parallel_loop3A_195 : i32
      %parallel_loop3A_197 = arith.extui %parallel_loop3A_196 : i1 to i32
      %parallel_loop3A_198 = arith.subi %parallel_loop3A_194, %parallel_loop3A_197 : i32
      %parallel_loop3A_199 = arith.constant 0 : i32
      %parallel_loop3A_200 = arith.cmpi sgt, %parallel_loop3A_190, %parallel_loop3A_199 : i32
      %parallel_loop3A_201 = arith.extui %parallel_loop3A_200 : i1 to i32
      %parallel_loop3A_202 = arith.constant 0 : i32
      %parallel_loop3A_203 = arith.cmpi slt, %parallel_loop3A_190, %parallel_loop3A_202 : i32
      %parallel_loop3A_204 = arith.extui %parallel_loop3A_203 : i1 to i32
      %parallel_loop3A_205 = arith.subi %parallel_loop3A_201, %parallel_loop3A_204 : i32
      %parallel_loop3A_206 = arith.cmpi ne, %parallel_loop3A_198, %parallel_loop3A_205 : i32
      %parallel_loop3A_207 = arith.remsi %parallel_loop3A_189, %parallel_loop3A_190 : i32
      %parallel_loop3A_208 = arith.constant 0 : i32
      %parallel_loop3A_209 = arith.cmpi ne, %parallel_loop3A_207, %parallel_loop3A_208 : i32
      %parallel_loop3A_210 = arith.andi %parallel_loop3A_206, %parallel_loop3A_209 : i1
      %parallel_loop3A_211 = arith.constant 1 : i32
      %parallel_loop3A_212 = arith.subi %parallel_loop3A_191, %parallel_loop3A_211 : i32
      %parallel_loop3A_213 = arith.select %parallel_loop3A_210, %parallel_loop3A_212, %parallel_loop3A_191 : i32
      %parallel_loop3A_214 = arith.constant 32 : i32
      %parallel_loop3A_215 = arith.constant 0 : i32
      %parallel_loop3A_216 = arith.cmpi eq, %parallel_loop3A_214, %parallel_loop3A_215 : i32
      %parallel_loop3A_217 = arith.constant 1 : i32
      %parallel_loop3A_218 = arith.select %parallel_loop3A_216, %parallel_loop3A_217, %parallel_loop3A_214 : i32
      %parallel_loop3A_219 = arith.remsi %parallel_loop3A_189, %parallel_loop3A_218 : i32
      %parallel_loop3A_220 = arith.constant 0 : i32
      %parallel_loop3A_221 = arith.cmpi ne, %parallel_loop3A_219, %parallel_loop3A_220 : i32
      %parallel_loop3A_222 = arith.constant 0 : i32
      %parallel_loop3A_223 = arith.cmpi slt, %parallel_loop3A_219, %parallel_loop3A_222 : i32
      %parallel_loop3A_224 = arith.constant 0 : i32
      %parallel_loop3A_225 = arith.cmpi slt, %parallel_loop3A_218, %parallel_loop3A_224 : i32
      %parallel_loop3A_226 = arith.xori %parallel_loop3A_223, %parallel_loop3A_225 : i1
      %parallel_loop3A_227 = arith.andi %parallel_loop3A_226, %parallel_loop3A_221 : i1
      %parallel_loop3A_228 = arith.addi %parallel_loop3A_219, %parallel_loop3A_218 : i32
      %parallel_loop3A_229 = arith.select %parallel_loop3A_227, %parallel_loop3A_228, %parallel_loop3A_219 : i32
      %parallel_loop3A_230 = arith.constant 16 : i32
      %parallel_loop3A_231 = arith.muli %parallel_loop3A_229, %parallel_loop3A_230 : i32
      %parallel_loop3A_232 = arith.index_cast %parallel_loop3A_213 : i32 to index
      %parallel_loop3A_233 = arith.index_cast %parallel_loop3A_231 : i32 to index
      %parallel_loop3A_234 = tpu.vector_load %arg8[%parallel_loop3A_232, %parallel_loop3A_233] {strides = array<i32>} : memref<32x512xf32, #tpu.memory_space<vmem>>, vector<16xf32>,
      %parallel_loop3A_235 = arith.constant 8.192000e+03 : f32
      %parallel_loop3A_236 = vector.broadcast %parallel_loop3A_235 : f32 to vector<16xf32>
      %parallel_loop3A_237 = arith.mulf %parallel_loop3A_234, %parallel_loop3A_236 : vector<16xf32>
      %parallel_loop3A_238 = arith.fptosi %parallel_loop3A_237 : vector<16xf32> to vector<16xi32>
      %parallel_loop3A_239 = arith.constant 8191 : i32
      %parallel_loop3A_240 = vector.broadcast %parallel_loop3A_239 : i32 to vector<16xi32>
      %parallel_loop3A_241 = arith.minsi %parallel_loop3A_238, %parallel_loop3A_240 : vector<16xi32>
      %parallel_loop3A_242 = arith.constant 1.000000e+00 : f32
      %parallel_loop3A_243 = vector.broadcast %parallel_loop3A_242 : f32 to vector<16xf32>
      tpu.vector_store_idx %arg5[%parallel_loop3A_241], %parallel_loop3A_243 {add = true} : memref<8192xf32, #tpu.memory_space<vmem>>[vector<16xi32>], vector<16xf32>,
    } {sc.loop_unroll_factor = 8 : i64, sc.parallel_access}
    %dma_wait3A_122 = arith.constant 0 : i32
    %dma_wait3A_123 = tpu.memref_slice %arg3[%add3A, %add3A_112, %dma_wait3A_122] : memref<8x512x512xf32, #tpu.memory_space<hbm>> -> memref<1x32x512xf32, #tpu.memory_space<hbm>>
    %dma_wait3A_124 = tpu.memref_squeeze %dma_wait3A_123 : memref<1x32x512xf32, #tpu.memory_space<hbm>> -> memref<32x512xf32, #tpu.memory_space<hbm>>
    %dma_wait3A_125 = arith.constant 0 : i32
    %dma_wait3A_126 = tpu.memref_slice %arg3[%add3A, %add3A_112, %dma_wait3A_125] : memref<8x512x512xf32, #tpu.memory_space<hbm>> -> memref<1x32x512xf32, #tpu.memory_space<hbm>>
    %dma_wait3A_127 = tpu.memref_squeeze %dma_wait3A_126 : memref<1x32x512xf32, #tpu.memory_space<hbm>> -> memref<32x512xf32, #tpu.memory_space<hbm>>
    tpu.wait_dma2 semaphore(%arg9 : memref<!tpu.dma_semaphore, #tpu.memory_space<semaphore_mem>>) src(%dma_wait3A_127 : memref<32x512xf32, #tpu.memory_space<hbm>>) dst(%arg7 : memref<32x512xf32, #tpu.memory_space<vmem>>)
    %add3A_128 = arith.constant 32 : i32
    %add3A_129 = arith.addi %mul3A_32, %add3A_128 : i32
    %dma_start3A_130 = arith.constant 0 : i32
    %dma_start3A_131 = tpu.memref_slice %arg3[%add3A, %add3A_129, %dma_start3A_130] : memref<8x512x512xf32, #tpu.memory_space<hbm>> -> memref<1x32x512xf32, #tpu.memory_space<hbm>>
    %dma_start3A_132 = tpu.memref_squeeze %dma_start3A_131 : memref<1x32x512xf32, #tpu.memory_space<hbm>> -> memref<32x512xf32, #tpu.memory_space<hbm>>
    %dma_start3A_133 = arith.constant 0 : i32
    %dma_start3A_134 = tpu.memref_slice %arg3[%add3A, %add3A_129, %dma_start3A_133] : memref<8x512x512xf32, #tpu.memory_space<hbm>> -> memref<1x32x512xf32, #tpu.memory_space<hbm>>
    %dma_start3A_135 = tpu.memref_squeeze %dma_start3A_134 : memref<1x32x512xf32, #tpu.memory_space<hbm>> -> memref<32x512xf32, #tpu.memory_space<hbm>>
    tpu.enqueue_dma source(%dma_start3A_135 : memref<32x512xf32, #tpu.memory_space<hbm>>) target(%arg8 : memref<32x512xf32, #tpu.memory_space<vmem>>) target_semaphore(%arg10 : memref<!tpu.dma_semaphore, #tpu.memory_space<semaphore_mem>>)
    %parallel_loop3A_136 = arith.constant 0 : i32
    %parallel_loop3A_137 = arith.constant 1024 : i32
    %parallel_loop3A_138 = arith.constant 1 : i32
    scf.for %parallel_loop3A_189 = %parallel_loop3A_136 to %parallel_loop3A_137 step %parallel_loop3A_138  : i32 {
      %parallel_loop3A_190 = arith.constant 32 : i32
      %parallel_loop3A_191 = arith.divsi %parallel_loop3A_189, %parallel_loop3A_190 : i32
      %parallel_loop3A_192 = arith.constant 0 : i32
      %parallel_loop3A_193 = arith.cmpi sgt, %parallel_loop3A_189, %parallel_loop3A_192 : i32
      %parallel_loop3A_194 = arith.extui %parallel_loop3A_193 : i1 to i32
      %parallel_loop3A_195 = arith.constant 0 : i32
      %parallel_loop3A_196 = arith.cmpi slt, %parallel_loop3A_189, %parallel_loop3A_195 : i32
      %parallel_loop3A_197 = arith.extui %parallel_loop3A_196 : i1 to i32
      %parallel_loop3A_198 = arith.subi %parallel_loop3A_194, %parallel_loop3A_197 : i32
      %parallel_loop3A_199 = arith.constant 0 : i32
      %parallel_loop3A_200 = arith.cmpi sgt, %parallel_loop3A_190, %parallel_loop3A_199 : i32
      %parallel_loop3A_201 = arith.extui %parallel_loop3A_200 : i1 to i32
      %parallel_loop3A_202 = arith.constant 0 : i32
      %parallel_loop3A_203 = arith.cmpi slt, %parallel_loop3A_190, %parallel_loop3A_202 : i32
      %parallel_loop3A_204 = arith.extui %parallel_loop3A_203 : i1 to i32
      %parallel_loop3A_205 = arith.subi %parallel_loop3A_201, %parallel_loop3A_204 : i32
      %parallel_loop3A_206 = arith.cmpi ne, %parallel_loop3A_198, %parallel_loop3A_205 : i32
      %parallel_loop3A_207 = arith.remsi %parallel_loop3A_189, %parallel_loop3A_190 : i32
      %parallel_loop3A_208 = arith.constant 0 : i32
      %parallel_loop3A_209 = arith.cmpi ne, %parallel_loop3A_207, %parallel_loop3A_208 : i32
      %parallel_loop3A_210 = arith.andi %parallel_loop3A_206, %parallel_loop3A_209 : i1
      %parallel_loop3A_211 = arith.constant 1 : i32
      %parallel_loop3A_212 = arith.subi %parallel_loop3A_191, %parallel_loop3A_211 : i32
      %parallel_loop3A_213 = arith.select %parallel_loop3A_210, %parallel_loop3A_212, %parallel_loop3A_191 : i32
      %parallel_loop3A_214 = arith.constant 32 : i32
      %parallel_loop3A_215 = arith.constant 0 : i32
      %parallel_loop3A_216 = arith.cmpi eq, %parallel_loop3A_214, %parallel_loop3A_215 : i32
      %parallel_loop3A_217 = arith.constant 1 : i32
      %parallel_loop3A_218 = arith.select %parallel_loop3A_216, %parallel_loop3A_217, %parallel_loop3A_214 : i32
      %parallel_loop3A_219 = arith.remsi %parallel_loop3A_189, %parallel_loop3A_218 : i32
      %parallel_loop3A_220 = arith.constant 0 : i32
      %parallel_loop3A_221 = arith.cmpi ne, %parallel_loop3A_219, %parallel_loop3A_220 : i32
      %parallel_loop3A_222 = arith.constant 0 : i32
      %parallel_loop3A_223 = arith.cmpi slt, %parallel_loop3A_219, %parallel_loop3A_222 : i32
      %parallel_loop3A_224 = arith.constant 0 : i32
      %parallel_loop3A_225 = arith.cmpi slt, %parallel_loop3A_218, %parallel_loop3A_224 : i32
      %parallel_loop3A_226 = arith.xori %parallel_loop3A_223, %parallel_loop3A_225 : i1
      %parallel_loop3A_227 = arith.andi %parallel_loop3A_226, %parallel_loop3A_221 : i1
      %parallel_loop3A_228 = arith.addi %parallel_loop3A_219, %parallel_loop3A_218 : i32
      %parallel_loop3A_229 = arith.select %parallel_loop3A_227, %parallel_loop3A_228, %parallel_loop3A_219 : i32
      %parallel_loop3A_230 = arith.constant 16 : i32
      %parallel_loop3A_231 = arith.muli %parallel_loop3A_229, %parallel_loop3A_230 : i32
      %parallel_loop3A_232 = arith.index_cast %parallel_loop3A_213 : i32 to index
      %parallel_loop3A_233 = arith.index_cast %parallel_loop3A_231 : i32 to index
      %parallel_loop3A_234 = tpu.vector_load %arg7[%parallel_loop3A_232, %parallel_loop3A_233] {strides = array<i32>} : memref<32x512xf32, #tpu.memory_space<vmem>>, vector<16xf32>,
      %parallel_loop3A_235 = arith.constant 8.192000e+03 : f32
      %parallel_loop3A_236 = vector.broadcast %parallel_loop3A_235 : f32 to vector<16xf32>
      %parallel_loop3A_237 = arith.mulf %parallel_loop3A_234, %parallel_loop3A_236 : vector<16xf32>
      %parallel_loop3A_238 = arith.fptosi %parallel_loop3A_237 : vector<16xf32> to vector<16xi32>
      %parallel_loop3A_239 = arith.constant 8191 : i32
      %parallel_loop3A_240 = vector.broadcast %parallel_loop3A_239 : i32 to vector<16xi32>
      %parallel_loop3A_241 = arith.minsi %parallel_loop3A_238, %parallel_loop3A_240 : vector<16xi32>
      %parallel_loop3A_242 = arith.constant 1.000000e+00 : f32
      %parallel_loop3A_243 = vector.broadcast %parallel_loop3A_242 : f32 to vector<16xf32>
      tpu.vector_store_idx %arg6[%parallel_loop3A_241], %parallel_loop3A_243 {add = true} : memref<8192xf32, #tpu.memory_space<vmem>>[vector<16xi32>], vector<16xf32>,
    } {sc.loop_unroll_factor = 8 : i64, sc.parallel_access}
    %dma_wait3A_139 = arith.constant 0 : i32
    %dma_wait3A_140 = tpu.memref_slice %arg3[%add3A, %add3A_129, %dma_wait3A_139] : memref<8x512x512xf32, #tpu.memory_space<hbm>> -> memref<1x32x512xf32, #tpu.memory_space<hbm>>
    %dma_wait3A_141 = tpu.memref_squeeze %dma_wait3A_140 : memref<1x32x512xf32, #tpu.memory_space<hbm>> -> memref<32x512xf32, #tpu.memory_space<hbm>>
    %dma_wait3A_142 = arith.constant 0 : i32
    %dma_wait3A_143 = tpu.memref_slice %arg3[%add3A, %add3A_129, %dma_wait3A_142] : memref<8x512x512xf32, #tpu.memory_space<hbm>> -> memref<1x32x512xf32, #tpu.memory_space<hbm>>
    %dma_wait3A_144 = tpu.memref_squeeze %dma_wait3A_143 : memref<1x32x512xf32, #tpu.memory_space<hbm>> -> memref<32x512xf32, #tpu.memory_space<hbm>>
    tpu.wait_dma2 semaphore(%arg10 : memref<!tpu.dma_semaphore, #tpu.memory_space<semaphore_mem>>) src(%dma_wait3A_144 : memref<32x512xf32, #tpu.memory_space<hbm>>) dst(%arg8 : memref<32x512xf32, #tpu.memory_space<vmem>>)
    %add3A_145 = arith.constant 64 : i32
    %add3A_146 = arith.addi %mul3A_32, %add3A_145 : i32
    %dma_start3A_147 = arith.constant 0 : i32
    %dma_start3A_148 = tpu.memref_slice %arg3[%add3A, %add3A_146, %dma_start3A_147] : memref<8x512x512xf32, #tpu.memory_space<hbm>> -> memref<1x32x512xf32, #tpu.memory_space<hbm>>
    %dma_start3A_149 = tpu.memref_squeeze %dma_start3A_148 : memref<1x32x512xf32, #tpu.memory_space<hbm>> -> memref<32x512xf32, #tpu.memory_space<hbm>>
    %dma_start3A_150 = arith.constant 0 : i32
    %dma_start3A_151 = tpu.memref_slice %arg3[%add3A, %add3A_146, %dma_start3A_150] : memref<8x512x512xf32, #tpu.memory_space<hbm>> -> memref<1x32x512xf32, #tpu.memory_space<hbm>>
    %dma_start3A_152 = tpu.memref_squeeze %dma_start3A_151 : memref<1x32x512xf32, #tpu.memory_space<hbm>> -> memref<32x512xf32, #tpu.memory_space<hbm>>
    tpu.enqueue_dma source(%dma_start3A_152 : memref<32x512xf32, #tpu.memory_space<hbm>>) target(%arg7 : memref<32x512xf32, #tpu.memory_space<vmem>>) target_semaphore(%arg9 : memref<!tpu.dma_semaphore, #tpu.memory_space<semaphore_mem>>)
    %parallel_loop3A_153 = arith.constant 0 : i32
    %parallel_loop3A_154 = arith.constant 1024 : i32
    %parallel_loop3A_155 = arith.constant 1 : i32
    scf.for %parallel_loop3A_189 = %parallel_loop3A_153 to %parallel_loop3A_154 step %parallel_loop3A_155  : i32 {
      %parallel_loop3A_190 = arith.constant 32 : i32
      %parallel_loop3A_191 = arith.divsi %parallel_loop3A_189, %parallel_loop3A_190 : i32
      %parallel_loop3A_192 = arith.constant 0 : i32
      %parallel_loop3A_193 = arith.cmpi sgt, %parallel_loop3A_189, %parallel_loop3A_192 : i32
      %parallel_loop3A_194 = arith.extui %parallel_loop3A_193 : i1 to i32
      %parallel_loop3A_195 = arith.constant 0 : i32
      %parallel_loop3A_196 = arith.cmpi slt, %parallel_loop3A_189, %parallel_loop3A_195 : i32
      %parallel_loop3A_197 = arith.extui %parallel_loop3A_196 : i1 to i32
      %parallel_loop3A_198 = arith.subi %parallel_loop3A_194, %parallel_loop3A_197 : i32
      %parallel_loop3A_199 = arith.constant 0 : i32
      %parallel_loop3A_200 = arith.cmpi sgt, %parallel_loop3A_190, %parallel_loop3A_199 : i32
      %parallel_loop3A_201 = arith.extui %parallel_loop3A_200 : i1 to i32
      %parallel_loop3A_202 = arith.constant 0 : i32
      %parallel_loop3A_203 = arith.cmpi slt, %parallel_loop3A_190, %parallel_loop3A_202 : i32
      %parallel_loop3A_204 = arith.extui %parallel_loop3A_203 : i1 to i32
      %parallel_loop3A_205 = arith.subi %parallel_loop3A_201, %parallel_loop3A_204 : i32
      %parallel_loop3A_206 = arith.cmpi ne, %parallel_loop3A_198, %parallel_loop3A_205 : i32
      %parallel_loop3A_207 = arith.remsi %parallel_loop3A_189, %parallel_loop3A_190 : i32
      %parallel_loop3A_208 = arith.constant 0 : i32
      %parallel_loop3A_209 = arith.cmpi ne, %parallel_loop3A_207, %parallel_loop3A_208 : i32
      %parallel_loop3A_210 = arith.andi %parallel_loop3A_206, %parallel_loop3A_209 : i1
      %parallel_loop3A_211 = arith.constant 1 : i32
      %parallel_loop3A_212 = arith.subi %parallel_loop3A_191, %parallel_loop3A_211 : i32
      %parallel_loop3A_213 = arith.select %parallel_loop3A_210, %parallel_loop3A_212, %parallel_loop3A_191 : i32
      %parallel_loop3A_214 = arith.constant 32 : i32
      %parallel_loop3A_215 = arith.constant 0 : i32
      %parallel_loop3A_216 = arith.cmpi eq, %parallel_loop3A_214, %parallel_loop3A_215 : i32
      %parallel_loop3A_217 = arith.constant 1 : i32
      %parallel_loop3A_218 = arith.select %parallel_loop3A_216, %parallel_loop3A_217, %parallel_loop3A_214 : i32
      %parallel_loop3A_219 = arith.remsi %parallel_loop3A_189, %parallel_loop3A_218 : i32
      %parallel_loop3A_220 = arith.constant 0 : i32
      %parallel_loop3A_221 = arith.cmpi ne, %parallel_loop3A_219, %parallel_loop3A_220 : i32
      %parallel_loop3A_222 = arith.constant 0 : i32
      %parallel_loop3A_223 = arith.cmpi slt, %parallel_loop3A_219, %parallel_loop3A_222 : i32
      %parallel_loop3A_224 = arith.constant 0 : i32
      %parallel_loop3A_225 = arith.cmpi slt, %parallel_loop3A_218, %parallel_loop3A_224 : i32
      %parallel_loop3A_226 = arith.xori %parallel_loop3A_223, %parallel_loop3A_225 : i1
      %parallel_loop3A_227 = arith.andi %parallel_loop3A_226, %parallel_loop3A_221 : i1
      %parallel_loop3A_228 = arith.addi %parallel_loop3A_219, %parallel_loop3A_218 : i32
      %parallel_loop3A_229 = arith.select %parallel_loop3A_227, %parallel_loop3A_228, %parallel_loop3A_219 : i32
      %parallel_loop3A_230 = arith.constant 16 : i32
      %parallel_loop3A_231 = arith.muli %parallel_loop3A_229, %parallel_loop3A_230 : i32
      %parallel_loop3A_232 = arith.index_cast %parallel_loop3A_213 : i32 to index
      %parallel_loop3A_233 = arith.index_cast %parallel_loop3A_231 : i32 to index
      %parallel_loop3A_234 = tpu.vector_load %arg8[%parallel_loop3A_232, %parallel_loop3A_233] {strides = array<i32>} : memref<32x512xf32, #tpu.memory_space<vmem>>, vector<16xf32>,
      %parallel_loop3A_235 = arith.constant 8.192000e+03 : f32
      %parallel_loop3A_236 = vector.broadcast %parallel_loop3A_235 : f32 to vector<16xf32>
      %parallel_loop3A_237 = arith.mulf %parallel_loop3A_234, %parallel_loop3A_236 : vector<16xf32>
      %parallel_loop3A_238 = arith.fptosi %parallel_loop3A_237 : vector<16xf32> to vector<16xi32>
      %parallel_loop3A_239 = arith.constant 8191 : i32
      %parallel_loop3A_240 = vector.broadcast %parallel_loop3A_239 : i32 to vector<16xi32>
      %parallel_loop3A_241 = arith.minsi %parallel_loop3A_238, %parallel_loop3A_240 : vector<16xi32>
      %parallel_loop3A_242 = arith.constant 1.000000e+00 : f32
      %parallel_loop3A_243 = vector.broadcast %parallel_loop3A_242 : f32 to vector<16xf32>
      tpu.vector_store_idx %arg6[%parallel_loop3A_241], %parallel_loop3A_243 {add = true} : memref<8192xf32, #tpu.memory_space<vmem>>[vector<16xi32>], vector<16xf32>,
    } {sc.loop_unroll_factor = 8 : i64, sc.parallel_access}
    %dma_wait3A_156 = arith.constant 0 : i32
    %dma_wait3A_157 = tpu.memref_slice %arg3[%add3A, %add3A_146, %dma_wait3A_156] : memref<8x512x512xf32, #tpu.memory_space<hbm>> -> memref<1x32x512xf32, #tpu.memory_space<hbm>>
    %dma_wait3A_158 = tpu.memref_squeeze %dma_wait3A_157 : memref<1x32x512xf32, #tpu.memory_space<hbm>> -> memref<32x512xf32, #tpu.memory_space<hbm>>
    %dma_wait3A_159 = arith.constant 0 : i32
    %dma_wait3A_160 = tpu.memref_slice %arg3[%add3A, %add3A_146, %dma_wait3A_159] : memref<8x512x512xf32, #tpu.memory_space<hbm>> -> memref<1x32x512xf32, #tpu.memory_space<hbm>>
    %dma_wait3A_161 = tpu.memref_squeeze %dma_wait3A_160 : memref<1x32x512xf32, #tpu.memory_space<hbm>> -> memref<32x512xf32, #tpu.memory_space<hbm>>
    tpu.wait_dma2 semaphore(%arg9 : memref<!tpu.dma_semaphore, #tpu.memory_space<semaphore_mem>>) src(%dma_wait3A_161 : memref<32x512xf32, #tpu.memory_space<hbm>>) dst(%arg7 : memref<32x512xf32, #tpu.memory_space<vmem>>)
    %add3A_162 = arith.constant 96 : i32
    %add3A_163 = arith.addi %mul3A_32, %add3A_162 : i32
    %dma_start3A_164 = arith.constant 0 : i32
    %dma_start3A_165 = tpu.memref_slice %arg3[%add3A, %add3A_163, %dma_start3A_164] : memref<8x512x512xf32, #tpu.memory_space<hbm>> -> memref<1x32x512xf32, #tpu.memory_space<hbm>>
    %dma_start3A_166 = tpu.memref_squeeze %dma_start3A_165 : memref<1x32x512xf32, #tpu.memory_space<hbm>> -> memref<32x512xf32, #tpu.memory_space<hbm>>
    %dma_start3A_167 = arith.constant 0 : i32
    %dma_start3A_168 = tpu.memref_slice %arg3[%add3A, %add3A_163, %dma_start3A_167] : memref<8x512x512xf32, #tpu.memory_space<hbm>> -> memref<1x32x512xf32, #tpu.memory_space<hbm>>
    %dma_start3A_169 = tpu.memref_squeeze %dma_start3A_168 : memref<1x32x512xf32, #tpu.memory_space<hbm>> -> memref<32x512xf32, #tpu.memory_space<hbm>>
    tpu.enqueue_dma source(%dma_start3A_169 : memref<32x512xf32, #tpu.memory_space<hbm>>) target(%arg8 : memref<32x512xf32, #tpu.memory_space<vmem>>) target_semaphore(%arg10 : memref<!tpu.dma_semaphore, #tpu.memory_space<semaphore_mem>>)
    %parallel_loop3A_170 = arith.constant 0 : i32
    %parallel_loop3A_171 = arith.constant 1024 : i32
    %parallel_loop3A_172 = arith.constant 1 : i32
    scf.for %parallel_loop3A_189 = %parallel_loop3A_170 to %parallel_loop3A_171 step %parallel_loop3A_172  : i32 {
      %parallel_loop3A_190 = arith.constant 32 : i32
      %parallel_loop3A_191 = arith.divsi %parallel_loop3A_189, %parallel_loop3A_190 : i32
      %parallel_loop3A_192 = arith.constant 0 : i32
      %parallel_loop3A_193 = arith.cmpi sgt, %parallel_loop3A_189, %parallel_loop3A_192 : i32
      %parallel_loop3A_194 = arith.extui %parallel_loop3A_193 : i1 to i32
      %parallel_loop3A_195 = arith.constant 0 : i32
      %parallel_loop3A_196 = arith.cmpi slt, %parallel_loop3A_189, %parallel_loop3A_195 : i32
      %parallel_loop3A_197 = arith.extui %parallel_loop3A_196 : i1 to i32
      %parallel_loop3A_198 = arith.subi %parallel_loop3A_194, %parallel_loop3A_197 : i32
      %parallel_loop3A_199 = arith.constant 0 : i32
      %parallel_loop3A_200 = arith.cmpi sgt, %parallel_loop3A_190, %parallel_loop3A_199 : i32
      %parallel_loop3A_201 = arith.extui %parallel_loop3A_200 : i1 to i32
      %parallel_loop3A_202 = arith.constant 0 : i32
      %parallel_loop3A_203 = arith.cmpi slt, %parallel_loop3A_190, %parallel_loop3A_202 : i32
      %parallel_loop3A_204 = arith.extui %parallel_loop3A_203 : i1 to i32
      %parallel_loop3A_205 = arith.subi %parallel_loop3A_201, %parallel_loop3A_204 : i32
      %parallel_loop3A_206 = arith.cmpi ne, %parallel_loop3A_198, %parallel_loop3A_205 : i32
      %parallel_loop3A_207 = arith.remsi %parallel_loop3A_189, %parallel_loop3A_190 : i32
      %parallel_loop3A_208 = arith.constant 0 : i32
      %parallel_loop3A_209 = arith.cmpi ne, %parallel_loop3A_207, %parallel_loop3A_208 : i32
      %parallel_loop3A_210 = arith.andi %parallel_loop3A_206, %parallel_loop3A_209 : i1
      %parallel_loop3A_211 = arith.constant 1 : i32
      %parallel_loop3A_212 = arith.subi %parallel_loop3A_191, %parallel_loop3A_211 : i32
      %parallel_loop3A_213 = arith.select %parallel_loop3A_210, %parallel_loop3A_212, %parallel_loop3A_191 : i32
      %parallel_loop3A_214 = arith.constant 32 : i32
      %parallel_loop3A_215 = arith.constant 0 : i32
      %parallel_loop3A_216 = arith.cmpi eq, %parallel_loop3A_214, %parallel_loop3A_215 : i32
      %parallel_loop3A_217 = arith.constant 1 : i32
      %parallel_loop3A_218 = arith.select %parallel_loop3A_216, %parallel_loop3A_217, %parallel_loop3A_214 : i32
      %parallel_loop3A_219 = arith.remsi %parallel_loop3A_189, %parallel_loop3A_218 : i32
      %parallel_loop3A_220 = arith.constant 0 : i32
      %parallel_loop3A_221 = arith.cmpi ne, %parallel_loop3A_219, %parallel_loop3A_220 : i32
      %parallel_loop3A_222 = arith.constant 0 : i32
      %parallel_loop3A_223 = arith.cmpi slt, %parallel_loop3A_219, %parallel_loop3A_222 : i32
      %parallel_loop3A_224 = arith.constant 0 : i32
      %parallel_loop3A_225 = arith.cmpi slt, %parallel_loop3A_218, %parallel_loop3A_224 : i32
      %parallel_loop3A_226 = arith.xori %parallel_loop3A_223, %parallel_loop3A_225 : i1
      %parallel_loop3A_227 = arith.andi %parallel_loop3A_226, %parallel_loop3A_221 : i1
      %parallel_loop3A_228 = arith.addi %parallel_loop3A_219, %parallel_loop3A_218 : i32
      %parallel_loop3A_229 = arith.select %parallel_loop3A_227, %parallel_loop3A_228, %parallel_loop3A_219 : i32
      %parallel_loop3A_230 = arith.constant 16 : i32
      %parallel_loop3A_231 = arith.muli %parallel_loop3A_229, %parallel_loop3A_230 : i32
      %parallel_loop3A_232 = arith.index_cast %parallel_loop3A_213 : i32 to index
      %parallel_loop3A_233 = arith.index_cast %parallel_loop3A_231 : i32 to index
      %parallel_loop3A_234 = tpu.vector_load %arg7[%parallel_loop3A_232, %parallel_loop3A_233] {strides = array<i32>} : memref<32x512xf32, #tpu.memory_space<vmem>>, vector<16xf32>,
      %parallel_loop3A_235 = arith.constant 8.192000e+03 : f32
      %parallel_loop3A_236 = vector.broadcast %parallel_loop3A_235 : f32 to vector<16xf32>
      %parallel_loop3A_237 = arith.mulf %parallel_loop3A_234, %parallel_loop3A_236 : vector<16xf32>
      %parallel_loop3A_238 = arith.fptosi %parallel_loop3A_237 : vector<16xf32> to vector<16xi32>
      %parallel_loop3A_239 = arith.constant 8191 : i32
      %parallel_loop3A_240 = vector.broadcast %parallel_loop3A_239 : i32 to vector<16xi32>
      %parallel_loop3A_241 = arith.minsi %parallel_loop3A_238, %parallel_loop3A_240 : vector<16xi32>
      %parallel_loop3A_242 = arith.constant 1.000000e+00 : f32
      %parallel_loop3A_243 = vector.broadcast %parallel_loop3A_242 : f32 to vector<16xf32>
      tpu.vector_store_idx %arg6[%parallel_loop3A_241], %parallel_loop3A_243 {add = true} : memref<8192xf32, #tpu.memory_space<vmem>>[vector<16xi32>], vector<16xf32>,
    } {sc.loop_unroll_factor = 8 : i64, sc.parallel_access}
    %dma_wait3A_173 = arith.constant 0 : i32
    %dma_wait3A_174 = tpu.memref_slice %arg3[%add3A, %add3A_163, %dma_wait3A_173] : memref<8x512x512xf32, #tpu.memory_space<hbm>> -> memref<1x32x512xf32, #tpu.memory_space<hbm>>
    %dma_wait3A_175 = tpu.memref_squeeze %dma_wait3A_174 : memref<1x32x512xf32, #tpu.memory_space<hbm>> -> memref<32x512xf32, #tpu.memory_space<hbm>>
    %dma_wait3A_176 = arith.constant 0 : i32
    %dma_wait3A_177 = tpu.memref_slice %arg3[%add3A, %add3A_163, %dma_wait3A_176] : memref<8x512x512xf32, #tpu.memory_space<hbm>> -> memref<1x32x512xf32, #tpu.memory_space<hbm>>
    %dma_wait3A_178 = tpu.memref_squeeze %dma_wait3A_177 : memref<1x32x512xf32, #tpu.memory_space<hbm>> -> memref<32x512xf32, #tpu.memory_space<hbm>>
    tpu.wait_dma2 semaphore(%arg10 : memref<!tpu.dma_semaphore, #tpu.memory_space<semaphore_mem>>) src(%dma_wait3A_178 : memref<32x512xf32, #tpu.memory_space<hbm>>) dst(%arg8 : memref<32x512xf32, #tpu.memory_space<vmem>>)
    %parallel_loop3A_179 = arith.constant 0 : i32
    %parallel_loop3A_180 = arith.constant 1024 : i32
    %parallel_loop3A_181 = arith.constant 1 : i32
    scf.for %parallel_loop3A_189 = %parallel_loop3A_179 to %parallel_loop3A_180 step %parallel_loop3A_181  : i32 {
      %parallel_loop3A_190 = arith.constant 32 : i32
      %parallel_loop3A_191 = arith.divsi %parallel_loop3A_189, %parallel_loop3A_190 : i32
      %parallel_loop3A_192 = arith.constant 0 : i32
      %parallel_loop3A_193 = arith.cmpi sgt, %parallel_loop3A_189, %parallel_loop3A_192 : i32
      %parallel_loop3A_194 = arith.extui %parallel_loop3A_193 : i1 to i32
      %parallel_loop3A_195 = arith.constant 0 : i32
      %parallel_loop3A_196 = arith.cmpi slt, %parallel_loop3A_189, %parallel_loop3A_195 : i32
      %parallel_loop3A_197 = arith.extui %parallel_loop3A_196 : i1 to i32
      %parallel_loop3A_198 = arith.subi %parallel_loop3A_194, %parallel_loop3A_197 : i32
      %parallel_loop3A_199 = arith.constant 0 : i32
      %parallel_loop3A_200 = arith.cmpi sgt, %parallel_loop3A_190, %parallel_loop3A_199 : i32
      %parallel_loop3A_201 = arith.extui %parallel_loop3A_200 : i1 to i32
      %parallel_loop3A_202 = arith.constant 0 : i32
      %parallel_loop3A_203 = arith.cmpi slt, %parallel_loop3A_190, %parallel_loop3A_202 : i32
      %parallel_loop3A_204 = arith.extui %parallel_loop3A_203 : i1 to i32
      %parallel_loop3A_205 = arith.subi %parallel_loop3A_201, %parallel_loop3A_204 : i32
      %parallel_loop3A_206 = arith.cmpi ne, %parallel_loop3A_198, %parallel_loop3A_205 : i32
      %parallel_loop3A_207 = arith.remsi %parallel_loop3A_189, %parallel_loop3A_190 : i32
      %parallel_loop3A_208 = arith.constant 0 : i32
      %parallel_loop3A_209 = arith.cmpi ne, %parallel_loop3A_207, %parallel_loop3A_208 : i32
      %parallel_loop3A_210 = arith.andi %parallel_loop3A_206, %parallel_loop3A_209 : i1
      %parallel_loop3A_211 = arith.constant 1 : i32
      %parallel_loop3A_212 = arith.subi %parallel_loop3A_191, %parallel_loop3A_211 : i32
      %parallel_loop3A_213 = arith.select %parallel_loop3A_210, %parallel_loop3A_212, %parallel_loop3A_191 : i32
      %parallel_loop3A_214 = arith.constant 32 : i32
      %parallel_loop3A_215 = arith.constant 0 : i32
      %parallel_loop3A_216 = arith.cmpi eq, %parallel_loop3A_214, %parallel_loop3A_215 : i32
      %parallel_loop3A_217 = arith.constant 1 : i32
      %parallel_loop3A_218 = arith.select %parallel_loop3A_216, %parallel_loop3A_217, %parallel_loop3A_214 : i32
      %parallel_loop3A_219 = arith.remsi %parallel_loop3A_189, %parallel_loop3A_218 : i32
      %parallel_loop3A_220 = arith.constant 0 : i32
      %parallel_loop3A_221 = arith.cmpi ne, %parallel_loop3A_219, %parallel_loop3A_220 : i32
      %parallel_loop3A_222 = arith.constant 0 : i32
      %parallel_loop3A_223 = arith.cmpi slt, %parallel_loop3A_219, %parallel_loop3A_222 : i32
      %parallel_loop3A_224 = arith.constant 0 : i32
      %parallel_loop3A_225 = arith.cmpi slt, %parallel_loop3A_218, %parallel_loop3A_224 : i32
      %parallel_loop3A_226 = arith.xori %parallel_loop3A_223, %parallel_loop3A_225 : i1
      %parallel_loop3A_227 = arith.andi %parallel_loop3A_226, %parallel_loop3A_221 : i1
      %parallel_loop3A_228 = arith.addi %parallel_loop3A_219, %parallel_loop3A_218 : i32
      %parallel_loop3A_229 = arith.select %parallel_loop3A_227, %parallel_loop3A_228, %parallel_loop3A_219 : i32
      %parallel_loop3A_230 = arith.constant 16 : i32
      %parallel_loop3A_231 = arith.muli %parallel_loop3A_229, %parallel_loop3A_230 : i32
      %parallel_loop3A_232 = arith.index_cast %parallel_loop3A_213 : i32 to index
      %parallel_loop3A_233 = arith.index_cast %parallel_loop3A_231 : i32 to index
      %parallel_loop3A_234 = tpu.vector_load %arg8[%parallel_loop3A_232, %parallel_loop3A_233] {strides = array<i32>} : memref<32x512xf32, #tpu.memory_space<vmem>>, vector<16xf32>,
      %parallel_loop3A_235 = arith.constant 8.192000e+03 : f32
      %parallel_loop3A_236 = vector.broadcast %parallel_loop3A_235 : f32 to vector<16xf32>
      %parallel_loop3A_237 = arith.mulf %parallel_loop3A_234, %parallel_loop3A_236 : vector<16xf32>
      %parallel_loop3A_238 = arith.fptosi %parallel_loop3A_237 : vector<16xf32> to vector<16xi32>
      %parallel_loop3A_239 = arith.constant 8191 : i32
      %parallel_loop3A_240 = vector.broadcast %parallel_loop3A_239 : i32 to vector<16xi32>
      %parallel_loop3A_241 = arith.minsi %parallel_loop3A_238, %parallel_loop3A_240 : vector<16xi32>
      %parallel_loop3A_242 = arith.constant 1.000000e+00 : f32
      %parallel_loop3A_243 = vector.broadcast %parallel_loop3A_242 : f32 to vector<16xf32>
      tpu.vector_store_idx %arg6[%parallel_loop3A_241], %parallel_loop3A_243 {add = true} : memref<8192xf32, #tpu.memory_space<vmem>>[vector<16xi32>], vector<16xf32>,
    } {sc.loop_unroll_factor = 8 : i64, sc.parallel_access}
    %mul3A_182 = arith.constant 4 : i32
    %mul3A_183 = arith.muli %add3A, %mul3A_182 : i32
    %add3A_184 = arith.addi %mul3A_183, %select_n3A_30 : i32
    %mul3A_185 = arith.constant 2 : i32
    %mul3A_186 = arith.muli %add3A_184, %mul3A_185 : i32
    "tpu.region"() ({
      %run_scoped3A = tpu.sem_alloc : memref<!tpu.dma_semaphore, #tpu.memory_space<semaphore_mem>>
      %dma_start3A_189 = arith.constant 0 : i32
      %dma_start3A_190 = tpu.memref_slice %arg4[%mul3A_186, %dma_start3A_189] : memref<64x8192xf32, #tpu.memory_space<hbm>> -> memref<1x8192xf32, #tpu.memory_space<hbm>>
      %dma_start3A_191 = tpu.memref_squeeze %dma_start3A_190 : memref<1x8192xf32, #tpu.memory_space<hbm>> -> memref<8192xf32, #tpu.memory_space<hbm>>
      %dma_start3A_192 = arith.constant 0 : i32
      %dma_start3A_193 = tpu.memref_slice %arg4[%mul3A_186, %dma_start3A_192] : memref<64x8192xf32, #tpu.memory_space<hbm>> -> memref<1x8192xf32, #tpu.memory_space<hbm>>
      %dma_start3A_194 = tpu.memref_squeeze %dma_start3A_193 : memref<1x8192xf32, #tpu.memory_space<hbm>> -> memref<8192xf32, #tpu.memory_space<hbm>>
      tpu.enqueue_dma source(%arg5 : memref<8192xf32, #tpu.memory_space<vmem>>) target(%dma_start3A_194 : memref<8192xf32, #tpu.memory_space<hbm>>) target_semaphore(%run_scoped3A : memref<!tpu.dma_semaphore, #tpu.memory_space<semaphore_mem>>)
      %dma_wait3A_195 = arith.constant 0 : i32
      %dma_wait3A_196 = tpu.memref_slice %arg4[%mul3A_186, %dma_wait3A_195] : memref<64x8192xf32, #tpu.memory_space<hbm>> -> memref<1x8192xf32, #tpu.memory_space<hbm>>
      %dma_wait3A_197 = tpu.memref_squeeze %dma_wait3A_196 : memref<1x8192xf32, #tpu.memory_space<hbm>> -> memref<8192xf32, #tpu.memory_space<hbm>>
      %dma_wait3A_198 = arith.constant 0 : i32
      %dma_wait3A_199 = tpu.memref_slice %arg4[%mul3A_186, %dma_wait3A_198] : memref<64x8192xf32, #tpu.memory_space<hbm>> -> memref<1x8192xf32, #tpu.memory_space<hbm>>
      %dma_wait3A_200 = tpu.memref_squeeze %dma_wait3A_199 : memref<1x8192xf32, #tpu.memory_space<hbm>> -> memref<8192xf32, #tpu.memory_space<hbm>>
      tpu.wait_dma2 semaphore(%run_scoped3A : memref<!tpu.dma_semaphore, #tpu.memory_space<semaphore_mem>>) src(%arg5 : memref<8192xf32, #tpu.memory_space<vmem>>) dst(%dma_wait3A_200 : memref<8192xf32, #tpu.memory_space<hbm>>)
      tpu.yield
    }) : () -> ()
    %add3A_187 = arith.constant 1 : i32
    %add3A_188 = arith.addi %mul3A_186, %add3A_187 : i32
    "tpu.region"() ({
      %run_scoped3A = tpu.sem_alloc : memref<!tpu.dma_semaphore, #tpu.memory_space<semaphore_mem>>
      %dma_start3A_189 = arith.constant 0 : i32
      %dma_start3A_190 = tpu.memref_slice %arg4[%add3A_188, %dma_start3A_189] : memref<64x8192xf32, #tpu.memory_space<hbm>> -> memref<1x8192xf32, #tpu.memory_space<hbm>>
      %dma_start3A_191 = tpu.memref_squeeze %dma_start3A_190 : memref<1x8192xf32, #tpu.memory_space<hbm>> -> memref<8192xf32, #tpu.memory_space<hbm>>
      %dma_start3A_192 = arith.constant 0 : i32
      %dma_start3A_193 = tpu.memref_slice %arg4[%add3A_188, %dma_start3A_192] : memref<64x8192xf32, #tpu.memory_space<hbm>> -> memref<1x8192xf32, #tpu.memory_space<hbm>>
      %dma_start3A_194 = tpu.memref_squeeze %dma_start3A_193 : memref<1x8192xf32, #tpu.memory_space<hbm>> -> memref<8192xf32, #tpu.memory_space<hbm>>
      tpu.enqueue_dma source(%arg6 : memref<8192xf32, #tpu.memory_space<vmem>>) target(%dma_start3A_194 : memref<8192xf32, #tpu.memory_space<hbm>>) target_semaphore(%run_scoped3A : memref<!tpu.dma_semaphore, #tpu.memory_space<semaphore_mem>>)
      %dma_wait3A_195 = arith.constant 0 : i32
      %dma_wait3A_196 = tpu.memref_slice %arg4[%add3A_188, %dma_wait3A_195] : memref<64x8192xf32, #tpu.memory_space<hbm>> -> memref<1x8192xf32, #tpu.memory_space<hbm>>
      %dma_wait3A_197 = tpu.memref_squeeze %dma_wait3A_196 : memref<1x8192xf32, #tpu.memory_space<hbm>> -> memref<8192xf32, #tpu.memory_space<hbm>>
      %dma_wait3A_198 = arith.constant 0 : i32
      %dma_wait3A_199 = tpu.memref_slice %arg4[%add3A_188, %dma_wait3A_198] : memref<64x8192xf32, #tpu.memory_space<hbm>> -> memref<1x8192xf32, #tpu.memory_space<hbm>>
      %dma_wait3A_200 = tpu.memref_squeeze %dma_wait3A_199 : memref<1x8192xf32, #tpu.memory_space<hbm>> -> memref<8192xf32, #tpu.memory_space<hbm>>
      tpu.wait_dma2 semaphore(%run_scoped3A : memref<!tpu.dma_semaphore, #tpu.memory_space<semaphore_mem>>) src(%arg6 : memref<8192xf32, #tpu.memory_space<vmem>>) dst(%dma_wait3A_200 : memref<8192xf32, #tpu.memory_space<hbm>>)
      tpu.yield
    }) : () -> ()
    return
  }
}

module attributes {stable_mosaic.version = 14 : i64} {
  func.func @_params_kernel(%arg0: memref<64x8192xf32, #tpu.memory_space<vmem>>, %arg1: memref<128x128xf32, #tpu.memory_space<vmem>>, %arg2: memref<512x512xf32, #tpu.memory_space<vmem>>, %arg3: memref<128x128xf32, #tpu.memory_space<vmem>>, %arg4: memref<8x64xf32, #tpu.memory_space<vmem>>, %arg5: memref<8x64xf32, #tpu.memory_space<vmem>>, %arg6: memref<8x128xf32, #tpu.memory_space<vmem>>) attributes {dimension_semantics = [], scalar_prefetch = 0 : i64, scratch_operands = 0 : i64, tpu.core_type = #tpu.core_type<tc>} {
    %get3A = arith.constant 0 : index
    %get3A_0 = arith.constant 0 : index
    %get3A_1 = vector.load %arg0[%get3A, %get3A_0] : memref<64x8192xf32, #tpu.memory_space<vmem>>, vector<64x8192xf32>
    %get3A_2 = arith.constant 0 : index
    %get3A_3 = arith.constant 0 : index
    %get3A_4 = vector.load %arg1[%get3A_2, %get3A_3] : memref<128x128xf32, #tpu.memory_space<vmem>>, vector<128x128xf32>
    %get3A_5 = arith.constant 0 : index
    %get3A_6 = arith.constant 0 : index
    %get3A_7 = vector.load %arg2[%get3A_5, %get3A_6] : memref<512x512xf32, #tpu.memory_space<vmem>>, vector<512x512xf32>
    %get3A_8 = arith.constant 0 : index
    %get3A_9 = arith.constant 0 : index
    %get3A_10 = vector.load %arg3[%get3A_8, %get3A_9] : memref<128x128xf32, #tpu.memory_space<vmem>>, vector<128x128xf32>
    %get3A_11 = arith.constant 0 : index
    %get3A_12 = arith.constant 0 : index
    %get3A_13 = vector.load %arg4[%get3A_11, %get3A_12] : memref<8x64xf32, #tpu.memory_space<vmem>>, vector<8x64xf32>
    %dot_general3A = arith.constant dense<0.000000e+00> : vector<8x8192xf32>
    %dot_general3A_14 = tpu.matmul %get3A_13, %get3A_1, %dot_general3A {dimension_numbers = #tpu.dot_dimension_numbers<[1], [0], [0], [1], [0, 0, 1, 1], [], []>, precision = #tpu.contract_precision<fp32>, transpose_lhs_hint = false} : vector<8x64xf32>, vector<64x8192xf32>, vector<8x8192xf32> -> vector<8x8192xf32>
    %get3A_15 = arith.constant 0 : index
    %get3A_16 = arith.constant 0 : index
    %get3A_17 = vector.load %arg5[%get3A_15, %get3A_16] : memref<8x64xf32, #tpu.memory_space<vmem>>, vector<8x64xf32>
    %dot_general3A_18 = arith.constant dense<0.000000e+00> : vector<8x8192xf32>
    %dot_general3A_19 = tpu.matmul %get3A_17, %get3A_1, %dot_general3A_18 {dimension_numbers = #tpu.dot_dimension_numbers<[1], [0], [0], [1], [0, 0, 1, 1], [], []>, precision = #tpu.contract_precision<fp32>, transpose_lhs_hint = false} : vector<8x64xf32>, vector<64x8192xf32>, vector<8x8192xf32> -> vector<8x8192xf32>
    %iota3A = tpu.iota {dimensions = array<i32: 1>} : vector<8x8192xi32>
    %convert_element_type3A = arith.sitofp %iota3A : vector<8x8192xi32> to vector<8x8192xf32>
    %add3A = arith.constant 5.000000e-01 : f32
    %add3A_20 = vector.broadcast %add3A : f32 to vector<8x8192xf32>
    %add3A_21 = arith.addf %convert_element_type3A, %add3A_20 : vector<8x8192xf32>
    %mul3A = arith.constant 1.22070313E-4 : f32
    %mul3A_22 = vector.broadcast %mul3A : f32 to vector<8x8192xf32>
    %mul3A_23 = arith.mulf %add3A_21, %mul3A_22 : vector<8x8192xf32>
    %reshape3A = vector.shape_cast %dot_general3A_14 : vector<8x8192xf32> to vector<512x128xf32>
    %dot_general3A_24 = arith.constant dense<0.000000e+00> : vector<512x128xf32>
    %dot_general3A_25 = tpu.matmul %reshape3A, %get3A_4, %dot_general3A_24 {dimension_numbers = #tpu.dot_dimension_numbers<[1], [0], [0], [1], [0, 0, 1, 1], [], []>, precision = #tpu.contract_precision<fp32>, transpose_lhs_hint = false} : vector<512x128xf32>, vector<128x128xf32>, vector<512x128xf32> -> vector<512x128xf32>
    %dot_general3A_26 = arith.constant dense<0.000000e+00> : vector<512x128xf32>
    %dot_general3A_27 = tpu.matmul %get3A_7, %reshape3A, %dot_general3A_26 {dimension_numbers = #tpu.dot_dimension_numbers<[1], [0], [0], [1], [0, 0, 1, 1], [], []>, precision = #tpu.contract_precision<fp32>, transpose_lhs_hint = false} : vector<512x512xf32>, vector<512x128xf32>, vector<512x128xf32> -> vector<512x128xf32>
    %dot_general3A_28 = arith.constant dense<0.000000e+00> : vector<512x128xf32>
    %dot_general3A_29 = tpu.matmul %dot_general3A_27, %get3A_10, %dot_general3A_28 {dimension_numbers = #tpu.dot_dimension_numbers<[1], [0], [0], [1], [0, 0, 1, 1], [], []>, precision = #tpu.contract_precision<fp32>, transpose_lhs_hint = false} : vector<512x128xf32>, vector<128x128xf32>, vector<512x128xf32> -> vector<512x128xf32>
    %add3A_30 = arith.addf %dot_general3A_25, %dot_general3A_29 : vector<512x128xf32>
    %reshape3A_31 = vector.shape_cast %add3A_30 : vector<512x128xf32> to vector<8x8192xf32>
    %lt3A = arith.constant 131071.5 : f32
    %lt3A_32 = vector.broadcast %lt3A : f32 to vector<8x8192xf32>
    %lt3A_33 = arith.cmpf olt, %reshape3A_31, %lt3A_32 : vector<8x8192xf32>
    %convert_element_type3A_34 = arith.extui %lt3A_33 : vector<8x8192xi1> to vector<8x8192xi32>
    %convert_element_type3A_35 = arith.sitofp %convert_element_type3A_34 : vector<8x8192xi32> to vector<8x8192xf32>
    %reduce_sum3A = arith.constant dense<0.000000e+00> : vector<8xf32>
    %reduce_sum3A_36 = vector.multi_reduction <add>, %convert_element_type3A_35, %reduce_sum3A [1] : vector<8x8192xf32> to vector<8xf32>
    %broadcast_in_dim3A = vector.shape_cast %reduce_sum3A_36 : vector<8xf32> to vector<8x1xf32>
    %mul3A_37 = arith.mulf %dot_general3A_14, %convert_element_type3A_35 : vector<8x8192xf32>
    %reduce_sum3A_38 = arith.constant dense<0.000000e+00> : vector<8xf32>
    %reduce_sum3A_39 = vector.multi_reduction <add>, %mul3A_37, %reduce_sum3A_38 [1] : vector<8x8192xf32> to vector<8xf32>
    %broadcast_in_dim3A_40 = vector.shape_cast %reduce_sum3A_39 : vector<8xf32> to vector<8x1xf32>
    %eq3A = vector.broadcast %broadcast_in_dim3A : vector<8x1xf32> to vector<8x8192xf32>
    %eq3A_41 = arith.cmpf oeq, %convert_element_type3A, %eq3A : vector<8x8192xf32>
    %convert_element_type3A_42 = arith.extui %eq3A_41 : vector<8x8192xi1> to vector<8x8192xi32>
    %convert_element_type3A_43 = arith.sitofp %convert_element_type3A_42 : vector<8x8192xi32> to vector<8x8192xf32>
    %mul3A_44 = arith.mulf %dot_general3A_14, %convert_element_type3A_43 : vector<8x8192xf32>
    %reduce_sum3A_45 = arith.constant dense<0.000000e+00> : vector<8xf32>
    %reduce_sum3A_46 = vector.multi_reduction <add>, %mul3A_44, %reduce_sum3A_45 [1] : vector<8x8192xf32> to vector<8xf32>
    %broadcast_in_dim3A_47 = vector.shape_cast %reduce_sum3A_46 : vector<8xf32> to vector<8x1xf32>
    %max3A = arith.constant 1.000000e+00 : f32
    %max3A_48 = vector.broadcast %max3A : f32 to vector<8x1xf32>
    %max3A_49 = arith.maximumf %broadcast_in_dim3A_47, %max3A_48 : vector<8x1xf32>
    %sub3A = arith.constant 1.310710e+05 : f32
    %sub3A_50 = vector.broadcast %sub3A : f32 to vector<8x1xf32>
    %sub3A_51 = arith.subf %sub3A_50, %broadcast_in_dim3A_40 : vector<8x1xf32>
    %add3A_52 = arith.constant 5.000000e-01 : f32
    %add3A_53 = vector.broadcast %add3A_52 : f32 to vector<8x1xf32>
    %add3A_54 = arith.addf %sub3A_51, %add3A_53 : vector<8x1xf32>
    %div3A = arith.divf %add3A_54, %max3A_49 : vector<8x1xf32>
    %add3A_55 = arith.addf %broadcast_in_dim3A, %div3A : vector<8x1xf32>
    %lt3A_56 = arith.constant 131072.5 : f32
    %lt3A_57 = vector.broadcast %lt3A_56 : f32 to vector<8x8192xf32>
    %lt3A_58 = arith.cmpf olt, %reshape3A_31, %lt3A_57 : vector<8x8192xf32>
    %convert_element_type3A_59 = arith.extui %lt3A_58 : vector<8x8192xi1> to vector<8x8192xi32>
    %convert_element_type3A_60 = arith.sitofp %convert_element_type3A_59 : vector<8x8192xi32> to vector<8x8192xf32>
    %reduce_sum3A_61 = arith.constant dense<0.000000e+00> : vector<8xf32>
    %reduce_sum3A_62 = vector.multi_reduction <add>, %convert_element_type3A_60, %reduce_sum3A_61 [1] : vector<8x8192xf32> to vector<8xf32>
    %broadcast_in_dim3A_63 = vector.shape_cast %reduce_sum3A_62 : vector<8xf32> to vector<8x1xf32>
    %mul3A_64 = arith.mulf %dot_general3A_14, %convert_element_type3A_60 : vector<8x8192xf32>
    %reduce_sum3A_65 = arith.constant dense<0.000000e+00> : vector<8xf32>
    %reduce_sum3A_66 = vector.multi_reduction <add>, %mul3A_64, %reduce_sum3A_65 [1] : vector<8x8192xf32> to vector<8xf32>
    %broadcast_in_dim3A_67 = vector.shape_cast %reduce_sum3A_66 : vector<8xf32> to vector<8x1xf32>
    %eq3A_68 = vector.broadcast %broadcast_in_dim3A_63 : vector<8x1xf32> to vector<8x8192xf32>
    %eq3A_69 = arith.cmpf oeq, %convert_element_type3A, %eq3A_68 : vector<8x8192xf32>
    %convert_element_type3A_70 = arith.extui %eq3A_69 : vector<8x8192xi1> to vector<8x8192xi32>
    %convert_element_type3A_71 = arith.sitofp %convert_element_type3A_70 : vector<8x8192xi32> to vector<8x8192xf32>
    %mul3A_72 = arith.mulf %dot_general3A_14, %convert_element_type3A_71 : vector<8x8192xf32>
    %reduce_sum3A_73 = arith.constant dense<0.000000e+00> : vector<8xf32>
    %reduce_sum3A_74 = vector.multi_reduction <add>, %mul3A_72, %reduce_sum3A_73 [1] : vector<8x8192xf32> to vector<8xf32>
    %broadcast_in_dim3A_75 = vector.shape_cast %reduce_sum3A_74 : vector<8xf32> to vector<8x1xf32>
    %max3A_76 = arith.constant 1.000000e+00 : f32
    %max3A_77 = vector.broadcast %max3A_76 : f32 to vector<8x1xf32>
    %max3A_78 = arith.maximumf %broadcast_in_dim3A_75, %max3A_77 : vector<8x1xf32>
    %sub3A_79 = arith.constant 1.310720e+05 : f32
    %sub3A_80 = vector.broadcast %sub3A_79 : f32 to vector<8x1xf32>
    %sub3A_81 = arith.subf %sub3A_80, %broadcast_in_dim3A_67 : vector<8x1xf32>
    %add3A_82 = arith.constant 5.000000e-01 : f32
    %add3A_83 = vector.broadcast %add3A_82 : f32 to vector<8x1xf32>
    %add3A_84 = arith.addf %sub3A_81, %add3A_83 : vector<8x1xf32>
    %div3A_85 = arith.divf %add3A_84, %max3A_78 : vector<8x1xf32>
    %add3A_86 = arith.addf %broadcast_in_dim3A_63, %div3A_85 : vector<8x1xf32>
    %add3A_87 = arith.addf %add3A_55, %add3A_86 : vector<8x1xf32>
    %mul3A_88 = arith.constant 6.10351563E-5 : f32
    %mul3A_89 = vector.broadcast %mul3A_88 : f32 to vector<8x1xf32>
    %mul3A_90 = arith.mulf %add3A_87, %mul3A_89 : vector<8x1xf32>
    %sub3A_91 = vector.broadcast %mul3A_90 : vector<8x1xf32> to vector<8x8192xf32>
    %sub3A_92 = arith.subf %mul3A_23, %sub3A_91 : vector<8x8192xf32>
    %abs3A = math.absf %sub3A_92 : vector<8x8192xf32>
    %mul3A_93 = arith.mulf %dot_general3A_14, %abs3A : vector<8x8192xf32>
    %reduce_sum3A_94 = arith.constant dense<0.000000e+00> : vector<8xf32>
    %reduce_sum3A_95 = vector.multi_reduction <add>, %mul3A_93, %reduce_sum3A_94 [1] : vector<8x8192xf32> to vector<8xf32>
    %broadcast_in_dim3A_96 = vector.shape_cast %reduce_sum3A_95 : vector<8xf32> to vector<8x1xf32>
    %reduce_sum3A_97 = vector.shape_cast %broadcast_in_dim3A_96 : vector<8x1xf32> to vector<1x8x1xf32>
    %reduce_sum3A_98 = arith.constant dense<0.000000e+00> : vector<1xf32>
    %reduce_sum3A_99 = vector.multi_reduction <add>, %reduce_sum3A_97, %reduce_sum3A_98 [1, 2] : vector<1x8x1xf32> to vector<1xf32>
    %reduce_sum3A_100 = vector.shape_cast %reduce_sum3A_99 : vector<1xf32> to vector<1x1x1xf32>
    %reduce_sum3A_101 = vector.extract %reduce_sum3A_100[0, 0, 0] : f32 from vector<1x1x1xf32>
    %add3A_102 = arith.constant 9.99999993E-9 : f32
    %add3A_103 = arith.addf %reduce_sum3A_101, %add3A_102 : f32
    %div3A_104 = arith.constant 2.621440e+05 : f32
    %div3A_105 = arith.divf %add3A_103, %div3A_104 : f32
    %reshape3A_106 = vector.shape_cast %dot_general3A_19 : vector<8x8192xf32> to vector<512x128xf32>
    %dot_general3A_107 = arith.constant dense<0.000000e+00> : vector<512x128xf32>
    %dot_general3A_108 = tpu.matmul %reshape3A_106, %get3A_4, %dot_general3A_107 {dimension_numbers = #tpu.dot_dimension_numbers<[1], [0], [0], [1], [0, 0, 1, 1], [], []>, precision = #tpu.contract_precision<fp32>, transpose_lhs_hint = false} : vector<512x128xf32>, vector<128x128xf32>, vector<512x128xf32> -> vector<512x128xf32>
    %dot_general3A_109 = arith.constant dense<0.000000e+00> : vector<512x128xf32>
    %dot_general3A_110 = tpu.matmul %get3A_7, %reshape3A_106, %dot_general3A_109 {dimension_numbers = #tpu.dot_dimension_numbers<[1], [0], [0], [1], [0, 0, 1, 1], [], []>, precision = #tpu.contract_precision<fp32>, transpose_lhs_hint = false} : vector<512x512xf32>, vector<512x128xf32>, vector<512x128xf32> -> vector<512x128xf32>
    %dot_general3A_111 = arith.constant dense<0.000000e+00> : vector<512x128xf32>
    %dot_general3A_112 = tpu.matmul %dot_general3A_110, %get3A_10, %dot_general3A_111 {dimension_numbers = #tpu.dot_dimension_numbers<[1], [0], [0], [1], [0, 0, 1, 1], [], []>, precision = #tpu.contract_precision<fp32>, transpose_lhs_hint = false} : vector<512x128xf32>, vector<128x128xf32>, vector<512x128xf32> -> vector<512x128xf32>
    %add3A_113 = arith.addf %dot_general3A_108, %dot_general3A_112 : vector<512x128xf32>
    %reshape3A_114 = vector.shape_cast %add3A_113 : vector<512x128xf32> to vector<8x8192xf32>
    %lt3A_115 = arith.constant 131071.5 : f32
    %lt3A_116 = vector.broadcast %lt3A_115 : f32 to vector<8x8192xf32>
    %lt3A_117 = arith.cmpf olt, %reshape3A_114, %lt3A_116 : vector<8x8192xf32>
    %convert_element_type3A_118 = arith.extui %lt3A_117 : vector<8x8192xi1> to vector<8x8192xi32>
    %convert_element_type3A_119 = arith.sitofp %convert_element_type3A_118 : vector<8x8192xi32> to vector<8x8192xf32>
    %reduce_sum3A_120 = arith.constant dense<0.000000e+00> : vector<8xf32>
    %reduce_sum3A_121 = vector.multi_reduction <add>, %convert_element_type3A_119, %reduce_sum3A_120 [1] : vector<8x8192xf32> to vector<8xf32>
    %broadcast_in_dim3A_122 = vector.shape_cast %reduce_sum3A_121 : vector<8xf32> to vector<8x1xf32>
    %mul3A_123 = arith.mulf %dot_general3A_19, %convert_element_type3A_119 : vector<8x8192xf32>
    %reduce_sum3A_124 = arith.constant dense<0.000000e+00> : vector<8xf32>
    %reduce_sum3A_125 = vector.multi_reduction <add>, %mul3A_123, %reduce_sum3A_124 [1] : vector<8x8192xf32> to vector<8xf32>
    %broadcast_in_dim3A_126 = vector.shape_cast %reduce_sum3A_125 : vector<8xf32> to vector<8x1xf32>
    %eq3A_127 = vector.broadcast %broadcast_in_dim3A_122 : vector<8x1xf32> to vector<8x8192xf32>
    %eq3A_128 = arith.cmpf oeq, %convert_element_type3A, %eq3A_127 : vector<8x8192xf32>
    %convert_element_type3A_129 = arith.extui %eq3A_128 : vector<8x8192xi1> to vector<8x8192xi32>
    %convert_element_type3A_130 = arith.sitofp %convert_element_type3A_129 : vector<8x8192xi32> to vector<8x8192xf32>
    %mul3A_131 = arith.mulf %dot_general3A_19, %convert_element_type3A_130 : vector<8x8192xf32>
    %reduce_sum3A_132 = arith.constant dense<0.000000e+00> : vector<8xf32>
    %reduce_sum3A_133 = vector.multi_reduction <add>, %mul3A_131, %reduce_sum3A_132 [1] : vector<8x8192xf32> to vector<8xf32>
    %broadcast_in_dim3A_134 = vector.shape_cast %reduce_sum3A_133 : vector<8xf32> to vector<8x1xf32>
    %max3A_135 = arith.constant 1.000000e+00 : f32
    %max3A_136 = vector.broadcast %max3A_135 : f32 to vector<8x1xf32>
    %max3A_137 = arith.maximumf %broadcast_in_dim3A_134, %max3A_136 : vector<8x1xf32>
    %sub3A_138 = arith.constant 1.310710e+05 : f32
    %sub3A_139 = vector.broadcast %sub3A_138 : f32 to vector<8x1xf32>
    %sub3A_140 = arith.subf %sub3A_139, %broadcast_in_dim3A_126 : vector<8x1xf32>
    %add3A_141 = arith.constant 5.000000e-01 : f32
    %add3A_142 = vector.broadcast %add3A_141 : f32 to vector<8x1xf32>
    %add3A_143 = arith.addf %sub3A_140, %add3A_142 : vector<8x1xf32>
    %div3A_144 = arith.divf %add3A_143, %max3A_137 : vector<8x1xf32>
    %add3A_145 = arith.addf %broadcast_in_dim3A_122, %div3A_144 : vector<8x1xf32>
    %lt3A_146 = arith.constant 131072.5 : f32
    %lt3A_147 = vector.broadcast %lt3A_146 : f32 to vector<8x8192xf32>
    %lt3A_148 = arith.cmpf olt, %reshape3A_114, %lt3A_147 : vector<8x8192xf32>
    %convert_element_type3A_149 = arith.extui %lt3A_148 : vector<8x8192xi1> to vector<8x8192xi32>
    %convert_element_type3A_150 = arith.sitofp %convert_element_type3A_149 : vector<8x8192xi32> to vector<8x8192xf32>
    %reduce_sum3A_151 = arith.constant dense<0.000000e+00> : vector<8xf32>
    %reduce_sum3A_152 = vector.multi_reduction <add>, %convert_element_type3A_150, %reduce_sum3A_151 [1] : vector<8x8192xf32> to vector<8xf32>
    %broadcast_in_dim3A_153 = vector.shape_cast %reduce_sum3A_152 : vector<8xf32> to vector<8x1xf32>
    %mul3A_154 = arith.mulf %dot_general3A_19, %convert_element_type3A_150 : vector<8x8192xf32>
    %reduce_sum3A_155 = arith.constant dense<0.000000e+00> : vector<8xf32>
    %reduce_sum3A_156 = vector.multi_reduction <add>, %mul3A_154, %reduce_sum3A_155 [1] : vector<8x8192xf32> to vector<8xf32>
    %broadcast_in_dim3A_157 = vector.shape_cast %reduce_sum3A_156 : vector<8xf32> to vector<8x1xf32>
    %eq3A_158 = vector.broadcast %broadcast_in_dim3A_153 : vector<8x1xf32> to vector<8x8192xf32>
    %eq3A_159 = arith.cmpf oeq, %convert_element_type3A, %eq3A_158 : vector<8x8192xf32>
    %convert_element_type3A_160 = arith.extui %eq3A_159 : vector<8x8192xi1> to vector<8x8192xi32>
    %convert_element_type3A_161 = arith.sitofp %convert_element_type3A_160 : vector<8x8192xi32> to vector<8x8192xf32>
    %mul3A_162 = arith.mulf %dot_general3A_19, %convert_element_type3A_161 : vector<8x8192xf32>
    %reduce_sum3A_163 = arith.constant dense<0.000000e+00> : vector<8xf32>
    %reduce_sum3A_164 = vector.multi_reduction <add>, %mul3A_162, %reduce_sum3A_163 [1] : vector<8x8192xf32> to vector<8xf32>
    %broadcast_in_dim3A_165 = vector.shape_cast %reduce_sum3A_164 : vector<8xf32> to vector<8x1xf32>
    %max3A_166 = arith.constant 1.000000e+00 : f32
    %max3A_167 = vector.broadcast %max3A_166 : f32 to vector<8x1xf32>
    %max3A_168 = arith.maximumf %broadcast_in_dim3A_165, %max3A_167 : vector<8x1xf32>
    %sub3A_169 = arith.constant 1.310720e+05 : f32
    %sub3A_170 = vector.broadcast %sub3A_169 : f32 to vector<8x1xf32>
    %sub3A_171 = arith.subf %sub3A_170, %broadcast_in_dim3A_157 : vector<8x1xf32>
    %add3A_172 = arith.constant 5.000000e-01 : f32
    %add3A_173 = vector.broadcast %add3A_172 : f32 to vector<8x1xf32>
    %add3A_174 = arith.addf %sub3A_171, %add3A_173 : vector<8x1xf32>
    %div3A_175 = arith.divf %add3A_174, %max3A_168 : vector<8x1xf32>
    %add3A_176 = arith.addf %broadcast_in_dim3A_153, %div3A_175 : vector<8x1xf32>
    %add3A_177 = arith.addf %add3A_145, %add3A_176 : vector<8x1xf32>
    %mul3A_178 = arith.constant 6.10351563E-5 : f32
    %mul3A_179 = vector.broadcast %mul3A_178 : f32 to vector<8x1xf32>
    %mul3A_180 = arith.mulf %add3A_177, %mul3A_179 : vector<8x1xf32>
    %sub3A_181 = vector.broadcast %mul3A_180 : vector<8x1xf32> to vector<8x8192xf32>
    %sub3A_182 = arith.subf %mul3A_23, %sub3A_181 : vector<8x8192xf32>
    %abs3A_183 = math.absf %sub3A_182 : vector<8x8192xf32>
    %mul3A_184 = arith.mulf %dot_general3A_19, %abs3A_183 : vector<8x8192xf32>
    %reduce_sum3A_185 = arith.constant dense<0.000000e+00> : vector<8xf32>
    %reduce_sum3A_186 = vector.multi_reduction <add>, %mul3A_184, %reduce_sum3A_185 [1] : vector<8x8192xf32> to vector<8xf32>
    %broadcast_in_dim3A_187 = vector.shape_cast %reduce_sum3A_186 : vector<8xf32> to vector<8x1xf32>
    %reduce_sum3A_188 = vector.shape_cast %broadcast_in_dim3A_187 : vector<8x1xf32> to vector<1x8x1xf32>
    %reduce_sum3A_189 = arith.constant dense<0.000000e+00> : vector<1xf32>
    %reduce_sum3A_190 = vector.multi_reduction <add>, %reduce_sum3A_188, %reduce_sum3A_189 [1, 2] : vector<1x8x1xf32> to vector<1xf32>
    %reduce_sum3A_191 = vector.shape_cast %reduce_sum3A_190 : vector<1xf32> to vector<1x1x1xf32>
    %reduce_sum3A_192 = vector.extract %reduce_sum3A_191[0, 0, 0] : f32 from vector<1x1x1xf32>
    %add3A_193 = arith.constant 9.99999993E-9 : f32
    %add3A_194 = arith.addf %reduce_sum3A_192, %add3A_193 : f32
    %div3A_195 = arith.constant 2.621440e+05 : f32
    %div3A_196 = arith.divf %add3A_194, %div3A_195 : f32
    %div3A_197 = arith.constant 1.000000e+00 : f32
    %div3A_198 = arith.divf %div3A_197, %div3A_105 : f32
    %broadcast_in_dim3A_199 = vector.broadcast %div3A_198 : f32 to vector<8x1xf32>
    %div3A_200 = arith.constant 1.000000e+00 : f32
    %div3A_201 = arith.divf %div3A_200, %div3A_196 : f32
    %broadcast_in_dim3A_202 = vector.broadcast %div3A_201 : f32 to vector<8x1xf32>
    %sub3A_203 = arith.constant 1.000000e+00 : f32
    %sub3A_204 = vector.broadcast %sub3A_203 : f32 to vector<8x1xf32>
    %sub3A_205 = arith.subf %sub3A_204, %mul3A_90 : vector<8x1xf32>
    %max3A_206 = arith.maximumf %mul3A_90, %sub3A_205 : vector<8x1xf32>
    %div3A_207 = vector.broadcast %div3A_105 : f32 to vector<8x1xf32>
    %div3A_208 = arith.divf %max3A_206, %div3A_207 : vector<8x1xf32>
    %sub3A_209 = arith.constant 1.000000e+00 : f32
    %sub3A_210 = vector.broadcast %sub3A_209 : f32 to vector<8x1xf32>
    %sub3A_211 = arith.subf %sub3A_210, %mul3A_180 : vector<8x1xf32>
    %max3A_212 = arith.maximumf %mul3A_180, %sub3A_211 : vector<8x1xf32>
    %div3A_213 = vector.broadcast %div3A_196 : f32 to vector<8x1xf32>
    %div3A_214 = arith.divf %max3A_212, %div3A_213 : vector<8x1xf32>
    %add3A_215 = arith.addf %div3A_208, %div3A_214 : vector<8x1xf32>
    %mul3A_216 = arith.constant 1.00097656 : f32
    %mul3A_217 = vector.broadcast %mul3A_216 : f32 to vector<8x1xf32>
    %mul3A_218 = arith.mulf %add3A_215, %mul3A_217 : vector<8x1xf32>
    %div3A_219 = arith.constant 8.192000e+03 : f32
    %div3A_220 = vector.broadcast %div3A_219 : f32 to vector<8x1xf32>
    %div3A_221 = arith.divf %div3A_220, %mul3A_218 : vector<8x1xf32>
    %div3A_222 = arith.constant 8.192000e+03 : f32
    %div3A_223 = vector.broadcast %div3A_222 : f32 to vector<8x1xf32>
    %div3A_224 = arith.divf %mul3A_218, %div3A_223 : vector<8x1xf32>
    %broadcast_in_dim3A_225 = arith.constant 0.000000e+00 : f32
    %broadcast_in_dim3A_226 = vector.broadcast %broadcast_in_dim3A_225 : f32 to vector<8x122xf32>
    %concatenate3A = tpu.concatenate %mul3A_90, %mul3A_180, %broadcast_in_dim3A_199, %broadcast_in_dim3A_202, %div3A_221, %div3A_224, %broadcast_in_dim3A_226 in 1 : vector<8x1xf32>, vector<8x1xf32>, vector<8x1xf32>, vector<8x1xf32>, vector<8x1xf32>, vector<8x1xf32>, vector<8x122xf32> -> vector<8x128xf32>
    %swap3A = arith.constant 0 : index
    %swap3A_227 = arith.constant 0 : index
    %swap3A_228 = vector.load %arg6[%swap3A, %swap3A_227] : memref<8x128xf32, #tpu.memory_space<vmem>>, vector<8x128xf32>
    tpu.vector_store %arg6[%swap3A, %swap3A_227], %concatenate3A {strides = array<i32>} : memref<8x128xf32, #tpu.memory_space<vmem>>, vector<8x128xf32>,
    return
  }
}

module attributes {stable_mosaic.version = 14 : i64} {
  func.func @_loss_kernel(%arg0: memref<32x8192xf32, #tpu.memory_space<vmem>>, %arg1: memref<8x128xf32, #tpu.memory_space<vmem>>, %arg2: memref<128x128xf32, #tpu.memory_space<vmem>>, %arg3: memref<512x512xf32, #tpu.memory_space<vmem>>, %arg4: memref<128x128xf32, #tpu.memory_space<vmem>>, %arg5: memref<8x32xf32, #tpu.memory_space<vmem>>, %arg6: memref<1x1xf32, #tpu.memory_space<vmem>>) attributes {dimension_semantics = [], scalar_prefetch = 0 : i64, scratch_operands = 0 : i64, tpu.core_type = #tpu.core_type<tc>} {
    %get3A = arith.constant 0 : index
    %get3A_0 = arith.constant 0 : index
    %get3A_1 = vector.load %arg0[%get3A, %get3A_0] : memref<32x8192xf32, #tpu.memory_space<vmem>>, vector<32x8192xf32>
    %get3A_2 = arith.constant 0 : index
    %get3A_3 = arith.constant 0 : index
    %get3A_4 = vector.load %arg5[%get3A_2, %get3A_3] : memref<8x32xf32, #tpu.memory_space<vmem>>, vector<8x32xf32>
    %dot_general3A = arith.constant dense<0.000000e+00> : vector<8x8192xf32>
    %dot_general3A_5 = tpu.matmul %get3A_4, %get3A_1, %dot_general3A {dimension_numbers = #tpu.dot_dimension_numbers<[1], [0], [0], [1], [0, 0, 1, 1], [], []>, precision = #tpu.contract_precision<fp32>, transpose_lhs_hint = false} : vector<8x32xf32>, vector<32x8192xf32>, vector<8x8192xf32> -> vector<8x8192xf32>
    %get3A_6 = arith.constant 0 : index
    %get3A_7 = arith.constant 5 : index
    %get3A_8 = vector.load %arg1[%get3A_6, %get3A_7] : memref<8x128xf32, #tpu.memory_space<vmem>>, vector<8x1xf32>
    %get3A_9 = arith.constant 0 : index
    %get3A_10 = arith.constant 0 : index
    %get3A_11 = vector.load %arg2[%get3A_9, %get3A_10] : memref<128x128xf32, #tpu.memory_space<vmem>>, vector<128x128xf32>
    %get3A_12 = arith.constant 0 : index
    %get3A_13 = arith.constant 0 : index
    %get3A_14 = vector.load %arg3[%get3A_12, %get3A_13] : memref<512x512xf32, #tpu.memory_space<vmem>>, vector<512x512xf32>
    %get3A_15 = arith.constant 0 : index
    %get3A_16 = arith.constant 0 : index
    %get3A_17 = vector.load %arg4[%get3A_15, %get3A_16] : memref<128x128xf32, #tpu.memory_space<vmem>>, vector<128x128xf32>
    %reshape3A = vector.shape_cast %dot_general3A_5 : vector<8x8192xf32> to vector<512x128xf32>
    %dot_general3A_18 = arith.constant dense<0.000000e+00> : vector<512x128xf32>
    %dot_general3A_19 = tpu.matmul %reshape3A, %get3A_11, %dot_general3A_18 {dimension_numbers = #tpu.dot_dimension_numbers<[1], [0], [0], [1], [0, 0, 1, 1], [], []>, precision = #tpu.contract_precision<fp32>, transpose_lhs_hint = false} : vector<512x128xf32>, vector<128x128xf32>, vector<512x128xf32> -> vector<512x128xf32>
    %dot_general3A_20 = arith.constant dense<0.000000e+00> : vector<512x128xf32>
    %dot_general3A_21 = tpu.matmul %get3A_14, %reshape3A, %dot_general3A_20 {dimension_numbers = #tpu.dot_dimension_numbers<[1], [0], [0], [1], [0, 0, 1, 1], [], []>, precision = #tpu.contract_precision<fp32>, transpose_lhs_hint = false} : vector<512x512xf32>, vector<512x128xf32>, vector<512x128xf32> -> vector<512x128xf32>
    %dot_general3A_22 = arith.constant dense<0.000000e+00> : vector<512x128xf32>
    %dot_general3A_23 = tpu.matmul %dot_general3A_21, %get3A_17, %dot_general3A_22 {dimension_numbers = #tpu.dot_dimension_numbers<[1], [0], [0], [1], [0, 0, 1, 1], [], []>, precision = #tpu.contract_precision<fp32>, transpose_lhs_hint = false} : vector<512x128xf32>, vector<128x128xf32>, vector<512x128xf32> -> vector<512x128xf32>
    %add3A = arith.addf %dot_general3A_19, %dot_general3A_23 : vector<512x128xf32>
    %reshape3A_24 = vector.shape_cast %add3A : vector<512x128xf32> to vector<8x8192xf32>
    %iota3A = tpu.iota {dimensions = array<i32: 1>} : vector<8x8192xi32>
    %convert_element_type3A = arith.sitofp %iota3A : vector<8x8192xi32> to vector<8x8192xf32>
    %lt3A = arith.constant 209714.5 : f32
    %lt3A_25 = vector.broadcast %lt3A : f32 to vector<8x8192xf32>
    %lt3A_26 = arith.cmpf olt, %reshape3A_24, %lt3A_25 : vector<8x8192xf32>
    %convert_element_type3A_27 = arith.extui %lt3A_26 : vector<8x8192xi1> to vector<8x8192xi32>
    %convert_element_type3A_28 = arith.sitofp %convert_element_type3A_27 : vector<8x8192xi32> to vector<8x8192xf32>
    %reduce_sum3A = arith.constant dense<0.000000e+00> : vector<8xf32>
    %reduce_sum3A_29 = vector.multi_reduction <add>, %convert_element_type3A_28, %reduce_sum3A [1] : vector<8x8192xf32> to vector<8xf32>
    %broadcast_in_dim3A = vector.shape_cast %reduce_sum3A_29 : vector<8xf32> to vector<8x1xf32>
    %mul3A = arith.mulf %dot_general3A_5, %convert_element_type3A_28 : vector<8x8192xf32>
    %reduce_sum3A_30 = arith.constant dense<0.000000e+00> : vector<8xf32>
    %reduce_sum3A_31 = vector.multi_reduction <add>, %mul3A, %reduce_sum3A_30 [1] : vector<8x8192xf32> to vector<8xf32>
    %broadcast_in_dim3A_32 = vector.shape_cast %reduce_sum3A_31 : vector<8xf32> to vector<8x1xf32>
    %eq3A = vector.broadcast %broadcast_in_dim3A : vector<8x1xf32> to vector<8x8192xf32>
    %eq3A_33 = arith.cmpf oeq, %convert_element_type3A, %eq3A : vector<8x8192xf32>
    %convert_element_type3A_34 = arith.extui %eq3A_33 : vector<8x8192xi1> to vector<8x8192xi32>
    %convert_element_type3A_35 = arith.sitofp %convert_element_type3A_34 : vector<8x8192xi32> to vector<8x8192xf32>
    %mul3A_36 = arith.mulf %dot_general3A_5, %convert_element_type3A_35 : vector<8x8192xf32>
    %reduce_sum3A_37 = arith.constant dense<0.000000e+00> : vector<8xf32>
    %reduce_sum3A_38 = vector.multi_reduction <add>, %mul3A_36, %reduce_sum3A_37 [1] : vector<8x8192xf32> to vector<8xf32>
    %broadcast_in_dim3A_39 = vector.shape_cast %reduce_sum3A_38 : vector<8xf32> to vector<8x1xf32>
    %max3A = arith.constant 1.000000e+00 : f32
    %max3A_40 = vector.broadcast %max3A : f32 to vector<8x1xf32>
    %max3A_41 = arith.maximumf %broadcast_in_dim3A_39, %max3A_40 : vector<8x1xf32>
    %add3A_42 = arith.constant 5.000000e-01 : f32
    %add3A_43 = vector.broadcast %add3A_42 : f32 to vector<8x8192xf32>
    %add3A_44 = arith.addf %convert_element_type3A, %add3A_43 : vector<8x8192xf32>
    %mul3A_45 = vector.broadcast %get3A_8 : vector<8x1xf32> to vector<8x8192xf32>
    %mul3A_46 = arith.mulf %add3A_44, %mul3A_45 : vector<8x8192xf32>
    %mul3A_47 = arith.mulf %dot_general3A_5, %mul3A_46 : vector<8x8192xf32>
    %mul3A_48 = arith.mulf %mul3A_47, %convert_element_type3A_28 : vector<8x8192xf32>
    %reduce_sum3A_49 = arith.constant dense<0.000000e+00> : vector<8xf32>
    %reduce_sum3A_50 = vector.multi_reduction <add>, %mul3A_48, %reduce_sum3A_49 [1] : vector<8x8192xf32> to vector<8xf32>
    %broadcast_in_dim3A_51 = vector.shape_cast %reduce_sum3A_50 : vector<8xf32> to vector<8x1xf32>
    %sub3A = arith.constant 2.097150e+05 : f32
    %sub3A_52 = vector.broadcast %sub3A : f32 to vector<8x1xf32>
    %sub3A_53 = arith.subf %sub3A_52, %broadcast_in_dim3A_32 : vector<8x1xf32>
    %mul3A_54 = arith.mulf %broadcast_in_dim3A, %get3A_8 : vector<8x1xf32>
    %mul3A_55 = arith.mulf %sub3A_53, %mul3A_54 : vector<8x1xf32>
    %mul3A_56 = arith.mulf %get3A_8, %sub3A_53 : vector<8x1xf32>
    %mul3A_57 = arith.mulf %mul3A_56, %sub3A_53 : vector<8x1xf32>
    %mul3A_58 = arith.constant 2.000000e+00 : f32
    %mul3A_59 = vector.broadcast %mul3A_58 : f32 to vector<8x1xf32>
    %mul3A_60 = arith.mulf %mul3A_59, %max3A_41 : vector<8x1xf32>
    %div3A = arith.divf %mul3A_57, %mul3A_60 : vector<8x1xf32>
    %add3A_61 = arith.addf %mul3A_55, %div3A : vector<8x1xf32>
    %add3A_62 = arith.addf %broadcast_in_dim3A_51, %add3A_61 : vector<8x1xf32>
    %reduce_sum3A_63 = vector.shape_cast %add3A_62 : vector<8x1xf32> to vector<1x8x1xf32>
    %reduce_sum3A_64 = arith.constant dense<0.000000e+00> : vector<1xf32>
    %reduce_sum3A_65 = vector.multi_reduction <add>, %reduce_sum3A_63, %reduce_sum3A_64 [1, 2] : vector<1x8x1xf32> to vector<1xf32>
    %reduce_sum3A_66 = vector.shape_cast %reduce_sum3A_65 : vector<1xf32> to vector<1x1x1xf32>
    %reduce_sum3A_67 = vector.extract %reduce_sum3A_66[0, 0, 0] : f32 from vector<1x1x1xf32>
    %div3A_68 = arith.constant 5.242880e+05 : f32
    %div3A_69 = arith.divf %reduce_sum3A_67, %div3A_68 : f32
    %reshape3A_70 = vector.broadcast %div3A_69 : f32 to vector<1x1xf32>
    %swap3A = arith.constant 0 : index
    %swap3A_71 = arith.constant 0 : index
    %swap3A_72 = vector.load %arg6[%swap3A, %swap3A_71] : memref<1x1xf32, #tpu.memory_space<vmem>>, vector<1x1xf32>
    tpu.vector_store %arg6[%swap3A, %swap3A_71], %reshape3A_70 {strides = array<i32>} : memref<1x1xf32, #tpu.memory_space<vmem>>, vector<1x1xf32>,
    return
  }
}

</mosaic_0001>

<sc_bundles>
// kernel: kernel.6.cloned.1.call-start
scs
__scs_entry_jumppad:
0x0: {  	(pc) =	sbr.rel $0x88, $3  }
0x1: {  	(tag) =	ssettag $0x0;
	lr =	simm.s32 $0x1  }
0x2: {  	[smem:$0x3F9F] =	sst lr;
	_ =	strace $0xD0000000  }
0x3: {  	_ = 	snop  }
0x4: {  	_ = 	snop  }
0x5: {  	_ = 	snop  }
0x6: {  	_ = 	snop  }
0x7: {  	_ = 	snop  }
__scs_overlays_trampoline_lowered:
0x8: {  	[smem:$0x3FAE] =	sst s0  }
0x9: {  	[smem:$0x3FAF] =	sst s1  }
0xa: {  	[smem:$0x3FB0] =	sst s2  }
0xb: {  	[smem:$0x3FB1] =	sst s3  }
0xc: {  	[smem:$0x3FB2] =	sst s4  }
0xd: {  	[smem:$0x3FB3] =	sst s5  }
0xe: {  	[smem:$0x3FB4] =	sst s6  }
0xf: {  	[smem:$0x3FB5] =	sst s7  }
0x10: {  	[smem:$0x3FB6] =	sst s8  }
0x11: {  	[smem:$0x3FB7] =	sst s9;
	s0 =	simm.s32 @!p0 $0x0  }
0x12: {  	s1 =	sld [smem:$0x3F9D];
	s0 =	simm.s32 @p0 $0x1  }
0x13: {  	[smem:$0x3FB8] =	sst s0;
	s0 =	simm.s32 @!p1 $0x0  }
0x14: {  	s2 =	sld [smem:$0x3F9C];
	s0 =	simm.s32 @p1 $0x1  }
0x15: {  	[smem:$0x3FB9] =	sst s0;
	s0 =	simm.s32 @!p2 $0x0  }
0x16: {  	s3 =	sld [smem:$0x3FDB];
	s0 =	simm.s32 @p2 $0x1  }
0x17: {  	s4 =	simm.s32 $0x1BF5;
	[smem:$0x3FBB] =	sst s0  }
0x18: {  	s0 =	sld [smem:$0x3F9E];
	_ =	swait.ge [sflag:s4], $0x0  }
0x19: {  	s7 =	sld [smem:$0x3F9F]  }
0x1a: {  	s8 =	sadd.s32 $0xFFFFE003, lr  }
0x1b: {  	s9 =	sadd.s32 $0xFFFFFEF7, lr;
	s5 =	simm.s32 $0xFFFFFFFF;
	p2 =	slt.u32 s8, $0xFFFFF086  }
0x1c: {  	p1 =	slt.u32 s9, $0xF7A;
	s5 =	simm.s32 @!p2 $0x0  }
0x1d: {  	s5 =	simm.s32 @p1 $0x1;
	p0 =	seq.s32 s7, s2  }
0x1e: {  	s7 =	smul.u32 @!p0 $0xF7A, s2;
	p2 =	seq.s32 @!p0 s5, $0x0  }
0x1f: {  	s9 =	smul.u32 $0xF7A, s1;
	s8 =	simm.s32 @!p0 $0x1BF5;
	p2 =	por !p2, p0  }
0x20: {  	[sflag:s8] =	ssyncset.s32 @!p0 $0xFFFFF086;
	s6 =	sadd.s32 @!p0 s3, s7;
	s7 =	simm.s32 @!p0 $0x108  }
0x21: {  	s3 =	sadd.s32 s3, s9;
	s6 =	sadd.s32 @!p0 $0x88, s6;
	s7 =	simm.s32 @p2 $0x1082  }
0x22: {  	[simem:s7], [sflag:s8] =	dma.local @!p0 [hbm:s6], $0xF7A  }
0x23: {  	s9 =	sor.u32 $0xD0000000, s2;
	s6 =	simm.s32 $0x108;
	_ =	swait.ge @!p0 [sflag:s8], $0x0  }
0x24: {  	s3 =	sadd.s32 $0x88, s3;
	s6 =	simm.s32 @!p1 $0x1082;
	[sflag:s4] =	ssyncset.s32 $0xFFFFF086  }
0x25: {  	[simem:s6], [sflag:s4] =	dma.local [hbm:s3], $0xF7A  }
0x26: {  	[smem:$0x3F9F] =	sst s1;
	(tag) =	ssettag s2;
	_ =	strace s9  }
0x27: {  	s1 =	sld [smem:$0x3FAF]  }
0x28: {  	s2 =	sld [smem:$0x3FB0]  }
0x29: {  	s4 =	sld [smem:$0x3FB2]  }
0x2a: {  	p0 =	seq.s32 s5, $0x0;
	s5 =	sld [smem:$0x3FB3]  }
0x2b: {  	s6 =	sld [smem:$0x3FB4]  }
0x2c: {  	s7 =	sld [smem:$0x3FB5]  }
0x2d: {  	s3 =	simm.s32 $0x108;
	s8 =	sld [smem:$0x3FB6]  }
0x2e: {  	s3 =	simm.s32 @!p0 $0x1082;
	s9 =	sld [smem:$0x3FB7]  }
0x2f: {  	lr =	sadd.s32 s0, s3;
	s0 =	sld [smem:$0x3FAE]  }
0x30: {  	s3 =	sld [smem:$0x3FB1]  }
0x31: {  	[smem:$0x3FBA] =	sst s10  }
0x32: {  	s10 =	sld [smem:$0x3FB8];
	_ =	sdelay $0x3  }
0x33: {  	p0 =	seq.s32 s10, $0x1;
	s10 =	sld [smem:$0x3FBA];
	_ =	sdelay $0x3  }
0x34: {  	[smem:$0x3FBA] =	sst s10  }
0x35: {  	s10 =	sld [smem:$0x3FB9];
	_ =	sdelay $0x3  }
0x36: {  	p1 =	seq.s32 s10, $0x1;
	s10 =	sld [smem:$0x3FBA];
	_ =	sdelay $0x3  }
0x37: {  	[smem:$0x3FBA] =	sst s10  }
0x38: {  	s10 =	sld [smem:$0x3FBB]  }
0x39: {  	_ = 	snop;
	(pc) =	sbr.ind lr, $3  }
0x3a: {  	_ = 	snop  }
0x3b: {  	_ = 	snop  }
0x3c: {  	p2 =	seq.s32 s10, $0x1;
	s10 =	sld [smem:$0x3FBA]  }
0x3d: {  	_ =	shalt  }
0x3e: {  	_ =	shalt  }
0x3f: {  	_ =	shalt  }
0x40: {  	_ =	shalt  }
0x41: {  	_ =	shalt  }
0x42: {  	_ =	shalt  }
0x43: {  	_ =	shalt  }
0x44: {  	_ =	shalt  }
0x45: {  	_ =	shalt  }
0x46: {  	_ =	shalt  }
0x47: {  	_ =	shalt  }
0x48: {  	_ =	shalt  }
0x49: {  	_ =	shalt  }
0x4a: {  	_ =	shalt  }
0x4b: {  	_ =	shalt  }
0x4c: {  	_ =	shalt  }
0x4d: {  	_ =	shalt  }
0x4e: {  	_ =	shalt  }
0x4f: {  	_ =	shalt  }
0x50: {  	_ =	shalt  }
0x51: {  	_ =	shalt  }
0x52: {  	_ =	shalt  }
0x53: {  	_ =	shalt  }
0x54: {  	_ =	shalt  }
0x55: {  	_ =	shalt  }
0x56: {  	_ =	shalt  }
0x57: {  	_ =	shalt  }
0x58: {  	_ =	shalt  }
0x59: {  	_ =	shalt  }
0x5a: {  	_ =	shalt  }
0x5b: {  	_ =	shalt  }
0x5c: {  	_ =	shalt  }
0x5d: {  	_ =	shalt  }
0x5e: {  	_ =	shalt  }
0x5f: {  	_ =	shalt  }
0x60: {  	_ =	shalt  }
0x61: {  	_ =	shalt  }
0x62: {  	_ =	shalt  }
0x63: {  	_ =	shalt  }
0x64: {  	_ =	shalt  }
0x65: {  	_ =	shalt  }
0x66: {  	_ =	shalt  }
0x67: {  	_ =	shalt  }
0x68: {  	_ =	shalt  }
0x69: {  	_ =	shalt  }
0x6a: {  	_ =	shalt  }
0x6b: {  	_ =	shalt  }
0x6c: {  	_ =	shalt  }
0x6d: {  	_ =	shalt  }
0x6e: {  	_ =	shalt  }
0x6f: {  	_ =	shalt  }
0x70: {  	_ =	shalt  }
0x71: {  	_ =	shalt  }
0x72: {  	_ =	shalt  }
0x73: {  	_ =	shalt  }
0x74: {  	_ =	shalt  }
0x75: {  	_ =	shalt  }
0x76: {  	_ =	shalt  }
0x77: {  	_ =	shalt  }
0x78: {  	_ =	shalt  }
0x79: {  	_ =	shalt  }
0x7a: {  	_ =	shalt  }
0x7b: {  	_ =	shalt  }
0x7c: {  	_ =	shalt  }
0x7d: {  	_ =	shalt  }
0x7e: {  	_ =	shalt  }
0x7f: {  	_ =	shalt  }
0x80: {  	_ =	shalt  }
0x81: {  	_ =	shalt  }
0x82: {  	_ =	shalt  }
0x83: {  	_ =	shalt  }
0x84: {  	_ =	shalt  }
0x85: {  	_ =	shalt  }
0x86: {  	_ =	shalt  }
0x87: {  	_ =	shalt  }
.Lfunc_end0:
.L_simem_size_0:
called_computation_lowered:
.L_overlay_start_0:
0x88: {  	s2 =	sld [smem:$0x3FD9]  }
0x89: {  	s3 =	sld [smem:$0x3FFE];
	_ =	sdelay $0x1  }
0x8a: {  	s1 =	srdreg.scid  }
0x8b: {  	s0 =	sand.u32 $0x1, s1  }
0x8c: {  	s17 =	sshll.u32 s0, $0xA;
	s2 =	sadd.s32 s3, s2  }
0x8d: {  	s2 =	sadd.s32 s2, s17  }
0x8e: {  	[smem:$0x3FC6] =	sst s2  }
0x8f: {  	_ = 	snop  }
0x90: {  	s2 =	sld [smem:$0x3FC9]  }
0x91: {  	s18 =	sld [smem:$0x3FC8];
	(tm) =	ssettm $0x1  }
0x92: {  	s4 =	sld [smem:$0x3FFB];
	_ =	sdelay $0x3  }
0x93: {  	_ =	strace s4  }
0x94: {  	s4 =	sld [smem:$0x3FFC];
	_ =	sdelay $0x3  }
0x95: {  	_ =	strace s4  }
0x96: {  	s4 =	sld [smem:$0x3FFD];
	_ =	sdelay $0x3  }
0x97: {  	_ =	strace s4  }
0x98: {  	_ =	strace $0x8FFFFFFF  }
0x99: {  	s19 =	sld [smem:$0x3FDB];
	_ =	sdelay $0x1  }
0x9a: {  	s5 =	simm.s32 $_scs_section_size  }
0x9b: {  	s6 =	simm.s32 $_size__tile_overlayer_lowered;
	s7 =	simm.s32 $_tile_overlayer_lowered  }
0x9c: {  	s22 =	simm.s32 $0x1BFF;
	s21 =	sshll.u32 s7, $0x1;
	s4 =	sadd.s32 s5, s19  }
0x9d: {  	s8 =	simm.s32 $0x0;
	s20 =	sshll.u32 s6, $0x1;
	s6 =	sadd.s32 s21, s4  }
0x9e: {  	[timem:s8], [sflag:s22] =	dma.local [hbm:s6], s20  }
0x9f: {  	_ =	swait.ge [sflag:s22], s20  }
0xa0: {  	s5 =	ssub.s32 $0x0, s20;
	[sflag:s22] =	ssyncset.done $0x0  }
0xa1: {  	[sflag:s22] =	ssyncadd.s32 s5;
	_ =	sdelay $0x1  }
0xa2: {  	s23 =	simm.s32 $0x1B8B  }
0xa3: {  	_ =	swait.ge [sflag:s23], $0x1  }
0xa4: {  	[sflag:s23] =	ssyncset.done $0x0  }
0xa5: {  	s25 =	simm.s32 $0x1B8E;
	s24 =	sld [smem:$0x3FFE];
	[sflag:s23] =	ssyncadd.s32 $0xFFFFFFFF  }
0xa6: {  	s26 =	simm.s32 $execute0_lowered;
	[smem:$0x3FD2] =	sst s25  }
0xa7: {  	s6 =	sshll.u32 s26, $0x1;
	_ =	strace $0x80000046;
	[dreg:$0x1] =	wrdreg $0xFFFFFFFF  }
0xa8: {  	s28 =	simm.s32 $_size_execute0_lowered;
	s4 =	sadd.s32 s4, s6;
	[dreg:$0x0] =	wrdreg $0x0  }
0xa9: {  	s6 =	sshll.u32 s28, $0x1;
	[dreg:$0x2] =	wrdreg s4  }
0xaa: {  	[dreg:$0x3] =	wrdreg s6  }
0xab: {  	[dreg:$0x4] =	wrdreg $0xC0  }
0xac: {  	_ =	task [dreg:s8], $0x5FFFF  }
0xad: {  	[dreg:$0x1] =	wrdreg $0xFFFFFFFF  }
0xae: {  	[dreg:$0x0] =	wrdreg $0x60  }
0xaf: {  	[dreg:$0x2] =	wrdreg s2  }
0xb0: {  	[dreg:$0x3] =	wrdreg s18  }
0xb1: {  	[dreg:$0x4] =	wrdreg s24  }
0xb2: {  	[dreg:$0x5] =	wrdreg $0x9  }
0xb3: {  	_ =	task.clear_ibuf [dreg:s8], $0x6FFFF;
	_ =	strace $0x90000046  }
0xb4: {  	s29 =	simm.s32 $0x9;
	_ =	strace $0x80000048  }
0xb5: {  	_ =	swait.ge [sflag:s29], $0x1  }
0xb6: {  	[sflag:s29] =	ssyncadd.s32 $0xFFFFFFFF  }
0xb7: {  	_ =	strace $0x90000048  }
0xb8: {  	_ =	sfence  }
0xb9: {  	s30 =	sld [smem:$0x0];
	_ =	sdelay $0x2  }
0xba: {  	s31 =	sshll.u32 s1, $0xD;
	s1 =	sshrl.u32 s1, $0x2  }
0xbb: {  	s3 =	sand.u32 $0x4000, s31;
	s1 =	sadd.s32 s1, s30  }
0xbc: {  	s0 =	sor.u32 s3, s0;
	s1 =	sshll.u32 s1, $0x11  }
0xbd: {  	s0 =	sor.u32 s1, s0  }
0xbe: {  	s0 =	sadd.s32 $0x8F2B, s0  }
0xbf: {  	[sflag:s0] =	ssyncadd.remote.s32 $0x1  }
0xc0: {  	_ =	sfence.sel $0xFFFF  }
0xc1: {  	[dreg:$0x0] =	wrdreg $0xFFFFFFFF;
	(pc) =	sbr.abs _section_cstart, $3  }
0xc2: {  	[dreg:$0x1] =	wrdreg $0xFFFFFFFF  }
0xc3: {  	_ =	task.clear_ibuf [dreg:s8], $0x2FFFF;
	_ =	strace $0x9FFFFFFF  }
0xc4: {  	(tm) =	ssettm $0x7FFFFFFF  }
0xc5: {  	_ =	shalt  }
tec
execute0_lowered:
.L_overlay_start_1:
0x0: {  	(tag) =	ssettag $0x1  }
0x1: {  	s6 =	rddreg [dreg:$0x0]  }
0x2: {  	s10 =	rddreg [dreg:$0x1];
	s0 =	srdreg.scid  }
0x3: {  	s3 =	rddreg [dreg:$0x2];
	s1 =	stileid.u32  }
0x4: {  	s2 =	simm.s32 $0x0;
	s14 =	simm.s32 $0x4000;
	s15 =	simm.s32 $0x1  }
0x5: {  	s16 =	simm.s32 $0x8000;
	s17 =	simm.s32 $0x2;
	s18 =	simm.s32 $0x2000  }
0x6: {  	s19 =	simm.s32 $0x80;
	s20 =	simm.s32 $0x400;
	s21 =	simm.s32 $0x3  }
0x7: {  	s22 =	simm.s32 $0x0;
	s4 =	sand.u32 $0x1, s0;
	s0 =	rddreg [dreg:$0x3]  }
0x8: {  	s7 =	sshrl.u32 s1, $0x2;
	s8 =	sand.u32 $0x3, s1;
	[smem:$0x7FF] =	sst s2  }
0x9: {  	s5 =	sshll.u32 s4, $0x2;
	s9 =	sshll.u32 s8, $0x5;
	_ =	strace $0x80000047  }
0xa: {  	s4 =	ssub.s32 $0x2, s4;
	s8 =	sshll.u32 s8, $0xD;
	s5 =	sor.u32 s7, s5  }
0xb: {  	s29 =	sshrl.u32 s4, $0x1;
	s7 =	sshll.u32 s5, $0xD;
	s5 =	sshll.u32 s5, $0xF  }
0xc: {  	s13 =	ssub.s32 s4, s29;
	s7 =	sor.u32 s9, s7;
	s30 =	sor.u32 s8, s5  }
0xd: {  	s13 =	smax.u32 s13, $0x1;
	s12 =	sadd.s32 s7, s3;
	s3 =	sadd.s32 s6, s30  }
0xe: {  	s8 =	sor.u32 $0x800, s30;
	s31 =	sor.u32 $0x1000, s30;
	s11 =	sor.u32 $0x1800, s30  }
0xf: {  	s7 =	sadd.s32 s10, s30;
	s4 =	sadd.s32 s6, s8;
	s5 =	sadd.s32 s6, s31  }
0x10: {  	s6 =	sadd.s32 s6, s11;
	s8 =	sadd.s32 s10, s8;
	s9 =	sadd.s32 s10, s31  }
0x11: {  	v0 =	vimm.f32 $0.0e+00;
	v1 =	vimm.f32 $1.000000000e+00;
	s10 =	sadd.s32 s10, s11;
	s11 =	sadd.s32 $0x1C00, s12;
	s12 =	sadd.s32 $0x1C10, s12  }
.LBB2_1:
0x12: {  	s24 =	simm.s32 $0x40  }
0x13: {  	[tilespmem:s24+$0xFFFFFFC0] =	vst v0  }
0x14: {  	[tilespmem:s24+$0x30] =	vst v0  }
0x15: {  	[tilespmem:s24+$0x20] =	vst v0  }
0x16: {  	[tilespmem:s24+$0x10] =	vst v0  }
0x17: {  	[tilespmem:s24+$0x0] =	vst v0  }
0x18: {  	[tilespmem:s24+$0xFFFFFFF0] =	vst v0  }
0x19: {  	s25 =	simm.s32 $0x0;
	[tilespmem:s24+$0xFFFFFFE0] =	vst v0  }
.LBB2_2:
0x1a: {  	s25 =	sadd.s32 $0x8, s25;
	[tilespmem:s24+$0xFFFFFFD0] =	vst v0;
	s24 =	sadd.s32 $0x80, s24;
	s23 =	simm.s32 $0x2040  }
0x1b: {  	[tilespmem:s24+$0xFFFFFFC0] =	vst v0;
	p0 =	slt.u32 s25, $0x1F8  }
0x1c: {  	[tilespmem:s24+$0x30] =	vst v0  }
.Ltmp0:
0x1d: {  	[tilespmem:s24+$0x20] =	vst v0;
	(pc) =	sbr.rel @p0 .LBB2_2-.Ltmp0, $4  }
0x1e: {  	[tilespmem:s24+$0x10] =	vst v0  }
0x1f: {  	[tilespmem:s24+$0x0] =	vst v0  }
0x20: {  	[tilespmem:s24+$0xFFFFFFF0] =	vst v0  }
0x21: {  	[tilespmem:s24+$0xFFFFFFE0] =	vst v0  }
0x22: {  	[tilespmem:s24+$0xFFFFFFD0] =	vst v0  }
0x23: {  	[tilespmem:s23+$0xFFFFFFC0] =	vst v0  }
0x24: {  	[tilespmem:s23+$0x30] =	vst v0  }
0x25: {  	[tilespmem:s23+$0x20] =	vst v0  }
0x26: {  	[tilespmem:s23+$0x10] =	vst v0  }
0x27: {  	[tilespmem:s23+$0x0] =	vst v0  }
0x28: {  	[tilespmem:s23+$0xFFFFFFF0] =	vst v0  }
0x29: {  	s24 =	simm.s32 $0x0;
	[tilespmem:s23+$0xFFFFFFE0] =	vst v0  }
.LBB2_4:
0x2a: {  	s24 =	sadd.s32 $0x8, s24;
	[tilespmem:s23+$0xFFFFFFD0] =	vst v0;
	s23 =	sadd.s32 $0x80, s23  }
0x2b: {  	[tilespmem:s23+$0xFFFFFFC0] =	vst v0;
	p0 =	slt.u32 s24, $0x1F8  }
0x2c: {  	[tilespmem:s23+$0x30] =	vst v0  }
.Ltmp1:
0x2d: {  	[tilespmem:s23+$0x20] =	vst v0;
	(pc) =	sbr.rel @p0 .LBB2_4-.Ltmp1, $4  }
0x2e: {  	[tilespmem:s23+$0x10] =	vst v0  }
0x2f: {  	[tilespmem:s23+$0x0] =	vst v0  }
0x30: {  	[tilespmem:s23+$0xFFFFFFF0] =	vst v0  }
0x31: {  	[tilespmem:s23+$0xFFFFFFE0] =	vst v0  }
0x32: {  	[tilespmem:s23+$0xFFFFFFD0] =	vst v0;
	s29 =	simm.s32 $0x0;
	s24 =	simm.s32 $0x0;
	s25 =	simm.s32 $0x0  }
0x33: {  	[tilespmem:s14], [sflag:$0x1] =	stream.linear.gather [hbm4b:s3+s29], $0x4000, $0x38;
	[tilespmem:$0xC000] =	vst v63  }
0x34: {  	s24 =	sand.u32 $0x3000, s24;
	s23 =	sand.u32 $0xC00, s29;
	_ =	swait.ge [sflag:s15], $0x4000  }
0x35: {  	s25 =	sand.u32 $0x380, s25;
	s23 =	sor.u32 s23, s24;
	[sflag:s15] =	ssyncset.done $0x0  }
0x36: {  	s23 =	sor.u32 s25, s23;
	[sflag:s15] =	ssyncadd.s32 $0xFFFFC000  }
0x37: {  	[tilespmem:s16], [sflag:$0x2] =	stream.linear.gather [hbm4b:s4+s29], $0x4000, $0x38;
	[tilespmem:$0xC000] =	vst v63  }
0x38: {  	v2 =	vld [tilespmem:s23+$0x4070]  }
0x39: {  	v3 =	vld [tilespmem:s23+$0x4000]  }
0x3a: {  	v4 =	vld [tilespmem:s23+$0x4010]  }
0x3b: {  	v5 =	vld [tilespmem:s23+$0x4020]  }
0x3c: {  	v6 =	vld [tilespmem:s23+$0x4030]  }
0x3d: {  	v7 =	vld [tilespmem:s23+$0x4040]  }
0x3e: {  	v8 =	vld [tilespmem:s23+$0x4050]  }
0x3f: {  	v9 =	vld [tilespmem:s23+$0x4060]  }
0x40: {  	v2 =	vmul.f32 $8.192000000e+03, v2;
	v3 =	vmul.f32 $8.192000000e+03, v3  }
0x41: {  	v4 =	vmul.f32 $8.192000000e+03, v4;
	v5 =	vmul.f32 $8.192000000e+03, v5  }
0x42: {  	s30 =	simm.s32 $0x80;
	s23 =	simm.s32 $0x400;
	v6 =	vmul.f32 $8.192000000e+03, v6;
	v2 =	vtrunc.f32 v2  }
0x43: {  	s26 =	simm.s32 $0x20;
	s24 =	sand.u32 $0x3000, s30;
	s31 =	sand.u32 $0xC00, s23;
	v7 =	vmul.f32 $8.192000000e+03, v7;
	v2 =	vcvt.f32.s32 v2  }
0x44: {  	s26 =	sand.u32 $0x380, s26;
	s24 =	sor.u32 s31, s24;
	v8 =	vmul.f32 $8.192000000e+03, v8;
	v9 =	vmul.f32 $8.192000000e+03, v9  }
0x45: {  	s24 =	sor.u32 s26, s24;
	v3 =	vtrunc.f32 v3;
	v4 =	vtrunc.f32 v4;
	vm0 =	vlt.s32 v2, $0x1FFF  }
0x46: {  	v10 =	vld [tilespmem:s24+$0x4070];
	v5 =	vtrunc.f32 v5;
	v6 =	vtrunc.f32 v6;
	v2 =	vnsel vm0, $0x1FFF, v2  }
0x47: {  	v7 =	vtrunc.f32 v7;
	v8 =	vtrunc.f32 v8  }
0x48: {  	v11 =	vld [tilespmem:s24+$0x4000];
	v9 =	vtrunc.f32 v9;
	v3 =	vcvt.f32.s32 v3  }
0x49: {  	v13 =	vld [tilespmem:s24+$0x4010];
	v4 =	vcvt.f32.s32 v4;
	v7 =	vcvt.f32.s32 v7  }
0x4a: {  	v16 =	vld [tilespmem:s24+$0x4030];
	v12 =	vcvt.f32.s32 v8;
	v9 =	vcvt.f32.s32 v9  }
0x4b: {  	v18 =	vmul.f32 $8.192000000e+03, v10;
	vm13 =	vlt.s32 v3, $0x1FFF;
	[tilespmem:v2+s2+$0x0] =	vst.idx.add.f32.msk $0xffff, v1;
	v2 =	vcvt.f32.s32 v5  }
0x4c: {  	vm1 =	vlt.s32 v4, $0x1FFF;
	v3 =	vnsel vm13, $0x1FFF, v3;
	v5 =	vcvt.f32.s32 v6  }
0x4d: {  	v15 =	vld [tilespmem:s24+$0x4020];
	v19 =	vmul.f32 $8.192000000e+03, v11;
	v17 =	vnsel vm1, $0x1FFF, v4;
	vm2 =	vlt.s32 v2, $0x1FFF  }
0x4e: {  	v8 =	vld [tilespmem:s24+$0x4040];
	v14 =	vmul.f32 $8.192000000e+03, v13;
	vm14 =	vlt.s32 v5, $0x1FFF;
	v6 =	vnsel vm2, $0x1FFF, v2  }
0x4f: {  	v10 =	vld [tilespmem:s24+$0x4050];
	v13 =	vmul.f32 $8.192000000e+03, v16;
	vm3 =	vlt.s32 v7, $0x1FFF;
	v5 =	vnsel vm14, $0x1FFF, v5  }
0x50: {  	vm15 =	vlt.s32 v12, $0x1FFF;
	v4 =	vnsel vm3, $0x1FFF, v7;
	v7 =	vld [tilespmem:s24+$0x4060];
	v11 =	vtrunc.f32 v18  }
0x51: {  	vm4 =	vlt.s32 v9, $0x1FFF;
	v11 =	vcvt.f32.s32 v11;
	[tilespmem:v3+s2+$0x0] =	vst.idx.add.f32.msk $0xffff, v1;
	v2 =	vnsel vm15, $0x1FFF, v12  }
0x52: {  	s24 =	simm.s32 $0x8;
	v3 =	vnsel vm4, $0x1FFF, v9;
	v9 =	vtrunc.f32 v19;
	[tilespmem:v17+s2+$0x0] =	vst.idx.add.f32.msk $0xffff, v1;
	v12 =	vmul.f32 $8.192000000e+03, v15  }
.LBB2_6:
0x53: {  	s24 =	sadd.s32 $0x8, s24;
	v14 =	vtrunc.f32 v14;
	v8 =	vmul.f32 $8.192000000e+03, v8;
	vm0 =	vlt.s32 v11, $0x1FFF;
	[tilespmem:v6+s2+$0x0] =	vst.idx.add.f32.msk $0xffff, v1  }
0x54: {  	v6 =	vtrunc.f32 v12;
	s23 =	sadd.s32 $0x400, s23;
	s25 =	sshll.u32 s24, $0x4;
	p0 =	slt.u32 s24, $0x3F8;
	v10 =	vmul.f32 $8.192000000e+03, v10;
	v11 =	vnsel vm0, $0x1FFF, v11;
	[tilespmem:v5+s2+$0x0] =	vst.idx.add.f32.msk $0xffff, v1  }
0x55: {  	s26 =	sand.u32 $0xC00, s23;
	s28 =	sshll.u32 s24, $0x2;
	v5 =	vtrunc.f32 v13;
	s25 =	sand.u32 $0x3000, s25;
	v7 =	vmul.f32 $8.192000000e+03, v7;
	[tilespmem:v4+s2+$0x0] =	vst.idx.add.f32.msk $0xffff, v1  }
0x56: {  	s28 =	sand.u32 $0x380, s28;
	v4 =	vtrunc.f32 v8;
	s25 =	sor.u32 s26, s25;
	v8 =	vtrunc.f32 v10;
	[tilespmem:v2+s2+$0x0] =	vst.idx.add.f32.msk $0xffff, v1  }
0x57: {  	v2 =	vcvt.f32.s32 v9;
	s25 =	sor.u32 s28, s25;
	v7 =	vtrunc.f32 v7;
	[tilespmem:v3+s2+$0x0] =	vst.idx.add.f32.msk $0xffff, v1  }
0x58: {  	v6 =	vcvt.f32.s32 v6;
	v9 =	vcvt.f32.s32 v14;
	v3 =	vld [tilespmem:s25+$0x4070]  }
0x59: {  	v5 =	vcvt.f32.s32 v5;
	v4 =	vcvt.f32.s32 v4;
	vm0 =	vlt.s32 v2, $0x1FFF;
	[tilespmem:v11+s2+$0x0] =	vst.idx.add.f32.msk $0xffff, v1  }
0x5a: {  	vm1 =	vlt.s32 v9, $0x1FFF;
	v7 =	vcvt.f32.s32 v7;
	v11 =	vcvt.f32.s32 v8;
	v10 =	vld [tilespmem:s25+$0x4000]  }
0x5b: {  	vm2 =	vlt.s32 v6, $0x1FFF;
	vm3 =	vlt.s32 v5, $0x1FFF;
	vm4 =	vlt.s32 v4, $0x1FFF;
	v12 =	vld [tilespmem:s25+$0x4010]  }
0x5c: {  	v15 =	vnsel vm0, $0x1FFF, v2;
	vm5 =	vlt.s32 v7, $0x1FFF;
	vm0 =	vlt.s32 v11, $0x1FFF;
	v13 =	vld [tilespmem:s25+$0x4020]  }
0x5d: {  	v6 =	vnsel vm2, $0x1FFF, v6;
	v5 =	vnsel vm3, $0x1FFF, v5;
	v17 =	vnsel vm1, $0x1FFF, v9;
	v16 =	vld [tilespmem:s25+$0x4030]  }
.Ltmp2:
0x5e: {  	v4 =	vnsel vm4, $0x1FFF, v4;
	v2 =	vnsel vm0, $0x1FFF, v11;
	v9 =	vmul.f32 $8.192000000e+03, v3;
	v8 =	vld [tilespmem:s25+$0x4040];
	(pc) =	sbr.rel @p0 .LBB2_6-.Ltmp2, $4  }
0x5f: {  	v3 =	vnsel vm5, $0x1FFF, v7;
	v18 =	vmul.f32 $8.192000000e+03, v10;
	v10 =	vld [tilespmem:s25+$0x4050]  }
0x60: {  	v9 =	vtrunc.f32 v9;
	v14 =	vmul.f32 $8.192000000e+03, v12;
	v7 =	vld [tilespmem:s25+$0x4060]  }
0x61: {  	v11 =	vcvt.f32.s32 v9;
	v12 =	vmul.f32 $8.192000000e+03, v13;
	[tilespmem:v15+s2+$0x0] =	vst.idx.add.f32.msk $0xffff, v1  }
0x62: {  	v9 =	vtrunc.f32 v18;
	v13 =	vmul.f32 $8.192000000e+03, v16;
	[tilespmem:v17+s2+$0x0] =	vst.idx.add.f32.msk $0xffff, v1  }
0x63: {  	v14 =	vtrunc.f32 v14  }
0x64: {  	v8 =	vmul.f32 $8.192000000e+03, v8;
	v12 =	vtrunc.f32 v12  }
0x65: {  	vm0 =	vlt.s32 v11, $0x1FFF;
	v9 =	vcvt.f32.s32 v9;
	v10 =	vmul.f32 $8.192000000e+03, v10  }
0x66: {  	v13 =	vtrunc.f32 v13;
	v11 =	vnsel vm0, $0x1FFF, v11;
	v14 =	vcvt.f32.s32 v14  }
0x67: {  	[tilespmem:v6+s2+$0x0] =	vst.idx.add.f32.msk $0xffff, v1;
	v7 =	vmul.f32 $8.192000000e+03, v7;
	v8 =	vtrunc.f32 v8;
	vm5 =	vlt.s32 v9, $0x1FFF  }
0x68: {  	[tilespmem:v5+s2+$0x0] =	vst.idx.add.f32.msk $0xffff, v1;
	v5 =	vcvt.f32.s32 v13;
	v10 =	vtrunc.f32 v10;
	vm1 =	vlt.s32 v14, $0x1FFF  }
0x69: {  	[tilespmem:v4+s2+$0x0] =	vst.idx.add.f32.msk $0xffff, v1;
	v9 =	vnsel vm5, $0x1FFF, v9;
	v4 =	vcvt.f32.s32 v8;
	v6 =	vtrunc.f32 v7  }
0x6a: {  	v7 =	vcvt.f32.s32 v12;
	v8 =	vnsel vm1, $0x1FFF, v14;
	vm7 =	vlt.s32 v5, $0x1FFF  }
0x6b: {  	[tilespmem:v2+s2+$0x0] =	vst.idx.add.f32.msk $0xffff, v1;
	v2 =	vcvt.f32.s32 v10;
	vm8 =	vlt.s32 v4, $0x1FFF;
	v5 =	vnsel vm7, $0x1FFF, v5  }
0x6c: {  	[tilespmem:v3+s2+$0x0] =	vst.idx.add.f32.msk $0xffff, v1;
	v3 =	vcvt.f32.s32 v6;
	vm6 =	vlt.s32 v7, $0x1FFF;
	v4 =	vnsel vm8, $0x1FFF, v4  }
0x6d: {  	[tilespmem:v11+s2+$0x0] =	vst.idx.add.f32.msk $0xffff, v1;
	vm9 =	vlt.s32 v2, $0x1FFF;
	v7 =	vnsel vm6, $0x1FFF, v7  }
0x6e: {  	vm10 =	vlt.s32 v3, $0x1FFF;
	v2 =	vnsel vm9, $0x1FFF, v2;
	[tilespmem:v9+s2+$0x0] =	vst.idx.add.f32.msk $0xffff, v1  }
0x6f: {  	v3 =	vnsel vm10, $0x1FFF, v3;
	[tilespmem:v8+s2+$0x0] =	vst.idx.add.f32.msk $0xffff, v1  }
0x70: {  	[tilespmem:v5+s2+$0x0] =	vst.idx.add.f32.msk $0xffff, v1  }
0x71: {  	[tilespmem:v4+s2+$0x0] =	vst.idx.add.f32.msk $0xffff, v1  }
0x72: {  	[tilespmem:v7+s2+$0x0] =	vst.idx.add.f32.msk $0xffff, v1  }
0x73: {  	[tilespmem:v2+s2+$0x0] =	vst.idx.add.f32.msk $0xffff, v1  }
0x74: {  	[tilespmem:v3+s2+$0x0] =	vst.idx.add.f32.msk $0xffff, v1  }
0x75: {  	_ =	swait.ge [sflag:s17], $0x4000  }
0x76: {  	[sflag:s17] =	ssyncset.done $0x0  }
0x77: {  	s23 =	simm.s32 $0x0;
	s24 =	simm.s32 $0x0;
	[sflag:s17] =	ssyncadd.s32 $0xFFFFC000  }
0x78: {  	[tilespmem:s14], [sflag:$0x1] =	stream.linear.gather [hbm4b:s5+s23], $0x4000, $0x38;
	[tilespmem:$0xC000] =	vst v63  }
0x79: {  	s25 =	simm.s32 $0x0;
	s24 =	sand.u32 $0x3000, s24;
	s23 =	sand.u32 $0xC00, s23  }
0x7a: {  	s25 =	sand.u32 $0x380, s25;
	s23 =	sor.u32 s23, s24  }
0x7b: {  	s23 =	sor.u32 s25, s23  }
0x7c: {  	v2 =	vld [tilespmem:s23+$0x8070]  }
0x7d: {  	v3 =	vld [tilespmem:s23+$0x8000]  }
0x7e: {  	v4 =	vld [tilespmem:s23+$0x8010]  }
0x7f: {  	v5 =	vld [tilespmem:s23+$0x8020]  }
0x80: {  	v6 =	vld [tilespmem:s23+$0x8030]  }
0x81: {  	v7 =	vld [tilespmem:s23+$0x8040]  }
0x82: {  	v8 =	vld [tilespmem:s23+$0x8050]  }
0x83: {  	v9 =	vld [tilespmem:s23+$0x8060]  }
0x84: {  	v2 =	vmul.f32 $8.192000000e+03, v2;
	v3 =	vmul.f32 $8.192000000e+03, v3  }
0x85: {  	v4 =	vmul.f32 $8.192000000e+03, v4;
	v5 =	vmul.f32 $8.192000000e+03, v5  }
0x86: {  	s30 =	simm.s32 $0x80;
	s23 =	simm.s32 $0x400;
	v6 =	vmul.f32 $8.192000000e+03, v6;
	v2 =	vtrunc.f32 v2  }
0x87: {  	s26 =	simm.s32 $0x20;
	s24 =	sand.u32 $0x3000, s30;
	s31 =	sand.u32 $0xC00, s23;
	v7 =	vmul.f32 $8.192000000e+03, v7;
	v2 =	vcvt.f32.s32 v2  }
0x88: {  	s26 =	sand.u32 $0x380, s26;
	s24 =	sor.u32 s31, s24;
	v8 =	vmul.f32 $8.192000000e+03, v8;
	v9 =	vmul.f32 $8.192000000e+03, v9  }
0x89: {  	s24 =	sor.u32 s26, s24;
	v3 =	vtrunc.f32 v3;
	v4 =	vtrunc.f32 v4;
	vm11 =	vlt.s32 v2, $0x1FFF  }
0x8a: {  	v10 =	vld [tilespmem:s24+$0x8070];
	v5 =	vtrunc.f32 v5;
	v6 =	vtrunc.f32 v6;
	v2 =	vnsel vm11, $0x1FFF, v2  }
0x8b: {  	v7 =	vtrunc.f32 v7;
	v8 =	vtrunc.f32 v8  }
0x8c: {  	v11 =	vld [tilespmem:s24+$0x8000];
	v9 =	vtrunc.f32 v9;
	v3 =	vcvt.f32.s32 v3  }
0x8d: {  	v13 =	vld [tilespmem:s24+$0x8010];
	v4 =	vcvt.f32.s32 v4;
	v7 =	vcvt.f32.s32 v7  }
0x8e: {  	v16 =	vld [tilespmem:s24+$0x8030];
	v12 =	vcvt.f32.s32 v8;
	v9 =	vcvt.f32.s32 v9  }
0x8f: {  	v18 =	vmul.f32 $8.192000000e+03, v10;
	vm12 =	vlt.s32 v3, $0x1FFF;
	[tilespmem:v2+s2+$0x0] =	vst.idx.add.f32.msk $0xffff, v1;
	v2 =	vcvt.f32.s32 v5  }
0x90: {  	vm13 =	vlt.s32 v4, $0x1FFF;
	v3 =	vnsel vm12, $0x1FFF, v3;
	v5 =	vcvt.f32.s32 v6  }
0x91: {  	v15 =	vld [tilespmem:s24+$0x8020];
	v19 =	vmul.f32 $8.192000000e+03, v11;
	v17 =	vnsel vm13, $0x1FFF, v4;
	vm2 =	vlt.s32 v2, $0x1FFF  }
0x92: {  	v8 =	vld [tilespmem:s24+$0x8040];
	v14 =	vmul.f32 $8.192000000e+03, v13;
	vm14 =	vlt.s32 v5, $0x1FFF;
	v6 =	vnsel vm2, $0x1FFF, v2  }
0x93: {  	v10 =	vld [tilespmem:s24+$0x8050];
	v13 =	vmul.f32 $8.192000000e+03, v16;
	vm3 =	vlt.s32 v7, $0x1FFF;
	v5 =	vnsel vm14, $0x1FFF, v5  }
0x94: {  	vm15 =	vlt.s32 v12, $0x1FFF;
	v4 =	vnsel vm3, $0x1FFF, v7;
	v7 =	vld [tilespmem:s24+$0x8060];
	v11 =	vtrunc.f32 v18  }
0x95: {  	vm4 =	vlt.s32 v9, $0x1FFF;
	v11 =	vcvt.f32.s32 v11;
	[tilespmem:v3+s2+$0x0] =	vst.idx.add.f32.msk $0xffff, v1;
	v2 =	vnsel vm15, $0x1FFF, v12  }
0x96: {  	s24 =	simm.s32 $0x8;
	v3 =	vnsel vm4, $0x1FFF, v9;
	v9 =	vtrunc.f32 v19;
	[tilespmem:v17+s2+$0x0] =	vst.idx.add.f32.msk $0xffff, v1;
	v12 =	vmul.f32 $8.192000000e+03, v15  }
.LBB2_8:
0x97: {  	s24 =	sadd.s32 $0x8, s24;
	v14 =	vtrunc.f32 v14;
	v8 =	vmul.f32 $8.192000000e+03, v8;
	vm0 =	vlt.s32 v11, $0x1FFF;
	[tilespmem:v6+s2+$0x0] =	vst.idx.add.f32.msk $0xffff, v1  }
0x98: {  	v6 =	vtrunc.f32 v12;
	s23 =	sadd.s32 $0x400, s23;
	s25 =	sshll.u32 s24, $0x4;
	p0 =	slt.u32 s24, $0x3F8;
	v10 =	vmul.f32 $8.192000000e+03, v10;
	v11 =	vnsel vm0, $0x1FFF, v11;
	[tilespmem:v5+s2+$0x0] =	vst.idx.add.f32.msk $0xffff, v1  }
0x99: {  	s26 =	sand.u32 $0xC00, s23;
	s28 =	sshll.u32 s24, $0x2;
	v5 =	vtrunc.f32 v13;
	s25 =	sand.u32 $0x3000, s25;
	v7 =	vmul.f32 $8.192000000e+03, v7;
	[tilespmem:v4+s2+$0x0] =	vst.idx.add.f32.msk $0xffff, v1  }
0x9a: {  	s28 =	sand.u32 $0x380, s28;
	v4 =	vtrunc.f32 v8;
	s25 =	sor.u32 s26, s25;
	v8 =	vtrunc.f32 v10;
	[tilespmem:v2+s2+$0x0] =	vst.idx.add.f32.msk $0xffff, v1  }
0x9b: {  	v2 =	vcvt.f32.s32 v9;
	s25 =	sor.u32 s28, s25;
	v7 =	vtrunc.f32 v7;
	[tilespmem:v3+s2+$0x0] =	vst.idx.add.f32.msk $0xffff, v1  }
0x9c: {  	v6 =	vcvt.f32.s32 v6;
	v9 =	vcvt.f32.s32 v14;
	v3 =	vld [tilespmem:s25+$0x8070]  }
0x9d: {  	v5 =	vcvt.f32.s32 v5;
	v4 =	vcvt.f32.s32 v4;
	vm0 =	vlt.s32 v2, $0x1FFF;
	[tilespmem:v11+s2+$0x0] =	vst.idx.add.f32.msk $0xffff, v1  }
0x9e: {  	vm1 =	vlt.s32 v9, $0x1FFF;
	v7 =	vcvt.f32.s32 v7;
	v11 =	vcvt.f32.s32 v8;
	v10 =	vld [tilespmem:s25+$0x8000]  }
0x9f: {  	vm2 =	vlt.s32 v6, $0x1FFF;
	vm3 =	vlt.s32 v5, $0x1FFF;
	vm4 =	vlt.s32 v4, $0x1FFF;
	v12 =	vld [tilespmem:s25+$0x8010]  }
0xa0: {  	v15 =	vnsel vm0, $0x1FFF, v2;
	vm5 =	vlt.s32 v7, $0x1FFF;
	vm0 =	vlt.s32 v11, $0x1FFF;
	v13 =	vld [tilespmem:s25+$0x8020]  }
0xa1: {  	v6 =	vnsel vm2, $0x1FFF, v6;
	v5 =	vnsel vm3, $0x1FFF, v5;
	v17 =	vnsel vm1, $0x1FFF, v9;
	v16 =	vld [tilespmem:s25+$0x8030]  }
.Ltmp3:
0xa2: {  	v4 =	vnsel vm4, $0x1FFF, v4;
	v2 =	vnsel vm0, $0x1FFF, v11;
	v9 =	vmul.f32 $8.192000000e+03, v3;
	v8 =	vld [tilespmem:s25+$0x8040];
	(pc) =	sbr.rel @p0 .LBB2_8-.Ltmp3, $4  }
0xa3: {  	v3 =	vnsel vm5, $0x1FFF, v7;
	v18 =	vmul.f32 $8.192000000e+03, v10;
	v10 =	vld [tilespmem:s25+$0x8050]  }
0xa4: {  	v9 =	vtrunc.f32 v9;
	v14 =	vmul.f32 $8.192000000e+03, v12;
	v7 =	vld [tilespmem:s25+$0x8060]  }
0xa5: {  	v11 =	vcvt.f32.s32 v9;
	v12 =	vmul.f32 $8.192000000e+03, v13;
	[tilespmem:v15+s2+$0x0] =	vst.idx.add.f32.msk $0xffff, v1  }
0xa6: {  	v9 =	vtrunc.f32 v18;
	v13 =	vmul.f32 $8.192000000e+03, v16;
	[tilespmem:v17+s2+$0x0] =	vst.idx.add.f32.msk $0xffff, v1  }
0xa7: {  	v14 =	vtrunc.f32 v14  }
0xa8: {  	v8 =	vmul.f32 $8.192000000e+03, v8;
	v12 =	vtrunc.f32 v12  }
0xa9: {  	vm0 =	vlt.s32 v11, $0x1FFF;
	v9 =	vcvt.f32.s32 v9;
	v10 =	vmul.f32 $8.192000000e+03, v10  }
0xaa: {  	v13 =	vtrunc.f32 v13;
	v11 =	vnsel vm0, $0x1FFF, v11;
	v14 =	vcvt.f32.s32 v14  }
0xab: {  	[tilespmem:v6+s2+$0x0] =	vst.idx.add.f32.msk $0xffff, v1;
	v7 =	vmul.f32 $8.192000000e+03, v7;
	v8 =	vtrunc.f32 v8;
	vm5 =	vlt.s32 v9, $0x1FFF  }
0xac: {  	[tilespmem:v5+s2+$0x0] =	vst.idx.add.f32.msk $0xffff, v1;
	v5 =	vcvt.f32.s32 v13;
	v10 =	vtrunc.f32 v10;
	vm1 =	vlt.s32 v14, $0x1FFF  }
0xad: {  	[tilespmem:v4+s2+$0x0] =	vst.idx.add.f32.msk $0xffff, v1;
	v9 =	vnsel vm5, $0x1FFF, v9;
	v4 =	vcvt.f32.s32 v8;
	v6 =	vtrunc.f32 v7  }
0xae: {  	v7 =	vcvt.f32.s32 v12;
	v8 =	vnsel vm1, $0x1FFF, v14;
	vm7 =	vlt.s32 v5, $0x1FFF  }
0xaf: {  	[tilespmem:v2+s2+$0x0] =	vst.idx.add.f32.msk $0xffff, v1;
	v2 =	vcvt.f32.s32 v10;
	vm8 =	vlt.s32 v4, $0x1FFF;
	v5 =	vnsel vm7, $0x1FFF, v5  }
0xb0: {  	[tilespmem:v3+s2+$0x0] =	vst.idx.add.f32.msk $0xffff, v1;
	v3 =	vcvt.f32.s32 v6;
	vm6 =	vlt.s32 v7, $0x1FFF;
	v4 =	vnsel vm8, $0x1FFF, v4  }
0xb1: {  	[tilespmem:v11+s2+$0x0] =	vst.idx.add.f32.msk $0xffff, v1;
	vm9 =	vlt.s32 v2, $0x1FFF;
	v7 =	vnsel vm6, $0x1FFF, v7  }
0xb2: {  	vm10 =	vlt.s32 v3, $0x1FFF;
	v2 =	vnsel vm9, $0x1FFF, v2;
	[tilespmem:v9+s2+$0x0] =	vst.idx.add.f32.msk $0xffff, v1  }
0xb3: {  	v3 =	vnsel vm10, $0x1FFF, v3;
	[tilespmem:v8+s2+$0x0] =	vst.idx.add.f32.msk $0xffff, v1  }
0xb4: {  	[tilespmem:v5+s2+$0x0] =	vst.idx.add.f32.msk $0xffff, v1  }
0xb5: {  	[tilespmem:v4+s2+$0x0] =	vst.idx.add.f32.msk $0xffff, v1  }
0xb6: {  	[tilespmem:v7+s2+$0x0] =	vst.idx.add.f32.msk $0xffff, v1  }
0xb7: {  	[tilespmem:v2+s2+$0x0] =	vst.idx.add.f32.msk $0xffff, v1  }
0xb8: {  	[tilespmem:v3+s2+$0x0] =	vst.idx.add.f32.msk $0xffff, v1  }
0xb9: {  	_ =	swait.ge [sflag:s15], $0x4000  }
0xba: {  	[sflag:s15] =	ssyncset.done $0x0  }
0xbb: {  	s23 =	simm.s32 $0x0;
	s24 =	simm.s32 $0x0;
	[sflag:s15] =	ssyncadd.s32 $0xFFFFC000  }
0xbc: {  	[tilespmem:s16], [sflag:$0x2] =	stream.linear.gather [hbm4b:s6+s23], $0x4000, $0x38;
	[tilespmem:$0xC000] =	vst v63  }
0xbd: {  	s25 =	simm.s32 $0x0;
	s24 =	sand.u32 $0x3000, s24;
	s23 =	sand.u32 $0xC00, s23  }
0xbe: {  	s25 =	sand.u32 $0x380, s25;
	s23 =	sor.u32 s23, s24  }
0xbf: {  	s23 =	sor.u32 s25, s23  }
0xc0: {  	v2 =	vld [tilespmem:s23+$0x4070]  }
0xc1: {  	v3 =	vld [tilespmem:s23+$0x4000]  }
0xc2: {  	v4 =	vld [tilespmem:s23+$0x4010]  }
0xc3: {  	v5 =	vld [tilespmem:s23+$0x4020]  }
0xc4: {  	v6 =	vld [tilespmem:s23+$0x4030]  }
0xc5: {  	v7 =	vld [tilespmem:s23+$0x4040]  }
0xc6: {  	v8 =	vld [tilespmem:s23+$0x4050]  }
0xc7: {  	v9 =	vld [tilespmem:s23+$0x4060]  }
0xc8: {  	v2 =	vmul.f32 $8.192000000e+03, v2;
	v3 =	vmul.f32 $8.192000000e+03, v3  }
0xc9: {  	v4 =	vmul.f32 $8.192000000e+03, v4;
	v5 =	vmul.f32 $8.192000000e+03, v5  }
0xca: {  	s30 =	simm.s32 $0x80;
	s23 =	simm.s32 $0x400;
	v6 =	vmul.f32 $8.192000000e+03, v6;
	v2 =	vtrunc.f32 v2  }
0xcb: {  	s26 =	simm.s32 $0x20;
	s24 =	sand.u32 $0x3000, s30;
	s31 =	sand.u32 $0xC00, s23;
	v7 =	vmul.f32 $8.192000000e+03, v7;
	v2 =	vcvt.f32.s32 v2  }
0xcc: {  	s26 =	sand.u32 $0x380, s26;
	s24 =	sor.u32 s31, s24;
	v8 =	vmul.f32 $8.192000000e+03, v8;
	v9 =	vmul.f32 $8.192000000e+03, v9  }
0xcd: {  	s24 =	sor.u32 s26, s24;
	v3 =	vtrunc.f32 v3;
	v4 =	vtrunc.f32 v4;
	vm11 =	vlt.s32 v2, $0x1FFF  }
0xce: {  	v10 =	vld [tilespmem:s24+$0x4070];
	v5 =	vtrunc.f32 v5;
	v6 =	vtrunc.f32 v6;
	v2 =	vnsel vm11, $0x1FFF, v2  }
0xcf: {  	v7 =	vtrunc.f32 v7;
	v8 =	vtrunc.f32 v8  }
0xd0: {  	v11 =	vld [tilespmem:s24+$0x4000];
	v9 =	vtrunc.f32 v9;
	v3 =	vcvt.f32.s32 v3  }
0xd1: {  	v13 =	vld [tilespmem:s24+$0x4010];
	v4 =	vcvt.f32.s32 v4;
	v7 =	vcvt.f32.s32 v7  }
0xd2: {  	v16 =	vld [tilespmem:s24+$0x4030];
	v12 =	vcvt.f32.s32 v8;
	v9 =	vcvt.f32.s32 v9  }
0xd3: {  	v18 =	vmul.f32 $8.192000000e+03, v10;
	vm12 =	vlt.s32 v3, $0x1FFF;
	[tilespmem:v2+s2+$0x0] =	vst.idx.add.f32.msk $0xffff, v1;
	v2 =	vcvt.f32.s32 v5  }
0xd4: {  	vm13 =	vlt.s32 v4, $0x1FFF;
	v3 =	vnsel vm12, $0x1FFF, v3;
	v5 =	vcvt.f32.s32 v6  }
0xd5: {  	v15 =	vld [tilespmem:s24+$0x4020];
	v19 =	vmul.f32 $8.192000000e+03, v11;
	v17 =	vnsel vm13, $0x1FFF, v4;
	vm2 =	vlt.s32 v2, $0x1FFF  }
0xd6: {  	v8 =	vld [tilespmem:s24+$0x4040];
	v14 =	vmul.f32 $8.192000000e+03, v13;
	vm14 =	vlt.s32 v5, $0x1FFF;
	v6 =	vnsel vm2, $0x1FFF, v2  }
0xd7: {  	v10 =	vld [tilespmem:s24+$0x4050];
	v13 =	vmul.f32 $8.192000000e+03, v16;
	vm3 =	vlt.s32 v7, $0x1FFF;
	v5 =	vnsel vm14, $0x1FFF, v5  }
0xd8: {  	vm15 =	vlt.s32 v12, $0x1FFF;
	v4 =	vnsel vm3, $0x1FFF, v7;
	v7 =	vld [tilespmem:s24+$0x4060];
	v11 =	vtrunc.f32 v18  }
0xd9: {  	vm4 =	vlt.s32 v9, $0x1FFF;
	v11 =	vcvt.f32.s32 v11;
	[tilespmem:v3+s2+$0x0] =	vst.idx.add.f32.msk $0xffff, v1;
	v2 =	vnsel vm15, $0x1FFF, v12  }
0xda: {  	s24 =	simm.s32 $0x8;
	v3 =	vnsel vm4, $0x1FFF, v9;
	v9 =	vtrunc.f32 v19;
	[tilespmem:v17+s2+$0x0] =	vst.idx.add.f32.msk $0xffff, v1;
	v12 =	vmul.f32 $8.192000000e+03, v15  }
.LBB2_10:
0xdb: {  	s24 =	sadd.s32 $0x8, s24;
	v14 =	vtrunc.f32 v14;
	v8 =	vmul.f32 $8.192000000e+03, v8;
	vm0 =	vlt.s32 v11, $0x1FFF;
	[tilespmem:v6+s2+$0x0] =	vst.idx.add.f32.msk $0xffff, v1  }
0xdc: {  	v6 =	vtrunc.f32 v12;
	s23 =	sadd.s32 $0x400, s23;
	s25 =	sshll.u32 s24, $0x4;
	p0 =	slt.u32 s24, $0x3F8;
	v10 =	vmul.f32 $8.192000000e+03, v10;
	v11 =	vnsel vm0, $0x1FFF, v11;
	[tilespmem:v5+s2+$0x0] =	vst.idx.add.f32.msk $0xffff, v1  }
0xdd: {  	s26 =	sand.u32 $0xC00, s23;
	s28 =	sshll.u32 s24, $0x2;
	v5 =	vtrunc.f32 v13;
	s25 =	sand.u32 $0x3000, s25;
	v7 =	vmul.f32 $8.192000000e+03, v7;
	[tilespmem:v4+s2+$0x0] =	vst.idx.add.f32.msk $0xffff, v1  }
0xde: {  	s28 =	sand.u32 $0x380, s28;
	v4 =	vtrunc.f32 v8;
	s25 =	sor.u32 s26, s25;
	v8 =	vtrunc.f32 v10;
	[tilespmem:v2+s2+$0x0] =	vst.idx.add.f32.msk $0xffff, v1  }
0xdf: {  	v2 =	vcvt.f32.s32 v9;
	s25 =	sor.u32 s28, s25;
	v7 =	vtrunc.f32 v7;
	[tilespmem:v3+s2+$0x0] =	vst.idx.add.f32.msk $0xffff, v1  }
0xe0: {  	v6 =	vcvt.f32.s32 v6;
	v9 =	vcvt.f32.s32 v14;
	v3 =	vld [tilespmem:s25+$0x4070]  }
0xe1: {  	v5 =	vcvt.f32.s32 v5;
	v4 =	vcvt.f32.s32 v4;
	vm0 =	vlt.s32 v2, $0x1FFF;
	[tilespmem:v11+s2+$0x0] =	vst.idx.add.f32.msk $0xffff, v1  }
0xe2: {  	vm1 =	vlt.s32 v9, $0x1FFF;
	v7 =	vcvt.f32.s32 v7;
	v11 =	vcvt.f32.s32 v8;
	v10 =	vld [tilespmem:s25+$0x4000]  }
0xe3: {  	vm2 =	vlt.s32 v6, $0x1FFF;
	vm3 =	vlt.s32 v5, $0x1FFF;
	vm4 =	vlt.s32 v4, $0x1FFF;
	v12 =	vld [tilespmem:s25+$0x4010]  }
0xe4: {  	v15 =	vnsel vm0, $0x1FFF, v2;
	vm5 =	vlt.s32 v7, $0x1FFF;
	vm0 =	vlt.s32 v11, $0x1FFF;
	v13 =	vld [tilespmem:s25+$0x4020]  }
0xe5: {  	v6 =	vnsel vm2, $0x1FFF, v6;
	v5 =	vnsel vm3, $0x1FFF, v5;
	v17 =	vnsel vm1, $0x1FFF, v9;
	v16 =	vld [tilespmem:s25+$0x4030]  }
.Ltmp4:
0xe6: {  	v4 =	vnsel vm4, $0x1FFF, v4;
	v2 =	vnsel vm0, $0x1FFF, v11;
	v9 =	vmul.f32 $8.192000000e+03, v3;
	v8 =	vld [tilespmem:s25+$0x4040];
	(pc) =	sbr.rel @p0 .LBB2_10-.Ltmp4, $4  }
0xe7: {  	v3 =	vnsel vm5, $0x1FFF, v7;
	v18 =	vmul.f32 $8.192000000e+03, v10;
	v10 =	vld [tilespmem:s25+$0x4050]  }
0xe8: {  	v9 =	vtrunc.f32 v9;
	v14 =	vmul.f32 $8.192000000e+03, v12;
	v7 =	vld [tilespmem:s25+$0x4060]  }
0xe9: {  	v11 =	vcvt.f32.s32 v9;
	v12 =	vmul.f32 $8.192000000e+03, v13;
	[tilespmem:v15+s2+$0x0] =	vst.idx.add.f32.msk $0xffff, v1  }
0xea: {  	v9 =	vtrunc.f32 v18;
	v13 =	vmul.f32 $8.192000000e+03, v16;
	[tilespmem:v17+s2+$0x0] =	vst.idx.add.f32.msk $0xffff, v1  }
0xeb: {  	v14 =	vtrunc.f32 v14  }
0xec: {  	v8 =	vmul.f32 $8.192000000e+03, v8;
	v12 =	vtrunc.f32 v12  }
0xed: {  	vm0 =	vlt.s32 v11, $0x1FFF;
	v9 =	vcvt.f32.s32 v9;
	v10 =	vmul.f32 $8.192000000e+03, v10  }
0xee: {  	v13 =	vtrunc.f32 v13;
	v11 =	vnsel vm0, $0x1FFF, v11;
	v14 =	vcvt.f32.s32 v14  }
0xef: {  	[tilespmem:v6+s2+$0x0] =	vst.idx.add.f32.msk $0xffff, v1;
	v7 =	vmul.f32 $8.192000000e+03, v7;
	v8 =	vtrunc.f32 v8;
	vm5 =	vlt.s32 v9, $0x1FFF  }
0xf0: {  	[tilespmem:v5+s2+$0x0] =	vst.idx.add.f32.msk $0xffff, v1;
	v5 =	vcvt.f32.s32 v13;
	v10 =	vtrunc.f32 v10;
	vm1 =	vlt.s32 v14, $0x1FFF  }
0xf1: {  	[tilespmem:v4+s2+$0x0] =	vst.idx.add.f32.msk $0xffff, v1;
	v9 =	vnsel vm5, $0x1FFF, v9;
	v4 =	vcvt.f32.s32 v8;
	v6 =	vtrunc.f32 v7  }
0xf2: {  	v7 =	vcvt.f32.s32 v12;
	v8 =	vnsel vm1, $0x1FFF, v14;
	vm7 =	vlt.s32 v5, $0x1FFF  }
0xf3: {  	[tilespmem:v2+s2+$0x0] =	vst.idx.add.f32.msk $0xffff, v1;
	v2 =	vcvt.f32.s32 v10;
	vm8 =	vlt.s32 v4, $0x1FFF;
	v5 =	vnsel vm7, $0x1FFF, v5  }
0xf4: {  	[tilespmem:v3+s2+$0x0] =	vst.idx.add.f32.msk $0xffff, v1;
	v3 =	vcvt.f32.s32 v6;
	vm6 =	vlt.s32 v7, $0x1FFF;
	v4 =	vnsel vm8, $0x1FFF, v4  }
0xf5: {  	[tilespmem:v11+s2+$0x0] =	vst.idx.add.f32.msk $0xffff, v1;
	vm9 =	vlt.s32 v2, $0x1FFF;
	v7 =	vnsel vm6, $0x1FFF, v7  }
0xf6: {  	vm10 =	vlt.s32 v3, $0x1FFF;
	v2 =	vnsel vm9, $0x1FFF, v2;
	[tilespmem:v9+s2+$0x0] =	vst.idx.add.f32.msk $0xffff, v1  }
0xf7: {  	v3 =	vnsel vm10, $0x1FFF, v3;
	[tilespmem:v8+s2+$0x0] =	vst.idx.add.f32.msk $0xffff, v1  }
0xf8: {  	[tilespmem:v5+s2+$0x0] =	vst.idx.add.f32.msk $0xffff, v1  }
0xf9: {  	[tilespmem:v4+s2+$0x0] =	vst.idx.add.f32.msk $0xffff, v1  }
0xfa: {  	[tilespmem:v7+s2+$0x0] =	vst.idx.add.f32.msk $0xffff, v1  }
0xfb: {  	[tilespmem:v2+s2+$0x0] =	vst.idx.add.f32.msk $0xffff, v1  }
0xfc: {  	[tilespmem:v3+s2+$0x0] =	vst.idx.add.f32.msk $0xffff, v1  }
0xfd: {  	_ =	swait.ge [sflag:s17], $0x4000  }
0xfe: {  	[sflag:s17] =	ssyncset.done $0x0  }
0xff: {  	s23 =	simm.s32 $0x0;
	s24 =	simm.s32 $0x0;
	[sflag:s17] =	ssyncadd.s32 $0xFFFFC000  }
0x100: {  	[tilespmem:s14], [sflag:$0x1] =	stream.linear.gather [hbm4b:s7+s23], $0x4000, $0x38;
	[tilespmem:$0xC000] =	vst v63  }
0x101: {  	s25 =	simm.s32 $0x0;
	s24 =	sand.u32 $0x3000, s24;
	s23 =	sand.u32 $0xC00, s23  }
0x102: {  	s25 =	sand.u32 $0x380, s25;
	s23 =	sor.u32 s23, s24  }
0x103: {  	s23 =	sor.u32 s25, s23  }
0x104: {  	v2 =	vld [tilespmem:s23+$0x8070]  }
0x105: {  	v3 =	vld [tilespmem:s23+$0x8000]  }
0x106: {  	v4 =	vld [tilespmem:s23+$0x8010]  }
0x107: {  	v5 =	vld [tilespmem:s23+$0x8020]  }
0x108: {  	v6 =	vld [tilespmem:s23+$0x8030]  }
0x109: {  	v7 =	vld [tilespmem:s23+$0x8040]  }
0x10a: {  	v8 =	vld [tilespmem:s23+$0x8050]  }
0x10b: {  	v9 =	vld [tilespmem:s23+$0x8060]  }
0x10c: {  	v2 =	vmul.f32 $8.192000000e+03, v2;
	v3 =	vmul.f32 $8.192000000e+03, v3  }
0x10d: {  	v4 =	vmul.f32 $8.192000000e+03, v4;
	v5 =	vmul.f32 $8.192000000e+03, v5  }
0x10e: {  	s30 =	simm.s32 $0x80;
	s23 =	simm.s32 $0x400;
	v6 =	vmul.f32 $8.192000000e+03, v6;
	v2 =	vtrunc.f32 v2  }
0x10f: {  	s26 =	simm.s32 $0x20;
	s24 =	sand.u32 $0x3000, s30;
	s31 =	sand.u32 $0xC00, s23;
	v7 =	vmul.f32 $8.192000000e+03, v7;
	v2 =	vcvt.f32.s32 v2  }
0x110: {  	s26 =	sand.u32 $0x380, s26;
	s24 =	sor.u32 s31, s24;
	v8 =	vmul.f32 $8.192000000e+03, v8;
	v9 =	vmul.f32 $8.192000000e+03, v9  }
0x111: {  	s24 =	sor.u32 s26, s24;
	v3 =	vtrunc.f32 v3;
	v4 =	vtrunc.f32 v4;
	vm11 =	vlt.s32 v2, $0x1FFF  }
0x112: {  	v10 =	vld [tilespmem:s24+$0x8070];
	v5 =	vtrunc.f32 v5;
	v6 =	vtrunc.f32 v6;
	v2 =	vnsel vm11, $0x1FFF, v2  }
0x113: {  	v7 =	vtrunc.f32 v7;
	v8 =	vtrunc.f32 v8  }
0x114: {  	v11 =	vld [tilespmem:s24+$0x8000];
	v9 =	vtrunc.f32 v9;
	v3 =	vcvt.f32.s32 v3  }
0x115: {  	v13 =	vld [tilespmem:s24+$0x8010];
	v4 =	vcvt.f32.s32 v4;
	v7 =	vcvt.f32.s32 v7  }
0x116: {  	v16 =	vld [tilespmem:s24+$0x8030];
	v12 =	vcvt.f32.s32 v8;
	v9 =	vcvt.f32.s32 v9  }
0x117: {  	v18 =	vmul.f32 $8.192000000e+03, v10;
	vm12 =	vlt.s32 v3, $0x1FFF;
	[tilespmem:v2+s2+$0x0] =	vst.idx.add.f32.msk $0xffff, v1;
	v2 =	vcvt.f32.s32 v5  }
0x118: {  	vm13 =	vlt.s32 v4, $0x1FFF;
	v3 =	vnsel vm12, $0x1FFF, v3;
	v5 =	vcvt.f32.s32 v6  }
0x119: {  	v15 =	vld [tilespmem:s24+$0x8020];
	v19 =	vmul.f32 $8.192000000e+03, v11;
	v17 =	vnsel vm13, $0x1FFF, v4;
	vm2 =	vlt.s32 v2, $0x1FFF  }
0x11a: {  	v8 =	vld [tilespmem:s24+$0x8040];
	v14 =	vmul.f32 $8.192000000e+03, v13;
	vm14 =	vlt.s32 v5, $0x1FFF;
	v6 =	vnsel vm2, $0x1FFF, v2  }
0x11b: {  	v10 =	vld [tilespmem:s24+$0x8050];
	v13 =	vmul.f32 $8.192000000e+03, v16;
	vm3 =	vlt.s32 v7, $0x1FFF;
	v5 =	vnsel vm14, $0x1FFF, v5  }
0x11c: {  	vm15 =	vlt.s32 v12, $0x1FFF;
	v4 =	vnsel vm3, $0x1FFF, v7;
	v7 =	vld [tilespmem:s24+$0x8060];
	v11 =	vtrunc.f32 v18  }
0x11d: {  	vm4 =	vlt.s32 v9, $0x1FFF;
	v11 =	vcvt.f32.s32 v11;
	[tilespmem:v3+s2+$0x0] =	vst.idx.add.f32.msk $0xffff, v1;
	v2 =	vnsel vm15, $0x1FFF, v12  }
0x11e: {  	s24 =	simm.s32 $0x8;
	v3 =	vnsel vm4, $0x1FFF, v9;
	v9 =	vtrunc.f32 v19;
	[tilespmem:v17+s2+$0x0] =	vst.idx.add.f32.msk $0xffff, v1;
	v12 =	vmul.f32 $8.192000000e+03, v15  }
.LBB2_12:
0x11f: {  	s24 =	sadd.s32 $0x8, s24;
	v14 =	vtrunc.f32 v14;
	v8 =	vmul.f32 $8.192000000e+03, v8;
	vm0 =	vlt.s32 v11, $0x1FFF;
	[tilespmem:v6+s2+$0x0] =	vst.idx.add.f32.msk $0xffff, v1  }
0x120: {  	v6 =	vtrunc.f32 v12;
	s23 =	sadd.s32 $0x400, s23;
	s25 =	sshll.u32 s24, $0x4;
	p0 =	slt.u32 s24, $0x3F8;
	v10 =	vmul.f32 $8.192000000e+03, v10;
	v11 =	vnsel vm0, $0x1FFF, v11;
	[tilespmem:v5+s2+$0x0] =	vst.idx.add.f32.msk $0xffff, v1  }
0x121: {  	s26 =	sand.u32 $0xC00, s23;
	s28 =	sshll.u32 s24, $0x2;
	v5 =	vtrunc.f32 v13;
	s25 =	sand.u32 $0x3000, s25;
	v7 =	vmul.f32 $8.192000000e+03, v7;
	[tilespmem:v4+s2+$0x0] =	vst.idx.add.f32.msk $0xffff, v1  }
0x122: {  	s28 =	sand.u32 $0x380, s28;
	v4 =	vtrunc.f32 v8;
	s25 =	sor.u32 s26, s25;
	v8 =	vtrunc.f32 v10;
	[tilespmem:v2+s2+$0x0] =	vst.idx.add.f32.msk $0xffff, v1  }
0x123: {  	v2 =	vcvt.f32.s32 v9;
	s25 =	sor.u32 s28, s25;
	v7 =	vtrunc.f32 v7;
	[tilespmem:v3+s2+$0x0] =	vst.idx.add.f32.msk $0xffff, v1  }
0x124: {  	v6 =	vcvt.f32.s32 v6;
	v9 =	vcvt.f32.s32 v14;
	v3 =	vld [tilespmem:s25+$0x8070]  }
0x125: {  	v5 =	vcvt.f32.s32 v5;
	v4 =	vcvt.f32.s32 v4;
	vm0 =	vlt.s32 v2, $0x1FFF;
	[tilespmem:v11+s2+$0x0] =	vst.idx.add.f32.msk $0xffff, v1  }
0x126: {  	vm1 =	vlt.s32 v9, $0x1FFF;
	v7 =	vcvt.f32.s32 v7;
	v11 =	vcvt.f32.s32 v8;
	v10 =	vld [tilespmem:s25+$0x8000]  }
0x127: {  	vm2 =	vlt.s32 v6, $0x1FFF;
	vm3 =	vlt.s32 v5, $0x1FFF;
	vm4 =	vlt.s32 v4, $0x1FFF;
	v12 =	vld [tilespmem:s25+$0x8010]  }
0x128: {  	v15 =	vnsel vm0, $0x1FFF, v2;
	vm5 =	vlt.s32 v7, $0x1FFF;
	vm0 =	vlt.s32 v11, $0x1FFF;
	v13 =	vld [tilespmem:s25+$0x8020]  }
0x129: {  	v6 =	vnsel vm2, $0x1FFF, v6;
	v5 =	vnsel vm3, $0x1FFF, v5;
	v17 =	vnsel vm1, $0x1FFF, v9;
	v16 =	vld [tilespmem:s25+$0x8030]  }
.Ltmp5:
0x12a: {  	v4 =	vnsel vm4, $0x1FFF, v4;
	v2 =	vnsel vm0, $0x1FFF, v11;
	v9 =	vmul.f32 $8.192000000e+03, v3;
	v8 =	vld [tilespmem:s25+$0x8040];
	(pc) =	sbr.rel @p0 .LBB2_12-.Ltmp5, $4  }
0x12b: {  	v3 =	vnsel vm5, $0x1FFF, v7;
	v18 =	vmul.f32 $8.192000000e+03, v10;
	v10 =	vld [tilespmem:s25+$0x8050]  }
0x12c: {  	v9 =	vtrunc.f32 v9;
	v14 =	vmul.f32 $8.192000000e+03, v12;
	v7 =	vld [tilespmem:s25+$0x8060]  }
0x12d: {  	v11 =	vcvt.f32.s32 v9;
	v12 =	vmul.f32 $8.192000000e+03, v13;
	[tilespmem:v15+s2+$0x0] =	vst.idx.add.f32.msk $0xffff, v1  }
0x12e: {  	v9 =	vtrunc.f32 v18;
	v13 =	vmul.f32 $8.192000000e+03, v16;
	[tilespmem:v17+s2+$0x0] =	vst.idx.add.f32.msk $0xffff, v1  }
0x12f: {  	v14 =	vtrunc.f32 v14  }
0x130: {  	v8 =	vmul.f32 $8.192000000e+03, v8;
	v12 =	vtrunc.f32 v12  }
0x131: {  	vm0 =	vlt.s32 v11, $0x1FFF;
	v9 =	vcvt.f32.s32 v9;
	v10 =	vmul.f32 $8.192000000e+03, v10  }
0x132: {  	v13 =	vtrunc.f32 v13;
	v11 =	vnsel vm0, $0x1FFF, v11;
	v14 =	vcvt.f32.s32 v14  }
0x133: {  	[tilespmem:v6+s2+$0x0] =	vst.idx.add.f32.msk $0xffff, v1;
	v7 =	vmul.f32 $8.192000000e+03, v7;
	v8 =	vtrunc.f32 v8;
	vm5 =	vlt.s32 v9, $0x1FFF  }
0x134: {  	[tilespmem:v5+s2+$0x0] =	vst.idx.add.f32.msk $0xffff, v1;
	v5 =	vcvt.f32.s32 v13;
	v10 =	vtrunc.f32 v10;
	vm1 =	vlt.s32 v14, $0x1FFF  }
0x135: {  	[tilespmem:v4+s2+$0x0] =	vst.idx.add.f32.msk $0xffff, v1;
	v9 =	vnsel vm5, $0x1FFF, v9;
	v4 =	vcvt.f32.s32 v8;
	v6 =	vtrunc.f32 v7  }
0x136: {  	v7 =	vcvt.f32.s32 v12;
	v8 =	vnsel vm1, $0x1FFF, v14;
	vm7 =	vlt.s32 v5, $0x1FFF  }
0x137: {  	[tilespmem:v2+s2+$0x0] =	vst.idx.add.f32.msk $0xffff, v1;
	v2 =	vcvt.f32.s32 v10;
	vm8 =	vlt.s32 v4, $0x1FFF;
	v5 =	vnsel vm7, $0x1FFF, v5  }
0x138: {  	[tilespmem:v3+s2+$0x0] =	vst.idx.add.f32.msk $0xffff, v1;
	v3 =	vcvt.f32.s32 v6;
	vm6 =	vlt.s32 v7, $0x1FFF;
	v4 =	vnsel vm8, $0x1FFF, v4  }
0x139: {  	[tilespmem:v11+s2+$0x0] =	vst.idx.add.f32.msk $0xffff, v1;
	vm9 =	vlt.s32 v2, $0x1FFF;
	v7 =	vnsel vm6, $0x1FFF, v7  }
0x13a: {  	vm10 =	vlt.s32 v3, $0x1FFF;
	v2 =	vnsel vm9, $0x1FFF, v2;
	[tilespmem:v9+s2+$0x0] =	vst.idx.add.f32.msk $0xffff, v1  }
0x13b: {  	v3 =	vnsel vm10, $0x1FFF, v3;
	[tilespmem:v8+s2+$0x0] =	vst.idx.add.f32.msk $0xffff, v1  }
0x13c: {  	[tilespmem:v5+s2+$0x0] =	vst.idx.add.f32.msk $0xffff, v1  }
0x13d: {  	[tilespmem:v4+s2+$0x0] =	vst.idx.add.f32.msk $0xffff, v1  }
0x13e: {  	[tilespmem:v7+s2+$0x0] =	vst.idx.add.f32.msk $0xffff, v1  }
0x13f: {  	[tilespmem:v2+s2+$0x0] =	vst.idx.add.f32.msk $0xffff, v1  }
0x140: {  	[tilespmem:v3+s2+$0x0] =	vst.idx.add.f32.msk $0xffff, v1  }
0x141: {  	_ =	swait.ge [sflag:s15], $0x4000  }
0x142: {  	[sflag:s15] =	ssyncset.done $0x0  }
0x143: {  	s23 =	simm.s32 $0x0;
	s24 =	simm.s32 $0x0;
	[sflag:s15] =	ssyncadd.s32 $0xFFFFC000  }
0x144: {  	[tilespmem:s16], [sflag:$0x2] =	stream.linear.gather [hbm4b:s8+s23], $0x4000, $0x38;
	[tilespmem:$0xC000] =	vst v63  }
0x145: {  	s25 =	simm.s32 $0x0;
	s24 =	sand.u32 $0x3000, s24;
	s23 =	sand.u32 $0xC00, s23  }
0x146: {  	s25 =	sand.u32 $0x380, s25;
	s23 =	sor.u32 s23, s24  }
0x147: {  	s23 =	sor.u32 s25, s23  }
0x148: {  	v2 =	vld [tilespmem:s23+$0x4070]  }
0x149: {  	v3 =	vld [tilespmem:s23+$0x4000]  }
0x14a: {  	v4 =	vld [tilespmem:s23+$0x4010]  }
0x14b: {  	v5 =	vld [tilespmem:s23+$0x4020]  }
0x14c: {  	v6 =	vld [tilespmem:s23+$0x4030]  }
0x14d: {  	v7 =	vld [tilespmem:s23+$0x4040]  }
0x14e: {  	v8 =	vld [tilespmem:s23+$0x4050]  }
0x14f: {  	v9 =	vld [tilespmem:s23+$0x4060]  }
0x150: {  	v2 =	vmul.f32 $8.192000000e+03, v2;
	v3 =	vmul.f32 $8.192000000e+03, v3  }
0x151: {  	v4 =	vmul.f32 $8.192000000e+03, v4;
	v5 =	vmul.f32 $8.192000000e+03, v5  }
0x152: {  	s30 =	simm.s32 $0x80;
	s23 =	simm.s32 $0x400;
	v6 =	vmul.f32 $8.192000000e+03, v6;
	v2 =	vtrunc.f32 v2  }
0x153: {  	s26 =	simm.s32 $0x20;
	s24 =	sand.u32 $0x3000, s30;
	s31 =	sand.u32 $0xC00, s23;
	v7 =	vmul.f32 $8.192000000e+03, v7;
	v2 =	vcvt.f32.s32 v2  }
0x154: {  	s26 =	sand.u32 $0x380, s26;
	s24 =	sor.u32 s31, s24;
	v8 =	vmul.f32 $8.192000000e+03, v8;
	v9 =	vmul.f32 $8.192000000e+03, v9  }
0x155: {  	s24 =	sor.u32 s26, s24;
	v3 =	vtrunc.f32 v3;
	v4 =	vtrunc.f32 v4;
	vm11 =	vlt.s32 v2, $0x1FFF  }
0x156: {  	v10 =	vld [tilespmem:s24+$0x4070];
	v5 =	vtrunc.f32 v5;
	v6 =	vtrunc.f32 v6;
	v2 =	vnsel vm11, $0x1FFF, v2  }
0x157: {  	v7 =	vtrunc.f32 v7;
	v8 =	vtrunc.f32 v8  }
0x158: {  	v11 =	vld [tilespmem:s24+$0x4000];
	v9 =	vtrunc.f32 v9;
	v3 =	vcvt.f32.s32 v3  }
0x159: {  	v13 =	vld [tilespmem:s24+$0x4010];
	v4 =	vcvt.f32.s32 v4;
	v7 =	vcvt.f32.s32 v7  }
0x15a: {  	v16 =	vld [tilespmem:s24+$0x4030];
	v12 =	vcvt.f32.s32 v8;
	v9 =	vcvt.f32.s32 v9  }
0x15b: {  	v18 =	vmul.f32 $8.192000000e+03, v10;
	vm12 =	vlt.s32 v3, $0x1FFF;
	[tilespmem:v2+s18+$0x0] =	vst.idx.add.f32.msk $0xffff, v1;
	v2 =	vcvt.f32.s32 v5  }
0x15c: {  	vm13 =	vlt.s32 v4, $0x1FFF;
	v3 =	vnsel vm12, $0x1FFF, v3;
	v5 =	vcvt.f32.s32 v6  }
0x15d: {  	v15 =	vld [tilespmem:s24+$0x4020];
	v19 =	vmul.f32 $8.192000000e+03, v11;
	v17 =	vnsel vm13, $0x1FFF, v4;
	vm2 =	vlt.s32 v2, $0x1FFF  }
0x15e: {  	v8 =	vld [tilespmem:s24+$0x4040];
	v14 =	vmul.f32 $8.192000000e+03, v13;
	vm14 =	vlt.s32 v5, $0x1FFF;
	v6 =	vnsel vm2, $0x1FFF, v2  }
0x15f: {  	v10 =	vld [tilespmem:s24+$0x4050];
	v13 =	vmul.f32 $8.192000000e+03, v16;
	vm3 =	vlt.s32 v7, $0x1FFF;
	v5 =	vnsel vm14, $0x1FFF, v5  }
0x160: {  	vm15 =	vlt.s32 v12, $0x1FFF;
	v4 =	vnsel vm3, $0x1FFF, v7;
	v7 =	vld [tilespmem:s24+$0x4060];
	v11 =	vtrunc.f32 v18  }
0x161: {  	vm4 =	vlt.s32 v9, $0x1FFF;
	v11 =	vcvt.f32.s32 v11;
	[tilespmem:v3+s18+$0x0] =	vst.idx.add.f32.msk $0xffff, v1;
	v2 =	vnsel vm15, $0x1FFF, v12  }
0x162: {  	s24 =	simm.s32 $0x8;
	v3 =	vnsel vm4, $0x1FFF, v9;
	v9 =	vtrunc.f32 v19;
	[tilespmem:v17+s18+$0x0] =	vst.idx.add.f32.msk $0xffff, v1;
	v12 =	vmul.f32 $8.192000000e+03, v15  }
.LBB2_14:
0x163: {  	s24 =	sadd.s32 $0x8, s24;
	v14 =	vtrunc.f32 v14;
	v8 =	vmul.f32 $8.192000000e+03, v8;
	vm0 =	vlt.s32 v11, $0x1FFF;
	[tilespmem:v6+s18+$0x0] =	vst.idx.add.f32.msk $0xffff, v1  }
0x164: {  	v6 =	vtrunc.f32 v12;
	s23 =	sadd.s32 $0x400, s23;
	s25 =	sshll.u32 s24, $0x4;
	p0 =	slt.u32 s24, $0x3F8;
	v10 =	vmul.f32 $8.192000000e+03, v10;
	v11 =	vnsel vm0, $0x1FFF, v11;
	[tilespmem:v5+s18+$0x0] =	vst.idx.add.f32.msk $0xffff, v1  }
0x165: {  	s26 =	sand.u32 $0xC00, s23;
	s28 =	sshll.u32 s24, $0x2;
	v5 =	vtrunc.f32 v13;
	s25 =	sand.u32 $0x3000, s25;
	v7 =	vmul.f32 $8.192000000e+03, v7;
	[tilespmem:v4+s18+$0x0] =	vst.idx.add.f32.msk $0xffff, v1  }
0x166: {  	s28 =	sand.u32 $0x380, s28;
	v4 =	vtrunc.f32 v8;
	s25 =	sor.u32 s26, s25;
	v8 =	vtrunc.f32 v10;
	[tilespmem:v2+s18+$0x0] =	vst.idx.add.f32.msk $0xffff, v1  }
0x167: {  	v2 =	vcvt.f32.s32 v9;
	s25 =	sor.u32 s28, s25;
	v7 =	vtrunc.f32 v7;
	[tilespmem:v3+s18+$0x0] =	vst.idx.add.f32.msk $0xffff, v1  }
0x168: {  	v6 =	vcvt.f32.s32 v6;
	v9 =	vcvt.f32.s32 v14;
	v3 =	vld [tilespmem:s25+$0x4070]  }
0x169: {  	v5 =	vcvt.f32.s32 v5;
	v4 =	vcvt.f32.s32 v4;
	vm0 =	vlt.s32 v2, $0x1FFF;
	[tilespmem:v11+s18+$0x0] =	vst.idx.add.f32.msk $0xffff, v1  }
0x16a: {  	vm1 =	vlt.s32 v9, $0x1FFF;
	v7 =	vcvt.f32.s32 v7;
	v11 =	vcvt.f32.s32 v8;
	v10 =	vld [tilespmem:s25+$0x4000]  }
0x16b: {  	vm2 =	vlt.s32 v6, $0x1FFF;
	vm3 =	vlt.s32 v5, $0x1FFF;
	vm4 =	vlt.s32 v4, $0x1FFF;
	v12 =	vld [tilespmem:s25+$0x4010]  }
0x16c: {  	v15 =	vnsel vm0, $0x1FFF, v2;
	vm5 =	vlt.s32 v7, $0x1FFF;
	vm0 =	vlt.s32 v11, $0x1FFF;
	v13 =	vld [tilespmem:s25+$0x4020]  }
0x16d: {  	v6 =	vnsel vm2, $0x1FFF, v6;
	v5 =	vnsel vm3, $0x1FFF, v5;
	v17 =	vnsel vm1, $0x1FFF, v9;
	v16 =	vld [tilespmem:s25+$0x4030]  }
.Ltmp6:
0x16e: {  	v4 =	vnsel vm4, $0x1FFF, v4;
	v2 =	vnsel vm0, $0x1FFF, v11;
	v9 =	vmul.f32 $8.192000000e+03, v3;
	v8 =	vld [tilespmem:s25+$0x4040];
	(pc) =	sbr.rel @p0 .LBB2_14-.Ltmp6, $4  }
0x16f: {  	v3 =	vnsel vm5, $0x1FFF, v7;
	v18 =	vmul.f32 $8.192000000e+03, v10;
	v10 =	vld [tilespmem:s25+$0x4050]  }
0x170: {  	v9 =	vtrunc.f32 v9;
	v14 =	vmul.f32 $8.192000000e+03, v12;
	v7 =	vld [tilespmem:s25+$0x4060]  }
0x171: {  	v11 =	vcvt.f32.s32 v9;
	v12 =	vmul.f32 $8.192000000e+03, v13;
	[tilespmem:v15+s18+$0x0] =	vst.idx.add.f32.msk $0xffff, v1  }
0x172: {  	v9 =	vtrunc.f32 v18;
	v13 =	vmul.f32 $8.192000000e+03, v16;
	[tilespmem:v17+s18+$0x0] =	vst.idx.add.f32.msk $0xffff, v1  }
0x173: {  	v14 =	vtrunc.f32 v14  }
0x174: {  	v8 =	vmul.f32 $8.192000000e+03, v8;
	v12 =	vtrunc.f32 v12  }
0x175: {  	vm0 =	vlt.s32 v11, $0x1FFF;
	v9 =	vcvt.f32.s32 v9;
	v10 =	vmul.f32 $8.192000000e+03, v10  }
0x176: {  	v13 =	vtrunc.f32 v13;
	v11 =	vnsel vm0, $0x1FFF, v11;
	v14 =	vcvt.f32.s32 v14  }
0x177: {  	[tilespmem:v6+s18+$0x0] =	vst.idx.add.f32.msk $0xffff, v1;
	v7 =	vmul.f32 $8.192000000e+03, v7;
	v8 =	vtrunc.f32 v8;
	vm5 =	vlt.s32 v9, $0x1FFF  }
0x178: {  	[tilespmem:v5+s18+$0x0] =	vst.idx.add.f32.msk $0xffff, v1;
	v5 =	vcvt.f32.s32 v13;
	v10 =	vtrunc.f32 v10;
	vm1 =	vlt.s32 v14, $0x1FFF  }
0x179: {  	[tilespmem:v4+s18+$0x0] =	vst.idx.add.f32.msk $0xffff, v1;
	v9 =	vnsel vm5, $0x1FFF, v9;
	v4 =	vcvt.f32.s32 v8;
	v6 =	vtrunc.f32 v7  }
0x17a: {  	v7 =	vcvt.f32.s32 v12;
	v8 =	vnsel vm1, $0x1FFF, v14;
	vm7 =	vlt.s32 v5, $0x1FFF  }
0x17b: {  	[tilespmem:v2+s18+$0x0] =	vst.idx.add.f32.msk $0xffff, v1;
	v2 =	vcvt.f32.s32 v10;
	vm8 =	vlt.s32 v4, $0x1FFF;
	v5 =	vnsel vm7, $0x1FFF, v5  }
0x17c: {  	[tilespmem:v3+s18+$0x0] =	vst.idx.add.f32.msk $0xffff, v1;
	v3 =	vcvt.f32.s32 v6;
	vm6 =	vlt.s32 v7, $0x1FFF;
	v4 =	vnsel vm8, $0x1FFF, v4  }
0x17d: {  	[tilespmem:v11+s18+$0x0] =	vst.idx.add.f32.msk $0xffff, v1;
	vm9 =	vlt.s32 v2, $0x1FFF;
	v7 =	vnsel vm6, $0x1FFF, v7  }
0x17e: {  	vm10 =	vlt.s32 v3, $0x1FFF;
	v2 =	vnsel vm9, $0x1FFF, v2;
	[tilespmem:v9+s18+$0x0] =	vst.idx.add.f32.msk $0xffff, v1  }
0x17f: {  	v3 =	vnsel vm10, $0x1FFF, v3;
	[tilespmem:v8+s18+$0x0] =	vst.idx.add.f32.msk $0xffff, v1  }
0x180: {  	[tilespmem:v5+s18+$0x0] =	vst.idx.add.f32.msk $0xffff, v1  }
0x181: {  	[tilespmem:v4+s18+$0x0] =	vst.idx.add.f32.msk $0xffff, v1  }
0x182: {  	[tilespmem:v7+s18+$0x0] =	vst.idx.add.f32.msk $0xffff, v1  }
0x183: {  	[tilespmem:v2+s18+$0x0] =	vst.idx.add.f32.msk $0xffff, v1  }
0x184: {  	[tilespmem:v3+s18+$0x0] =	vst.idx.add.f32.msk $0xffff, v1  }
0x185: {  	_ =	swait.ge [sflag:s17], $0x4000  }
0x186: {  	[sflag:s17] =	ssyncset.done $0x0  }
0x187: {  	s23 =	simm.s32 $0x0;
	s24 =	simm.s32 $0x0;
	[sflag:s17] =	ssyncadd.s32 $0xFFFFC000  }
0x188: {  	[tilespmem:s14], [sflag:$0x1] =	stream.linear.gather [hbm4b:s9+s23], $0x4000, $0x38;
	[tilespmem:$0xC000] =	vst v63  }
0x189: {  	s25 =	simm.s32 $0x0;
	s24 =	sand.u32 $0x3000, s24;
	s23 =	sand.u32 $0xC00, s23  }
0x18a: {  	s25 =	sand.u32 $0x380, s25;
	s23 =	sor.u32 s23, s24  }
0x18b: {  	s23 =	sor.u32 s25, s23  }
0x18c: {  	v2 =	vld [tilespmem:s23+$0x8070]  }
0x18d: {  	v3 =	vld [tilespmem:s23+$0x8000]  }
0x18e: {  	v4 =	vld [tilespmem:s23+$0x8010]  }
0x18f: {  	v5 =	vld [tilespmem:s23+$0x8020]  }
0x190: {  	v6 =	vld [tilespmem:s23+$0x8030]  }
0x191: {  	v7 =	vld [tilespmem:s23+$0x8040]  }
0x192: {  	v8 =	vld [tilespmem:s23+$0x8050]  }
0x193: {  	v9 =	vld [tilespmem:s23+$0x8060]  }
0x194: {  	v2 =	vmul.f32 $8.192000000e+03, v2;
	v3 =	vmul.f32 $8.192000000e+03, v3  }
0x195: {  	v4 =	vmul.f32 $8.192000000e+03, v4;
	v5 =	vmul.f32 $8.192000000e+03, v5  }
0x196: {  	s30 =	simm.s32 $0x80;
	s23 =	simm.s32 $0x400;
	v6 =	vmul.f32 $8.192000000e+03, v6;
	v2 =	vtrunc.f32 v2  }
0x197: {  	s26 =	simm.s32 $0x20;
	s24 =	sand.u32 $0x3000, s30;
	s31 =	sand.u32 $0xC00, s23;
	v7 =	vmul.f32 $8.192000000e+03, v7;
	v2 =	vcvt.f32.s32 v2  }
0x198: {  	s26 =	sand.u32 $0x380, s26;
	s24 =	sor.u32 s31, s24;
	v8 =	vmul.f32 $8.192000000e+03, v8;
	v9 =	vmul.f32 $8.192000000e+03, v9  }
0x199: {  	s24 =	sor.u32 s26, s24;
	v3 =	vtrunc.f32 v3;
	v4 =	vtrunc.f32 v4;
	vm11 =	vlt.s32 v2, $0x1FFF  }
0x19a: {  	v10 =	vld [tilespmem:s24+$0x8070];
	v5 =	vtrunc.f32 v5;
	v6 =	vtrunc.f32 v6;
	v2 =	vnsel vm11, $0x1FFF, v2  }
0x19b: {  	v7 =	vtrunc.f32 v7;
	v8 =	vtrunc.f32 v8  }
0x19c: {  	v11 =	vld [tilespmem:s24+$0x8000];
	v9 =	vtrunc.f32 v9;
	v3 =	vcvt.f32.s32 v3  }
0x19d: {  	v13 =	vld [tilespmem:s24+$0x8010];
	v4 =	vcvt.f32.s32 v4;
	v7 =	vcvt.f32.s32 v7  }
0x19e: {  	v16 =	vld [tilespmem:s24+$0x8030];
	v12 =	vcvt.f32.s32 v8;
	v9 =	vcvt.f32.s32 v9  }
0x19f: {  	v18 =	vmul.f32 $8.192000000e+03, v10;
	vm12 =	vlt.s32 v3, $0x1FFF;
	[tilespmem:v2+s18+$0x0] =	vst.idx.add.f32.msk $0xffff, v1;
	v2 =	vcvt.f32.s32 v5  }
0x1a0: {  	vm13 =	vlt.s32 v4, $0x1FFF;
	v3 =	vnsel vm12, $0x1FFF, v3;
	v5 =	vcvt.f32.s32 v6  }
0x1a1: {  	v15 =	vld [tilespmem:s24+$0x8020];
	v19 =	vmul.f32 $8.192000000e+03, v11;
	v17 =	vnsel vm13, $0x1FFF, v4;
	vm2 =	vlt.s32 v2, $0x1FFF  }
0x1a2: {  	v8 =	vld [tilespmem:s24+$0x8040];
	v14 =	vmul.f32 $8.192000000e+03, v13;
	vm14 =	vlt.s32 v5, $0x1FFF;
	v6 =	vnsel vm2, $0x1FFF, v2  }
0x1a3: {  	v10 =	vld [tilespmem:s24+$0x8050];
	v13 =	vmul.f32 $8.192000000e+03, v16;
	vm3 =	vlt.s32 v7, $0x1FFF;
	v5 =	vnsel vm14, $0x1FFF, v5  }
0x1a4: {  	vm15 =	vlt.s32 v12, $0x1FFF;
	v4 =	vnsel vm3, $0x1FFF, v7;
	v7 =	vld [tilespmem:s24+$0x8060];
	v11 =	vtrunc.f32 v18  }
0x1a5: {  	vm4 =	vlt.s32 v9, $0x1FFF;
	v11 =	vcvt.f32.s32 v11;
	[tilespmem:v3+s18+$0x0] =	vst.idx.add.f32.msk $0xffff, v1;
	v2 =	vnsel vm15, $0x1FFF, v12  }
0x1a6: {  	s24 =	simm.s32 $0x8;
	v3 =	vnsel vm4, $0x1FFF, v9;
	v9 =	vtrunc.f32 v19;
	[tilespmem:v17+s18+$0x0] =	vst.idx.add.f32.msk $0xffff, v1;
	v12 =	vmul.f32 $8.192000000e+03, v15  }
.LBB2_16:
0x1a7: {  	s24 =	sadd.s32 $0x8, s24;
	v14 =	vtrunc.f32 v14;
	v8 =	vmul.f32 $8.192000000e+03, v8;
	vm0 =	vlt.s32 v11, $0x1FFF;
	[tilespmem:v6+s18+$0x0] =	vst.idx.add.f32.msk $0xffff, v1  }
0x1a8: {  	v6 =	vtrunc.f32 v12;
	s23 =	sadd.s32 $0x400, s23;
	s25 =	sshll.u32 s24, $0x4;
	p0 =	slt.u32 s24, $0x3F8;
	v10 =	vmul.f32 $8.192000000e+03, v10;
	v11 =	vnsel vm0, $0x1FFF, v11;
	[tilespmem:v5+s18+$0x0] =	vst.idx.add.f32.msk $0xffff, v1  }
0x1a9: {  	s26 =	sand.u32 $0xC00, s23;
	s28 =	sshll.u32 s24, $0x2;
	v5 =	vtrunc.f32 v13;
	s25 =	sand.u32 $0x3000, s25;
	v7 =	vmul.f32 $8.192000000e+03, v7;
	[tilespmem:v4+s18+$0x0] =	vst.idx.add.f32.msk $0xffff, v1  }
0x1aa: {  	s28 =	sand.u32 $0x380, s28;
	v4 =	vtrunc.f32 v8;
	s25 =	sor.u32 s26, s25;
	v8 =	vtrunc.f32 v10;
	[tilespmem:v2+s18+$0x0] =	vst.idx.add.f32.msk $0xffff, v1  }
0x1ab: {  	v2 =	vcvt.f32.s32 v9;
	s25 =	sor.u32 s28, s25;
	v7 =	vtrunc.f32 v7;
	[tilespmem:v3+s18+$0x0] =	vst.idx.add.f32.msk $0xffff, v1  }
0x1ac: {  	v6 =	vcvt.f32.s32 v6;
	v9 =	vcvt.f32.s32 v14;
	v3 =	vld [tilespmem:s25+$0x8070]  }
0x1ad: {  	v5 =	vcvt.f32.s32 v5;
	v4 =	vcvt.f32.s32 v4;
	vm0 =	vlt.s32 v2, $0x1FFF;
	[tilespmem:v11+s18+$0x0] =	vst.idx.add.f32.msk $0xffff, v1  }
0x1ae: {  	vm1 =	vlt.s32 v9, $0x1FFF;
	v7 =	vcvt.f32.s32 v7;
	v11 =	vcvt.f32.s32 v8;
	v10 =	vld [tilespmem:s25+$0x8000]  }
0x1af: {  	vm2 =	vlt.s32 v6, $0x1FFF;
	vm3 =	vlt.s32 v5, $0x1FFF;
	vm4 =	vlt.s32 v4, $0x1FFF;
	v12 =	vld [tilespmem:s25+$0x8010]  }
0x1b0: {  	v15 =	vnsel vm0, $0x1FFF, v2;
	vm5 =	vlt.s32 v7, $0x1FFF;
	vm0 =	vlt.s32 v11, $0x1FFF;
	v13 =	vld [tilespmem:s25+$0x8020]  }
0x1b1: {  	v6 =	vnsel vm2, $0x1FFF, v6;
	v5 =	vnsel vm3, $0x1FFF, v5;
	v17 =	vnsel vm1, $0x1FFF, v9;
	v16 =	vld [tilespmem:s25+$0x8030]  }
.Ltmp7:
0x1b2: {  	v4 =	vnsel vm4, $0x1FFF, v4;
	v2 =	vnsel vm0, $0x1FFF, v11;
	v9 =	vmul.f32 $8.192000000e+03, v3;
	v8 =	vld [tilespmem:s25+$0x8040];
	(pc) =	sbr.rel @p0 .LBB2_16-.Ltmp7, $4  }
0x1b3: {  	v3 =	vnsel vm5, $0x1FFF, v7;
	v18 =	vmul.f32 $8.192000000e+03, v10;
	v10 =	vld [tilespmem:s25+$0x8050]  }
0x1b4: {  	v9 =	vtrunc.f32 v9;
	v14 =	vmul.f32 $8.192000000e+03, v12;
	v7 =	vld [tilespmem:s25+$0x8060]  }
0x1b5: {  	v11 =	vcvt.f32.s32 v9;
	v12 =	vmul.f32 $8.192000000e+03, v13;
	[tilespmem:v15+s18+$0x0] =	vst.idx.add.f32.msk $0xffff, v1  }
0x1b6: {  	v9 =	vtrunc.f32 v18;
	v13 =	vmul.f32 $8.192000000e+03, v16;
	[tilespmem:v17+s18+$0x0] =	vst.idx.add.f32.msk $0xffff, v1  }
0x1b7: {  	v14 =	vtrunc.f32 v14  }
0x1b8: {  	v8 =	vmul.f32 $8.192000000e+03, v8;
	v12 =	vtrunc.f32 v12  }
0x1b9: {  	vm0 =	vlt.s32 v11, $0x1FFF;
	v9 =	vcvt.f32.s32 v9;
	v10 =	vmul.f32 $8.192000000e+03, v10  }
0x1ba: {  	v13 =	vtrunc.f32 v13;
	v11 =	vnsel vm0, $0x1FFF, v11;
	v14 =	vcvt.f32.s32 v14  }
0x1bb: {  	[tilespmem:v6+s18+$0x0] =	vst.idx.add.f32.msk $0xffff, v1;
	v7 =	vmul.f32 $8.192000000e+03, v7;
	v8 =	vtrunc.f32 v8;
	vm5 =	vlt.s32 v9, $0x1FFF  }
0x1bc: {  	[tilespmem:v5+s18+$0x0] =	vst.idx.add.f32.msk $0xffff, v1;
	v5 =	vcvt.f32.s32 v13;
	v10 =	vtrunc.f32 v10;
	vm1 =	vlt.s32 v14, $0x1FFF  }
0x1bd: {  	[tilespmem:v4+s18+$0x0] =	vst.idx.add.f32.msk $0xffff, v1;
	v9 =	vnsel vm5, $0x1FFF, v9;
	v4 =	vcvt.f32.s32 v8;
	v6 =	vtrunc.f32 v7  }
0x1be: {  	v7 =	vcvt.f32.s32 v12;
	v8 =	vnsel vm1, $0x1FFF, v14;
	vm7 =	vlt.s32 v5, $0x1FFF  }
0x1bf: {  	[tilespmem:v2+s18+$0x0] =	vst.idx.add.f32.msk $0xffff, v1;
	v2 =	vcvt.f32.s32 v10;
	vm8 =	vlt.s32 v4, $0x1FFF;
	v5 =	vnsel vm7, $0x1FFF, v5  }
0x1c0: {  	[tilespmem:v3+s18+$0x0] =	vst.idx.add.f32.msk $0xffff, v1;
	v3 =	vcvt.f32.s32 v6;
	vm6 =	vlt.s32 v7, $0x1FFF;
	v4 =	vnsel vm8, $0x1FFF, v4  }
0x1c1: {  	[tilespmem:v11+s18+$0x0] =	vst.idx.add.f32.msk $0xffff, v1;
	vm9 =	vlt.s32 v2, $0x1FFF;
	v7 =	vnsel vm6, $0x1FFF, v7  }
0x1c2: {  	vm10 =	vlt.s32 v3, $0x1FFF;
	v2 =	vnsel vm9, $0x1FFF, v2;
	[tilespmem:v9+s18+$0x0] =	vst.idx.add.f32.msk $0xffff, v1  }
0x1c3: {  	v3 =	vnsel vm10, $0x1FFF, v3;
	[tilespmem:v8+s18+$0x0] =	vst.idx.add.f32.msk $0xffff, v1  }
0x1c4: {  	[tilespmem:v5+s18+$0x0] =	vst.idx.add.f32.msk $0xffff, v1  }
0x1c5: {  	[tilespmem:v4+s18+$0x0] =	vst.idx.add.f32.msk $0xffff, v1  }
0x1c6: {  	[tilespmem:v7+s18+$0x0] =	vst.idx.add.f32.msk $0xffff, v1  }
0x1c7: {  	[tilespmem:v2+s18+$0x0] =	vst.idx.add.f32.msk $0xffff, v1  }
0x1c8: {  	[tilespmem:v3+s18+$0x0] =	vst.idx.add.f32.msk $0xffff, v1  }
0x1c9: {  	_ =	swait.ge [sflag:s15], $0x4000  }
0x1ca: {  	[sflag:s15] =	ssyncset.done $0x0  }
0x1cb: {  	s23 =	simm.s32 $0x0;
	s24 =	simm.s32 $0x0;
	[sflag:s15] =	ssyncadd.s32 $0xFFFFC000  }
0x1cc: {  	[tilespmem:s16], [sflag:$0x2] =	stream.linear.gather [hbm4b:s10+s23], $0x4000, $0x38;
	[tilespmem:$0xC000] =	vst v63  }
0x1cd: {  	s25 =	simm.s32 $0x0;
	s24 =	sand.u32 $0x3000, s24;
	s23 =	sand.u32 $0xC00, s23  }
0x1ce: {  	s25 =	sand.u32 $0x380, s25;
	s23 =	sor.u32 s23, s24  }
0x1cf: {  	s23 =	sor.u32 s25, s23  }
0x1d0: {  	v2 =	vld [tilespmem:s23+$0x4070]  }
0x1d1: {  	v3 =	vld [tilespmem:s23+$0x4000]  }
0x1d2: {  	v4 =	vld [tilespmem:s23+$0x4010]  }
0x1d3: {  	v5 =	vld [tilespmem:s23+$0x4020]  }
0x1d4: {  	v6 =	vld [tilespmem:s23+$0x4030]  }
0x1d5: {  	v7 =	vld [tilespmem:s23+$0x4040]  }
0x1d6: {  	v8 =	vld [tilespmem:s23+$0x4050]  }
0x1d7: {  	v9 =	vld [tilespmem:s23+$0x4060]  }
0x1d8: {  	v2 =	vmul.f32 $8.192000000e+03, v2;
	v3 =	vmul.f32 $8.192000000e+03, v3  }
0x1d9: {  	v4 =	vmul.f32 $8.192000000e+03, v4;
	v5 =	vmul.f32 $8.192000000e+03, v5  }
0x1da: {  	s30 =	simm.s32 $0x80;
	s23 =	simm.s32 $0x400;
	v6 =	vmul.f32 $8.192000000e+03, v6;
	v2 =	vtrunc.f32 v2  }
0x1db: {  	s26 =	simm.s32 $0x20;
	s24 =	sand.u32 $0x3000, s30;
	s31 =	sand.u32 $0xC00, s23;
	v7 =	vmul.f32 $8.192000000e+03, v7;
	v2 =	vcvt.f32.s32 v2  }
0x1dc: {  	s26 =	sand.u32 $0x380, s26;
	s24 =	sor.u32 s31, s24;
	v8 =	vmul.f32 $8.192000000e+03, v8;
	v9 =	vmul.f32 $8.192000000e+03, v9  }
0x1dd: {  	s24 =	sor.u32 s26, s24;
	v3 =	vtrunc.f32 v3;
	v4 =	vtrunc.f32 v4;
	vm11 =	vlt.s32 v2, $0x1FFF  }
0x1de: {  	v10 =	vld [tilespmem:s24+$0x4070];
	v5 =	vtrunc.f32 v5;
	v6 =	vtrunc.f32 v6;
	v2 =	vnsel vm11, $0x1FFF, v2  }
0x1df: {  	v7 =	vtrunc.f32 v7;
	v8 =	vtrunc.f32 v8  }
0x1e0: {  	v11 =	vld [tilespmem:s24+$0x4000];
	v9 =	vtrunc.f32 v9;
	v3 =	vcvt.f32.s32 v3  }
0x1e1: {  	v13 =	vld [tilespmem:s24+$0x4010];
	v4 =	vcvt.f32.s32 v4;
	v7 =	vcvt.f32.s32 v7  }
0x1e2: {  	v16 =	vld [tilespmem:s24+$0x4030];
	v12 =	vcvt.f32.s32 v8;
	v9 =	vcvt.f32.s32 v9  }
0x1e3: {  	v18 =	vmul.f32 $8.192000000e+03, v10;
	vm12 =	vlt.s32 v3, $0x1FFF;
	[tilespmem:v2+s18+$0x0] =	vst.idx.add.f32.msk $0xffff, v1;
	v2 =	vcvt.f32.s32 v5  }
0x1e4: {  	vm13 =	vlt.s32 v4, $0x1FFF;
	v3 =	vnsel vm12, $0x1FFF, v3;
	v5 =	vcvt.f32.s32 v6  }
0x1e5: {  	v15 =	vld [tilespmem:s24+$0x4020];
	v19 =	vmul.f32 $8.192000000e+03, v11;
	v17 =	vnsel vm13, $0x1FFF, v4;
	vm2 =	vlt.s32 v2, $0x1FFF  }
0x1e6: {  	v8 =	vld [tilespmem:s24+$0x4040];
	v14 =	vmul.f32 $8.192000000e+03, v13;
	vm14 =	vlt.s32 v5, $0x1FFF;
	v6 =	vnsel vm2, $0x1FFF, v2  }
0x1e7: {  	v10 =	vld [tilespmem:s24+$0x4050];
	v13 =	vmul.f32 $8.192000000e+03, v16;
	vm3 =	vlt.s32 v7, $0x1FFF;
	v5 =	vnsel vm14, $0x1FFF, v5  }
0x1e8: {  	vm15 =	vlt.s32 v12, $0x1FFF;
	v4 =	vnsel vm3, $0x1FFF, v7;
	v7 =	vld [tilespmem:s24+$0x4060];
	v11 =	vtrunc.f32 v18  }
0x1e9: {  	vm4 =	vlt.s32 v9, $0x1FFF;
	v11 =	vcvt.f32.s32 v11;
	[tilespmem:v3+s18+$0x0] =	vst.idx.add.f32.msk $0xffff, v1;
	v2 =	vnsel vm15, $0x1FFF, v12  }
0x1ea: {  	s24 =	simm.s32 $0x8;
	v3 =	vnsel vm4, $0x1FFF, v9;
	v9 =	vtrunc.f32 v19;
	[tilespmem:v17+s18+$0x0] =	vst.idx.add.f32.msk $0xffff, v1;
	v12 =	vmul.f32 $8.192000000e+03, v15  }
.LBB2_18:
0x1eb: {  	s24 =	sadd.s32 $0x8, s24;
	v14 =	vtrunc.f32 v14;
	v8 =	vmul.f32 $8.192000000e+03, v8;
	vm0 =	vlt.s32 v11, $0x1FFF;
	[tilespmem:v6+s18+$0x0] =	vst.idx.add.f32.msk $0xffff, v1  }
0x1ec: {  	v6 =	vtrunc.f32 v12;
	s23 =	sadd.s32 $0x400, s23;
	s25 =	sshll.u32 s24, $0x4;
	p0 =	slt.u32 s24, $0x3F8;
	v10 =	vmul.f32 $8.192000000e+03, v10;
	v11 =	vnsel vm0, $0x1FFF, v11;
	[tilespmem:v5+s18+$0x0] =	vst.idx.add.f32.msk $0xffff, v1  }
0x1ed: {  	s26 =	sand.u32 $0xC00, s23;
	s28 =	sshll.u32 s24, $0x2;
	v5 =	vtrunc.f32 v13;
	s25 =	sand.u32 $0x3000, s25;
	v7 =	vmul.f32 $8.192000000e+03, v7;
	[tilespmem:v4+s18+$0x0] =	vst.idx.add.f32.msk $0xffff, v1  }
0x1ee: {  	s28 =	sand.u32 $0x380, s28;
	v4 =	vtrunc.f32 v8;
	s25 =	sor.u32 s26, s25;
	v8 =	vtrunc.f32 v10;
	[tilespmem:v2+s18+$0x0] =	vst.idx.add.f32.msk $0xffff, v1  }
0x1ef: {  	v2 =	vcvt.f32.s32 v9;
	s25 =	sor.u32 s28, s25;
	v7 =	vtrunc.f32 v7;
	[tilespmem:v3+s18+$0x0] =	vst.idx.add.f32.msk $0xffff, v1  }
0x1f0: {  	v6 =	vcvt.f32.s32 v6;
	v9 =	vcvt.f32.s32 v14;
	v3 =	vld [tilespmem:s25+$0x4070]  }
0x1f1: {  	v5 =	vcvt.f32.s32 v5;
	v4 =	vcvt.f32.s32 v4;
	vm0 =	vlt.s32 v2, $0x1FFF;
	[tilespmem:v11+s18+$0x0] =	vst.idx.add.f32.msk $0xffff, v1  }
0x1f2: {  	vm1 =	vlt.s32 v9, $0x1FFF;
	v7 =	vcvt.f32.s32 v7;
	v11 =	vcvt.f32.s32 v8;
	v10 =	vld [tilespmem:s25+$0x4000]  }
0x1f3: {  	vm2 =	vlt.s32 v6, $0x1FFF;
	vm3 =	vlt.s32 v5, $0x1FFF;
	vm4 =	vlt.s32 v4, $0x1FFF;
	v12 =	vld [tilespmem:s25+$0x4010]  }
0x1f4: {  	v15 =	vnsel vm0, $0x1FFF, v2;
	vm5 =	vlt.s32 v7, $0x1FFF;
	vm0 =	vlt.s32 v11, $0x1FFF;
	v13 =	vld [tilespmem:s25+$0x4020]  }
0x1f5: {  	v6 =	vnsel vm2, $0x1FFF, v6;
	v5 =	vnsel vm3, $0x1FFF, v5;
	v17 =	vnsel vm1, $0x1FFF, v9;
	v16 =	vld [tilespmem:s25+$0x4030]  }
.Ltmp8:
0x1f6: {  	v4 =	vnsel vm4, $0x1FFF, v4;
	v2 =	vnsel vm0, $0x1FFF, v11;
	v9 =	vmul.f32 $8.192000000e+03, v3;
	v8 =	vld [tilespmem:s25+$0x4040];
	(pc) =	sbr.rel @p0 .LBB2_18-.Ltmp8, $4  }
0x1f7: {  	v3 =	vnsel vm5, $0x1FFF, v7;
	v18 =	vmul.f32 $8.192000000e+03, v10;
	v10 =	vld [tilespmem:s25+$0x4050]  }
0x1f8: {  	v9 =	vtrunc.f32 v9;
	v14 =	vmul.f32 $8.192000000e+03, v12;
	v7 =	vld [tilespmem:s25+$0x4060]  }
0x1f9: {  	v11 =	vcvt.f32.s32 v9;
	v12 =	vmul.f32 $8.192000000e+03, v13;
	[tilespmem:v15+s18+$0x0] =	vst.idx.add.f32.msk $0xffff, v1  }
0x1fa: {  	v9 =	vtrunc.f32 v18;
	v13 =	vmul.f32 $8.192000000e+03, v16;
	[tilespmem:v17+s18+$0x0] =	vst.idx.add.f32.msk $0xffff, v1  }
0x1fb: {  	v14 =	vtrunc.f32 v14  }
0x1fc: {  	v8 =	vmul.f32 $8.192000000e+03, v8;
	v12 =	vtrunc.f32 v12  }
0x1fd: {  	vm0 =	vlt.s32 v11, $0x1FFF;
	v9 =	vcvt.f32.s32 v9;
	v10 =	vmul.f32 $8.192000000e+03, v10  }
0x1fe: {  	v13 =	vtrunc.f32 v13;
	v11 =	vnsel vm0, $0x1FFF, v11;
	v14 =	vcvt.f32.s32 v14  }
0x1ff: {  	[tilespmem:v6+s18+$0x0] =	vst.idx.add.f32.msk $0xffff, v1;
	v7 =	vmul.f32 $8.192000000e+03, v7;
	v8 =	vtrunc.f32 v8;
	vm5 =	vlt.s32 v9, $0x1FFF  }
0x200: {  	[tilespmem:v5+s18+$0x0] =	vst.idx.add.f32.msk $0xffff, v1;
	v5 =	vcvt.f32.s32 v13;
	v10 =	vtrunc.f32 v10;
	vm1 =	vlt.s32 v14, $0x1FFF  }
0x201: {  	[tilespmem:v4+s18+$0x0] =	vst.idx.add.f32.msk $0xffff, v1;
	v9 =	vnsel vm5, $0x1FFF, v9;
	v4 =	vcvt.f32.s32 v8;
	v6 =	vtrunc.f32 v7  }
0x202: {  	v7 =	vcvt.f32.s32 v12;
	v8 =	vnsel vm1, $0x1FFF, v14;
	vm7 =	vlt.s32 v5, $0x1FFF  }
0x203: {  	[tilespmem:v2+s18+$0x0] =	vst.idx.add.f32.msk $0xffff, v1;
	v2 =	vcvt.f32.s32 v10;
	vm8 =	vlt.s32 v4, $0x1FFF;
	v5 =	vnsel vm7, $0x1FFF, v5  }
0x204: {  	[tilespmem:v3+s18+$0x0] =	vst.idx.add.f32.msk $0xffff, v1;
	v3 =	vcvt.f32.s32 v6;
	vm6 =	vlt.s32 v7, $0x1FFF;
	v4 =	vnsel vm8, $0x1FFF, v4  }
0x205: {  	[tilespmem:v11+s18+$0x0] =	vst.idx.add.f32.msk $0xffff, v1;
	vm9 =	vlt.s32 v2, $0x1FFF;
	v7 =	vnsel vm6, $0x1FFF, v7  }
0x206: {  	vm10 =	vlt.s32 v3, $0x1FFF;
	v2 =	vnsel vm9, $0x1FFF, v2;
	[tilespmem:v9+s18+$0x0] =	vst.idx.add.f32.msk $0xffff, v1  }
0x207: {  	v3 =	vnsel vm10, $0x1FFF, v3;
	[tilespmem:v8+s18+$0x0] =	vst.idx.add.f32.msk $0xffff, v1  }
0x208: {  	[tilespmem:v5+s18+$0x0] =	vst.idx.add.f32.msk $0xffff, v1  }
0x209: {  	[tilespmem:v4+s18+$0x0] =	vst.idx.add.f32.msk $0xffff, v1  }
0x20a: {  	[tilespmem:v7+s18+$0x0] =	vst.idx.add.f32.msk $0xffff, v1  }
0x20b: {  	[tilespmem:v2+s18+$0x0] =	vst.idx.add.f32.msk $0xffff, v1  }
0x20c: {  	s23 =	simm.s32 $0x0;
	s24 =	simm.s32 $0x0;
	s25 =	simm.s32 $0x0;
	[tilespmem:v3+s18+$0x0] =	vst.idx.add.f32.msk $0xffff, v1  }
0x20d: {  	s24 =	sand.u32 $0x3000, s24;
	s23 =	sand.u32 $0xC00, s23;
	_ =	swait.ge [sflag:s17], $0x4000  }
0x20e: {  	s25 =	sand.u32 $0x380, s25;
	s23 =	sor.u32 s23, s24;
	[sflag:s17] =	ssyncset.done $0x0  }
0x20f: {  	s23 =	sor.u32 s25, s23;
	[sflag:s17] =	ssyncadd.s32 $0xFFFFC000  }
0x210: {  	v2 =	vld [tilespmem:s23+$0x8070]  }
0x211: {  	v3 =	vld [tilespmem:s23+$0x8000]  }
0x212: {  	v4 =	vld [tilespmem:s23+$0x8010]  }
0x213: {  	v5 =	vld [tilespmem:s23+$0x8020]  }
0x214: {  	v6 =	vld [tilespmem:s23+$0x8030]  }
0x215: {  	v7 =	vld [tilespmem:s23+$0x8040]  }
0x216: {  	v8 =	vld [tilespmem:s23+$0x8050]  }
0x217: {  	v9 =	vld [tilespmem:s23+$0x8060]  }
0x218: {  	v2 =	vmul.f32 $8.192000000e+03, v2;
	v3 =	vmul.f32 $8.192000000e+03, v3  }
0x219: {  	v4 =	vmul.f32 $8.192000000e+03, v4;
	v5 =	vmul.f32 $8.192000000e+03, v5  }
0x21a: {  	s30 =	simm.s32 $0x80;
	s23 =	simm.s32 $0x400;
	v6 =	vmul.f32 $8.192000000e+03, v6;
	v2 =	vtrunc.f32 v2  }
0x21b: {  	s26 =	simm.s32 $0x20;
	s24 =	sand.u32 $0x3000, s30;
	s31 =	sand.u32 $0xC00, s23;
	v7 =	vmul.f32 $8.192000000e+03, v7;
	v2 =	vcvt.f32.s32 v2  }
0x21c: {  	s26 =	sand.u32 $0x380, s26;
	s24 =	sor.u32 s31, s24;
	v8 =	vmul.f32 $8.192000000e+03, v8;
	v9 =	vmul.f32 $8.192000000e+03, v9  }
0x21d: {  	s24 =	sor.u32 s26, s24;
	v3 =	vtrunc.f32 v3;
	v4 =	vtrunc.f32 v4;
	vm11 =	vlt.s32 v2, $0x1FFF  }
0x21e: {  	v10 =	vld [tilespmem:s24+$0x8070];
	v5 =	vtrunc.f32 v5;
	v6 =	vtrunc.f32 v6;
	v2 =	vnsel vm11, $0x1FFF, v2  }
0x21f: {  	v7 =	vtrunc.f32 v7;
	v8 =	vtrunc.f32 v8  }
0x220: {  	v11 =	vld [tilespmem:s24+$0x8000];
	v9 =	vtrunc.f32 v9;
	v3 =	vcvt.f32.s32 v3  }
0x221: {  	v13 =	vld [tilespmem:s24+$0x8010];
	v4 =	vcvt.f32.s32 v4;
	v7 =	vcvt.f32.s32 v7  }
0x222: {  	v16 =	vld [tilespmem:s24+$0x8030];
	v12 =	vcvt.f32.s32 v8;
	v9 =	vcvt.f32.s32 v9  }
0x223: {  	v18 =	vmul.f32 $8.192000000e+03, v10;
	vm12 =	vlt.s32 v3, $0x1FFF;
	[tilespmem:v2+s18+$0x0] =	vst.idx.add.f32.msk $0xffff, v1;
	v2 =	vcvt.f32.s32 v5  }
0x224: {  	vm13 =	vlt.s32 v4, $0x1FFF;
	v3 =	vnsel vm12, $0x1FFF, v3;
	v5 =	vcvt.f32.s32 v6  }
0x225: {  	v15 =	vld [tilespmem:s24+$0x8020];
	v19 =	vmul.f32 $8.192000000e+03, v11;
	v17 =	vnsel vm13, $0x1FFF, v4;
	vm2 =	vlt.s32 v2, $0x1FFF  }
0x226: {  	v8 =	vld [tilespmem:s24+$0x8040];
	v14 =	vmul.f32 $8.192000000e+03, v13;
	vm14 =	vlt.s32 v5, $0x1FFF;
	v6 =	vnsel vm2, $0x1FFF, v2  }
0x227: {  	v10 =	vld [tilespmem:s24+$0x8050];
	v13 =	vmul.f32 $8.192000000e+03, v16;
	vm3 =	vlt.s32 v7, $0x1FFF;
	v5 =	vnsel vm14, $0x1FFF, v5  }
0x228: {  	vm15 =	vlt.s32 v12, $0x1FFF;
	v4 =	vnsel vm3, $0x1FFF, v7;
	v7 =	vld [tilespmem:s24+$0x8060];
	v11 =	vtrunc.f32 v18  }
0x229: {  	vm4 =	vlt.s32 v9, $0x1FFF;
	v11 =	vcvt.f32.s32 v11;
	[tilespmem:v3+s18+$0x0] =	vst.idx.add.f32.msk $0xffff, v1;
	v2 =	vnsel vm15, $0x1FFF, v12  }
0x22a: {  	s24 =	simm.s32 $0x8;
	v3 =	vnsel vm4, $0x1FFF, v9;
	v9 =	vtrunc.f32 v19;
	[tilespmem:v17+s18+$0x0] =	vst.idx.add.f32.msk $0xffff, v1;
	v12 =	vmul.f32 $8.192000000e+03, v15  }
.LBB2_20:
0x22b: {  	s24 =	sadd.s32 $0x8, s24;
	v14 =	vtrunc.f32 v14;
	v8 =	vmul.f32 $8.192000000e+03, v8;
	vm0 =	vlt.s32 v11, $0x1FFF;
	[tilespmem:v6+s18+$0x0] =	vst.idx.add.f32.msk $0xffff, v1  }
0x22c: {  	v6 =	vtrunc.f32 v12;
	s23 =	sadd.s32 $0x400, s23;
	s25 =	sshll.u32 s24, $0x4;
	p0 =	slt.u32 s24, $0x3F8;
	v10 =	vmul.f32 $8.192000000e+03, v10;
	v11 =	vnsel vm0, $0x1FFF, v11;
	[tilespmem:v5+s18+$0x0] =	vst.idx.add.f32.msk $0xffff, v1  }
0x22d: {  	s26 =	sand.u32 $0xC00, s23;
	s28 =	sshll.u32 s24, $0x2;
	v5 =	vtrunc.f32 v13;
	s25 =	sand.u32 $0x3000, s25;
	v7 =	vmul.f32 $8.192000000e+03, v7;
	[tilespmem:v4+s18+$0x0] =	vst.idx.add.f32.msk $0xffff, v1  }
0x22e: {  	s28 =	sand.u32 $0x380, s28;
	v4 =	vtrunc.f32 v8;
	s25 =	sor.u32 s26, s25;
	v8 =	vtrunc.f32 v10;
	[tilespmem:v2+s18+$0x0] =	vst.idx.add.f32.msk $0xffff, v1  }
0x22f: {  	v2 =	vcvt.f32.s32 v9;
	s25 =	sor.u32 s28, s25;
	v7 =	vtrunc.f32 v7;
	[tilespmem:v3+s18+$0x0] =	vst.idx.add.f32.msk $0xffff, v1  }
0x230: {  	v6 =	vcvt.f32.s32 v6;
	v9 =	vcvt.f32.s32 v14;
	v3 =	vld [tilespmem:s25+$0x8070]  }
0x231: {  	v5 =	vcvt.f32.s32 v5;
	v4 =	vcvt.f32.s32 v4;
	vm0 =	vlt.s32 v2, $0x1FFF;
	[tilespmem:v11+s18+$0x0] =	vst.idx.add.f32.msk $0xffff, v1  }
0x232: {  	vm1 =	vlt.s32 v9, $0x1FFF;
	v7 =	vcvt.f32.s32 v7;
	v11 =	vcvt.f32.s32 v8;
	v10 =	vld [tilespmem:s25+$0x8000]  }
0x233: {  	vm2 =	vlt.s32 v6, $0x1FFF;
	vm3 =	vlt.s32 v5, $0x1FFF;
	vm4 =	vlt.s32 v4, $0x1FFF;
	v12 =	vld [tilespmem:s25+$0x8010]  }
0x234: {  	v15 =	vnsel vm0, $0x1FFF, v2;
	vm5 =	vlt.s32 v7, $0x1FFF;
	vm0 =	vlt.s32 v11, $0x1FFF;
	v13 =	vld [tilespmem:s25+$0x8020]  }
0x235: {  	v6 =	vnsel vm2, $0x1FFF, v6;
	v5 =	vnsel vm3, $0x1FFF, v5;
	v17 =	vnsel vm1, $0x1FFF, v9;
	v16 =	vld [tilespmem:s25+$0x8030]  }
.Ltmp9:
0x236: {  	v4 =	vnsel vm4, $0x1FFF, v4;
	v2 =	vnsel vm0, $0x1FFF, v11;
	v9 =	vmul.f32 $8.192000000e+03, v3;
	v8 =	vld [tilespmem:s25+$0x8040];
	(pc) =	sbr.rel @p0 .LBB2_20-.Ltmp9, $4  }
0x237: {  	v3 =	vnsel vm5, $0x1FFF, v7;
	v18 =	vmul.f32 $8.192000000e+03, v10;
	v10 =	vld [tilespmem:s25+$0x8050]  }
0x238: {  	v9 =	vtrunc.f32 v9;
	v14 =	vmul.f32 $8.192000000e+03, v12;
	v7 =	vld [tilespmem:s25+$0x8060]  }
0x239: {  	v11 =	vcvt.f32.s32 v9;
	v12 =	vmul.f32 $8.192000000e+03, v13;
	[tilespmem:v15+s18+$0x0] =	vst.idx.add.f32.msk $0xffff, v1  }
0x23a: {  	v9 =	vtrunc.f32 v18;
	v13 =	vmul.f32 $8.192000000e+03, v16;
	[tilespmem:v17+s18+$0x0] =	vst.idx.add.f32.msk $0xffff, v1  }
0x23b: {  	v14 =	vtrunc.f32 v14;
	v8 =	vmul.f32 $8.192000000e+03, v8  }
0x23c: {  	v12 =	vtrunc.f32 v12;
	v9 =	vcvt.f32.s32 v9  }
0x23d: {  	v10 =	vmul.f32 $8.192000000e+03, v10;
	v13 =	vtrunc.f32 v13  }
0x23e: {  	vm0 =	vlt.s32 v11, $0x1FFF;
	v14 =	vcvt.f32.s32 v14;
	v60 =	vcvt.f32.s32 v12  }
0x23f: {  	v11 =	vnsel vm0, $0x1FFF, v11;
	v7 =	vmul.f32 $8.192000000e+03, v7;
	v8 =	vtrunc.f32 v8  }
0x240: {  	[tilespmem:v6+s18+$0x0] =	vst.idx.add.f32.msk $0xffff, v1;
	vm10 =	vlt.s32 v9, $0x1FFF;
	v61 =	vcvt.f32.s32 v13;
	v10 =	vtrunc.f32 v10  }
0x241: {  	[tilespmem:v5+s18+$0x0] =	vst.idx.add.f32.msk $0xffff, v1;
	vm1 =	vlt.s32 v14, $0x1FFF;
	v9 =	vnsel vm10, $0x1FFF, v9;
	v62 =	vcvt.f32.s32 v8  }
0x242: {  	[tilespmem:v4+s18+$0x0] =	vst.idx.add.f32.msk $0xffff, v1;
	vm11 =	vlt.s32 v60, $0x1FFF;
	v59 =	vtrunc.f32 v7;
	v63 =	vnsel vm1, $0x1FFF, v14  }
0x243: {  	[tilespmem:v2+s18+$0x0] =	vst.idx.add.f32.msk $0xffff, v1;
	v2 =	vcvt.f32.s32 v10;
	vm12 =	vlt.s32 v61, $0x1FFF;
	v7 =	vnsel vm11, $0x1FFF, v60  }
0x244: {  	[tilespmem:v3+s18+$0x0] =	vst.idx.add.f32.msk $0xffff, v1;
	v3 =	vcvt.f32.s32 v59;
	vm13 =	vlt.s32 v62, $0x1FFF;
	v5 =	vnsel vm12, $0x1FFF, v61  }
0x245: {  	[tilespmem:v11+s18+$0x0] =	vst.idx.add.f32.msk $0xffff, v1;
	vm14 =	vlt.s32 v2, $0x1FFF;
	v4 =	vnsel vm13, $0x1FFF, v62  }
0x246: {  	vm15 =	vlt.s32 v3, $0x1FFF;
	v2 =	vnsel vm14, $0x1FFF, v2;
	[tilespmem:v9+s18+$0x0] =	vst.idx.add.f32.msk $0xffff, v1  }
0x247: {  	v3 =	vnsel vm15, $0x1FFF, v3;
	[tilespmem:v63+s18+$0x0] =	vst.idx.add.f32.msk $0xffff, v1  }
0x248: {  	[tilespmem:v7+s18+$0x0] =	vst.idx.add.f32.msk $0xffff, v1  }
0x249: {  	[tilespmem:v5+s18+$0x0] =	vst.idx.add.f32.msk $0xffff, v1  }
0x24a: {  	[tilespmem:v4+s18+$0x0] =	vst.idx.add.f32.msk $0xffff, v1  }
0x24b: {  	[tilespmem:v2+s18+$0x0] =	vst.idx.add.f32.msk $0xffff, v1  }
0x24c: {  	[tilespmem:v3+s18+$0x0] =	vst.idx.add.f32.msk $0xffff, v1  }
0x24d: {  	[hbm4b:s11+s19] =	stream.strided.scatter [tilespmem:s2], [sflag:$0x3], $0x2000, s20, s19, $0x38;
	[tilespmem:$0xC000] =	vst v63  }
0x24e: {  	s22 =	sadd.s32 $0x1, s22;
	_ =	swait.ge [sflag:s21], $0x2000  }
0x24f: {  	p0 =	sne.s32 s22, s13;
	[sflag:s21] =	ssyncset.done $0x0  }
.Ltmp10:
0x250: {  	[sflag:s21] =	ssyncadd.s32 $0xFFFFE000;
	(pc) =	sbr.rel @p0 .LBB2_1-.Ltmp10, $4  }
0x251: {  	[hbm4b:s12+s19] =	stream.strided.scatter [tilespmem:s18], [sflag:$0x3], $0x2000, s20, s19, $0x38;
	[tilespmem:$0xC000] =	vst v63  }
0x252: {  	_ =	swait.ge [sflag:s21], $0x2000  }
0x253: {  	[sflag:s21] =	ssyncset.done $0x0  }
0x254: {  	[sflag:s21] =	ssyncadd.s32 $0xFFFFE000  }
0x255: {  	_ =	sfence.sel $0x180000  }
0x256: {  	[bflag:$0x0] =	sbarrier.arrive $0xFFFF  }
0x257: {  	p0 =	sne.s32 s1, $0x0;
	_ =	strace $0x90000047  }
0x258: {  	s0 =	sadd.s32 @!p0 $0x100000, s0;
	[bflag:$0x2] =	sbarrier.arrive $0xFFFF  }
0x259: {  	[sflag:s0] =	ssyncadd.tile.s32 @!p0 $0x1;
	_ =	shalt  }
.Lfunc_end2:
_tile_overlayer_lowered:
.L_overlay_start_2:
0x25a: {  	(tag) =	ssettag $0x2  }
0x25b: {  	s0 =	rddreg [dreg:$0x0];
	s2 =	stileid.u32  }
0x25c: {  	s1 =	rddreg [dreg:$0x1];
	p0 =	sne.s32 s2, $0x0  }
0x25d: {  	s3 =	rddreg [dreg:$0x2];
	[bflag:$0x3] =	sbarrier.arrive $0xFFFF;
	s2 =	simm.s32 @!p0 $0x1C03  }
0x25e: {  	[timem:s3], [sflag:s2] =	dma.local @!p0 [hbm:s0], s1  }
0x25f: {  	s0 =	simm.s32 @!p0 $0x3  }
0x260: {  	_ =	swait.ge @!p0 [sflag:s0], s1  }
0x261: {  	s1 =	ssub.s32 @!p0 $0x0, s1;
	[sflag:s0] =	ssyncset.done @!p0 $0x0  }
0x262: {  	[sflag:s0] =	ssyncadd.s32 @!p0 s1  }
0x263: {  	[bflag:$0x3] =	sbarrier.arrive $0xFFFF  }
0x264: {  	_ =	shalt  }

// kernel: kernel.9.cloned.1.call-start
scs
__scs_entry_jumppad:
0x0: {  	(pc) =	sbr.rel $0x88, $3  }
0x1: {  	(tag) =	ssettag $0x0;
	lr =	simm.s32 $0x1  }
0x2: {  	[smem:$0x3F9F] =	sst lr;
	_ =	strace $0xD0000000  }
0x3: {  	_ = 	snop  }
0x4: {  	_ = 	snop  }
0x5: {  	_ = 	snop  }
0x6: {  	_ = 	snop  }
0x7: {  	_ = 	snop  }
__scs_overlays_trampoline_lowered:
0x8: {  	[smem:$0x3FAE] =	sst s0  }
0x9: {  	[smem:$0x3FAF] =	sst s1  }
0xa: {  	[smem:$0x3FB0] =	sst s2  }
0xb: {  	[smem:$0x3FB1] =	sst s3  }
0xc: {  	[smem:$0x3FB2] =	sst s4  }
0xd: {  	[smem:$0x3FB3] =	sst s5  }
0xe: {  	[smem:$0x3FB4] =	sst s6  }
0xf: {  	[smem:$0x3FB5] =	sst s7  }
0x10: {  	[smem:$0x3FB6] =	sst s8  }
0x11: {  	[smem:$0x3FB7] =	sst s9;
	s0 =	simm.s32 @!p0 $0x0  }
0x12: {  	s1 =	sld [smem:$0x3F9D];
	s0 =	simm.s32 @p0 $0x1  }
0x13: {  	[smem:$0x3FB8] =	sst s0;
	s0 =	simm.s32 @!p1 $0x0  }
0x14: {  	s2 =	sld [smem:$0x3F9C];
	s0 =	simm.s32 @p1 $0x1  }
0x15: {  	[smem:$0x3FB9] =	sst s0;
	s0 =	simm.s32 @!p2 $0x0  }
0x16: {  	s3 =	sld [smem:$0x3FDB];
	s0 =	simm.s32 @p2 $0x1  }
0x17: {  	s4 =	simm.s32 $0x1BF5;
	[smem:$0x3FBB] =	sst s0  }
0x18: {  	s0 =	sld [smem:$0x3F9E];
	_ =	swait.ge [sflag:s4], $0x0  }
0x19: {  	s7 =	sld [smem:$0x3F9F]  }
0x1a: {  	s8 =	sadd.s32 $0xFFFFE003, lr  }
0x1b: {  	s9 =	sadd.s32 $0xFFFFFEF7, lr;
	s5 =	simm.s32 $0xFFFFFFFF;
	p2 =	slt.u32 s8, $0xFFFFF086  }
0x1c: {  	p1 =	slt.u32 s9, $0xF7A;
	s5 =	simm.s32 @!p2 $0x0  }
0x1d: {  	s5 =	simm.s32 @p1 $0x1;
	p0 =	seq.s32 s7, s2  }
0x1e: {  	s7 =	smul.u32 @!p0 $0xF7A, s2;
	p2 =	seq.s32 @!p0 s5, $0x0  }
0x1f: {  	s9 =	smul.u32 $0xF7A, s1;
	s8 =	simm.s32 @!p0 $0x1BF5;
	p2 =	por !p2, p0  }
0x20: {  	[sflag:s8] =	ssyncset.s32 @!p0 $0xFFFFF086;
	s6 =	sadd.s32 @!p0 s3, s7;
	s7 =	simm.s32 @!p0 $0x108  }
0x21: {  	s3 =	sadd.s32 s3, s9;
	s6 =	sadd.s32 @!p0 $0x88, s6;
	s7 =	simm.s32 @p2 $0x1082  }
0x22: {  	[simem:s7], [sflag:s8] =	dma.local @!p0 [hbm:s6], $0xF7A  }
0x23: {  	s9 =	sor.u32 $0xD0000000, s2;
	s6 =	simm.s32 $0x108;
	_ =	swait.ge @!p0 [sflag:s8], $0x0  }
0x24: {  	s3 =	sadd.s32 $0x88, s3;
	s6 =	simm.s32 @!p1 $0x1082;
	[sflag:s4] =	ssyncset.s32 $0xFFFFF086  }
0x25: {  	[simem:s6], [sflag:s4] =	dma.local [hbm:s3], $0xF7A  }
0x26: {  	[smem:$0x3F9F] =	sst s1;
	(tag) =	ssettag s2;
	_ =	strace s9  }
0x27: {  	s1 =	sld [smem:$0x3FAF]  }
0x28: {  	s2 =	sld [smem:$0x3FB0]  }
0x29: {  	s4 =	sld [smem:$0x3FB2]  }
0x2a: {  	p0 =	seq.s32 s5, $0x0;
	s5 =	sld [smem:$0x3FB3]  }
0x2b: {  	s6 =	sld [smem:$0x3FB4]  }
0x2c: {  	s7 =	sld [smem:$0x3FB5]  }
0x2d: {  	s3 =	simm.s32 $0x108;
	s8 =	sld [smem:$0x3FB6]  }
0x2e: {  	s3 =	simm.s32 @!p0 $0x1082;
	s9 =	sld [smem:$0x3FB7]  }
0x2f: {  	lr =	sadd.s32 s0, s3;
	s0 =	sld [smem:$0x3FAE]  }
0x30: {  	s3 =	sld [smem:$0x3FB1]  }
0x31: {  	[smem:$0x3FBA] =	sst s10  }
0x32: {  	s10 =	sld [smem:$0x3FB8];
	_ =	sdelay $0x3  }
0x33: {  	p0 =	seq.s32 s10, $0x1;
	s10 =	sld [smem:$0x3FBA];
	_ =	sdelay $0x3  }
0x34: {  	[smem:$0x3FBA] =	sst s10  }
0x35: {  	s10 =	sld [smem:$0x3FB9];
	_ =	sdelay $0x3  }
0x36: {  	p1 =	seq.s32 s10, $0x1;
	s10 =	sld [smem:$0x3FBA];
	_ =	sdelay $0x3  }
0x37: {  	[smem:$0x3FBA] =	sst s10  }
0x38: {  	s10 =	sld [smem:$0x3FBB]  }
0x39: {  	_ = 	snop;
	(pc) =	sbr.ind lr, $3  }
0x3a: {  	_ = 	snop  }
0x3b: {  	_ = 	snop  }
0x3c: {  	p2 =	seq.s32 s10, $0x1;
	s10 =	sld [smem:$0x3FBA]  }
0x3d: {  	_ =	shalt  }
0x3e: {  	_ =	shalt  }
0x3f: {  	_ =	shalt  }
0x40: {  	_ =	shalt  }
0x41: {  	_ =	shalt  }
0x42: {  	_ =	shalt  }
0x43: {  	_ =	shalt  }
0x44: {  	_ =	shalt  }
0x45: {  	_ =	shalt  }
0x46: {  	_ =	shalt  }
0x47: {  	_ =	shalt  }
0x48: {  	_ =	shalt  }
0x49: {  	_ =	shalt  }
0x4a: {  	_ =	shalt  }
0x4b: {  	_ =	shalt  }
0x4c: {  	_ =	shalt  }
0x4d: {  	_ =	shalt  }
0x4e: {  	_ =	shalt  }
0x4f: {  	_ =	shalt  }
0x50: {  	_ =	shalt  }
0x51: {  	_ =	shalt  }
0x52: {  	_ =	shalt  }
0x53: {  	_ =	shalt  }
0x54: {  	_ =	shalt  }
0x55: {  	_ =	shalt  }
0x56: {  	_ =	shalt  }
0x57: {  	_ =	shalt  }
0x58: {  	_ =	shalt  }
0x59: {  	_ =	shalt  }
0x5a: {  	_ =	shalt  }
0x5b: {  	_ =	shalt  }
0x5c: {  	_ =	shalt  }
0x5d: {  	_ =	shalt  }
0x5e: {  	_ =	shalt  }
0x5f: {  	_ =	shalt  }
0x60: {  	_ =	shalt  }
0x61: {  	_ =	shalt  }
0x62: {  	_ =	shalt  }
0x63: {  	_ =	shalt  }
0x64: {  	_ =	shalt  }
0x65: {  	_ =	shalt  }
0x66: {  	_ =	shalt  }
0x67: {  	_ =	shalt  }
0x68: {  	_ =	shalt  }
0x69: {  	_ =	shalt  }
0x6a: {  	_ =	shalt  }
0x6b: {  	_ =	shalt  }
0x6c: {  	_ =	shalt  }
0x6d: {  	_ =	shalt  }
0x6e: {  	_ =	shalt  }
0x6f: {  	_ =	shalt  }
0x70: {  	_ =	shalt  }
0x71: {  	_ =	shalt  }
0x72: {  	_ =	shalt  }
0x73: {  	_ =	shalt  }
0x74: {  	_ =	shalt  }
0x75: {  	_ =	shalt  }
0x76: {  	_ =	shalt  }
0x77: {  	_ =	shalt  }
0x78: {  	_ =	shalt  }
0x79: {  	_ =	shalt  }
0x7a: {  	_ =	shalt  }
0x7b: {  	_ =	shalt  }
0x7c: {  	_ =	shalt  }
0x7d: {  	_ =	shalt  }
0x7e: {  	_ =	shalt  }
0x7f: {  	_ =	shalt  }
0x80: {  	_ =	shalt  }
0x81: {  	_ =	shalt  }
0x82: {  	_ =	shalt  }
0x83: {  	_ =	shalt  }
0x84: {  	_ =	shalt  }
0x85: {  	_ =	shalt  }
0x86: {  	_ =	shalt  }
0x87: {  	_ =	shalt  }
.Lfunc_end0:
.L_simem_size_0:
called_computation.1_lowered:
.L_overlay_start_0:
0x88: {  	s2 =	sld [smem:$0x3FD9]  }
0x89: {  	s3 =	sld [smem:$0x3FFE];
	_ =	sdelay $0x1  }
0x8a: {  	s1 =	srdreg.scid  }
0x8b: {  	s0 =	sand.u32 $0x1, s1  }
0x8c: {  	s17 =	sshll.u32 s0, $0xA;
	s2 =	sadd.s32 s3, s2  }
0x8d: {  	s2 =	sadd.s32 s2, s17  }
0x8e: {  	[smem:$0x3FC6] =	sst s2  }
0x8f: {  	_ = 	snop  }
0x90: {  	s2 =	sld [smem:$0x3FC9]  }
0x91: {  	s18 =	sld [smem:$0x3FC8];
	(tm) =	ssettm $0x1  }
0x92: {  	s4 =	sld [smem:$0x3FFB];
	_ =	sdelay $0x3  }
0x93: {  	_ =	strace s4  }
0x94: {  	s4 =	sld [smem:$0x3FFC];
	_ =	sdelay $0x3  }
0x95: {  	_ =	strace s4  }
0x96: {  	s4 =	sld [smem:$0x3FFD];
	_ =	sdelay $0x3  }
0x97: {  	_ =	strace s4  }
0x98: {  	_ =	strace $0x8FFFFFFF  }
0x99: {  	s19 =	sld [smem:$0x3FDB];
	_ =	sdelay $0x1  }
0x9a: {  	s5 =	simm.s32 $_scs_section_size  }
0x9b: {  	s6 =	simm.s32 $_size__tile_overlayer_lowered;
	s7 =	simm.s32 $_tile_overlayer_lowered  }
0x9c: {  	s22 =	simm.s32 $0x1BFF;
	s21 =	sshll.u32 s7, $0x1;
	s4 =	sadd.s32 s5, s19  }
0x9d: {  	s8 =	simm.s32 $0x0;
	s20 =	sshll.u32 s6, $0x1;
	s6 =	sadd.s32 s21, s4  }
0x9e: {  	[timem:s8], [sflag:s22] =	dma.local [hbm:s6], s20  }
0x9f: {  	_ =	swait.ge [sflag:s22], s20  }
0xa0: {  	s5 =	ssub.s32 $0x0, s20;
	[sflag:s22] =	ssyncset.done $0x0  }
0xa1: {  	[sflag:s22] =	ssyncadd.s32 s5;
	_ =	sdelay $0x1  }
0xa2: {  	s23 =	simm.s32 $0x1B8B  }
0xa3: {  	_ =	swait.ge [sflag:s23], $0x1  }
0xa4: {  	[sflag:s23] =	ssyncset.done $0x0  }
0xa5: {  	s25 =	simm.s32 $0x1B8E;
	s24 =	sld [smem:$0x3FFE];
	[sflag:s23] =	ssyncadd.s32 $0xFFFFFFFF  }
0xa6: {  	s26 =	simm.s32 $execute0_lowered;
	[smem:$0x3FD2] =	sst s25  }
0xa7: {  	s6 =	sshll.u32 s26, $0x1;
	_ =	strace $0x80000049;
	[dreg:$0x1] =	wrdreg $0xFFFFFFFF  }
0xa8: {  	s28 =	simm.s32 $_size_execute0_lowered;
	s4 =	sadd.s32 s4, s6;
	[dreg:$0x0] =	wrdreg $0x0  }
0xa9: {  	s6 =	sshll.u32 s28, $0x1;
	[dreg:$0x2] =	wrdreg s4  }
0xaa: {  	[dreg:$0x3] =	wrdreg s6  }
0xab: {  	[dreg:$0x4] =	wrdreg $0xC0  }
0xac: {  	_ =	task [dreg:s8], $0x5FFFF  }
0xad: {  	[dreg:$0x1] =	wrdreg $0xFFFFFFFF  }
0xae: {  	[dreg:$0x0] =	wrdreg $0x60  }
0xaf: {  	[dreg:$0x2] =	wrdreg s2  }
0xb0: {  	[dreg:$0x3] =	wrdreg s18  }
0xb1: {  	[dreg:$0x4] =	wrdreg s24  }
0xb2: {  	[dreg:$0x5] =	wrdreg $0x9  }
0xb3: {  	_ =	task.clear_ibuf [dreg:s8], $0x6FFFF;
	_ =	strace $0x90000049  }
0xb4: {  	s29 =	simm.s32 $0x9;
	_ =	strace $0x8000004B  }
0xb5: {  	_ =	swait.ge [sflag:s29], $0x1  }
0xb6: {  	[sflag:s29] =	ssyncadd.s32 $0xFFFFFFFF  }
0xb7: {  	_ =	strace $0x9000004B  }
0xb8: {  	_ =	sfence  }
0xb9: {  	s30 =	sld [smem:$0x0];
	_ =	sdelay $0x2  }
0xba: {  	s31 =	sshll.u32 s1, $0xD;
	s1 =	sshrl.u32 s1, $0x2  }
0xbb: {  	s3 =	sand.u32 $0x4000, s31;
	s1 =	sadd.s32 s1, s30  }
0xbc: {  	s0 =	sor.u32 s3, s0;
	s1 =	sshll.u32 s1, $0x11  }
0xbd: {  	s0 =	sor.u32 s1, s0  }
0xbe: {  	s0 =	sadd.s32 $0x8F2B, s0  }
0xbf: {  	[sflag:s0] =	ssyncadd.remote.s32 $0x1  }
0xc0: {  	_ =	sfence.sel $0xFFFF  }
0xc1: {  	[dreg:$0x0] =	wrdreg $0xFFFFFFFF;
	(pc) =	sbr.abs _section_cstart, $3  }
0xc2: {  	[dreg:$0x1] =	wrdreg $0xFFFFFFFF  }
0xc3: {  	_ =	task.clear_ibuf [dreg:s8], $0x2FFFF;
	_ =	strace $0x9FFFFFFF  }
0xc4: {  	(tm) =	ssettm $0x7FFFFFFF  }
0xc5: {  	_ =	shalt  }
tec
execute0_lowered:
.L_overlay_start_1:
0x0: {  	(tag) =	ssettag $0x1  }
0x1: {  	s10 =	rddreg [dreg:$0x0]  }
0x2: {  	s1 =	srdreg.scid;
	s11 =	rddreg [dreg:$0x1]  }
0x3: {  	s0 =	stileid.u32;
	s4 =	rddreg [dreg:$0x2];
	s2 =	simm.s32 $0x0  }
0x4: {  	s17 =	simm.s32 $0xA000;
	s18 =	simm.s32 $0x1;
	s19 =	simm.s32 $0x3  }
0x5: {  	s20 =	simm.s32 $0x6000;
	s21 =	simm.s32 $0xE000;
	s22 =	simm.s32 $0x2  }
0x6: {  	s23 =	simm.s32 $0x4;
	s24 =	simm.s32 $0x80;
	s25 =	simm.s32 $0x400  }
0x7: {  	s26 =	simm.s32 $0x0;
	s3 =	sand.u32 $0x1, s1;
	s6 =	sshrl.u32 s0, $0x2  }
0x8: {  	[smem:$0x7FF] =	sst s2;
	s29 =	sshll.u32 s0, $0x4;
	s7 =	sshll.u32 s0, $0xD  }
0x9: {  	s5 =	sshll.u32 s3, $0x2;
	_ =	strace $0x8000004A;
	s3 =	ssub.s32 $0x2, s3  }
0xa: {  	s7 =	sand.u32 $0x6000, s7;
	s9 =	sor.u32 s6, s5;
	s6 =	sand.u32 $0x70, s29  }
0xb: {  	s8 =	sshrl.u32 s3, $0x1;
	s5 =	sshll.u32 s9, $0x4;
	s12 =	sshll.u32 s9, $0xF  }
0xc: {  	s13 =	sadd.s32 s6, s4;
	s14 =	ssub.s32 s3, s8;
	s16 =	sshll.u32 s9, $0xC  }
0xd: {  	s5 =	sadd.s32 s5, s4;
	s12 =	sor.u32 s7, s12;
	s30 =	sand.u32 $0x6000, s16  }
0xe: {  	s16 =	simm.s32 $0x2000;
	s3 =	sadd.s32 $0x1C00, s5;
	s4 =	sadd.s32 s10, s12  }
0xf: {  	s7 =	sor.u32 $0x800, s12;
	s5 =	sadd.s32 s11, s12;
	s15 =	sor.u32 $0x1000, s12  }
0x10: {  	s12 =	sor.u32 $0x1800, s12;
	s31 =	sadd.s32 s30, s13;
	s13 =	smax.u32 s14, $0x1  }
0x11: {  	v0 =	vimm.f32 $0.0e+00;
	s14 =	simm.s32 $0x12000;
	s6 =	sadd.s32 s10, s7;
	s7 =	sadd.s32 s11, s7  }
0x12: {  	vm0 =	vmmov $0x1;
	vm1 =	vcmask $0x308;
	vm2 =	vcmask $0x70C;
	s8 =	sadd.s32 s10, s15;
	s9 =	sadd.s32 s11, s15;
	s10 =	sadd.s32 s10, s12  }
0x13: {  	vm3 =	vcmask $0xB10;
	vm4 =	vcmask $0xF14;
	v1 =	vimm.f32 $1.000000000e+00;
	s11 =	sadd.s32 s11, s12;
	s12 =	sadd.s32 $0x1E00, s31;
	s15 =	simm.s32 $0x5  }
.LBB2_1:
0x14: {  	s28 =	simm.s32 $0x40  }
0x15: {  	[tilespmem:s28+$0xFFFFFFC0] =	vst v0  }
0x16: {  	[tilespmem:s28+$0x30] =	vst v0  }
0x17: {  	[tilespmem:s28+$0x20] =	vst v0  }
0x18: {  	[tilespmem:s28+$0x10] =	vst v0  }
0x19: {  	[tilespmem:s28+$0x0] =	vst v0  }
0x1a: {  	[tilespmem:s28+$0xFFFFFFF0] =	vst v0  }
0x1b: {  	s29 =	simm.s32 $0x0;
	[tilespmem:s28+$0xFFFFFFE0] =	vst v0  }
.LBB2_2:
0x1c: {  	s29 =	sadd.s32 $0x8, s29;
	[tilespmem:s28+$0xFFFFFFD0] =	vst v0;
	s28 =	sadd.s32 $0x80, s28  }
0x1d: {  	[tilespmem:s28+$0xFFFFFFC0] =	vst v0;
	p0 =	slt.u32 s29, $0x1F8  }
0x1e: {  	[tilespmem:s28+$0x30] =	vst v0  }
.Ltmp0:
0x1f: {  	[tilespmem:s28+$0x20] =	vst v0;
	(pc) =	sbr.rel @p0 .LBB2_2-.Ltmp0, $4  }
0x20: {  	[tilespmem:s28+$0x10] =	vst v0  }
0x21: {  	[tilespmem:s28+$0x0] =	vst v0  }
0x22: {  	[tilespmem:s28+$0xFFFFFFF0] =	vst v0  }
0x23: {  	[tilespmem:s28+$0xFFFFFFE0] =	vst v0  }
0x24: {  	[tilespmem:s28+$0xFFFFFFD0] =	vst v0;
	s28 =	simm.s32 $0x0  }
0x25: {  	[tilespmem:s14], [sflag:$0x5] =	stream.linear.gather [hbm4b:s3+s28], $0x80, $0x38;
	[tilespmem:$0x12080] =	vst v63  }
0x26: {  	_ =	swait.ge [sflag:s15], $0x80  }
0x27: {  	[sflag:s15] =	ssyncset.done $0x0  }
0x28: {  	[sflag:s15] =	ssyncadd.s32 $0xFFFFFF80  }
0x29: {  	v2 =	vld [tilespmem:$0x12000];
	_ =	sdelay $0x4  }
0x2a: {  	v3 =	vnsel vm0, $0x0, v2  }
0x2b: {  	(xrf2) =	vadd.scan.msk.f32 $0xffff, v3;
	v3 =	vsel vm1, $0x0, v2  }
0x2c: {  	(xrf2) =	vadd.scan.msk.f32 $0xffff, v3;
	v3 =	vsel vm2, $0x0, v2  }
0x2d: {  	(xrf2) =	vadd.scan.msk.f32 $0xffff, v3;
	v3 =	vsel vm3, $0x0, v2  }
0x2e: {  	v2 =	vsel vm4, $0x0, v2;
	(xrf2) =	vadd.scan.msk.f32 $0xffff, v3  }
0x2f: {  	(xrf2) =	vadd.scan.msk.f32 $0xffff, v2;
	_ =	sdelay $0x5  }
0x30: {  	v2, _, _ =	vpop (xrf2)  }
0x31: {  	v4, _, _ =	vpop (xrf2)  }
0x32: {  	[tilespmem:s16], [sflag:$0x1] =	stream.linear.gather [hbm4b:s4+s28], $0x4000, $0x38;
	v5, _, _ =	vpop (xrf2);
	[tilespmem:$0x12080] =	vst v63  }
0x33: {  	v6, _, _ =	vpop (xrf2)  }
0x34: {  	[tilespmem:s17], [sflag:$0x3] =	stream.linear.gather [hbm4b:s5+s28], $0x4000, $0x38;
	v7, _, _ =	vpop (xrf2);
	[tilespmem:$0x12080] =	vst v63  }
0x35: {  	_ =	swait.ge [sflag:s18], $0x4000  }
0x36: {  	[sflag:s18] =	ssyncset.done $0x0  }
0x37: {  	[sflag:s18] =	ssyncadd.s32 $0xFFFFC000  }
0x38: {  	_ =	swait.ge [sflag:s19], $0x4000  }
0x39: {  	[sflag:s19] =	ssyncset.done $0x0  }
0x3a: {  	[sflag:s19] =	ssyncadd.s32 $0xFFFFC000  }
0x3b: {  	[tilespmem:s20], [sflag:$0x2] =	stream.linear.gather [hbm4b:s6+s28], $0x4000, $0x38;
	[tilespmem:$0x12080] =	vst v63  }
0x3c: {  	s29 =	simm.s32 $0x0  }
0x3d: {  	[tilespmem:s21], [sflag:$0x4] =	stream.linear.gather [hbm4b:s7+s28], $0x4000, $0x38;
	[tilespmem:$0x12080] =	vst v63  }
0x3e: {  	s30 =	simm.s32 $0x0;
	s29 =	sand.u32 $0x3000, s29;
	s28 =	sand.u32 $0xC00, s28  }
0x3f: {  	s28 =	sor.u32 s28, s29;
	s29 =	sand.u32 $0x380, s30  }
0x40: {  	s28 =	sor.u32 s29, s28  }
0x41: {  	v8 =	vld [tilespmem:s28+$0x2070]  }
0x42: {  	v9 =	vld [tilespmem:s28+$0xA070]  }
0x43: {  	v10 =	vld [tilespmem:s28+$0x2000]  }
0x44: {  	v11 =	vld [tilespmem:s28+$0xA000]  }
0x45: {  	v12 =	vld [tilespmem:s28+$0x2010]  }
0x46: {  	v13 =	vld [tilespmem:s28+$0xA010]  }
0x47: {  	v14 =	vld [tilespmem:s28+$0x2020]  }
0x48: {  	v3 =	vbroadcast v2, $0xF;
	v4 =	vbroadcast v4, $0xF;
	v15 =	vld [tilespmem:s28+$0xA020]  }
0x49: {  	v5 =	vbroadcast v5, $0xF;
	v17 =	vld [tilespmem:s28+$0x2040]  }
0x4a: {  	v6 =	vbroadcast v6, $0xF;
	v16 =	vld [tilespmem:s28+$0xA030];
	v8 =	vsub.f32 v8, v3;
	v9 =	vsub.f32 v9, v4  }
0x4b: {  	v2 =	vbroadcast v7, $0xF;
	v18 =	vld [tilespmem:s28+$0x2050];
	v7 =	vsub.f32 v10, v3;
	v11 =	vsub.f32 v11, v4  }
0x4c: {  	v19 =	vld [tilespmem:s28+$0xA050];
	v12 =	vsub.f32 v12, v3;
	v13 =	vsub.f32 v13, v4;
	v8 =	vmul.f32 v8, v5  }
0x4d: {  	v10 =	vld [tilespmem:s28+$0x2030];
	v15 =	vsub.f32 v15, v4;
	v9 =	vmul.f32 v9, v6;
	v7 =	vmul.f32 v7, v5  }
0x4e: {  	v17 =	vsub.f32 v17, v3;
	v11 =	vmul.f32 v11, v6;
	v12 =	vmul.f32 v12, v5  }
0x4f: {  	v13 =	vmul.f32 v13, v6;
	v8 =	vsub.f32 v8, v9;
	v9 =	vsub.f32 v14, v3  }
0x50: {  	v7 =	vsub.f32 v7, v11;
	v11 =	vsub.f32 v16, v4  }
0x51: {  	v20 =	vld [tilespmem:s28+$0xA060];
	v15 =	vmul.f32 v15, v6;
	v12 =	vsub.f32 v12, v13;
	v13 =	vsub.f32 v18, v3  }
0x52: {  	v17 =	vmul.f32 v17, v5;
	v14 =	vld [tilespmem:s28+$0xA040];
	v18 =	vsub.f32 v19, v4;
	v10 =	vsub.f32 v10, v3  }
0x53: {  	s29 =	simm.s32 $0x400;
	v16 =	vld [tilespmem:s28+$0x2060];
	s28 =	simm.s32 $0x80;
	v8 =	vand.u32 $0x7FFFFFFF, v8;
	v9 =	vmul.f32 v9, v5;
	v11 =	vmul.f32 v11, v6  }
0x54: {  	s31 =	simm.s32 $0x20;
	s29 =	sand.u32 $0xC00, s29;
	s28 =	sand.u32 $0x3000, s28;
	v13 =	vmul.f32 v13, v5;
	v7 =	vand.u32 $0x7FFFFFFF, v7;
	v8 =	vmul.f32 v8, v2  }
0x55: {  	v12 =	vand.u32 $0x7FFFFFFF, v12;
	s28 =	sor.u32 s29, s28;
	s29 =	sand.u32 $0x380, s31;
	v10 =	vmul.f32 v10, v5;
	v7 =	vmul.f32 v7, v2  }
0x56: {  	v12 =	vmul.f32 v12, v2;
	s28 =	sor.u32 s29, s28;
	v9 =	vsub.f32 v9, v15;
	v15 =	vmul.f32 v18, v6  }
0x57: {  	v18 =	vsub.f32 v20, v4;
	v19 =	vld [tilespmem:s28+$0x2010];
	v8 =	vtrunc.f32 v8;
	v14 =	vsub.f32 v14, v4  }
0x58: {  	v20 =	vld [tilespmem:s28+$0xA010];
	v16 =	vsub.f32 v16, v3;
	v10 =	vsub.f32 v10, v11;
	v7 =	vtrunc.f32 v7  }
0x59: {  	v22 =	vld [tilespmem:s28+$0xA020];
	v12 =	vtrunc.f32 v12;
	v8 =	vcvt.f32.s32 v8;
	v13 =	vsub.f32 v13, v15  }
0x5a: {  	v23 =	vld [tilespmem:s28+$0x2030];
	v15 =	vmul.f32 v18, v6;
	v9 =	vand.u32 $0x7FFFFFFF, v9;
	v7 =	vcvt.f32.s32 v7  }
0x5b: {  	v25 =	vld [tilespmem:s28+$0x2040];
	v12 =	vcvt.f32.s32 v12;
	v14 =	vmul.f32 v14, v6;
	v10 =	vand.u32 $0x7FFFFFFF, v10  }
0x5c: {  	v26 =	vld [tilespmem:s28+$0x2050];
	v9 =	vmul.f32 v9, v2;
	v13 =	vand.u32 $0x7FFFFFFF, v13;
	v10 =	vmul.f32 v10, v2  }
0x5d: {  	v27 =	vld [tilespmem:s28+$0xA050];
	vm5 =	vlt.s32 v8, $0x1FFF;
	vm11 =	vlt.s32 v7, $0x1FFF;
	vm10 =	vlt.s32 v12, $0x1FFF  }
0x5e: {  	v18 =	vld [tilespmem:s28+$0xA000];
	v11 =	vsub.f32 v17, v14;
	v14 =	vmul.f32 v16, v5;
	v13 =	vmul.f32 v13, v2  }
0x5f: {  	v9 =	vtrunc.f32 v9;
	v16 =	vld [tilespmem:s28+$0xA070];
	v19 =	vsub.f32 v19, v3;
	v20 =	vsub.f32 v20, v4  }
0x60: {  	v17 =	vld [tilespmem:s28+$0x2000];
	v8 =	vnsel vm5, $0x1FFF, v8;
	v22 =	vsub.f32 v22, v4;
	v23 =	vsub.f32 v23, v3  }
0x61: {  	v7 =	vnsel vm11, $0x1FFF, v7;
	v25 =	vsub.f32 v25, v3;
	v14 =	vsub.f32 v14, v15;
	v15 =	vld [tilespmem:s28+$0x2070]  }
0x62: {  	v28 =	vld [tilespmem:s28+$0xA060];
	v26 =	vsub.f32 v26, v3;
	v10 =	vtrunc.f32 v10;
	v9 =	vcvt.f32.s32 v9  }
0x63: {  	v47 =	vsub.f32 v27, v4;
	v13 =	vtrunc.f32 v13;
	v10 =	vcvt.f32.s32 v10  }
0x64: {  	v18 =	vsub.f32 v18, v4;
	v20 =	vmul.f32 v20, v6;
	v14 =	vand.u32 $0x7FFFFFFF, v14  }
0x65: {  	v23 =	vmul.f32 v23, v5;
	v14 =	vmul.f32 v14, v2;
	v17 =	vsub.f32 v17, v3  }
0x66: {  	v18 =	vmul.f32 v18, v6;
	v16 =	vsub.f32 v16, v4;
	v15 =	vsub.f32 v15, v3  }
0x67: {  	v24 =	vld [tilespmem:s28+$0xA030];
	v48 =	vsub.f32 v28, v4;
	v14 =	vtrunc.f32 v14;
	v17 =	vmul.f32 v17, v5  }
0x68: {  	v46 =	vld [tilespmem:s28+$0x2060];
	v11 =	vand.u32 $0x7FFFFFFF, v11;
	v16 =	vmul.f32 v16, v6;
	v15 =	vmul.f32 v15, v5  }
0x69: {  	v11 =	vmul.f32 v11, v2;
	v21 =	vcvt.f32.s32 v14;
	v14 =	vld [tilespmem:s28+$0x2020];
	v17 =	vsub.f32 v17, v18  }
0x6a: {  	s29 =	simm.s32 $0x100;
	v26 =	vmul.f32 v26, v5;
	v15 =	vsub.f32 v15, v16;
	v16 =	vmul.f32 v19, v5;
	v19 =	vld [tilespmem:s28+$0xA040];
	s28 =	simm.s32 $0x800  }
0x6b: {  	s31 =	simm.s32 $0x40;
	s29 =	sand.u32 $0x3000, s29;
	v13 =	vcvt.f32.s32 v13;
	v11 =	vtrunc.f32 v11;
	v17 =	vand.u32 $0x7FFFFFFF, v17;
	s1 =	sand.u32 $0xC00, s28  }
0x6c: {  	s31 =	sand.u32 $0x380, s31;
	vm6 =	vlt.s32 v9, $0x1FFF;
	v11 =	vcvt.f32.s32 v11;
	v17 =	vmul.f32 v17, v2;
	s29 =	sor.u32 s1, s29  }
0x6d: {  	vm8 =	vlt.s32 v10, $0x1FFF;
	[tilespmem:v7+s2+$0x0] =	vst.idx.add.f32.msk $0xffff, v1;
	v18 =	vmul.f32 v22, v6;
	v22 =	vsub.f32 v24, v4;
	s29 =	sor.u32 s31, s29  }
0x6e: {  	vm5 =	vlt.s32 v13, $0x1FFF;
	vm7 =	vlt.s32 v11, $0x1FFF;
	v7 =	vtrunc.f32 v17;
	v17 =	vld [tilespmem:s29+$0x2070]  }
0x6f: {  	v24 =	vsub.f32 v46, v3;
	v49 =	vnsel vm7, $0x1FFF, v11;
	v22 =	vmul.f32 v22, v6;
	v50 =	vld [tilespmem:s29+$0xA070]  }
0x70: {  	v14 =	vsub.f32 v14, v3;
	v15 =	vand.u32 $0x7FFFFFFF, v15;
	v16 =	vsub.f32 v16, v20;
	v51 =	vld [tilespmem:s29+$0x2000]  }
0x71: {  	v20 =	vmul.f32 v25, v5;
	v22 =	vsub.f32 v23, v22;
	v15 =	vmul.f32 v15, v2;
	v54 =	vld [tilespmem:s29+$0xA020]  }
0x72: {  	v23 =	vmul.f32 v48, v6;
	v14 =	vmul.f32 v14, v5;
	v16 =	vand.u32 $0x7FFFFFFF, v16;
	v55 =	vld [tilespmem:s29+$0x2030]  }
0x73: {  	v22 =	vand.u32 $0x7FFFFFFF, v22;
	v52 =	vcvt.f32.s32 v7;
	v29 =	vld [tilespmem:s29+$0xA030];
	v15 =	vtrunc.f32 v15  }
0x74: {  	v30 =	vld [tilespmem:s29+$0x2040];
	v19 =	vsub.f32 v19, v4;
	v16 =	vmul.f32 v16, v2;
	v22 =	vmul.f32 v22, v2  }
0x75: {  	v31 =	vld [tilespmem:s29+$0x2050];
	v15 =	vcvt.f32.s32 v15;
	v14 =	vsub.f32 v14, v18;
	v18 =	vmul.f32 v47, v6  }
0x76: {  	vm9 =	vlt.s32 v21, $0x1FFF;
	v32 =	vld [tilespmem:s29+$0xA050];
	v19 =	vmul.f32 v19, v6;
	v22 =	vtrunc.f32 v22  }
0x77: {  	v58 =	vld [tilespmem:s29+$0x2060];
	vm11 =	vlt.s32 v15, $0x1FFF;
	v18 =	vsub.f32 v26, v18;
	v14 =	vand.u32 $0x7FFFFFFF, v14  }
0x78: {  	v33 =	vld [tilespmem:s29+$0xA060];
	v11 =	vcvt.f32.s32 v22;
	v19 =	vsub.f32 v20, v19;
	v17 =	vsub.f32 v17, v3  }
0x79: {  	v15 =	vnsel vm11, $0x1FFF, v15;
	v22 =	vsub.f32 v50, v4;
	v53 =	vsub.f32 v51, v3  }
0x7a: {  	v20 =	vmul.f32 v24, v5;
	v26 =	vsub.f32 v54, v4;
	v28 =	vsub.f32 v55, v3  }
0x7b: {  	v14 =	vmul.f32 v14, v2;
	v57 =	vsub.f32 v29, v4;
	v30 =	vsub.f32 v30, v3  }
0x7c: {  	vm11 =	vlt.s32 v52, $0x1FFF;
	v59 =	vsub.f32 v31, v3;
	v60 =	vsub.f32 v32, v4  }
0x7d: {  	v61 =	vsub.f32 v58, v3;
	v63 =	vsub.f32 v33, v4;
	v18 =	vand.u32 $0x7FFFFFFF, v18  }
0x7e: {  	v27 =	vnsel vm11, $0x1FFF, v52;
	v19 =	vand.u32 $0x7FFFFFFF, v19;
	v20 =	vsub.f32 v20, v23  }
0x7f: {  	v18 =	vmul.f32 v18, v2;
	v23 =	vnsel vm8, $0x1FFF, v10;
	v17 =	vmul.f32 v17, v5  }
0x80: {  	v10 =	vnsel vm9, $0x1FFF, v21;
	v22 =	vmul.f32 v22, v6;
	v25 =	vmul.f32 v53, v5  }
0x81: {  	[tilespmem:v8+s2+$0x0] =	vst.idx.add.f32.msk $0xffff, v1;
	vm8 =	vlt.s32 v11, $0x1FFF;
	v56 =	vmul.f32 v26, v6;
	v28 =	vmul.f32 v28, v5  }
0x82: {  	v21 =	vld [tilespmem:s29+$0xA000];
	v26 =	vmul.f32 v57, v6;
	v19 =	vmul.f32 v19, v2;
	v8 =	vand.u32 $0x7FFFFFFF, v20  }
0x83: {  	v20 =	vnsel vm10, $0x1FFF, v12;
	v18 =	vtrunc.f32 v18;
	v17 =	vsub.f32 v17, v22;
	v22 =	vld [tilespmem:s29+$0xA040]  }
0x84: {  	v8 =	vmul.f32 v8, v2;
	[tilespmem:v15+s2+$0x0] =	vst.idx.add.f32.msk $0xffff, v1;
	v15 =	vnsel vm6, $0x1FFF, v9;
	v9 =	vtrunc.f32 v16  }
0x85: {  	v12 =	vnsel vm5, $0x1FFF, v13;
	v16 =	vtrunc.f32 v14;
	v7 =	vcvt.f32.s32 v18;
	v18 =	vld [tilespmem:s29+$0xA010]  }
0x86: {  	v26 =	vsub.f32 v28, v26;
	v19 =	vtrunc.f32 v19;
	v13 =	vcvt.f32.s32 v16;
	v16 =	vld [tilespmem:s29+$0x2010]  }
0x87: {  	v14 =	vcvt.f32.s32 v9;
	v9 =	vcvt.f32.s32 v19;
	v19 =	vld [tilespmem:s29+$0x2020];
	v17 =	vand.u32 $0x7FFFFFFF, v17  }
0x88: {  	[tilespmem:v27+s2+$0x0] =	vst.idx.add.f32.msk $0xffff, v1;
	v27 =	vmul.f32 v61, v5;
	v8 =	vtrunc.f32 v8;
	v21 =	vsub.f32 v21, v4  }
0x89: {  	vm5 =	vlt.s32 v7, $0x1FFF;
	v17 =	vmul.f32 v17, v2;
	vm10 =	vlt.s32 v14, $0x1FFF  }
0x8a: {  	vm7 =	vlt.s32 v13, $0x1FFF;
	v8 =	vcvt.f32.s32 v8;
	v21 =	vmul.f32 v21, v6  }
0x8b: {  	v17 =	vtrunc.f32 v17;
	v18 =	vsub.f32 v18, v4;
	v16 =	vsub.f32 v16, v3  }
0x8c: {  	[tilespmem:v20+s2+$0x0] =	vst.idx.add.f32.msk $0xffff, v1;
	v20 =	vmul.f32 v59, v5;
	v17 =	vcvt.f32.s32 v17;
	v19 =	vsub.f32 v19, v3  }
0x8d: {  	v22 =	vsub.f32 v22, v4;
	v18 =	vmul.f32 v18, v6;
	v16 =	vmul.f32 v16, v5  }
0x8e: {  	v21 =	vsub.f32 v25, v21;
	vm11 =	vlt.s32 v17, $0x1FFF;
	v19 =	vmul.f32 v19, v5  }
0x8f: {  	[tilespmem:v15+s2+$0x0] =	vst.idx.add.f32.msk $0xffff, v1;
	v22 =	vmul.f32 v22, v6;
	v62 =	vnsel vm11, $0x1FFF, v17;
	v16 =	vsub.f32 v16, v18  }
0x90: {  	v18 =	vmul.f32 v30, v5;
	v15 =	vsub.f32 v19, v56;
	v19 =	vmul.f32 v60, v6  }
0x91: {  	vm6 =	vlt.s32 v9, $0x1FFF;
	vm9 =	vlt.s32 v8, $0x1FFF;
	v25 =	vmul.f32 v63, v6  }
0x92: {  	[tilespmem:v49+s2+$0x0] =	vst.idx.add.f32.msk $0xffff, v1;
	v17 =	vand.u32 $0x7FFFFFFF, v21;
	v22 =	vsub.f32 v18, v22;
	v21 =	vsub.f32 v20, v19  }
0x93: {  	[tilespmem:v23+s2+$0x0] =	vst.idx.add.f32.msk $0xffff, v1;
	v20 =	vand.u32 $0x7FFFFFFF, v16;
	v18 =	vand.u32 $0x7FFFFFFF, v15;
	v19 =	vand.u32 $0x7FFFFFFF, v26  }
0x94: {  	s29 =	simm.s32 $0x10;
	[tilespmem:v62+s2+$0x0] =	vst.idx.add.f32.msk $0xffff, v1;
	v16 =	vand.u32 $0x7FFFFFFF, v22;
	v15 =	vand.u32 $0x7FFFFFFF, v21;
	v21 =	vsub.f32 v27, v25  }
.LBB2_4:
0x95: {  	s29 =	sadd.s32 $0x8, s29;
	v17 =	vmul.f32 v17, v2;
	v20 =	vmul.f32 v20, v2;
	v22 =	vnsel vm10, $0x1FFF, v14;
	[tilespmem:v12+s2+$0x0] =	vst.idx.add.f32.msk $0xffff, v1  }
0x96: {  	v12 =	vmul.f32 v18, v2;
	v14 =	vmul.f32 v19, v2;
	s28 =	sadd.s32 $0x400, s28;
	s30 =	sshll.u32 s29, $0x4;
	p0 =	slt.u32 s29, $0x3F8;
	v18 =	vand.u32 $0x7FFFFFFF, v21;
	[tilespmem:v10+s2+$0x0] =	vst.idx.add.f32.msk $0xffff, v1  }
0x97: {  	v15 =	vmul.f32 v15, v2;
	s31 =	sand.u32 $0xC00, s28;
	s1 =	sshll.u32 s29, $0x2;
	v10 =	vmul.f32 v16, v2;
	v16 =	vnsel vm7, $0x1FFF, v13;
	s30 =	sand.u32 $0x3000, s30  }
0x98: {  	s1 =	sand.u32 $0x380, s1;
	v13 =	vtrunc.f32 v17;
	v17 =	vmul.f32 v18, v2;
	v18 =	vnsel vm8, $0x1FFF, v11;
	s30 =	sor.u32 s31, s30  }
0x99: {  	v21 =	vnsel vm6, $0x1FFF, v9;
	v11 =	vtrunc.f32 v20;
	v19 =	vtrunc.f32 v12;
	s30 =	sor.u32 s1, s30  }
0x9a: {  	v9 =	vtrunc.f32 v14;
	v12 =	vnsel vm5, $0x1FFF, v7;
	v23 =	vtrunc.f32 v10;
	v20 =	vld [tilespmem:s30+$0x2070]  }
0x9b: {  	v7 =	vtrunc.f32 v15;
	v10 =	vnsel vm9, $0x1FFF, v8;
	v15 =	vtrunc.f32 v17;
	v24 =	vld [tilespmem:s30+$0xA070]  }
0x9c: {  	v25 =	vcvt.f32.s32 v13;
	v14 =	vcvt.f32.s32 v11;
	v17 =	vld [tilespmem:s30+$0x2000]  }
0x9d: {  	v13 =	vcvt.f32.s32 v19;
	v11 =	vcvt.f32.s32 v9;
	v26 =	vld [tilespmem:s30+$0xA000]  }
0x9e: {  	v7 =	vcvt.f32.s32 v7;
	v9 =	vcvt.f32.s32 v23;
	vm11 =	vlt.s32 v25, $0x1FFF;
	v19 =	vld [tilespmem:s30+$0x2010]  }
0x9f: {  	vm10 =	vlt.s32 v14, $0x1FFF;
	vm7 =	vlt.s32 v13, $0x1FFF;
	v8 =	vcvt.f32.s32 v15;
	v23 =	vld [tilespmem:s30+$0xA010]  }
0xa0: {  	vm8 =	vlt.s32 v11, $0x1FFF;
	v20 =	vsub.f32 v20, v3;
	v15 =	vld [tilespmem:s30+$0x2020];
	v24 =	vsub.f32 v24, v4  }
0xa1: {  	vm5 =	vlt.s32 v7, $0x1FFF;
	vm6 =	vlt.s32 v9, $0x1FFF;
	v17 =	vsub.f32 v17, v3;
	v27 =	vld [tilespmem:s30+$0xA020]  }
0xa2: {  	v20 =	vmul.f32 v20, v5;
	v26 =	vsub.f32 v26, v4;
	v28 =	vld [tilespmem:s30+$0x2030];
	v24 =	vmul.f32 v24, v6  }
0xa3: {  	vm9 =	vlt.s32 v8, $0x1FFF;
	v17 =	vmul.f32 v17, v5;
	v19 =	vsub.f32 v19, v3;
	v29 =	vld [tilespmem:s30+$0xA030]  }
0xa4: {  	v26 =	vmul.f32 v26, v6;
	v23 =	vsub.f32 v23, v4;
	v30 =	vld [tilespmem:s30+$0x2040];
	v20 =	vsub.f32 v20, v24  }
0xa5: {  	v25 =	vnsel vm11, $0x1FFF, v25;
	v19 =	vmul.f32 v19, v5;
	v15 =	vsub.f32 v15, v3;
	v24 =	vld [tilespmem:s30+$0xA040]  }
0xa6: {  	v23 =	vmul.f32 v23, v6;
	v27 =	vsub.f32 v27, v4;
	v31 =	vld [tilespmem:s30+$0x2050];
	v20 =	vand.u32 $0x7FFFFFFF, v20  }
0xa7: {  	v15 =	vmul.f32 v15, v5;
	v28 =	vsub.f32 v28, v3;
	v32 =	vld [tilespmem:s30+$0xA050];
	v20 =	vmul.f32 v20, v2  }
0xa8: {  	v17 =	vsub.f32 v17, v26;
	v26 =	vmul.f32 v27, v6;
	v27 =	vsub.f32 v29, v4;
	v29 =	vld [tilespmem:s30+$0x2060]  }
0xa9: {  	v28 =	vmul.f32 v28, v5;
	v30 =	vsub.f32 v30, v3;
	v33 =	vld [tilespmem:s30+$0xA060];
	v20 =	vtrunc.f32 v20  }
0xaa: {  	v27 =	vmul.f32 v27, v6;
	v24 =	vsub.f32 v24, v4;
	v20 =	vcvt.f32.s32 v20;
	[tilespmem:v25+s2+$0x0] =	vst.idx.add.f32.msk $0xffff, v1  }
0xab: {  	v19 =	vsub.f32 v19, v23;
	v23 =	vmul.f32 v30, v5;
	v25 =	vsub.f32 v31, v3  }
0xac: {  	v24 =	vmul.f32 v24, v6;
	v30 =	vsub.f32 v32, v4;
	vm11 =	vlt.s32 v20, $0x1FFF;
	[tilespmem:v22+s2+$0x0] =	vst.idx.add.f32.msk $0xffff, v1  }
0xad: {  	v22 =	vmul.f32 v25, v5;
	v25 =	vsub.f32 v29, v3;
	v29 =	vnsel vm11, $0x1FFF, v20;
	[tilespmem:v16+s2+$0x0] =	vst.idx.add.f32.msk $0xffff, v1  }
.Ltmp1:
0xae: {  	v15 =	vsub.f32 v15, v26;
	v16 =	vmul.f32 v30, v6;
	v20 =	vsub.f32 v33, v4;
	(pc) =	sbr.rel @p0 .LBB2_4-.Ltmp1, $4  }
0xaf: {  	v26 =	vsub.f32 v28, v27;
	v23 =	vsub.f32 v23, v24;
	v24 =	vmul.f32 v25, v5  }
0xb0: {  	v17 =	vand.u32 $0x7FFFFFFF, v17;
	v22 =	vsub.f32 v22, v16;
	v25 =	vmul.f32 v20, v6;
	[tilespmem:v18+s2+$0x0] =	vst.idx.add.f32.msk $0xffff, v1  }
0xb1: {  	v20 =	vand.u32 $0x7FFFFFFF, v19;
	v18 =	vand.u32 $0x7FFFFFFF, v15;
	v19 =	vand.u32 $0x7FFFFFFF, v26;
	[tilespmem:v21+s2+$0x0] =	vst.idx.add.f32.msk $0xffff, v1  }
0xb2: {  	v16 =	vand.u32 $0x7FFFFFFF, v23;
	v15 =	vand.u32 $0x7FFFFFFF, v22;
	v21 =	vsub.f32 v24, v25;
	[tilespmem:v29+s2+$0x0] =	vst.idx.add.f32.msk $0xffff, v1  }
0xb3: {  	v17 =	vmul.f32 v17, v2;
	v20 =	vmul.f32 v20, v2  }
0xb4: {  	v18 =	vmul.f32 v18, v2;
	v19 =	vmul.f32 v19, v2  }
0xb5: {  	v16 =	vmul.f32 v16, v2;
	v14 =	vnsel vm10, $0x1FFF, v14;
	v15 =	vmul.f32 v15, v2  }
0xb6: {  	v13 =	vnsel vm7, $0x1FFF, v13;
	v21 =	vand.u32 $0x7FFFFFFF, v21;
	v17 =	vtrunc.f32 v17  }
0xb7: {  	v11 =	vnsel vm8, $0x1FFF, v11;
	v21 =	vmul.f32 v21, v2;
	v20 =	vtrunc.f32 v20  }
0xb8: {  	[tilespmem:v12+s2+$0x0] =	vst.idx.add.f32.msk $0xffff, v1;
	v9 =	vnsel vm6, $0x1FFF, v9;
	v18 =	vtrunc.f32 v18;
	v12 =	vtrunc.f32 v19  }
0xb9: {  	v7 =	vnsel vm5, $0x1FFF, v7;
	v16 =	vtrunc.f32 v16;
	v17 =	vcvt.f32.s32 v17  }
0xba: {  	[tilespmem:v10+s2+$0x0] =	vst.idx.add.f32.msk $0xffff, v1;
	v8 =	vnsel vm9, $0x1FFF, v8;
	v10 =	vtrunc.f32 v15;
	v15 =	vcvt.f32.s32 v20  }
0xbb: {  	v18 =	vcvt.f32.s32 v18;
	v12 =	vcvt.f32.s32 v12;
	vm11 =	vlt.s32 v17, $0x1FFF;
	[tilespmem:v14+s2+$0x0] =	vst.idx.add.f32.msk $0xffff, v1  }
0xbc: {  	v10 =	vcvt.f32.s32 v10;
	vm5 =	vlt.s32 v15, $0x1FFF;
	[tilespmem:v13+s2+$0x0] =	vst.idx.add.f32.msk $0xffff, v1;
	v17 =	vnsel vm11, $0x1FFF, v17  }
0xbd: {  	v14 =	vcvt.f32.s32 v16;
	vm6 =	vlt.s32 v18, $0x1FFF;
	[tilespmem:v11+s2+$0x0] =	vst.idx.add.f32.msk $0xffff, v1;
	v13 =	vnsel vm5, $0x1FFF, v15  }
0xbe: {  	v19 =	vtrunc.f32 v21;
	[tilespmem:v9+s2+$0x0] =	vst.idx.add.f32.msk $0xffff, v1;
	vm5 =	vlt.s32 v12, $0x1FFF;
	v11 =	vnsel vm6, $0x1FFF, v18  }
0xbf: {  	[tilespmem:v7+s2+$0x0] =	vst.idx.add.f32.msk $0xffff, v1;
	v15 =	vcvt.f32.s32 v19;
	vm6 =	vlt.s32 v14, $0x1FFF;
	v9 =	vnsel vm5, $0x1FFF, v12  }
0xc0: {  	[tilespmem:v8+s2+$0x0] =	vst.idx.add.f32.msk $0xffff, v1;
	vm5 =	vlt.s32 v10, $0x1FFF;
	v7 =	vnsel vm6, $0x1FFF, v14  }
0xc1: {  	vm6 =	vlt.s32 v15, $0x1FFF;
	v8 =	vnsel vm5, $0x1FFF, v10;
	[tilespmem:v17+s2+$0x0] =	vst.idx.add.f32.msk $0xffff, v1  }
0xc2: {  	v10 =	vnsel vm6, $0x1FFF, v15;
	[tilespmem:v13+s2+$0x0] =	vst.idx.add.f32.msk $0xffff, v1  }
0xc3: {  	[tilespmem:v11+s2+$0x0] =	vst.idx.add.f32.msk $0xffff, v1  }
0xc4: {  	[tilespmem:v9+s2+$0x0] =	vst.idx.add.f32.msk $0xffff, v1  }
0xc5: {  	[tilespmem:v7+s2+$0x0] =	vst.idx.add.f32.msk $0xffff, v1  }
0xc6: {  	[tilespmem:v8+s2+$0x0] =	vst.idx.add.f32.msk $0xffff, v1  }
0xc7: {  	[tilespmem:v10+s2+$0x0] =	vst.idx.add.f32.msk $0xffff, v1  }
0xc8: {  	_ =	swait.ge [sflag:s22], $0x4000  }
0xc9: {  	[sflag:s22] =	ssyncset.done $0x0  }
0xca: {  	[sflag:s22] =	ssyncadd.s32 $0xFFFFC000  }
0xcb: {  	_ =	swait.ge [sflag:s23], $0x4000  }
0xcc: {  	[sflag:s23] =	ssyncset.done $0x0  }
0xcd: {  	s1 =	simm.s32 $0x0;
	[sflag:s23] =	ssyncadd.s32 $0xFFFFC000  }
0xce: {  	[tilespmem:s16], [sflag:$0x1] =	stream.linear.gather [hbm4b:s8+s1], $0x4000, $0x38;
	[tilespmem:$0x12080] =	vst v63  }
0xcf: {  	s28 =	simm.s32 $0x0  }
0xd0: {  	[tilespmem:s17], [sflag:$0x3] =	stream.linear.gather [hbm4b:s9+s1], $0x4000, $0x38;
	[tilespmem:$0x12080] =	vst v63  }
0xd1: {  	s29 =	simm.s32 $0x0;
	s28 =	sand.u32 $0x3000, s28;
	s1 =	sand.u32 $0xC00, s1  }
0xd2: {  	s1 =	sor.u32 s1, s28;
	s28 =	sand.u32 $0x380, s29  }
0xd3: {  	s1 =	sor.u32 s28, s1  }
0xd4: {  	v7 =	vld [tilespmem:s1+$0x6070]  }
0xd5: {  	v8 =	vld [tilespmem:s1+$0xE070]  }
0xd6: {  	v9 =	vld [tilespmem:s1+$0x6000]  }
0xd7: {  	v10 =	vld [tilespmem:s1+$0xE000]  }
0xd8: {  	v11 =	vld [tilespmem:s1+$0x6010]  }
0xd9: {  	v12 =	vld [tilespmem:s1+$0xE010]  }
0xda: {  	v14 =	vld [tilespmem:s1+$0xE020]  }
0xdb: {  	v15 =	vld [tilespmem:s1+$0x6030]  }
0xdc: {  	v17 =	vld [tilespmem:s1+$0x6040];
	v7 =	vsub.f32 v7, v3  }
0xdd: {  	v13 =	vld [tilespmem:s1+$0x6020];
	v8 =	vsub.f32 v8, v4;
	v9 =	vsub.f32 v9, v3  }
0xde: {  	v16 =	vld [tilespmem:s1+$0xE030];
	v10 =	vsub.f32 v10, v4;
	v11 =	vsub.f32 v11, v3  }
0xdf: {  	v18 =	vld [tilespmem:s1+$0x6050];
	v12 =	vsub.f32 v12, v4;
	v14 =	vsub.f32 v14, v4;
	v7 =	vmul.f32 v7, v5  }
0xe0: {  	v19 =	vld [tilespmem:s1+$0xE050];
	v15 =	vsub.f32 v15, v3;
	v8 =	vmul.f32 v8, v6;
	v9 =	vmul.f32 v9, v5  }
0xe1: {  	v17 =	vsub.f32 v17, v3;
	v10 =	vmul.f32 v10, v6;
	v11 =	vmul.f32 v11, v5  }
0xe2: {  	v12 =	vmul.f32 v12, v6;
	v7 =	vsub.f32 v7, v8;
	v8 =	vsub.f32 v13, v3  }
0xe3: {  	v20 =	vld [tilespmem:s1+$0xE060];
	v14 =	vmul.f32 v14, v6;
	v9 =	vsub.f32 v9, v10;
	v10 =	vsub.f32 v16, v4  }
0xe4: {  	s30 =	simm.s32 $0x80;
	s28 =	simm.s32 $0x400;
	v15 =	vmul.f32 v15, v5;
	v13 =	vld [tilespmem:s1+$0xE040];
	v11 =	vsub.f32 v11, v12;
	v12 =	vsub.f32 v18, v3  }
0xe5: {  	s29 =	simm.s32 $0x20;
	s28 =	sand.u32 $0xC00, s28;
	v17 =	vmul.f32 v17, v5;
	v16 =	vld [tilespmem:s1+$0x6060];
	v18 =	vsub.f32 v19, v4;
	s1 =	sand.u32 $0x3000, s30;
	v8 =	vmul.f32 v8, v5  }
0xe6: {  	s1 =	sor.u32 s28, s1;
	s28 =	sand.u32 $0x380, s29;
	v7 =	vand.u32 $0x7FFFFFFF, v7;
	v10 =	vmul.f32 v10, v6;
	v12 =	vmul.f32 v12, v5  }
0xe7: {  	v9 =	vand.u32 $0x7FFFFFFF, v9;
	v11 =	vand.u32 $0x7FFFFFFF, v11;
	s28 =	sor.u32 s28, s1;
	v7 =	vmul.f32 v7, v2  }
0xe8: {  	v9 =	vmul.f32 v9, v2;
	v11 =	vmul.f32 v11, v2;
	v19 =	vld [tilespmem:s28+$0x6010]  }
0xe9: {  	v22 =	vld [tilespmem:s28+$0xE020];
	v8 =	vsub.f32 v8, v14;
	v14 =	vmul.f32 v18, v6;
	v18 =	vsub.f32 v20, v4  }
0xea: {  	v23 =	vld [tilespmem:s28+$0x6030];
	v10 =	vsub.f32 v15, v10;
	v7 =	vtrunc.f32 v7;
	v13 =	vsub.f32 v13, v4  }
0xeb: {  	v25 =	vld [tilespmem:s28+$0x6040];
	v16 =	vsub.f32 v16, v3;
	v9 =	vtrunc.f32 v9;
	v11 =	vtrunc.f32 v11  }
0xec: {  	v26 =	vld [tilespmem:s28+$0x6050];
	v7 =	vcvt.f32.s32 v7;
	v12 =	vsub.f32 v12, v14;
	v14 =	vmul.f32 v18, v6  }
0xed: {  	v27 =	vld [tilespmem:s28+$0xE050];
	v8 =	vand.u32 $0x7FFFFFFF, v8;
	v9 =	vcvt.f32.s32 v9;
	v11 =	vcvt.f32.s32 v11  }
0xee: {  	v28 =	vld [tilespmem:s28+$0xE060];
	v10 =	vand.u32 $0x7FFFFFFF, v10;
	v13 =	vmul.f32 v13, v6;
	v15 =	vmul.f32 v16, v5  }
0xef: {  	v8 =	vmul.f32 v8, v2;
	v10 =	vmul.f32 v10, v2  }
0xf0: {  	v12 =	vand.u32 $0x7FFFFFFF, v12;
	v19 =	vsub.f32 v19, v3;
	v22 =	vsub.f32 v22, v4  }
0xf1: {  	v20 =	vld [tilespmem:s28+$0xE010];
	vm5 =	vlt.s32 v7, $0x1FFF;
	v23 =	vsub.f32 v23, v3;
	v25 =	vsub.f32 v25, v3  }
0xf2: {  	vm11 =	vlt.s32 v9, $0x1FFF;
	v26 =	vsub.f32 v26, v3;
	v45 =	vsub.f32 v27, v4  }
0xf3: {  	v16 =	vld [tilespmem:s28+$0xE070];
	vm10 =	vlt.s32 v11, $0x1FFF;
	v46 =	vsub.f32 v28, v4;
	v13 =	vsub.f32 v17, v13  }
0xf4: {  	v14 =	vsub.f32 v15, v14;
	v12 =	vmul.f32 v12, v2;
	v8 =	vtrunc.f32 v8;
	v15 =	vld [tilespmem:s28+$0x6070]  }
0xf5: {  	v10 =	vtrunc.f32 v10;
	v7 =	vnsel vm5, $0x1FFF, v7;
	v8 =	vcvt.f32.s32 v8  }
0xf6: {  	v18 =	vld [tilespmem:s28+$0xE000];
	v20 =	vsub.f32 v20, v4;
	v10 =	vcvt.f32.s32 v10;
	v23 =	vmul.f32 v23, v5  }
0xf7: {  	v17 =	vld [tilespmem:s28+$0x6000];
	v26 =	vmul.f32 v26, v5;
	v14 =	vand.u32 $0x7FFFFFFF, v14;
	v12 =	vtrunc.f32 v12  }
0xf8: {  	v13 =	vand.u32 $0x7FFFFFFF, v13;
	v20 =	vmul.f32 v20, v6;
	v14 =	vmul.f32 v14, v2  }
0xf9: {  	v13 =	vmul.f32 v13, v2;
	v16 =	vsub.f32 v16, v4;
	v15 =	vsub.f32 v15, v3  }
0xfa: {  	v24 =	vld [tilespmem:s28+$0xE030];
	v9 =	vnsel vm11, $0x1FFF, v9;
	v12 =	vcvt.f32.s32 v12;
	v14 =	vtrunc.f32 v14  }
0xfb: {  	v44 =	vld [tilespmem:s28+$0x6060];
	v18 =	vsub.f32 v18, v4;
	v16 =	vmul.f32 v16, v6;
	v15 =	vmul.f32 v15, v5  }
0xfc: {  	vm6 =	vlt.s32 v8, $0x1FFF;
	v17 =	vsub.f32 v17, v3;
	v21 =	vcvt.f32.s32 v14;
	v14 =	vld [tilespmem:s28+$0x6020]  }
0xfd: {  	s31 =	simm.s32 $0x100;
	v18 =	vmul.f32 v18, v6;
	v15 =	vsub.f32 v15, v16;
	v16 =	vmul.f32 v19, v5;
	v19 =	vld [tilespmem:s28+$0xE040];
	s28 =	simm.s32 $0x800  }
0xfe: {  	s30 =	simm.s32 $0x40;
	s1 =	sand.u32 $0x3000, s31;
	v13 =	vtrunc.f32 v13;
	vm5 =	vlt.s32 v12, $0x1FFF;
	v17 =	vmul.f32 v17, v5;
	s29 =	sand.u32 $0xC00, s28  }
0xff: {  	vm8 =	vlt.s32 v10, $0x1FFF;
	[tilespmem:v9+s2+$0x0] =	vst.idx.add.f32.msk $0xffff, v1;
	v13 =	vcvt.f32.s32 v13;
	v12 =	vnsel vm5, $0x1FFF, v12;
	s1 =	sor.u32 s29, s1;
	s29 =	sand.u32 $0x380, s30  }
0x100: {  	v17 =	vsub.f32 v17, v18;
	v18 =	vmul.f32 v22, v6;
	v22 =	vsub.f32 v24, v4;
	s29 =	sor.u32 s29, s1  }
0x101: {  	vm7 =	vlt.s32 v13, $0x1FFF;
	vm9 =	vlt.s32 v21, $0x1FFF;
	v14 =	vsub.f32 v14, v3;
	v47 =	vld [tilespmem:s29+$0xE070]  }
0x102: {  	v15 =	vand.u32 $0x7FFFFFFF, v15;
	v22 =	vmul.f32 v22, v6;
	v16 =	vsub.f32 v16, v20;
	v49 =	vld [tilespmem:s29+$0x6000]  }
0x103: {  	v20 =	vmul.f32 v25, v5;
	v17 =	vand.u32 $0x7FFFFFFF, v17;
	v15 =	vmul.f32 v15, v2;
	v52 =	vld [tilespmem:s29+$0xE020]  }
0x104: {  	v24 =	vsub.f32 v44, v3;
	v17 =	vmul.f32 v17, v2;
	v14 =	vmul.f32 v14, v5;
	v53 =	vld [tilespmem:s29+$0x6030]  }
0x105: {  	v22 =	vsub.f32 v23, v22;
	v23 =	vmul.f32 v46, v6;
	v16 =	vand.u32 $0x7FFFFFFF, v16;
	v29 =	vld [tilespmem:s29+$0xE030]  }
0x106: {  	v30 =	vld [tilespmem:s29+$0x6040];
	v15 =	vtrunc.f32 v15;
	v19 =	vsub.f32 v19, v4;
	v16 =	vmul.f32 v16, v2  }
0x107: {  	v31 =	vld [tilespmem:s29+$0x6050];
	v9 =	vtrunc.f32 v17;
	v15 =	vcvt.f32.s32 v15;
	v14 =	vsub.f32 v14, v18  }
0x108: {  	v32 =	vld [tilespmem:s29+$0xE050];
	v18 =	vmul.f32 v45, v6;
	v22 =	vand.u32 $0x7FFFFFFF, v22;
	v50 =	vcvt.f32.s32 v9  }
0x109: {  	v57 =	vld [tilespmem:s29+$0x6060];
	v19 =	vmul.f32 v19, v6;
	v22 =	vmul.f32 v22, v2;
	vm11 =	vlt.s32 v15, $0x1FFF  }
0x10a: {  	v33 =	vld [tilespmem:s29+$0xE060];
	v18 =	vsub.f32 v26, v18;
	v14 =	vand.u32 $0x7FFFFFFF, v14;
	v15 =	vnsel vm11, $0x1FFF, v15  }
0x10b: {  	v17 =	vld [tilespmem:s29+$0x6070];
	v19 =	vsub.f32 v20, v19;
	v20 =	vmul.f32 v24, v5;
	v24 =	vsub.f32 v47, v4  }
0x10c: {  	v14 =	vmul.f32 v14, v2;
	v51 =	vsub.f32 v49, v3;
	v26 =	vsub.f32 v52, v4  }
0x10d: {  	v22 =	vtrunc.f32 v22;
	v28 =	vsub.f32 v53, v3;
	v56 =	vsub.f32 v29, v4  }
0x10e: {  	vm11 =	vlt.s32 v50, $0x1FFF;
	v30 =	vsub.f32 v30, v3;
	v58 =	vsub.f32 v31, v3  }
0x10f: {  	v59 =	vsub.f32 v32, v4;
	v60 =	vsub.f32 v57, v3;
	v18 =	vand.u32 $0x7FFFFFFF, v18  }
0x110: {  	v62 =	vsub.f32 v33, v4;
	v17 =	vsub.f32 v17, v3;
	v18 =	vmul.f32 v18, v2  }
0x111: {  	v27 =	vnsel vm11, $0x1FFF, v50;
	v24 =	vmul.f32 v24, v6;
	v25 =	vmul.f32 v51, v5  }
0x112: {  	v20 =	vsub.f32 v20, v23;
	v55 =	vmul.f32 v26, v6;
	v28 =	vmul.f32 v28, v5  }
0x113: {  	v19 =	vand.u32 $0x7FFFFFFF, v19;
	v26 =	vmul.f32 v56, v6;
	v63 =	vmul.f32 v60, v5  }
0x114: {  	[tilespmem:v7+s2+$0x0] =	vst.idx.add.f32.msk $0xffff, v1;
	v19 =	vmul.f32 v19, v2;
	v17 =	vmul.f32 v17, v5;
	v7 =	vand.u32 $0x7FFFFFFF, v20  }
0x115: {  	v54 =	vld [tilespmem:s29+$0xE040];
	v20 =	vnsel vm10, $0x1FFF, v11;
	v11 =	vtrunc.f32 v14;
	v18 =	vtrunc.f32 v18  }
0x116: {  	v7 =	vmul.f32 v7, v2;
	[tilespmem:v15+s2+$0x0] =	vst.idx.add.f32.msk $0xffff, v1;
	v15 =	vnsel vm6, $0x1FFF, v8;
	v8 =	vtrunc.f32 v16  }
0x117: {  	v16 =	vnsel vm8, $0x1FFF, v10;
	v19 =	vtrunc.f32 v19;
	v10 =	vnsel vm9, $0x1FFF, v21;
	v21 =	vld [tilespmem:s29+$0xE000]  }
0x118: {  	v23 =	vnsel vm7, $0x1FFF, v13;
	v13 =	vcvt.f32.s32 v11;
	v11 =	vcvt.f32.s32 v22;
	v22 =	vld [tilespmem:s29+$0x6010]  }
0x119: {  	v26 =	vsub.f32 v28, v26;
	v17 =	vsub.f32 v17, v24;
	v9 =	vcvt.f32.s32 v19;
	v19 =	vld [tilespmem:s29+$0x6020]  }
0x11a: {  	v24 =	vsub.f32 v54, v4;
	v48 =	vtrunc.f32 v7;
	v7 =	vcvt.f32.s32 v18;
	v18 =	vld [tilespmem:s29+$0xE010]  }
0x11b: {  	v14 =	vcvt.f32.s32 v8;
	vm7 =	vlt.s32 v13, $0x1FFF;
	v17 =	vand.u32 $0x7FFFFFFF, v17  }
0x11c: {  	vm8 =	vlt.s32 v11, $0x1FFF;
	v24 =	vmul.f32 v24, v6;
	v17 =	vmul.f32 v17, v2  }
0x11d: {  	vm10 =	vlt.s32 v14, $0x1FFF;
	v8 =	vcvt.f32.s32 v48;
	[tilespmem:v20+s2+$0x0] =	vst.idx.add.f32.msk $0xffff, v1;
	v20 =	vmul.f32 v58, v5  }
0x11e: {  	v21 =	vsub.f32 v21, v4;
	v17 =	vtrunc.f32 v17;
	v19 =	vsub.f32 v19, v3  }
0x11f: {  	v22 =	vsub.f32 v22, v3;
	v17 =	vcvt.f32.s32 v17;
	v18 =	vsub.f32 v18, v4  }
0x120: {  	vm6 =	vlt.s32 v9, $0x1FFF;
	v21 =	vmul.f32 v21, v6;
	v19 =	vmul.f32 v19, v5  }
0x121: {  	v22 =	vmul.f32 v22, v5;
	vm11 =	vlt.s32 v17, $0x1FFF;
	v18 =	vmul.f32 v18, v6  }
0x122: {  	[tilespmem:v15+s2+$0x0] =	vst.idx.add.f32.msk $0xffff, v1;
	v21 =	vsub.f32 v25, v21;
	v61 =	vnsel vm11, $0x1FFF, v17;
	v15 =	vsub.f32 v19, v55  }
0x123: {  	v19 =	vmul.f32 v59, v6;
	v18 =	vsub.f32 v22, v18;
	v22 =	vmul.f32 v30, v5  }
0x124: {  	[tilespmem:v27+s2+$0x0] =	vst.idx.add.f32.msk $0xffff, v1;
	vm5 =	vlt.s32 v7, $0x1FFF;
	vm9 =	vlt.s32 v8, $0x1FFF;
	v25 =	vmul.f32 v62, v6  }
0x125: {  	[tilespmem:v23+s2+$0x0] =	vst.idx.add.f32.msk $0xffff, v1;
	v17 =	vand.u32 $0x7FFFFFFF, v21;
	v21 =	vsub.f32 v20, v19;
	v22 =	vsub.f32 v22, v24  }
0x126: {  	[tilespmem:v16+s2+$0x0] =	vst.idx.add.f32.msk $0xffff, v1;
	v19 =	vand.u32 $0x7FFFFFFF, v26;
	v20 =	vand.u32 $0x7FFFFFFF, v18;
	v18 =	vand.u32 $0x7FFFFFFF, v15  }
0x127: {  	s29 =	simm.s32 $0x10;
	v15 =	vand.u32 $0x7FFFFFFF, v21;
	v21 =	vsub.f32 v63, v25;
	[tilespmem:v61+s2+$0x0] =	vst.idx.add.f32.msk $0xffff, v1;
	v16 =	vand.u32 $0x7FFFFFFF, v22  }
.LBB2_6:
0x128: {  	s29 =	sadd.s32 $0x8, s29;
	v17 =	vmul.f32 v17, v2;
	v20 =	vmul.f32 v20, v2;
	v22 =	vnsel vm10, $0x1FFF, v14;
	[tilespmem:v12+s2+$0x0] =	vst.idx.add.f32.msk $0xffff, v1  }
0x129: {  	v12 =	vmul.f32 v18, v2;
	v14 =	vmul.f32 v19, v2;
	s28 =	sadd.s32 $0x400, s28;
	s1 =	sshll.u32 s29, $0x4;
	p0 =	slt.u32 s29, $0x3F8;
	v18 =	vand.u32 $0x7FFFFFFF, v21;
	[tilespmem:v10+s2+$0x0] =	vst.idx.add.f32.msk $0xffff, v1  }
0x12a: {  	v15 =	vmul.f32 v15, v2;
	s30 =	sand.u32 $0xC00, s28;
	s31 =	sshll.u32 s29, $0x2;
	v10 =	vmul.f32 v16, v2;
	v16 =	vnsel vm7, $0x1FFF, v13;
	s1 =	sand.u32 $0x3000, s1  }
0x12b: {  	v13 =	vtrunc.f32 v17;
	v17 =	vmul.f32 v18, v2;
	v18 =	vnsel vm8, $0x1FFF, v11;
	s1 =	sor.u32 s30, s1;
	s30 =	sand.u32 $0x380, s31  }
0x12c: {  	v21 =	vnsel vm6, $0x1FFF, v9;
	v11 =	vtrunc.f32 v20;
	v19 =	vtrunc.f32 v12;
	s30 =	sor.u32 s30, s1  }
0x12d: {  	v9 =	vtrunc.f32 v14;
	v12 =	vnsel vm5, $0x1FFF, v7;
	v23 =	vtrunc.f32 v10;
	v20 =	vld [tilespmem:s30+$0x6070]  }
0x12e: {  	v7 =	vtrunc.f32 v15;
	v10 =	vnsel vm9, $0x1FFF, v8;
	v15 =	vtrunc.f32 v17;
	v24 =	vld [tilespmem:s30+$0xE070]  }
0x12f: {  	v25 =	vcvt.f32.s32 v13;
	v14 =	vcvt.f32.s32 v11;
	v17 =	vld [tilespmem:s30+$0x6000]  }
0x130: {  	v13 =	vcvt.f32.s32 v19;
	v11 =	vcvt.f32.s32 v9;
	v26 =	vld [tilespmem:s30+$0xE000]  }
0x131: {  	v7 =	vcvt.f32.s32 v7;
	v9 =	vcvt.f32.s32 v23;
	vm11 =	vlt.s32 v25, $0x1FFF;
	v19 =	vld [tilespmem:s30+$0x6010]  }
0x132: {  	vm10 =	vlt.s32 v14, $0x1FFF;
	vm7 =	vlt.s32 v13, $0x1FFF;
	v8 =	vcvt.f32.s32 v15;
	v23 =	vld [tilespmem:s30+$0xE010]  }
0x133: {  	vm8 =	vlt.s32 v11, $0x1FFF;
	v20 =	vsub.f32 v20, v3;
	v15 =	vld [tilespmem:s30+$0x6020];
	v24 =	vsub.f32 v24, v4  }
0x134: {  	vm5 =	vlt.s32 v7, $0x1FFF;
	vm6 =	vlt.s32 v9, $0x1FFF;
	v17 =	vsub.f32 v17, v3;
	v27 =	vld [tilespmem:s30+$0xE020]  }
0x135: {  	v20 =	vmul.f32 v20, v5;
	v26 =	vsub.f32 v26, v4;
	v28 =	vld [tilespmem:s30+$0x6030];
	v24 =	vmul.f32 v24, v6  }
0x136: {  	vm9 =	vlt.s32 v8, $0x1FFF;
	v17 =	vmul.f32 v17, v5;
	v19 =	vsub.f32 v19, v3;
	v29 =	vld [tilespmem:s30+$0xE030]  }
0x137: {  	v26 =	vmul.f32 v26, v6;
	v23 =	vsub.f32 v23, v4;
	v30 =	vld [tilespmem:s30+$0x6040];
	v20 =	vsub.f32 v20, v24  }
0x138: {  	v25 =	vnsel vm11, $0x1FFF, v25;
	v19 =	vmul.f32 v19, v5;
	v15 =	vsub.f32 v15, v3;
	v24 =	vld [tilespmem:s30+$0xE040]  }
0x139: {  	v23 =	vmul.f32 v23, v6;
	v27 =	vsub.f32 v27, v4;
	v31 =	vld [tilespmem:s30+$0x6050];
	v20 =	vand.u32 $0x7FFFFFFF, v20  }
0x13a: {  	v15 =	vmul.f32 v15, v5;
	v28 =	vsub.f32 v28, v3;
	v32 =	vld [tilespmem:s30+$0xE050];
	v20 =	vmul.f32 v20, v2  }
0x13b: {  	v17 =	vsub.f32 v17, v26;
	v26 =	vmul.f32 v27, v6;
	v27 =	vsub.f32 v29, v4;
	v29 =	vld [tilespmem:s30+$0x6060]  }
0x13c: {  	v28 =	vmul.f32 v28, v5;
	v30 =	vsub.f32 v30, v3;
	v33 =	vld [tilespmem:s30+$0xE060];
	v20 =	vtrunc.f32 v20  }
0x13d: {  	v27 =	vmul.f32 v27, v6;
	v24 =	vsub.f32 v24, v4;
	v20 =	vcvt.f32.s32 v20;
	[tilespmem:v25+s2+$0x0] =	vst.idx.add.f32.msk $0xffff, v1  }
0x13e: {  	v19 =	vsub.f32 v19, v23;
	v23 =	vmul.f32 v30, v5;
	v25 =	vsub.f32 v31, v3  }
0x13f: {  	v24 =	vmul.f32 v24, v6;
	v30 =	vsub.f32 v32, v4;
	vm11 =	vlt.s32 v20, $0x1FFF;
	[tilespmem:v22+s2+$0x0] =	vst.idx.add.f32.msk $0xffff, v1  }
0x140: {  	v22 =	vmul.f32 v25, v5;
	v25 =	vsub.f32 v29, v3;
	v29 =	vnsel vm11, $0x1FFF, v20;
	[tilespmem:v16+s2+$0x0] =	vst.idx.add.f32.msk $0xffff, v1  }
.Ltmp2:
0x141: {  	v15 =	vsub.f32 v15, v26;
	v16 =	vmul.f32 v30, v6;
	v20 =	vsub.f32 v33, v4;
	(pc) =	sbr.rel @p0 .LBB2_6-.Ltmp2, $4  }
0x142: {  	v26 =	vsub.f32 v28, v27;
	v23 =	vsub.f32 v23, v24;
	v24 =	vmul.f32 v25, v5  }
0x143: {  	v17 =	vand.u32 $0x7FFFFFFF, v17;
	v22 =	vsub.f32 v22, v16;
	v25 =	vmul.f32 v20, v6;
	[tilespmem:v18+s2+$0x0] =	vst.idx.add.f32.msk $0xffff, v1  }
0x144: {  	v20 =	vand.u32 $0x7FFFFFFF, v19;
	v18 =	vand.u32 $0x7FFFFFFF, v15;
	v19 =	vand.u32 $0x7FFFFFFF, v26;
	[tilespmem:v21+s2+$0x0] =	vst.idx.add.f32.msk $0xffff, v1  }
0x145: {  	v16 =	vand.u32 $0x7FFFFFFF, v23;
	v15 =	vand.u32 $0x7FFFFFFF, v22;
	v21 =	vsub.f32 v24, v25;
	[tilespmem:v29+s2+$0x0] =	vst.idx.add.f32.msk $0xffff, v1  }
0x146: {  	v17 =	vmul.f32 v17, v2;
	v20 =	vmul.f32 v20, v2  }
0x147: {  	v18 =	vmul.f32 v18, v2;
	v19 =	vmul.f32 v19, v2  }
0x148: {  	v16 =	vmul.f32 v16, v2;
	v14 =	vnsel vm10, $0x1FFF, v14;
	v15 =	vmul.f32 v15, v2  }
0x149: {  	v13 =	vnsel vm7, $0x1FFF, v13;
	v21 =	vand.u32 $0x7FFFFFFF, v21;
	v17 =	vtrunc.f32 v17  }
0x14a: {  	v11 =	vnsel vm8, $0x1FFF, v11;
	v21 =	vmul.f32 v21, v2;
	v20 =	vtrunc.f32 v20  }
0x14b: {  	[tilespmem:v12+s2+$0x0] =	vst.idx.add.f32.msk $0xffff, v1;
	v9 =	vnsel vm6, $0x1FFF, v9;
	v18 =	vtrunc.f32 v18;
	v12 =	vtrunc.f32 v19  }
0x14c: {  	v7 =	vnsel vm5, $0x1FFF, v7;
	v16 =	vtrunc.f32 v16;
	v17 =	vcvt.f32.s32 v17  }
0x14d: {  	[tilespmem:v10+s2+$0x0] =	vst.idx.add.f32.msk $0xffff, v1;
	v8 =	vnsel vm9, $0x1FFF, v8;
	v10 =	vtrunc.f32 v15;
	v15 =	vcvt.f32.s32 v20  }
0x14e: {  	v18 =	vcvt.f32.s32 v18;
	v12 =	vcvt.f32.s32 v12;
	vm11 =	vlt.s32 v17, $0x1FFF;
	[tilespmem:v14+s2+$0x0] =	vst.idx.add.f32.msk $0xffff, v1  }
0x14f: {  	v10 =	vcvt.f32.s32 v10;
	vm5 =	vlt.s32 v15, $0x1FFF;
	[tilespmem:v13+s2+$0x0] =	vst.idx.add.f32.msk $0xffff, v1;
	v17 =	vnsel vm11, $0x1FFF, v17  }
0x150: {  	v14 =	vcvt.f32.s32 v16;
	vm6 =	vlt.s32 v18, $0x1FFF;
	[tilespmem:v11+s2+$0x0] =	vst.idx.add.f32.msk $0xffff, v1;
	v13 =	vnsel vm5, $0x1FFF, v15  }
0x151: {  	v19 =	vtrunc.f32 v21;
	[tilespmem:v9+s2+$0x0] =	vst.idx.add.f32.msk $0xffff, v1;
	vm5 =	vlt.s32 v12, $0x1FFF;
	v11 =	vnsel vm6, $0x1FFF, v18  }
0x152: {  	[tilespmem:v7+s2+$0x0] =	vst.idx.add.f32.msk $0xffff, v1;
	v15 =	vcvt.f32.s32 v19;
	vm6 =	vlt.s32 v14, $0x1FFF;
	v9 =	vnsel vm5, $0x1FFF, v12  }
0x153: {  	[tilespmem:v8+s2+$0x0] =	vst.idx.add.f32.msk $0xffff, v1;
	vm5 =	vlt.s32 v10, $0x1FFF;
	v7 =	vnsel vm6, $0x1FFF, v14  }
0x154: {  	vm6 =	vlt.s32 v15, $0x1FFF;
	v8 =	vnsel vm5, $0x1FFF, v10;
	[tilespmem:v17+s2+$0x0] =	vst.idx.add.f32.msk $0xffff, v1  }
0x155: {  	v10 =	vnsel vm6, $0x1FFF, v15;
	[tilespmem:v13+s2+$0x0] =	vst.idx.add.f32.msk $0xffff, v1  }
0x156: {  	[tilespmem:v11+s2+$0x0] =	vst.idx.add.f32.msk $0xffff, v1  }
0x157: {  	[tilespmem:v9+s2+$0x0] =	vst.idx.add.f32.msk $0xffff, v1  }
0x158: {  	[tilespmem:v7+s2+$0x0] =	vst.idx.add.f32.msk $0xffff, v1  }
0x159: {  	[tilespmem:v8+s2+$0x0] =	vst.idx.add.f32.msk $0xffff, v1  }
0x15a: {  	[tilespmem:v10+s2+$0x0] =	vst.idx.add.f32.msk $0xffff, v1  }
0x15b: {  	_ =	swait.ge [sflag:s18], $0x4000  }
0x15c: {  	[sflag:s18] =	ssyncset.done $0x0  }
0x15d: {  	[sflag:s18] =	ssyncadd.s32 $0xFFFFC000  }
0x15e: {  	_ =	swait.ge [sflag:s19], $0x4000  }
0x15f: {  	[sflag:s19] =	ssyncset.done $0x0  }
0x160: {  	s1 =	simm.s32 $0x0;
	[sflag:s19] =	ssyncadd.s32 $0xFFFFC000  }
0x161: {  	[tilespmem:s20], [sflag:$0x2] =	stream.linear.gather [hbm4b:s10+s1], $0x4000, $0x38;
	[tilespmem:$0x12080] =	vst v63  }
0x162: {  	s28 =	simm.s32 $0x0  }
0x163: {  	[tilespmem:s21], [sflag:$0x4] =	stream.linear.gather [hbm4b:s11+s1], $0x4000, $0x38;
	[tilespmem:$0x12080] =	vst v63  }
0x164: {  	s29 =	simm.s32 $0x0;
	s28 =	sand.u32 $0x3000, s28;
	s1 =	sand.u32 $0xC00, s1  }
0x165: {  	s1 =	sor.u32 s1, s28;
	s28 =	sand.u32 $0x380, s29  }
0x166: {  	s1 =	sor.u32 s28, s1  }
0x167: {  	v7 =	vld [tilespmem:s1+$0x2070]  }
0x168: {  	v8 =	vld [tilespmem:s1+$0xA070]  }
0x169: {  	v9 =	vld [tilespmem:s1+$0x2000]  }
0x16a: {  	v10 =	vld [tilespmem:s1+$0xA000]  }
0x16b: {  	v11 =	vld [tilespmem:s1+$0x2010]  }
0x16c: {  	v12 =	vld [tilespmem:s1+$0xA010]  }
0x16d: {  	v14 =	vld [tilespmem:s1+$0xA020]  }
0x16e: {  	v15 =	vld [tilespmem:s1+$0x2030]  }
0x16f: {  	v17 =	vld [tilespmem:s1+$0x2040];
	v7 =	vsub.f32 v7, v3  }
0x170: {  	v13 =	vld [tilespmem:s1+$0x2020];
	v8 =	vsub.f32 v8, v4;
	v9 =	vsub.f32 v9, v3  }
0x171: {  	v16 =	vld [tilespmem:s1+$0xA030];
	v10 =	vsub.f32 v10, v4;
	v11 =	vsub.f32 v11, v3  }
0x172: {  	v18 =	vld [tilespmem:s1+$0x2050];
	v12 =	vsub.f32 v12, v4;
	v14 =	vsub.f32 v14, v4;
	v7 =	vmul.f32 v7, v5  }
0x173: {  	v19 =	vld [tilespmem:s1+$0xA050];
	v15 =	vsub.f32 v15, v3;
	v8 =	vmul.f32 v8, v6;
	v9 =	vmul.f32 v9, v5  }
0x174: {  	v17 =	vsub.f32 v17, v3;
	v10 =	vmul.f32 v10, v6;
	v11 =	vmul.f32 v11, v5  }
0x175: {  	v12 =	vmul.f32 v12, v6;
	v7 =	vsub.f32 v7, v8;
	v8 =	vsub.f32 v13, v3  }
0x176: {  	v20 =	vld [tilespmem:s1+$0xA060];
	v14 =	vmul.f32 v14, v6;
	v9 =	vsub.f32 v9, v10;
	v10 =	vsub.f32 v16, v4  }
0x177: {  	s30 =	simm.s32 $0x80;
	s28 =	simm.s32 $0x400;
	v15 =	vmul.f32 v15, v5;
	v13 =	vld [tilespmem:s1+$0xA040];
	v11 =	vsub.f32 v11, v12;
	v12 =	vsub.f32 v18, v3  }
0x178: {  	s29 =	simm.s32 $0x20;
	s28 =	sand.u32 $0xC00, s28;
	v17 =	vmul.f32 v17, v5;
	v16 =	vld [tilespmem:s1+$0x2060];
	v18 =	vsub.f32 v19, v4;
	s1 =	sand.u32 $0x3000, s30;
	v8 =	vmul.f32 v8, v5  }
0x179: {  	s1 =	sor.u32 s28, s1;
	s28 =	sand.u32 $0x380, s29;
	v7 =	vand.u32 $0x7FFFFFFF, v7;
	v10 =	vmul.f32 v10, v6;
	v12 =	vmul.f32 v12, v5  }
0x17a: {  	v9 =	vand.u32 $0x7FFFFFFF, v9;
	v11 =	vand.u32 $0x7FFFFFFF, v11;
	s28 =	sor.u32 s28, s1;
	v7 =	vmul.f32 v7, v2  }
0x17b: {  	v9 =	vmul.f32 v9, v2;
	v11 =	vmul.f32 v11, v2;
	v19 =	vld [tilespmem:s28+$0x2010]  }
0x17c: {  	v22 =	vld [tilespmem:s28+$0xA020];
	v8 =	vsub.f32 v8, v14;
	v14 =	vmul.f32 v18, v6;
	v18 =	vsub.f32 v20, v4  }
0x17d: {  	v23 =	vld [tilespmem:s28+$0x2030];
	v10 =	vsub.f32 v15, v10;
	v7 =	vtrunc.f32 v7;
	v13 =	vsub.f32 v13, v4  }
0x17e: {  	v25 =	vld [tilespmem:s28+$0x2040];
	v16 =	vsub.f32 v16, v3;
	v9 =	vtrunc.f32 v9;
	v11 =	vtrunc.f32 v11  }
0x17f: {  	v26 =	vld [tilespmem:s28+$0x2050];
	v7 =	vcvt.f32.s32 v7;
	v12 =	vsub.f32 v12, v14;
	v14 =	vmul.f32 v18, v6  }
0x180: {  	v27 =	vld [tilespmem:s28+$0xA050];
	v8 =	vand.u32 $0x7FFFFFFF, v8;
	v9 =	vcvt.f32.s32 v9;
	v11 =	vcvt.f32.s32 v11  }
0x181: {  	v28 =	vld [tilespmem:s28+$0xA060];
	v10 =	vand.u32 $0x7FFFFFFF, v10;
	v13 =	vmul.f32 v13, v6;
	v15 =	vmul.f32 v16, v5  }
0x182: {  	v8 =	vmul.f32 v8, v2;
	v10 =	vmul.f32 v10, v2  }
0x183: {  	v12 =	vand.u32 $0x7FFFFFFF, v12;
	v19 =	vsub.f32 v19, v3;
	v22 =	vsub.f32 v22, v4  }
0x184: {  	v20 =	vld [tilespmem:s28+$0xA010];
	vm5 =	vlt.s32 v7, $0x1FFF;
	v23 =	vsub.f32 v23, v3;
	v25 =	vsub.f32 v25, v3  }
0x185: {  	vm11 =	vlt.s32 v9, $0x1FFF;
	v26 =	vsub.f32 v26, v3;
	v45 =	vsub.f32 v27, v4  }
0x186: {  	v16 =	vld [tilespmem:s28+$0xA070];
	vm10 =	vlt.s32 v11, $0x1FFF;
	v46 =	vsub.f32 v28, v4;
	v13 =	vsub.f32 v17, v13  }
0x187: {  	v14 =	vsub.f32 v15, v14;
	v12 =	vmul.f32 v12, v2;
	v8 =	vtrunc.f32 v8;
	v15 =	vld [tilespmem:s28+$0x2070]  }
0x188: {  	v10 =	vtrunc.f32 v10;
	v7 =	vnsel vm5, $0x1FFF, v7;
	v8 =	vcvt.f32.s32 v8  }
0x189: {  	v18 =	vld [tilespmem:s28+$0xA000];
	v20 =	vsub.f32 v20, v4;
	v10 =	vcvt.f32.s32 v10;
	v23 =	vmul.f32 v23, v5  }
0x18a: {  	v17 =	vld [tilespmem:s28+$0x2000];
	v26 =	vmul.f32 v26, v5;
	v14 =	vand.u32 $0x7FFFFFFF, v14;
	v12 =	vtrunc.f32 v12  }
0x18b: {  	v13 =	vand.u32 $0x7FFFFFFF, v13;
	v20 =	vmul.f32 v20, v6;
	v14 =	vmul.f32 v14, v2  }
0x18c: {  	v13 =	vmul.f32 v13, v2;
	v16 =	vsub.f32 v16, v4;
	v15 =	vsub.f32 v15, v3  }
0x18d: {  	v24 =	vld [tilespmem:s28+$0xA030];
	v9 =	vnsel vm11, $0x1FFF, v9;
	v12 =	vcvt.f32.s32 v12;
	v14 =	vtrunc.f32 v14  }
0x18e: {  	v44 =	vld [tilespmem:s28+$0x2060];
	v18 =	vsub.f32 v18, v4;
	v16 =	vmul.f32 v16, v6;
	v15 =	vmul.f32 v15, v5  }
0x18f: {  	vm6 =	vlt.s32 v8, $0x1FFF;
	v17 =	vsub.f32 v17, v3;
	v21 =	vcvt.f32.s32 v14;
	v14 =	vld [tilespmem:s28+$0x2020]  }
0x190: {  	s31 =	simm.s32 $0x100;
	v18 =	vmul.f32 v18, v6;
	v15 =	vsub.f32 v15, v16;
	v16 =	vmul.f32 v19, v5;
	v19 =	vld [tilespmem:s28+$0xA040];
	s28 =	simm.s32 $0x800  }
0x191: {  	s30 =	simm.s32 $0x40;
	s1 =	sand.u32 $0x3000, s31;
	v13 =	vtrunc.f32 v13;
	vm5 =	vlt.s32 v12, $0x1FFF;
	v17 =	vmul.f32 v17, v5;
	s29 =	sand.u32 $0xC00, s28  }
0x192: {  	vm8 =	vlt.s32 v10, $0x1FFF;
	[tilespmem:v9+s2+$0x0] =	vst.idx.add.f32.msk $0xffff, v1;
	v13 =	vcvt.f32.s32 v13;
	v12 =	vnsel vm5, $0x1FFF, v12;
	s1 =	sor.u32 s29, s1;
	s29 =	sand.u32 $0x380, s30  }
0x193: {  	v17 =	vsub.f32 v17, v18;
	v18 =	vmul.f32 v22, v6;
	v22 =	vsub.f32 v24, v4;
	s29 =	sor.u32 s29, s1  }
0x194: {  	vm7 =	vlt.s32 v13, $0x1FFF;
	vm9 =	vlt.s32 v21, $0x1FFF;
	v14 =	vsub.f32 v14, v3;
	v47 =	vld [tilespmem:s29+$0xA070]  }
0x195: {  	v15 =	vand.u32 $0x7FFFFFFF, v15;
	v22 =	vmul.f32 v22, v6;
	v16 =	vsub.f32 v16, v20;
	v49 =	vld [tilespmem:s29+$0x2000]  }
0x196: {  	v20 =	vmul.f32 v25, v5;
	v17 =	vand.u32 $0x7FFFFFFF, v17;
	v15 =	vmul.f32 v15, v2;
	v52 =	vld [tilespmem:s29+$0xA020]  }
0x197: {  	v24 =	vsub.f32 v44, v3;
	v17 =	vmul.f32 v17, v2;
	v14 =	vmul.f32 v14, v5;
	v53 =	vld [tilespmem:s29+$0x2030]  }
0x198: {  	v22 =	vsub.f32 v23, v22;
	v23 =	vmul.f32 v46, v6;
	v16 =	vand.u32 $0x7FFFFFFF, v16;
	v29 =	vld [tilespmem:s29+$0xA030]  }
0x199: {  	v30 =	vld [tilespmem:s29+$0x2040];
	v15 =	vtrunc.f32 v15;
	v19 =	vsub.f32 v19, v4;
	v16 =	vmul.f32 v16, v2  }
0x19a: {  	v31 =	vld [tilespmem:s29+$0x2050];
	v9 =	vtrunc.f32 v17;
	v15 =	vcvt.f32.s32 v15;
	v14 =	vsub.f32 v14, v18  }
0x19b: {  	v32 =	vld [tilespmem:s29+$0xA050];
	v18 =	vmul.f32 v45, v6;
	v22 =	vand.u32 $0x7FFFFFFF, v22;
	v50 =	vcvt.f32.s32 v9  }
0x19c: {  	v57 =	vld [tilespmem:s29+$0x2060];
	v19 =	vmul.f32 v19, v6;
	v22 =	vmul.f32 v22, v2;
	vm11 =	vlt.s32 v15, $0x1FFF  }
0x19d: {  	v33 =	vld [tilespmem:s29+$0xA060];
	v18 =	vsub.f32 v26, v18;
	v14 =	vand.u32 $0x7FFFFFFF, v14;
	v15 =	vnsel vm11, $0x1FFF, v15  }
0x19e: {  	v17 =	vld [tilespmem:s29+$0x2070];
	v19 =	vsub.f32 v20, v19;
	v20 =	vmul.f32 v24, v5;
	v24 =	vsub.f32 v47, v4  }
0x19f: {  	v14 =	vmul.f32 v14, v2;
	v51 =	vsub.f32 v49, v3;
	v26 =	vsub.f32 v52, v4  }
0x1a0: {  	v22 =	vtrunc.f32 v22;
	v28 =	vsub.f32 v53, v3;
	v56 =	vsub.f32 v29, v4  }
0x1a1: {  	vm11 =	vlt.s32 v50, $0x1FFF;
	v30 =	vsub.f32 v30, v3;
	v58 =	vsub.f32 v31, v3  }
0x1a2: {  	v59 =	vsub.f32 v32, v4;
	v60 =	vsub.f32 v57, v3;
	v18 =	vand.u32 $0x7FFFFFFF, v18  }
0x1a3: {  	v62 =	vsub.f32 v33, v4;
	v17 =	vsub.f32 v17, v3;
	v18 =	vmul.f32 v18, v2  }
0x1a4: {  	v27 =	vnsel vm11, $0x1FFF, v50;
	v24 =	vmul.f32 v24, v6;
	v25 =	vmul.f32 v51, v5  }
0x1a5: {  	v20 =	vsub.f32 v20, v23;
	v55 =	vmul.f32 v26, v6;
	v28 =	vmul.f32 v28, v5  }
0x1a6: {  	v19 =	vand.u32 $0x7FFFFFFF, v19;
	v26 =	vmul.f32 v56, v6;
	v63 =	vmul.f32 v60, v5  }
0x1a7: {  	[tilespmem:v7+s2+$0x0] =	vst.idx.add.f32.msk $0xffff, v1;
	v19 =	vmul.f32 v19, v2;
	v17 =	vmul.f32 v17, v5;
	v7 =	vand.u32 $0x7FFFFFFF, v20  }
0x1a8: {  	v54 =	vld [tilespmem:s29+$0xA040];
	v20 =	vnsel vm10, $0x1FFF, v11;
	v11 =	vtrunc.f32 v14;
	v18 =	vtrunc.f32 v18  }
0x1a9: {  	v7 =	vmul.f32 v7, v2;
	[tilespmem:v15+s2+$0x0] =	vst.idx.add.f32.msk $0xffff, v1;
	v15 =	vnsel vm6, $0x1FFF, v8;
	v8 =	vtrunc.f32 v16  }
0x1aa: {  	v16 =	vnsel vm8, $0x1FFF, v10;
	v19 =	vtrunc.f32 v19;
	v10 =	vnsel vm9, $0x1FFF, v21;
	v21 =	vld [tilespmem:s29+$0xA000]  }
0x1ab: {  	v23 =	vnsel vm7, $0x1FFF, v13;
	v13 =	vcvt.f32.s32 v11;
	v11 =	vcvt.f32.s32 v22;
	v22 =	vld [tilespmem:s29+$0x2010]  }
0x1ac: {  	v26 =	vsub.f32 v28, v26;
	v17 =	vsub.f32 v17, v24;
	v9 =	vcvt.f32.s32 v19;
	v19 =	vld [tilespmem:s29+$0x2020]  }
0x1ad: {  	v24 =	vsub.f32 v54, v4;
	v48 =	vtrunc.f32 v7;
	v7 =	vcvt.f32.s32 v18;
	v18 =	vld [tilespmem:s29+$0xA010]  }
0x1ae: {  	v14 =	vcvt.f32.s32 v8;
	vm7 =	vlt.s32 v13, $0x1FFF;
	v17 =	vand.u32 $0x7FFFFFFF, v17  }
0x1af: {  	vm8 =	vlt.s32 v11, $0x1FFF;
	v24 =	vmul.f32 v24, v6;
	v17 =	vmul.f32 v17, v2  }
0x1b0: {  	vm10 =	vlt.s32 v14, $0x1FFF;
	v8 =	vcvt.f32.s32 v48;
	[tilespmem:v20+s2+$0x0] =	vst.idx.add.f32.msk $0xffff, v1;
	v20 =	vmul.f32 v58, v5  }
0x1b1: {  	v21 =	vsub.f32 v21, v4;
	v17 =	vtrunc.f32 v17;
	v19 =	vsub.f32 v19, v3  }
0x1b2: {  	v22 =	vsub.f32 v22, v3;
	v17 =	vcvt.f32.s32 v17;
	v18 =	vsub.f32 v18, v4  }
0x1b3: {  	vm6 =	vlt.s32 v9, $0x1FFF;
	v21 =	vmul.f32 v21, v6;
	v19 =	vmul.f32 v19, v5  }
0x1b4: {  	v22 =	vmul.f32 v22, v5;
	vm11 =	vlt.s32 v17, $0x1FFF;
	v18 =	vmul.f32 v18, v6  }
0x1b5: {  	[tilespmem:v15+s2+$0x0] =	vst.idx.add.f32.msk $0xffff, v1;
	v21 =	vsub.f32 v25, v21;
	v61 =	vnsel vm11, $0x1FFF, v17;
	v15 =	vsub.f32 v19, v55  }
0x1b6: {  	v19 =	vmul.f32 v59, v6;
	v18 =	vsub.f32 v22, v18;
	v22 =	vmul.f32 v30, v5  }
0x1b7: {  	[tilespmem:v27+s2+$0x0] =	vst.idx.add.f32.msk $0xffff, v1;
	vm5 =	vlt.s32 v7, $0x1FFF;
	vm9 =	vlt.s32 v8, $0x1FFF;
	v25 =	vmul.f32 v62, v6  }
0x1b8: {  	[tilespmem:v23+s2+$0x0] =	vst.idx.add.f32.msk $0xffff, v1;
	v17 =	vand.u32 $0x7FFFFFFF, v21;
	v21 =	vsub.f32 v20, v19;
	v22 =	vsub.f32 v22, v24  }
0x1b9: {  	[tilespmem:v16+s2+$0x0] =	vst.idx.add.f32.msk $0xffff, v1;
	v19 =	vand.u32 $0x7FFFFFFF, v26;
	v20 =	vand.u32 $0x7FFFFFFF, v18;
	v18 =	vand.u32 $0x7FFFFFFF, v15  }
0x1ba: {  	s29 =	simm.s32 $0x10;
	v15 =	vand.u32 $0x7FFFFFFF, v21;
	v21 =	vsub.f32 v63, v25;
	[tilespmem:v61+s2+$0x0] =	vst.idx.add.f32.msk $0xffff, v1;
	v16 =	vand.u32 $0x7FFFFFFF, v22  }
.LBB2_8:
0x1bb: {  	s29 =	sadd.s32 $0x8, s29;
	v17 =	vmul.f32 v17, v2;
	v20 =	vmul.f32 v20, v2;
	v22 =	vnsel vm10, $0x1FFF, v14;
	[tilespmem:v12+s2+$0x0] =	vst.idx.add.f32.msk $0xffff, v1  }
0x1bc: {  	v12 =	vmul.f32 v18, v2;
	v14 =	vmul.f32 v19, v2;
	s28 =	sadd.s32 $0x400, s28;
	s1 =	sshll.u32 s29, $0x4;
	p0 =	slt.u32 s29, $0x3F8;
	v18 =	vand.u32 $0x7FFFFFFF, v21;
	[tilespmem:v10+s2+$0x0] =	vst.idx.add.f32.msk $0xffff, v1  }
0x1bd: {  	v15 =	vmul.f32 v15, v2;
	s30 =	sand.u32 $0xC00, s28;
	s31 =	sshll.u32 s29, $0x2;
	v10 =	vmul.f32 v16, v2;
	v16 =	vnsel vm7, $0x1FFF, v13;
	s1 =	sand.u32 $0x3000, s1  }
0x1be: {  	v13 =	vtrunc.f32 v17;
	v17 =	vmul.f32 v18, v2;
	v18 =	vnsel vm8, $0x1FFF, v11;
	s1 =	sor.u32 s30, s1;
	s30 =	sand.u32 $0x380, s31  }
0x1bf: {  	v21 =	vnsel vm6, $0x1FFF, v9;
	v11 =	vtrunc.f32 v20;
	v19 =	vtrunc.f32 v12;
	s30 =	sor.u32 s30, s1  }
0x1c0: {  	v9 =	vtrunc.f32 v14;
	v12 =	vnsel vm5, $0x1FFF, v7;
	v23 =	vtrunc.f32 v10;
	v20 =	vld [tilespmem:s30+$0x2070]  }
0x1c1: {  	v7 =	vtrunc.f32 v15;
	v10 =	vnsel vm9, $0x1FFF, v8;
	v15 =	vtrunc.f32 v17;
	v24 =	vld [tilespmem:s30+$0xA070]  }
0x1c2: {  	v25 =	vcvt.f32.s32 v13;
	v14 =	vcvt.f32.s32 v11;
	v17 =	vld [tilespmem:s30+$0x2000]  }
0x1c3: {  	v13 =	vcvt.f32.s32 v19;
	v11 =	vcvt.f32.s32 v9;
	v26 =	vld [tilespmem:s30+$0xA000]  }
0x1c4: {  	v7 =	vcvt.f32.s32 v7;
	v9 =	vcvt.f32.s32 v23;
	vm11 =	vlt.s32 v25, $0x1FFF;
	v19 =	vld [tilespmem:s30+$0x2010]  }
0x1c5: {  	vm10 =	vlt.s32 v14, $0x1FFF;
	vm7 =	vlt.s32 v13, $0x1FFF;
	v8 =	vcvt.f32.s32 v15;
	v23 =	vld [tilespmem:s30+$0xA010]  }
0x1c6: {  	vm8 =	vlt.s32 v11, $0x1FFF;
	v20 =	vsub.f32 v20, v3;
	v15 =	vld [tilespmem:s30+$0x2020];
	v24 =	vsub.f32 v24, v4  }
0x1c7: {  	vm5 =	vlt.s32 v7, $0x1FFF;
	vm6 =	vlt.s32 v9, $0x1FFF;
	v17 =	vsub.f32 v17, v3;
	v27 =	vld [tilespmem:s30+$0xA020]  }
0x1c8: {  	v20 =	vmul.f32 v20, v5;
	v26 =	vsub.f32 v26, v4;
	v28 =	vld [tilespmem:s30+$0x2030];
	v24 =	vmul.f32 v24, v6  }
0x1c9: {  	vm9 =	vlt.s32 v8, $0x1FFF;
	v17 =	vmul.f32 v17, v5;
	v19 =	vsub.f32 v19, v3;
	v29 =	vld [tilespmem:s30+$0xA030]  }
0x1ca: {  	v26 =	vmul.f32 v26, v6;
	v23 =	vsub.f32 v23, v4;
	v30 =	vld [tilespmem:s30+$0x2040];
	v20 =	vsub.f32 v20, v24  }
0x1cb: {  	v25 =	vnsel vm11, $0x1FFF, v25;
	v19 =	vmul.f32 v19, v5;
	v15 =	vsub.f32 v15, v3;
	v24 =	vld [tilespmem:s30+$0xA040]  }
0x1cc: {  	v23 =	vmul.f32 v23, v6;
	v27 =	vsub.f32 v27, v4;
	v31 =	vld [tilespmem:s30+$0x2050];
	v20 =	vand.u32 $0x7FFFFFFF, v20  }
0x1cd: {  	v15 =	vmul.f32 v15, v5;
	v28 =	vsub.f32 v28, v3;
	v32 =	vld [tilespmem:s30+$0xA050];
	v20 =	vmul.f32 v20, v2  }
0x1ce: {  	v17 =	vsub.f32 v17, v26;
	v26 =	vmul.f32 v27, v6;
	v27 =	vsub.f32 v29, v4;
	v29 =	vld [tilespmem:s30+$0x2060]  }
0x1cf: {  	v28 =	vmul.f32 v28, v5;
	v30 =	vsub.f32 v30, v3;
	v33 =	vld [tilespmem:s30+$0xA060];
	v20 =	vtrunc.f32 v20  }
0x1d0: {  	v27 =	vmul.f32 v27, v6;
	v24 =	vsub.f32 v24, v4;
	v20 =	vcvt.f32.s32 v20;
	[tilespmem:v25+s2+$0x0] =	vst.idx.add.f32.msk $0xffff, v1  }
0x1d1: {  	v19 =	vsub.f32 v19, v23;
	v23 =	vmul.f32 v30, v5;
	v25 =	vsub.f32 v31, v3  }
0x1d2: {  	v24 =	vmul.f32 v24, v6;
	v30 =	vsub.f32 v32, v4;
	vm11 =	vlt.s32 v20, $0x1FFF;
	[tilespmem:v22+s2+$0x0] =	vst.idx.add.f32.msk $0xffff, v1  }
0x1d3: {  	v22 =	vmul.f32 v25, v5;
	v25 =	vsub.f32 v29, v3;
	v29 =	vnsel vm11, $0x1FFF, v20;
	[tilespmem:v16+s2+$0x0] =	vst.idx.add.f32.msk $0xffff, v1  }
.Ltmp3:
0x1d4: {  	v15 =	vsub.f32 v15, v26;
	v16 =	vmul.f32 v30, v6;
	v20 =	vsub.f32 v33, v4;
	(pc) =	sbr.rel @p0 .LBB2_8-.Ltmp3, $4  }
0x1d5: {  	v26 =	vsub.f32 v28, v27;
	v23 =	vsub.f32 v23, v24;
	v24 =	vmul.f32 v25, v5  }
0x1d6: {  	v17 =	vand.u32 $0x7FFFFFFF, v17;
	v22 =	vsub.f32 v22, v16;
	v25 =	vmul.f32 v20, v6;
	[tilespmem:v18+s2+$0x0] =	vst.idx.add.f32.msk $0xffff, v1  }
0x1d7: {  	v20 =	vand.u32 $0x7FFFFFFF, v19;
	v18 =	vand.u32 $0x7FFFFFFF, v15;
	v19 =	vand.u32 $0x7FFFFFFF, v26;
	[tilespmem:v21+s2+$0x0] =	vst.idx.add.f32.msk $0xffff, v1  }
0x1d8: {  	v16 =	vand.u32 $0x7FFFFFFF, v23;
	v15 =	vand.u32 $0x7FFFFFFF, v22;
	v21 =	vsub.f32 v24, v25;
	[tilespmem:v29+s2+$0x0] =	vst.idx.add.f32.msk $0xffff, v1  }
0x1d9: {  	v17 =	vmul.f32 v17, v2;
	v20 =	vmul.f32 v20, v2  }
0x1da: {  	v18 =	vmul.f32 v18, v2;
	v19 =	vmul.f32 v19, v2  }
0x1db: {  	v16 =	vmul.f32 v16, v2;
	v14 =	vnsel vm10, $0x1FFF, v14;
	v15 =	vmul.f32 v15, v2  }
0x1dc: {  	v13 =	vnsel vm7, $0x1FFF, v13;
	v21 =	vand.u32 $0x7FFFFFFF, v21;
	v17 =	vtrunc.f32 v17  }
0x1dd: {  	v11 =	vnsel vm8, $0x1FFF, v11;
	v21 =	vmul.f32 v21, v2;
	v20 =	vtrunc.f32 v20  }
0x1de: {  	[tilespmem:v12+s2+$0x0] =	vst.idx.add.f32.msk $0xffff, v1;
	v9 =	vnsel vm6, $0x1FFF, v9;
	v18 =	vtrunc.f32 v18;
	v12 =	vtrunc.f32 v19  }
0x1df: {  	v7 =	vnsel vm5, $0x1FFF, v7;
	v16 =	vtrunc.f32 v16;
	v17 =	vcvt.f32.s32 v17  }
0x1e0: {  	[tilespmem:v10+s2+$0x0] =	vst.idx.add.f32.msk $0xffff, v1;
	v8 =	vnsel vm9, $0x1FFF, v8;
	v10 =	vtrunc.f32 v15;
	v15 =	vcvt.f32.s32 v20  }
0x1e1: {  	v18 =	vcvt.f32.s32 v18;
	v12 =	vcvt.f32.s32 v12;
	vm11 =	vlt.s32 v17, $0x1FFF;
	[tilespmem:v14+s2+$0x0] =	vst.idx.add.f32.msk $0xffff, v1  }
0x1e2: {  	v10 =	vcvt.f32.s32 v10;
	vm5 =	vlt.s32 v15, $0x1FFF;
	[tilespmem:v13+s2+$0x0] =	vst.idx.add.f32.msk $0xffff, v1;
	v17 =	vnsel vm11, $0x1FFF, v17  }
0x1e3: {  	v14 =	vcvt.f32.s32 v16;
	vm6 =	vlt.s32 v18, $0x1FFF;
	[tilespmem:v11+s2+$0x0] =	vst.idx.add.f32.msk $0xffff, v1;
	v13 =	vnsel vm5, $0x1FFF, v15  }
0x1e4: {  	v19 =	vtrunc.f32 v21;
	[tilespmem:v9+s2+$0x0] =	vst.idx.add.f32.msk $0xffff, v1;
	vm5 =	vlt.s32 v12, $0x1FFF;
	v11 =	vnsel vm6, $0x1FFF, v18  }
0x1e5: {  	[tilespmem:v7+s2+$0x0] =	vst.idx.add.f32.msk $0xffff, v1;
	v15 =	vcvt.f32.s32 v19;
	vm6 =	vlt.s32 v14, $0x1FFF;
	v9 =	vnsel vm5, $0x1FFF, v12  }
0x1e6: {  	[tilespmem:v8+s2+$0x0] =	vst.idx.add.f32.msk $0xffff, v1;
	vm5 =	vlt.s32 v10, $0x1FFF;
	v7 =	vnsel vm6, $0x1FFF, v14  }
0x1e7: {  	vm6 =	vlt.s32 v15, $0x1FFF;
	v8 =	vnsel vm5, $0x1FFF, v10;
	[tilespmem:v17+s2+$0x0] =	vst.idx.add.f32.msk $0xffff, v1  }
0x1e8: {  	v10 =	vnsel vm6, $0x1FFF, v15;
	[tilespmem:v13+s2+$0x0] =	vst.idx.add.f32.msk $0xffff, v1  }
0x1e9: {  	[tilespmem:v11+s2+$0x0] =	vst.idx.add.f32.msk $0xffff, v1  }
0x1ea: {  	[tilespmem:v9+s2+$0x0] =	vst.idx.add.f32.msk $0xffff, v1  }
0x1eb: {  	[tilespmem:v7+s2+$0x0] =	vst.idx.add.f32.msk $0xffff, v1  }
0x1ec: {  	[tilespmem:v8+s2+$0x0] =	vst.idx.add.f32.msk $0xffff, v1  }
0x1ed: {  	[tilespmem:v10+s2+$0x0] =	vst.idx.add.f32.msk $0xffff, v1  }
0x1ee: {  	_ =	swait.ge [sflag:s22], $0x4000  }
0x1ef: {  	s1 =	simm.s32 $0x0;
	[sflag:s22] =	ssyncset.done $0x0  }
0x1f0: {  	s28 =	simm.s32 $0x0;
	s29 =	simm.s32 $0x0;
	[sflag:s22] =	ssyncadd.s32 $0xFFFFC000  }
0x1f1: {  	s28 =	sand.u32 $0x3000, s28;
	s1 =	sand.u32 $0xC00, s1;
	_ =	swait.ge [sflag:s23], $0x4000  }
0x1f2: {  	s1 =	sor.u32 s1, s28;
	s28 =	sand.u32 $0x380, s29;
	[sflag:s23] =	ssyncset.done $0x0  }
0x1f3: {  	s1 =	sor.u32 s28, s1;
	[sflag:s23] =	ssyncadd.s32 $0xFFFFC000  }
0x1f4: {  	v7 =	vld [tilespmem:s1+$0x6070]  }
0x1f5: {  	v8 =	vld [tilespmem:s1+$0xE070]  }
0x1f6: {  	v9 =	vld [tilespmem:s1+$0x6000]  }
0x1f7: {  	v10 =	vld [tilespmem:s1+$0xE000]  }
0x1f8: {  	v11 =	vld [tilespmem:s1+$0x6010]  }
0x1f9: {  	v12 =	vld [tilespmem:s1+$0xE010]  }
0x1fa: {  	v14 =	vld [tilespmem:s1+$0xE020]  }
0x1fb: {  	v15 =	vld [tilespmem:s1+$0x6030]  }
0x1fc: {  	v17 =	vld [tilespmem:s1+$0x6040];
	v7 =	vsub.f32 v7, v3  }
0x1fd: {  	v13 =	vld [tilespmem:s1+$0x6020];
	v8 =	vsub.f32 v8, v4;
	v9 =	vsub.f32 v9, v3  }
0x1fe: {  	v16 =	vld [tilespmem:s1+$0xE030];
	v10 =	vsub.f32 v10, v4;
	v11 =	vsub.f32 v11, v3  }
0x1ff: {  	v18 =	vld [tilespmem:s1+$0x6050];
	v12 =	vsub.f32 v12, v4;
	v14 =	vsub.f32 v14, v4;
	v7 =	vmul.f32 v7, v5  }
0x200: {  	v19 =	vld [tilespmem:s1+$0xE050];
	v15 =	vsub.f32 v15, v3;
	v8 =	vmul.f32 v8, v6;
	v9 =	vmul.f32 v9, v5  }
0x201: {  	v17 =	vsub.f32 v17, v3;
	v10 =	vmul.f32 v10, v6;
	v11 =	vmul.f32 v11, v5  }
0x202: {  	v12 =	vmul.f32 v12, v6;
	v7 =	vsub.f32 v7, v8;
	v8 =	vsub.f32 v13, v3  }
0x203: {  	v20 =	vld [tilespmem:s1+$0xE060];
	v14 =	vmul.f32 v14, v6;
	v9 =	vsub.f32 v9, v10;
	v10 =	vsub.f32 v16, v4  }
0x204: {  	s30 =	simm.s32 $0x80;
	s28 =	simm.s32 $0x400;
	v15 =	vmul.f32 v15, v5;
	v13 =	vld [tilespmem:s1+$0xE040];
	v11 =	vsub.f32 v11, v12;
	v12 =	vsub.f32 v18, v3  }
0x205: {  	s29 =	simm.s32 $0x20;
	s28 =	sand.u32 $0xC00, s28;
	v17 =	vmul.f32 v17, v5;
	v16 =	vld [tilespmem:s1+$0x6060];
	v18 =	vsub.f32 v19, v4;
	s1 =	sand.u32 $0x3000, s30;
	v8 =	vmul.f32 v8, v5  }
0x206: {  	s1 =	sor.u32 s28, s1;
	s28 =	sand.u32 $0x380, s29;
	v7 =	vand.u32 $0x7FFFFFFF, v7;
	v10 =	vmul.f32 v10, v6;
	v12 =	vmul.f32 v12, v5  }
0x207: {  	v9 =	vand.u32 $0x7FFFFFFF, v9;
	v11 =	vand.u32 $0x7FFFFFFF, v11;
	s28 =	sor.u32 s28, s1;
	v7 =	vmul.f32 v7, v2  }
0x208: {  	v9 =	vmul.f32 v9, v2;
	v11 =	vmul.f32 v11, v2;
	v19 =	vld [tilespmem:s28+$0x6010]  }
0x209: {  	v22 =	vld [tilespmem:s28+$0xE020];
	v8 =	vsub.f32 v8, v14;
	v14 =	vmul.f32 v18, v6;
	v18 =	vsub.f32 v20, v4  }
0x20a: {  	v23 =	vld [tilespmem:s28+$0x6030];
	v10 =	vsub.f32 v15, v10;
	v7 =	vtrunc.f32 v7;
	v13 =	vsub.f32 v13, v4  }
0x20b: {  	v25 =	vld [tilespmem:s28+$0x6040];
	v16 =	vsub.f32 v16, v3;
	v9 =	vtrunc.f32 v9;
	v11 =	vtrunc.f32 v11  }
0x20c: {  	v26 =	vld [tilespmem:s28+$0x6050];
	v7 =	vcvt.f32.s32 v7;
	v12 =	vsub.f32 v12, v14;
	v14 =	vmul.f32 v18, v6  }
0x20d: {  	v27 =	vld [tilespmem:s28+$0xE050];
	v8 =	vand.u32 $0x7FFFFFFF, v8;
	v9 =	vcvt.f32.s32 v9;
	v11 =	vcvt.f32.s32 v11  }
0x20e: {  	v28 =	vld [tilespmem:s28+$0xE060];
	v10 =	vand.u32 $0x7FFFFFFF, v10;
	v13 =	vmul.f32 v13, v6;
	v15 =	vmul.f32 v16, v5  }
0x20f: {  	v8 =	vmul.f32 v8, v2;
	v10 =	vmul.f32 v10, v2  }
0x210: {  	v12 =	vand.u32 $0x7FFFFFFF, v12;
	v19 =	vsub.f32 v19, v3;
	v22 =	vsub.f32 v22, v4  }
0x211: {  	v20 =	vld [tilespmem:s28+$0xE010];
	vm5 =	vlt.s32 v7, $0x1FFF;
	v23 =	vsub.f32 v23, v3;
	v25 =	vsub.f32 v25, v3  }
0x212: {  	vm11 =	vlt.s32 v9, $0x1FFF;
	v26 =	vsub.f32 v26, v3;
	v45 =	vsub.f32 v27, v4  }
0x213: {  	v16 =	vld [tilespmem:s28+$0xE070];
	vm10 =	vlt.s32 v11, $0x1FFF;
	v46 =	vsub.f32 v28, v4;
	v13 =	vsub.f32 v17, v13  }
0x214: {  	v14 =	vsub.f32 v15, v14;
	v12 =	vmul.f32 v12, v2;
	v8 =	vtrunc.f32 v8;
	v15 =	vld [tilespmem:s28+$0x6070]  }
0x215: {  	v10 =	vtrunc.f32 v10;
	v7 =	vnsel vm5, $0x1FFF, v7;
	v8 =	vcvt.f32.s32 v8  }
0x216: {  	v18 =	vld [tilespmem:s28+$0xE000];
	v20 =	vsub.f32 v20, v4;
	v10 =	vcvt.f32.s32 v10;
	v23 =	vmul.f32 v23, v5  }
0x217: {  	v17 =	vld [tilespmem:s28+$0x6000];
	v26 =	vmul.f32 v26, v5;
	v14 =	vand.u32 $0x7FFFFFFF, v14;
	v12 =	vtrunc.f32 v12  }
0x218: {  	v13 =	vand.u32 $0x7FFFFFFF, v13;
	v20 =	vmul.f32 v20, v6;
	v14 =	vmul.f32 v14, v2  }
0x219: {  	v13 =	vmul.f32 v13, v2;
	v16 =	vsub.f32 v16, v4;
	v15 =	vsub.f32 v15, v3  }
0x21a: {  	v24 =	vld [tilespmem:s28+$0xE030];
	v9 =	vnsel vm11, $0x1FFF, v9;
	v12 =	vcvt.f32.s32 v12;
	v14 =	vtrunc.f32 v14  }
0x21b: {  	v44 =	vld [tilespmem:s28+$0x6060];
	v18 =	vsub.f32 v18, v4;
	v16 =	vmul.f32 v16, v6;
	v15 =	vmul.f32 v15, v5  }
0x21c: {  	vm6 =	vlt.s32 v8, $0x1FFF;
	v17 =	vsub.f32 v17, v3;
	v21 =	vcvt.f32.s32 v14;
	v14 =	vld [tilespmem:s28+$0x6020]  }
0x21d: {  	s31 =	simm.s32 $0x100;
	v18 =	vmul.f32 v18, v6;
	v15 =	vsub.f32 v15, v16;
	v16 =	vmul.f32 v19, v5;
	v19 =	vld [tilespmem:s28+$0xE040];
	s28 =	simm.s32 $0x800  }
0x21e: {  	s30 =	simm.s32 $0x40;
	s1 =	sand.u32 $0x3000, s31;
	v13 =	vtrunc.f32 v13;
	vm5 =	vlt.s32 v12, $0x1FFF;
	v17 =	vmul.f32 v17, v5;
	s29 =	sand.u32 $0xC00, s28  }
0x21f: {  	vm8 =	vlt.s32 v10, $0x1FFF;
	[tilespmem:v9+s2+$0x0] =	vst.idx.add.f32.msk $0xffff, v1;
	v13 =	vcvt.f32.s32 v13;
	v12 =	vnsel vm5, $0x1FFF, v12;
	s1 =	sor.u32 s29, s1;
	s29 =	sand.u32 $0x380, s30  }
0x220: {  	v17 =	vsub.f32 v17, v18;
	v18 =	vmul.f32 v22, v6;
	v22 =	vsub.f32 v24, v4;
	s29 =	sor.u32 s29, s1  }
0x221: {  	vm7 =	vlt.s32 v13, $0x1FFF;
	vm9 =	vlt.s32 v21, $0x1FFF;
	v14 =	vsub.f32 v14, v3;
	v47 =	vld [tilespmem:s29+$0xE070]  }
0x222: {  	v15 =	vand.u32 $0x7FFFFFFF, v15;
	v22 =	vmul.f32 v22, v6;
	v16 =	vsub.f32 v16, v20;
	v49 =	vld [tilespmem:s29+$0x6000]  }
0x223: {  	v20 =	vmul.f32 v25, v5;
	v17 =	vand.u32 $0x7FFFFFFF, v17;
	v15 =	vmul.f32 v15, v2;
	v52 =	vld [tilespmem:s29+$0xE020]  }
0x224: {  	v24 =	vsub.f32 v44, v3;
	v17 =	vmul.f32 v17, v2;
	v14 =	vmul.f32 v14, v5;
	v53 =	vld [tilespmem:s29+$0x6030]  }
0x225: {  	v22 =	vsub.f32 v23, v22;
	v23 =	vmul.f32 v46, v6;
	v16 =	vand.u32 $0x7FFFFFFF, v16;
	v29 =	vld [tilespmem:s29+$0xE030]  }
0x226: {  	v30 =	vld [tilespmem:s29+$0x6040];
	v15 =	vtrunc.f32 v15;
	v19 =	vsub.f32 v19, v4;
	v16 =	vmul.f32 v16, v2  }
0x227: {  	v31 =	vld [tilespmem:s29+$0x6050];
	v9 =	vtrunc.f32 v17;
	v15 =	vcvt.f32.s32 v15;
	v14 =	vsub.f32 v14, v18  }
0x228: {  	v32 =	vld [tilespmem:s29+$0xE050];
	v18 =	vmul.f32 v45, v6;
	v22 =	vand.u32 $0x7FFFFFFF, v22;
	v50 =	vcvt.f32.s32 v9  }
0x229: {  	v57 =	vld [tilespmem:s29+$0x6060];
	v19 =	vmul.f32 v19, v6;
	v22 =	vmul.f32 v22, v2;
	vm11 =	vlt.s32 v15, $0x1FFF  }
0x22a: {  	v33 =	vld [tilespmem:s29+$0xE060];
	v18 =	vsub.f32 v26, v18;
	v14 =	vand.u32 $0x7FFFFFFF, v14;
	v15 =	vnsel vm11, $0x1FFF, v15  }
0x22b: {  	v17 =	vld [tilespmem:s29+$0x6070];
	v19 =	vsub.f32 v20, v19;
	v20 =	vmul.f32 v24, v5;
	v24 =	vsub.f32 v47, v4  }
0x22c: {  	v14 =	vmul.f32 v14, v2;
	v51 =	vsub.f32 v49, v3;
	v26 =	vsub.f32 v52, v4  }
0x22d: {  	v22 =	vtrunc.f32 v22;
	v28 =	vsub.f32 v53, v3;
	v56 =	vsub.f32 v29, v4  }
0x22e: {  	vm11 =	vlt.s32 v50, $0x1FFF;
	v30 =	vsub.f32 v30, v3;
	v58 =	vsub.f32 v31, v3  }
0x22f: {  	v59 =	vsub.f32 v32, v4;
	v60 =	vsub.f32 v57, v3;
	v18 =	vand.u32 $0x7FFFFFFF, v18  }
0x230: {  	v62 =	vsub.f32 v33, v4;
	v17 =	vsub.f32 v17, v3;
	v18 =	vmul.f32 v18, v2  }
0x231: {  	v27 =	vnsel vm11, $0x1FFF, v50;
	v24 =	vmul.f32 v24, v6;
	v25 =	vmul.f32 v51, v5  }
0x232: {  	v19 =	vand.u32 $0x7FFFFFFF, v19;
	v55 =	vmul.f32 v26, v6;
	v28 =	vmul.f32 v28, v5  }
0x233: {  	v20 =	vsub.f32 v20, v23;
	v26 =	vmul.f32 v56, v6;
	v63 =	vmul.f32 v60, v5  }
0x234: {  	[tilespmem:v7+s2+$0x0] =	vst.idx.add.f32.msk $0xffff, v1;
	v23 =	vnsel vm7, $0x1FFF, v13;
	v19 =	vmul.f32 v19, v2;
	v17 =	vmul.f32 v17, v5  }
0x235: {  	v54 =	vld [tilespmem:s29+$0xE040];
	v7 =	vand.u32 $0x7FFFFFFF, v20;
	v20 =	vnsel vm10, $0x1FFF, v11;
	v11 =	vtrunc.f32 v14  }
0x236: {  	v18 =	vtrunc.f32 v18;
	v26 =	vsub.f32 v28, v26;
	v7 =	vmul.f32 v7, v2  }
0x237: {  	[tilespmem:v15+s2+$0x0] =	vst.idx.add.f32.msk $0xffff, v1;
	v15 =	vnsel vm6, $0x1FFF, v8;
	v8 =	vtrunc.f32 v16;
	v16 =	vnsel vm8, $0x1FFF, v10  }
0x238: {  	v19 =	vtrunc.f32 v19;
	v10 =	vnsel vm9, $0x1FFF, v21;
	v21 =	vld [tilespmem:s29+$0xE000];
	v13 =	vcvt.f32.s32 v11  }
0x239: {  	v11 =	vcvt.f32.s32 v22;
	v22 =	vld [tilespmem:s29+$0x6010];
	v17 =	vsub.f32 v17, v24;
	v14 =	vcvt.f32.s32 v8  }
0x23a: {  	v24 =	vsub.f32 v54, v4;
	v48 =	vtrunc.f32 v7;
	v7 =	vcvt.f32.s32 v18;
	v18 =	vld [tilespmem:s29+$0xE010]  }
0x23b: {  	v9 =	vcvt.f32.s32 v19;
	v19 =	vld [tilespmem:s29+$0x6020];
	vm7 =	vlt.s32 v13, $0x1FFF;
	v17 =	vand.u32 $0x7FFFFFFF, v17  }
0x23c: {  	vm8 =	vlt.s32 v11, $0x1FFF;
	v24 =	vmul.f32 v24, v6;
	v17 =	vmul.f32 v17, v2  }
0x23d: {  	vm10 =	vlt.s32 v14, $0x1FFF;
	v8 =	vcvt.f32.s32 v48;
	vm6 =	vlt.s32 v9, $0x1FFF  }
0x23e: {  	vm5 =	vlt.s32 v7, $0x1FFF;
	v21 =	vsub.f32 v21, v4;
	v17 =	vtrunc.f32 v17  }
0x23f: {  	[tilespmem:v20+s2+$0x0] =	vst.idx.add.f32.msk $0xffff, v1;
	v22 =	vsub.f32 v22, v3;
	v17 =	vcvt.f32.s32 v17;
	v18 =	vsub.f32 v18, v4  }
0x240: {  	v20 =	vmul.f32 v58, v5;
	v19 =	vsub.f32 v19, v3;
	v21 =	vmul.f32 v21, v6  }
0x241: {  	v22 =	vmul.f32 v22, v5;
	vm11 =	vlt.s32 v17, $0x1FFF;
	v18 =	vmul.f32 v18, v6  }
0x242: {  	[tilespmem:v27+s2+$0x0] =	vst.idx.add.f32.msk $0xffff, v1;
	v19 =	vmul.f32 v19, v5;
	v21 =	vsub.f32 v25, v21;
	v61 =	vnsel vm11, $0x1FFF, v17  }
0x243: {  	v17 =	vmul.f32 v59, v6;
	v18 =	vsub.f32 v22, v18;
	v22 =	vmul.f32 v30, v5  }
0x244: {  	vm9 =	vlt.s32 v8, $0x1FFF;
	[tilespmem:v15+s2+$0x0] =	vst.idx.add.f32.msk $0xffff, v1;
	v25 =	vmul.f32 v62, v6;
	v15 =	vsub.f32 v19, v55  }
0x245: {  	[tilespmem:v23+s2+$0x0] =	vst.idx.add.f32.msk $0xffff, v1;
	v19 =	vand.u32 $0x7FFFFFFF, v21;
	v21 =	vsub.f32 v20, v17;
	v22 =	vsub.f32 v22, v24  }
0x246: {  	[tilespmem:v16+s2+$0x0] =	vst.idx.add.f32.msk $0xffff, v1;
	v17 =	vand.u32 $0x7FFFFFFF, v15;
	v20 =	vand.u32 $0x7FFFFFFF, v18;
	v18 =	vand.u32 $0x7FFFFFFF, v26  }
0x247: {  	s29 =	simm.s32 $0x10;
	v15 =	vand.u32 $0x7FFFFFFF, v21;
	v21 =	vsub.f32 v63, v25;
	[tilespmem:v61+s2+$0x0] =	vst.idx.add.f32.msk $0xffff, v1;
	v16 =	vand.u32 $0x7FFFFFFF, v22  }
.LBB2_10:
0x248: {  	s29 =	sadd.s32 $0x8, s29;
	v19 =	vmul.f32 v19, v2;
	v20 =	vmul.f32 v20, v2;
	v22 =	vnsel vm10, $0x1FFF, v14;
	[tilespmem:v12+s2+$0x0] =	vst.idx.add.f32.msk $0xffff, v1  }
0x249: {  	v12 =	vmul.f32 v17, v2;
	v14 =	vmul.f32 v18, v2;
	s28 =	sadd.s32 $0x400, s28;
	s1 =	sshll.u32 s29, $0x4;
	p0 =	slt.u32 s29, $0x3F8;
	v17 =	vand.u32 $0x7FFFFFFF, v21;
	[tilespmem:v10+s2+$0x0] =	vst.idx.add.f32.msk $0xffff, v1  }
0x24a: {  	v15 =	vmul.f32 v15, v2;
	s30 =	sand.u32 $0xC00, s28;
	s31 =	sshll.u32 s29, $0x2;
	v10 =	vmul.f32 v16, v2;
	v16 =	vnsel vm7, $0x1FFF, v13;
	s1 =	sand.u32 $0x3000, s1  }
0x24b: {  	v18 =	vnsel vm8, $0x1FFF, v11;
	v13 =	vtrunc.f32 v19;
	v17 =	vmul.f32 v17, v2;
	s1 =	sor.u32 s30, s1;
	s30 =	sand.u32 $0x380, s31  }
0x24c: {  	v21 =	vnsel vm6, $0x1FFF, v9;
	v11 =	vtrunc.f32 v20;
	v19 =	vtrunc.f32 v12;
	s30 =	sor.u32 s30, s1  }
0x24d: {  	v9 =	vtrunc.f32 v14;
	v12 =	vnsel vm5, $0x1FFF, v7;
	v23 =	vtrunc.f32 v10;
	v20 =	vld [tilespmem:s30+$0x6070]  }
0x24e: {  	v7 =	vtrunc.f32 v15;
	v10 =	vnsel vm9, $0x1FFF, v8;
	v15 =	vtrunc.f32 v17;
	v24 =	vld [tilespmem:s30+$0xE070]  }
0x24f: {  	v25 =	vcvt.f32.s32 v13;
	v14 =	vcvt.f32.s32 v11;
	v17 =	vld [tilespmem:s30+$0x6000]  }
0x250: {  	v13 =	vcvt.f32.s32 v19;
	v11 =	vcvt.f32.s32 v9;
	v26 =	vld [tilespmem:s30+$0xE000]  }
0x251: {  	v7 =	vcvt.f32.s32 v7;
	v9 =	vcvt.f32.s32 v23;
	vm11 =	vlt.s32 v25, $0x1FFF;
	v19 =	vld [tilespmem:s30+$0x6010]  }
0x252: {  	vm10 =	vlt.s32 v14, $0x1FFF;
	vm7 =	vlt.s32 v13, $0x1FFF;
	v8 =	vcvt.f32.s32 v15;
	v23 =	vld [tilespmem:s30+$0xE010]  }
0x253: {  	vm8 =	vlt.s32 v11, $0x1FFF;
	v20 =	vsub.f32 v20, v3;
	v15 =	vld [tilespmem:s30+$0x6020];
	v24 =	vsub.f32 v24, v4  }
0x254: {  	vm5 =	vlt.s32 v7, $0x1FFF;
	vm6 =	vlt.s32 v9, $0x1FFF;
	v17 =	vsub.f32 v17, v3;
	v27 =	vld [tilespmem:s30+$0xE020]  }
0x255: {  	v20 =	vmul.f32 v20, v5;
	v26 =	vsub.f32 v26, v4;
	v28 =	vld [tilespmem:s30+$0x6030];
	v24 =	vmul.f32 v24, v6  }
0x256: {  	vm9 =	vlt.s32 v8, $0x1FFF;
	v17 =	vmul.f32 v17, v5;
	v19 =	vsub.f32 v19, v3;
	v29 =	vld [tilespmem:s30+$0xE030]  }
0x257: {  	v26 =	vmul.f32 v26, v6;
	v23 =	vsub.f32 v23, v4;
	v30 =	vld [tilespmem:s30+$0x6040];
	v20 =	vsub.f32 v20, v24  }
0x258: {  	v25 =	vnsel vm11, $0x1FFF, v25;
	v19 =	vmul.f32 v19, v5;
	v15 =	vsub.f32 v15, v3;
	v24 =	vld [tilespmem:s30+$0xE040]  }
0x259: {  	v23 =	vmul.f32 v23, v6;
	v27 =	vsub.f32 v27, v4;
	v31 =	vld [tilespmem:s30+$0x6050];
	v20 =	vand.u32 $0x7FFFFFFF, v20  }
0x25a: {  	v15 =	vmul.f32 v15, v5;
	v28 =	vsub.f32 v28, v3;
	v32 =	vld [tilespmem:s30+$0xE050];
	v20 =	vmul.f32 v20, v2  }
0x25b: {  	v17 =	vsub.f32 v17, v26;
	v26 =	vmul.f32 v27, v6;
	v27 =	vsub.f32 v29, v4;
	v29 =	vld [tilespmem:s30+$0x6060]  }
0x25c: {  	v28 =	vmul.f32 v28, v5;
	v30 =	vsub.f32 v30, v3;
	v33 =	vld [tilespmem:s30+$0xE060];
	v20 =	vtrunc.f32 v20  }
0x25d: {  	v27 =	vmul.f32 v27, v6;
	v24 =	vsub.f32 v24, v4;
	v20 =	vcvt.f32.s32 v20;
	[tilespmem:v25+s2+$0x0] =	vst.idx.add.f32.msk $0xffff, v1  }
0x25e: {  	v23 =	vsub.f32 v19, v23;
	v19 =	vmul.f32 v30, v5;
	v25 =	vsub.f32 v31, v3  }
0x25f: {  	v24 =	vmul.f32 v24, v6;
	v30 =	vsub.f32 v32, v4;
	vm11 =	vlt.s32 v20, $0x1FFF;
	[tilespmem:v22+s2+$0x0] =	vst.idx.add.f32.msk $0xffff, v1  }
0x260: {  	v22 =	vmul.f32 v25, v5;
	v25 =	vsub.f32 v29, v3;
	v29 =	vnsel vm11, $0x1FFF, v20;
	[tilespmem:v16+s2+$0x0] =	vst.idx.add.f32.msk $0xffff, v1  }
.Ltmp4:
0x261: {  	v15 =	vsub.f32 v15, v26;
	v16 =	vmul.f32 v30, v6;
	v20 =	vsub.f32 v33, v4;
	(pc) =	sbr.rel @p0 .LBB2_10-.Ltmp4, $4  }
0x262: {  	v26 =	vsub.f32 v28, v27;
	v24 =	vsub.f32 v19, v24;
	v25 =	vmul.f32 v25, v5  }
0x263: {  	v19 =	vand.u32 $0x7FFFFFFF, v17;
	v22 =	vsub.f32 v22, v16;
	v27 =	vmul.f32 v20, v6;
	[tilespmem:v18+s2+$0x0] =	vst.idx.add.f32.msk $0xffff, v1  }
0x264: {  	v17 =	vand.u32 $0x7FFFFFFF, v15;
	v20 =	vand.u32 $0x7FFFFFFF, v23;
	v18 =	vand.u32 $0x7FFFFFFF, v26;
	[tilespmem:v21+s2+$0x0] =	vst.idx.add.f32.msk $0xffff, v1  }
0x265: {  	v16 =	vand.u32 $0x7FFFFFFF, v24;
	v15 =	vand.u32 $0x7FFFFFFF, v22;
	v21 =	vsub.f32 v25, v27;
	[tilespmem:v29+s2+$0x0] =	vst.idx.add.f32.msk $0xffff, v1  }
0x266: {  	v3 =	vmul.f32 v19, v2  }
0x267: {  	v4 =	vmul.f32 v20, v2;
	v5 =	vmul.f32 v17, v2  }
0x268: {  	v6 =	vmul.f32 v18, v2;
	v3 =	vtrunc.f32 v3  }
0x269: {  	v16 =	vmul.f32 v16, v2;
	v3 =	vcvt.f32.s32 v3  }
0x26a: {  	v14 =	vnsel vm10, $0x1FFF, v14;
	v15 =	vmul.f32 v15, v2;
	v13 =	vnsel vm7, $0x1FFF, v13  }
0x26b: {  	v11 =	vnsel vm8, $0x1FFF, v11;
	v59 =	vand.u32 $0x7FFFFFFF, v21;
	vm11 =	vlt.s32 v3, $0x1FFF  }
0x26c: {  	v2 =	vmul.f32 v59, v2;
	v4 =	vtrunc.f32 v4;
	v3 =	vnsel vm11, $0x1FFF, v3  }
0x26d: {  	[tilespmem:v12+s2+$0x0] =	vst.idx.add.f32.msk $0xffff, v1;
	v9 =	vnsel vm6, $0x1FFF, v9;
	v5 =	vtrunc.f32 v5;
	v4 =	vcvt.f32.s32 v4  }
0x26e: {  	[tilespmem:v10+s2+$0x0] =	vst.idx.add.f32.msk $0xffff, v1;
	v7 =	vnsel vm5, $0x1FFF, v7;
	v6 =	vtrunc.f32 v6;
	v60 =	vtrunc.f32 v16  }
0x26f: {  	v61 =	vtrunc.f32 v15;
	v5 =	vcvt.f32.s32 v5;
	vm5 =	vlt.s32 v4, $0x1FFF;
	[tilespmem:v14+s2+$0x0] =	vst.idx.add.f32.msk $0xffff, v1  }
0x270: {  	v6 =	vcvt.f32.s32 v6;
	v62 =	vcvt.f32.s32 v60;
	[tilespmem:v13+s2+$0x0] =	vst.idx.add.f32.msk $0xffff, v1;
	v4 =	vnsel vm5, $0x1FFF, v4  }
0x271: {  	v2 =	vtrunc.f32 v2;
	vm6 =	vlt.s32 v5, $0x1FFF;
	[tilespmem:v3+s2+$0x0] =	vst.idx.add.f32.msk $0xffff, v1;
	v3 =	vnsel vm9, $0x1FFF, v8  }
0x272: {  	[tilespmem:v11+s2+$0x0] =	vst.idx.add.f32.msk $0xffff, v1;
	v2 =	vcvt.f32.s32 v2;
	vm5 =	vlt.s32 v6, $0x1FFF;
	v5 =	vnsel vm6, $0x1FFF, v5  }
0x273: {  	v10 =	vcvt.f32.s32 v61;
	[tilespmem:v9+s2+$0x0] =	vst.idx.add.f32.msk $0xffff, v1;
	vm6 =	vlt.s32 v62, $0x1FFF;
	v6 =	vnsel vm5, $0x1FFF, v6  }
0x274: {  	[tilespmem:v7+s2+$0x0] =	vst.idx.add.f32.msk $0xffff, v1;
	v63 =	vnsel vm6, $0x1FFF, v62;
	vm6 =	vlt.s32 v2, $0x1FFF  }
0x275: {  	vm5 =	vlt.s32 v10, $0x1FFF;
	v2 =	vnsel vm6, $0x1FFF, v2;
	[tilespmem:v4+s2+$0x0] =	vst.idx.add.f32.msk $0xffff, v1  }
0x276: {  	[tilespmem:v3+s2+$0x0] =	vst.idx.add.f32.msk $0xffff, v1;
	v3 =	vnsel vm5, $0x1FFF, v10  }
0x277: {  	[tilespmem:v5+s2+$0x0] =	vst.idx.add.f32.msk $0xffff, v1  }
0x278: {  	[tilespmem:v6+s2+$0x0] =	vst.idx.add.f32.msk $0xffff, v1  }
0x279: {  	s26 =	sadd.s32 $0x1, s26;
	[tilespmem:v63+s2+$0x0] =	vst.idx.add.f32.msk $0xffff, v1  }
0x27a: {  	p0 =	sne.s32 s26, s13;
	[tilespmem:v2+s2+$0x0] =	vst.idx.add.f32.msk $0xffff, v1  }
.Ltmp5:
0x27b: {  	[tilespmem:v3+s2+$0x0] =	vst.idx.add.f32.msk $0xffff, v1;
	(pc) =	sbr.rel @p0 .LBB2_1-.Ltmp5, $4  }
0x27c: {  	[hbm4b:s12+s24] =	stream.strided.scatter [tilespmem:s2], [sflag:$0x5], $0x2000, s25, s24, $0x38;
	[tilespmem:$0x12080] =	vst v63  }
0x27d: {  	_ =	swait.ge [sflag:s15], $0x2000  }
0x27e: {  	[sflag:s15] =	ssyncset.done $0x0  }
0x27f: {  	[sflag:s15] =	ssyncadd.s32 $0xFFFFE000  }
0x280: {  	_ =	sfence.sel $0x180000  }
0x281: {  	[bflag:$0x0] =	sbarrier.arrive $0xFFFF  }
0x282: {  	_ =	strace $0x9000004A  }
0x283: {  	[bflag:$0x2] =	sbarrier.arrive $0xFFFF  }
0x284: {  	p0 =	sne.s32 s0, $0x0;
	s0 =	rddreg [dreg:$0x3]  }
0x285: {  	s0 =	sadd.s32 @!p0 $0x100000, s0  }
0x286: {  	[sflag:s0] =	ssyncadd.tile.s32 @!p0 $0x1;
	_ =	shalt  }
.Lfunc_end2:
_tile_overlayer_lowered:
.L_overlay_start_2:
0x287: {  	(tag) =	ssettag $0x2  }
0x288: {  	s0 =	rddreg [dreg:$0x0];
	s2 =	stileid.u32  }
0x289: {  	s1 =	rddreg [dreg:$0x1];
	p0 =	sne.s32 s2, $0x0  }
0x28a: {  	s3 =	rddreg [dreg:$0x2];
	[bflag:$0x3] =	sbarrier.arrive $0xFFFF;
	s2 =	simm.s32 @!p0 $0x1C05  }
0x28b: {  	[timem:s3], [sflag:s2] =	dma.local @!p0 [hbm:s0], s1  }
0x28c: {  	s0 =	simm.s32 @!p0 $0x5  }
0x28d: {  	_ =	swait.ge @!p0 [sflag:s0], s1  }
0x28e: {  	s1 =	ssub.s32 @!p0 $0x0, s1;
	[sflag:s0] =	ssyncset.done @!p0 $0x0  }
0x28f: {  	[sflag:s0] =	ssyncadd.s32 @!p0 s1  }
0x290: {  	[bflag:$0x3] =	sbarrier.arrive $0xFFFF  }
0x291: {  	_ =	shalt  }

</sc_bundles>
